<compile_context>
chip_gen: v7x
topology: tpu7x:2x2x1
jax: 0.10.2.dev20260603
libtpu: 0.0.44.dev20260713+nightly
codegen_flags: <defaults>
</compile_context>

<pallas_src>
import functools

import jax
import jax.numpy as jnp
from jax import lax
from jax.experimental import pallas as pl
from jax.experimental.pallas import tpu as pltpu
from jax.experimental.pallas import tpu_sc as plsc

N = 10000
E = 320000
D = 128
H = 128
HGB = 16
NGB = H // HGB
OUT = 16

KB = 80
KBB = 160
NB_A = E // 32 // KB
NB_B = E // 16 // KBB
NDEN = 10240
NAGG = 10000

_mesh = plsc.VectorSubcoreMesh(core_axis_name="c", subcore_axis_name="s")


def _mm_body(x_ref, win_ref, bin_ref, wg_ref, asrc_ref, adst_ref,
             h0_ref, h_ref, as_ref, ad_ref, mx_ref):
    x = x_ref[...]
    h0 = jnp.dot(x, win_ref[...], preferred_element_type=jnp.float32) + bin_ref[...]
    h = jnp.dot(h0, wg_ref[...], preferred_element_type=jnp.float32)
    h0_ref[...] = h0
    h_ref[...] = h
    a_s = jnp.dot(h, asrc_ref[...], preferred_element_type=jnp.float32)
    a_d = jnp.dot(h, adst_ref[...], preferred_element_type=jnp.float32)
    as_ref[...] = a_s
    ad_ref[...] = a_d
    ms = jnp.max(a_s)
    md = jnp.max(a_d)
    cur = jnp.concatenate([jnp.full((1, 128), ms, jnp.float32),
                           jnp.full((1, 128), md, jnp.float32)], axis=1)

    @pl.when(pl.program_id(0) == 0)
    def _():
        mx_ref[...] = cur

    @pl.when(pl.program_id(0) > 0)
    def _():
        mx_ref[...] = jnp.maximum(mx_ref[...], cur)


_RB = 2000


def _mm_call(x, w_in, b_in, w_g, att_src, att_dst):
    grid = (N // _RB,)
    return pl.pallas_call(
        _mm_body,
        grid=grid,
        in_specs=[
            pl.BlockSpec((_RB, D), lambda i: (i, 0)),
            pl.BlockSpec((D, H), lambda i: (0, 0)),
            pl.BlockSpec((1, H), lambda i: (0, 0)),
            pl.BlockSpec((H, H), lambda i: (0, 0)),
            pl.BlockSpec((H, 1), lambda i: (0, 0)),
            pl.BlockSpec((H, 1), lambda i: (0, 0)),
        ],
        out_specs=[
            pl.BlockSpec((_RB, H), lambda i: (i, 0)),
            pl.BlockSpec((_RB, H), lambda i: (i, 0)),
            pl.BlockSpec((_RB, 1), lambda i: (i, 0)),
            pl.BlockSpec((_RB, 1), lambda i: (i, 0)),
            pl.BlockSpec((1, 256), lambda i: (0, 0)),
        ],
        out_shape=[
            jax.ShapeDtypeStruct((N, H), jnp.float32),
            jax.ShapeDtypeStruct((N, H), jnp.float32),
            jax.ShapeDtypeStruct((N, 1), jnp.float32),
            jax.ShapeDtypeStruct((N, 1), jnp.float32),
            jax.ShapeDtypeStruct((1, 256), jnp.float32),
        ],
        compiler_params=pltpu.CompilerParams(
            dimension_semantics=("arbitrary",)),
    )(x, w_in, b_in, w_g, att_src, att_dst)


@functools.partial(
    pl.kernel,
    mesh=_mesh,
    out_type=jax.ShapeDtypeStruct((2, NDEN), jnp.float32),
    compiler_params=pltpu.CompilerParams(
        needs_layout_passes=False, use_tc_tiling_on_sc=False),
    scratch_types=[
        pltpu.VMEM((N,), jnp.float32),
        pltpu.VMEM((N,), jnp.float32),
        pltpu.VMEM((NB_A, KB), jnp.int32),
        pltpu.VMEM((NB_A, KB), jnp.int32),
        pltpu.VMEM((KB,), jnp.float32),
        pltpu.VMEM((16,), jnp.float32),
        pltpu.VMEM_SHARED((NDEN,), jnp.float32),
    ],
)
def _sc_den(as_hbm, ad_hbm, src_hbm, dst_hbm, shift_hbm, z640_hbm, denp_hbm,
            as_v, ad_v, src_v, dst_v, ex_v, shift_v, den_sh):
    c = lax.axis_index("c")
    s = lax.axis_index("s")
    wid = c * 16 + s
    off = pl.multiple_of(s * 640, 640)
    pltpu.sync_copy(z640_hbm, den_sh.at[pl.ds(off, 640)])
    pltpu.sync_copy(as_hbm, as_v)
    pltpu.sync_copy(ad_hbm, ad_v)
    pltpu.sync_copy(src_hbm.at[wid], src_v)
    pltpu.sync_copy(dst_hbm.at[wid], dst_v)
    pltpu.sync_copy(shift_hbm, shift_v)
    plsc.subcore_barrier()
    shift = shift_v[...]

    def body(b, carry):
        for cc in range(KB // 16):
            sv = src_v[b, pl.ds(cc * 16, 16)]
            dv = dst_v[b, pl.ds(cc * 16, 16)]
            ls = plsc.load_gather(as_v, [sv])
            ld = plsc.load_gather(ad_v, [dv])
            e = ls + ld
            e = jnp.where(e > 0.0, e, 0.2 * e)
            ex_v[pl.ds(cc * 16, 16)] = jnp.exp(e - shift)
        pltpu.sync_copy(ex_v, den_sh.at[dst_v.at[b]], add=True)
        return carry

    lax.fori_loop(0, NB_A, body, 0)
    plsc.subcore_barrier()
    pltpu.sync_copy(den_sh.at[pl.ds(off, 640)],
                    denp_hbm.at[c, pl.ds(off, 640)])


@functools.partial(
    pl.kernel,
    mesh=_mesh,
    out_type=jax.ShapeDtypeStruct((NGB, NAGG, HGB), jnp.float32),
    compiler_params=pltpu.CompilerParams(
        needs_layout_passes=False, use_tc_tiling_on_sc=False),
    scratch_types=[
        pltpu.VMEM((N,), jnp.float32),
        pltpu.VMEM((N,), jnp.float32),
        pltpu.VMEM((2, NDEN), jnp.float32),
        pltpu.VMEM((NDEN,), jnp.float32),
        pltpu.VMEM((NB_B, KBB), jnp.int32),
        pltpu.VMEM((NB_B, KBB), jnp.int32),
        pltpu.VMEM((NB_B * KBB,), jnp.float32),
        pltpu.VMEM((2, KBB, HGB), jnp.float32),
        pltpu.VMEM((2, KBB, HGB), jnp.float32),
        pltpu.VMEM((16,), jnp.float32),
        pltpu.VMEM_SHARED((NAGG, HGB), jnp.float32),
        pltpu.SemaphoreType.DMA,
        pltpu.SemaphoreType.DMA,
    ],
)
def _sc_agg(as_hbm, ad_hbm, denp_hbm, src_hbm, dst_hbm, shift_hbm,
            zrows_hbm, hq_hbm, aggq_hbm,
            as_v, ad_v, denp_v, den_v, src_v, dst_v, alpha_v, grows_v,
            srows_v, shift_v, agg_sh, gsem, ssem):
    c = lax.axis_index("c")
    s = lax.axis_index("s")
    roff = pl.multiple_of(s * 624, 8)
    last = s == 15
    pltpu.sync_copy(as_hbm, as_v)
    pltpu.sync_copy(ad_hbm, ad_v)
    pltpu.sync_copy(denp_hbm, denp_v)
    pltpu.sync_copy(src_hbm.at[s], src_v)
    pltpu.sync_copy(dst_hbm.at[s], dst_v)
    pltpu.sync_copy(shift_hbm, shift_v)

    def dsum(i, carry):
        o = pl.multiple_of(i * 16, 16)
        den_v[pl.ds(o, 16)] = denp_v[0, pl.ds(o, 16)] + denp_v[1, pl.ds(o, 16)]
        return carry

    lax.fori_loop(0, NDEN // 16, dsum, 0)
    shift = shift_v[...]
    nofs = jnp.full((16,), N, jnp.int32)
    ofs0 = jnp.full((16,), 4 * N, jnp.int32) * c

    for q in range(4):
        @pl.when(jnp.logical_not(last))
        def _(q=q):
            pltpu.sync_copy(zrows_hbm.at[pl.ds(0, 624)],
                            agg_sh.at[pl.ds(roff, 624)])

        @pl.when(last)
        def _(q=q):
            pltpu.sync_copy(zrows_hbm, agg_sh.at[pl.ds(9360, 640)])

        def prep_one(b, q=q):
            for cc in range(KBB // 16):
                sl = pl.ds(cc * 16, 16)
                if q == 0:
                    sv = src_v[b, sl]
                    dv = dst_v[b, sl]
                    ls = plsc.load_gather(as_v, [sv])
                    ld = plsc.load_gather(ad_v, [dv])
                    e = ls + ld
                    e = jnp.where(e > 0.0, e, 0.2 * e)
                    ex = jnp.exp(e - shift)
                    dd = plsc.load_gather(den_v, [dv])
                    alpha_v[pl.ds(pl.multiple_of(b * KBB, 16) + cc * 16, 16)] = ex / dd
                    src_v[b, sl] = sv + ofs0
                else:
                    src_v[b, sl] = src_v[b, sl] + nofs

        plsc.subcore_barrier()
        prep_one(0)
        pltpu.async_copy(hq_hbm.at[src_v.at[0]], grows_v.at[0], gsem)

        def body(b, carry, prep_one=prep_one):
            bi = lax.rem(b, 2)
            ni = lax.rem(b + 1, 2)

            @pl.when(b + 1 < NB_B)
            def _():
                prep_one(b + 1)
                pltpu.async_copy(
                    hq_hbm.at[src_v.at[b + 1]], grows_v.at[ni], gsem)

            @pl.when(b >= 1)
            def _():
                pltpu.make_async_copy(
                    srows_v.at[0], agg_sh.at[dst_v.at[0]], ssem).wait()

            pltpu.make_async_copy(
                hq_hbm.at[src_v.at[b]], grows_v.at[bi], gsem).wait()

            abase = jnp.full((16,), b * KBB, jnp.int32)

            def scale(k16, carry2):
                for dk in range(16):
                    k = k16 * 16 + dk
                    av = plsc.load_gather(alpha_v, [abase + k])
                    srows_v[bi, k, pl.ds(0, HGB)] = (
                        grows_v[bi, k, pl.ds(0, HGB)] * av)
                return carry2

            lax.fori_loop(0, KBB // 16, scale, 0)
            pltpu.async_copy(srows_v.at[bi], agg_sh.at[dst_v.at[b]], ssem,
                             add=True)
            return carry

        lax.fori_loop(0, NB_B, body, 0)
        pltpu.make_async_copy(
            srows_v.at[0], agg_sh.at[dst_v.at[0]], ssem).wait()
        plsc.subcore_barrier()

        @pl.when(jnp.logical_not(last))
        def _(q=q):
            pltpu.sync_copy(agg_sh.at[pl.ds(roff, 624)],
                            aggq_hbm.at[4 * c + q, pl.ds(roff, 624)])

        @pl.when(last)
        def _(q=q):
            pltpu.sync_copy(agg_sh.at[pl.ds(9360, 640)],
                            aggq_hbm.at[4 * c + q, pl.ds(9360, 640)])


def _out_body(h0_ref, aggq_ref, bias_ref, wout_ref, bout_ref, o_ref):
    agg = jnp.concatenate(
        [aggq_ref[g] for g in range(NGB)], axis=1) + bias_ref[...]
    h1 = jnp.maximum(agg, 0.0)
    h2 = h0_ref[...] + h1
    lg = jnp.dot(h2, wout_ref[...], preferred_element_type=jnp.float32) + bout_ref[...]
    m = jnp.max(lg, axis=1, keepdims=True)
    ex = jnp.exp(lg - m)
    lse = jnp.log(jnp.sum(ex, axis=1, keepdims=True))
    o_ref[...] = lg - m - lse


def _out_call(h0, aggq, bias_g, w_out, b_out):
    grid = (N // _RB,)
    return pl.pallas_call(
        _out_body,
        grid=grid,
        in_specs=[
            pl.BlockSpec((_RB, H), lambda i: (i, 0)),
            pl.BlockSpec((NGB, _RB, HGB), lambda i: (0, i, 0)),
            pl.BlockSpec((1, H), lambda i: (0, 0)),
            pl.BlockSpec((H, OUT), lambda i: (0, 0)),
            pl.BlockSpec((1, OUT), lambda i: (0, 0)),
        ],
        out_specs=pl.BlockSpec((_RB, OUT), lambda i: (i, 0)),
        out_shape=jax.ShapeDtypeStruct((N, OUT), jnp.float32),
    )(h0, aggq, bias_g, w_out, b_out)


def kernel(x, edge_index, W_in, b_in, W_g, att_src, att_dst, bias_g, W_out, b_out):
    src_a = edge_index[0].reshape(32, NB_A, KB)
    dst_a = edge_index[1].reshape(32, NB_A, KB)
    src_b = edge_index[0].reshape(16, NB_B, KBB)
    dst_b = edge_index[1].reshape(16, NB_B, KBB)
    h0, h, a_s, a_d, mx = _mm_call(
        x, W_in, b_in.reshape(1, H), W_g,
        att_src.reshape(H, 1), att_dst.reshape(H, 1))
    a_s = a_s.reshape(N)
    a_d = a_d.reshape(N)
    hq = h.reshape(N, NGB, HGB).transpose(1, 0, 2).reshape(NGB * N, HGB)
    shift = jnp.maximum(mx[0, 0] + mx[0, 128], 0.0)
    shift_v = jnp.full((16,), shift, jnp.float32)
    z640 = jnp.zeros((640,), jnp.float32)
    zrows = jnp.zeros((640, HGB), jnp.float32)
    denp = _sc_den(a_s, a_d, src_a, dst_a, shift_v, z640)
    aggq = _sc_agg(a_s, a_d, denp, src_b, dst_b, shift_v, zrows, hq)
    return _out_call(h0, aggq, bias_g.reshape(1, H), W_out, b_out.reshape(1, OUT))

# --- scband reference (transcript-rebuilt; emitter-appended) ---
"""Pipeline reference for scband-gnnmodel-23450521436192 (READ-ONLY COPY).

The authoritative reference and input builder live on the scoring server;
editing this copy changes nothing except your own understanding.
"""

import jax, jax.numpy as jnp
import numpy as np

N = 10000
E = 320000
D = 128
H = 128
OUT = 16

def setup_inputs(seed: int = 0) -> dict:
    key = jax.random.key(seed)
    ks = jax.random.split(key, 12)
    s_in = 1.0 / np.sqrt(D)
    s_g = 1.0 / np.sqrt(H)
    return {
        "x": jax.random.normal(ks[0], (N, D), dtype=jnp.float32),
        "edge_index": jax.random.randint(ks[1], (2, E), 0, N, dtype=jnp.int32),
        "W_in": jax.random.normal(ks[2], (D, H), dtype=jnp.float32) * s_in,
        "b_in": jax.random.normal(ks[3], (H,), dtype=jnp.float32) * 0.01,
        "W_g": jax.random.normal(ks[4], (H, H), dtype=jnp.float32) * s_g,
        "att_src": jax.random.normal(ks[5], (H,), dtype=jnp.float32) * s_g,
        "att_dst": jax.random.normal(ks[6], (H,), dtype=jnp.float32) * s_g,
        "bias_g": jax.random.normal(ks[7], (H,), dtype=jnp.float32) * 0.01,
        "W_out": jax.random.normal(ks[8], (H, OUT), dtype=jnp.float32) * s_g,
        "b_out": jax.random.normal(ks[9], (OUT,), dtype=jnp.float32) * 0.01,
    }

def reference(x, edge_index, W_in, b_in, W_g, att_src, att_dst, bias_g, W_out, b_out):
    # lin_in
    h0 = x @ W_in + b_in
    # GATConv (heads=1, out=hidden_dim), eval mode (no dropout)
    h = h0 @ W_g
    a_s = h @ att_src
    a_d = h @ att_dst
    src = edge_index[0]
    dst = edge_index[1]
    e = a_s[src] + a_d[dst]
    e = jnp.where(e > 0, e, 0.2 * e)  # leaky_relu(0.2)
    m = jax.ops.segment_max(e, dst, num_segments=N)
    m = jnp.where(jnp.isfinite(m), m, 0.0)
    ex = jnp.exp(e - m[dst])
    den = jax.ops.segment_sum(ex, dst, num_segments=N)
    alpha = ex / den[dst]
    msg = alpha[:, None] * h[src]
    agg = jax.ops.segment_sum(msg, dst, num_segments=N) + bias_g
    # relu + residual
    h1 = jax.nn.relu(agg)
    h2 = h0 + h1
    # lin_out + log_softmax
    logits = h2 @ W_out + b_out
    return jax.nn.log_softmax(logits, axis=-1)

if __name__ == "__main__":
    import jax
    _d = setup_inputs()
    print(jax.jit(kernel)(*tuple(_d.values())))

</pallas_src>

<mosaic_0001>
#map = affine_map<(d0, d1) -> (0)>
#map1 = affine_map<(d0, d1) -> (0, 0, 0)>
#map2 = affine_map<(d0, d1) -> (0, 0)>
module attributes {stable_mosaic.version = 14 : i64} {
  func.func @_sc_den(%arg0: i32, %arg1: i32, %arg2: memref<10000xf32, #tpu.memory_space<hbm>>, %arg3: memref<10000xf32, #tpu.memory_space<hbm>>, %arg4: memref<32x125x80xi32, #tpu.memory_space<hbm>>, %arg5: memref<32x125x80xi32, #tpu.memory_space<hbm>>, %arg6: memref<16xf32, #tpu.memory_space<hbm>>, %arg7: memref<640xf32, #tpu.memory_space<hbm>>, %arg8: memref<2x10240xf32, #tpu.memory_space<hbm>>, %arg9: memref<10000xf32, #tpu.memory_space<vmem>>, %arg10: memref<10000xf32, #tpu.memory_space<vmem>>, %arg11: memref<125x80xi32, #tpu.memory_space<vmem>>, %arg12: memref<125x80xi32, #tpu.memory_space<vmem>>, %arg13: memref<80xf32, #tpu.memory_space<vmem>>, %arg14: memref<16xf32, #tpu.memory_space<vmem>>, %arg15: memref<10240xf32, #tpu.memory_space<vmem_shared>>) attributes {dimension_semantics = [#tpu.dimension_semantics<core_parallel>, #tpu.dimension_semantics<subcore_parallel>], iteration_bounds = array<i64: 2, 16>, scalar_prefetch = 0 : i64, scratch_operands = 7 : i64, tpu.core_type = #tpu.core_type<sc_vector_subcore>, window_params = [{transform_indices = #map}, {transform_indices = #map}, {transform_indices = #map1}, {transform_indices = #map1}, {transform_indices = #map}, {transform_indices = #map}, {transform_indices = #map2}]} {
    %mul3A = arith.constant 16 : i32
    %mul3A_0 = arith.muli %arg0, %mul3A : i32
    %add3A = arith.addi %mul3A_0, %arg1 : i32
    %mul3A_1 = arith.constant 640 : i32
    %mul3A_2 = arith.muli %arg1, %mul3A_1 : i32
    %multiple_of3A = tpu.assume_multiple %mul3A_2, 640 : i32
    "tpu.region"() ({
      %run_scoped3A = tpu.sem_alloc : memref<!tpu.dma_semaphore, #tpu.memory_space<semaphore_mem>>
      %dma_start3A = tpu.memref_slice %arg15[%multiple_of3A] : memref<10240xf32, #tpu.memory_space<vmem_shared>> -> memref<640xf32, #tpu.memory_space<vmem_shared>>
      tpu.enqueue_dma source(%arg7 : memref<640xf32, #tpu.memory_space<hbm>>) target(%dma_start3A : memref<640xf32, #tpu.memory_space<vmem_shared>>) target_semaphore(%run_scoped3A : memref<!tpu.dma_semaphore, #tpu.memory_space<semaphore_mem>>)
      %dma_wait3A = tpu.memref_slice %arg15[%multiple_of3A] : memref<10240xf32, #tpu.memory_space<vmem_shared>> -> memref<640xf32, #tpu.memory_space<vmem_shared>>
      tpu.wait_dma2 semaphore(%run_scoped3A : memref<!tpu.dma_semaphore, #tpu.memory_space<semaphore_mem>>) src(%arg7 : memref<640xf32, #tpu.memory_space<hbm>>) dst(%dma_wait3A : memref<640xf32, #tpu.memory_space<vmem_shared>>)
      tpu.yield
    }) : () -> ()
    "tpu.region"() ({
      %run_scoped3A = tpu.sem_alloc : memref<!tpu.dma_semaphore, #tpu.memory_space<semaphore_mem>>
      tpu.enqueue_dma source(%arg2 : memref<10000xf32, #tpu.memory_space<hbm>>) target(%arg9 : memref<10000xf32, #tpu.memory_space<vmem>>) target_semaphore(%run_scoped3A : memref<!tpu.dma_semaphore, #tpu.memory_space<semaphore_mem>>)
      tpu.wait_dma2 semaphore(%run_scoped3A : memref<!tpu.dma_semaphore, #tpu.memory_space<semaphore_mem>>) src(%arg2 : memref<10000xf32, #tpu.memory_space<hbm>>) dst(%arg9 : memref<10000xf32, #tpu.memory_space<vmem>>)
      tpu.yield
    }) : () -> ()
    "tpu.region"() ({
      %run_scoped3A = tpu.sem_alloc : memref<!tpu.dma_semaphore, #tpu.memory_space<semaphore_mem>>
      tpu.enqueue_dma source(%arg3 : memref<10000xf32, #tpu.memory_space<hbm>>) target(%arg10 : memref<10000xf32, #tpu.memory_space<vmem>>) target_semaphore(%run_scoped3A : memref<!tpu.dma_semaphore, #tpu.memory_space<semaphore_mem>>)
      tpu.wait_dma2 semaphore(%run_scoped3A : memref<!tpu.dma_semaphore, #tpu.memory_space<semaphore_mem>>) src(%arg3 : memref<10000xf32, #tpu.memory_space<hbm>>) dst(%arg10 : memref<10000xf32, #tpu.memory_space<vmem>>)
      tpu.yield
    }) : () -> ()
    "tpu.region"() ({
      %run_scoped3A = tpu.sem_alloc : memref<!tpu.dma_semaphore, #tpu.memory_space<semaphore_mem>>
      %dma_start3A = arith.constant 0 : i32
      %dma_start3A_10 = arith.constant 0 : i32
      %dma_start3A_11 = tpu.memref_slice %arg4[%add3A, %dma_start3A, %dma_start3A_10] : memref<32x125x80xi32, #tpu.memory_space<hbm>> -> memref<1x125x80xi32, #tpu.memory_space<hbm>>
      %dma_start3A_12 = tpu.memref_squeeze %dma_start3A_11 : memref<1x125x80xi32, #tpu.memory_space<hbm>> -> memref<125x80xi32, #tpu.memory_space<hbm>>
      %dma_start3A_13 = arith.constant 0 : i32
      %dma_start3A_14 = arith.constant 0 : i32
      %dma_start3A_15 = tpu.memref_slice %arg4[%add3A, %dma_start3A_13, %dma_start3A_14] : memref<32x125x80xi32, #tpu.memory_space<hbm>> -> memref<1x125x80xi32, #tpu.memory_space<hbm>>
      %dma_start3A_16 = tpu.memref_squeeze %dma_start3A_15 : memref<1x125x80xi32, #tpu.memory_space<hbm>> -> memref<125x80xi32, #tpu.memory_space<hbm>>
      tpu.enqueue_dma source(%dma_start3A_16 : memref<125x80xi32, #tpu.memory_space<hbm>>) target(%arg11 : memref<125x80xi32, #tpu.memory_space<vmem>>) target_semaphore(%run_scoped3A : memref<!tpu.dma_semaphore, #tpu.memory_space<semaphore_mem>>)
      %dma_wait3A = arith.constant 0 : i32
      %dma_wait3A_17 = arith.constant 0 : i32
      %dma_wait3A_18 = tpu.memref_slice %arg4[%add3A, %dma_wait3A, %dma_wait3A_17] : memref<32x125x80xi32, #tpu.memory_space<hbm>> -> memref<1x125x80xi32, #tpu.memory_space<hbm>>
      %dma_wait3A_19 = tpu.memref_squeeze %dma_wait3A_18 : memref<1x125x80xi32, #tpu.memory_space<hbm>> -> memref<125x80xi32, #tpu.memory_space<hbm>>
      %dma_wait3A_20 = arith.constant 0 : i32
      %dma_wait3A_21 = arith.constant 0 : i32
      %dma_wait3A_22 = tpu.memref_slice %arg4[%add3A, %dma_wait3A_20, %dma_wait3A_21] : memref<32x125x80xi32, #tpu.memory_space<hbm>> -> memref<1x125x80xi32, #tpu.memory_space<hbm>>
      %dma_wait3A_23 = tpu.memref_squeeze %dma_wait3A_22 : memref<1x125x80xi32, #tpu.memory_space<hbm>> -> memref<125x80xi32, #tpu.memory_space<hbm>>
      tpu.wait_dma2 semaphore(%run_scoped3A : memref<!tpu.dma_semaphore, #tpu.memory_space<semaphore_mem>>) src(%dma_wait3A_23 : memref<125x80xi32, #tpu.memory_space<hbm>>) dst(%arg11 : memref<125x80xi32, #tpu.memory_space<vmem>>)
      tpu.yield
    }) : () -> ()
    "tpu.region"() ({
      %run_scoped3A = tpu.sem_alloc : memref<!tpu.dma_semaphore, #tpu.memory_space<semaphore_mem>>
      %dma_start3A = arith.constant 0 : i32
      %dma_start3A_10 = arith.constant 0 : i32
      %dma_start3A_11 = tpu.memref_slice %arg5[%add3A, %dma_start3A, %dma_start3A_10] : memref<32x125x80xi32, #tpu.memory_space<hbm>> -> memref<1x125x80xi32, #tpu.memory_space<hbm>>
      %dma_start3A_12 = tpu.memref_squeeze %dma_start3A_11 : memref<1x125x80xi32, #tpu.memory_space<hbm>> -> memref<125x80xi32, #tpu.memory_space<hbm>>
      %dma_start3A_13 = arith.constant 0 : i32
      %dma_start3A_14 = arith.constant 0 : i32
      %dma_start3A_15 = tpu.memref_slice %arg5[%add3A, %dma_start3A_13, %dma_start3A_14] : memref<32x125x80xi32, #tpu.memory_space<hbm>> -> memref<1x125x80xi32, #tpu.memory_space<hbm>>
      %dma_start3A_16 = tpu.memref_squeeze %dma_start3A_15 : memref<1x125x80xi32, #tpu.memory_space<hbm>> -> memref<125x80xi32, #tpu.memory_space<hbm>>
      tpu.enqueue_dma source(%dma_start3A_16 : memref<125x80xi32, #tpu.memory_space<hbm>>) target(%arg12 : memref<125x80xi32, #tpu.memory_space<vmem>>) target_semaphore(%run_scoped3A : memref<!tpu.dma_semaphore, #tpu.memory_space<semaphore_mem>>)
      %dma_wait3A = arith.constant 0 : i32
      %dma_wait3A_17 = arith.constant 0 : i32
      %dma_wait3A_18 = tpu.memref_slice %arg5[%add3A, %dma_wait3A, %dma_wait3A_17] : memref<32x125x80xi32, #tpu.memory_space<hbm>> -> memref<1x125x80xi32, #tpu.memory_space<hbm>>
      %dma_wait3A_19 = tpu.memref_squeeze %dma_wait3A_18 : memref<1x125x80xi32, #tpu.memory_space<hbm>> -> memref<125x80xi32, #tpu.memory_space<hbm>>
      %dma_wait3A_20 = arith.constant 0 : i32
      %dma_wait3A_21 = arith.constant 0 : i32
      %dma_wait3A_22 = tpu.memref_slice %arg5[%add3A, %dma_wait3A_20, %dma_wait3A_21] : memref<32x125x80xi32, #tpu.memory_space<hbm>> -> memref<1x125x80xi32, #tpu.memory_space<hbm>>
      %dma_wait3A_23 = tpu.memref_squeeze %dma_wait3A_22 : memref<1x125x80xi32, #tpu.memory_space<hbm>> -> memref<125x80xi32, #tpu.memory_space<hbm>>
      tpu.wait_dma2 semaphore(%run_scoped3A : memref<!tpu.dma_semaphore, #tpu.memory_space<semaphore_mem>>) src(%dma_wait3A_23 : memref<125x80xi32, #tpu.memory_space<hbm>>) dst(%arg12 : memref<125x80xi32, #tpu.memory_space<vmem>>)
      tpu.yield
    }) : () -> ()
    "tpu.region"() ({
      %run_scoped3A = tpu.sem_alloc : memref<!tpu.dma_semaphore, #tpu.memory_space<semaphore_mem>>
      tpu.enqueue_dma source(%arg6 : memref<16xf32, #tpu.memory_space<hbm>>) target(%arg14 : memref<16xf32, #tpu.memory_space<vmem>>) target_semaphore(%run_scoped3A : memref<!tpu.dma_semaphore, #tpu.memory_space<semaphore_mem>>)
      tpu.wait_dma2 semaphore(%run_scoped3A : memref<!tpu.dma_semaphore, #tpu.memory_space<semaphore_mem>>) src(%arg6 : memref<16xf32, #tpu.memory_space<hbm>>) dst(%arg14 : memref<16xf32, #tpu.memory_space<vmem>>)
      tpu.yield
    }) : () -> ()
    %barrier3A = arith.constant 0 : index
    tpu.barrier barrier_id(%barrier3A)
    %get3A = arith.constant 0 : index
    %get3A_3 = tpu.vector_load %arg14[%get3A] {strides = array<i32>} : memref<16xf32, #tpu.memory_space<vmem>>, vector<16xf32>,
    %scan3A = arith.constant 0 : i32
    %scan3A_4 = arith.constant 0 : i32
    %scan3A_5 = arith.constant 125 : i32
    %scan3A_6 = arith.addi %scan3A_4, %scan3A_5 : i32
    %scan3A_7 = arith.constant 1 : i32
    scf.for %scan3A_10 = %scan3A_4 to %scan3A_6 step %scan3A_7  : i32 {
      %get3A_11 = arith.index_cast %scan3A_10 : i32 to index
      %get3A_12 = arith.constant 0 : index
      %get3A_13 = tpu.vector_load %arg11[%get3A_11, %get3A_12] {strides = array<i32>} : memref<125x80xi32, #tpu.memory_space<vmem>>, vector<16xi32>,
      %get3A_14 = arith.index_cast %scan3A_10 : i32 to index
      %get3A_15 = arith.constant 0 : index
      %get3A_16 = tpu.vector_load %arg12[%get3A_14, %get3A_15] {strides = array<i32>} : memref<125x80xi32, #tpu.memory_space<vmem>>, vector<16xi32>,
      %gather3A = tpu.vector_load_idx %arg9[%get3A_13] : memref<10000xf32, #tpu.memory_space<vmem>>[vector<16xi32>], vector<16xf32>,
      %gather3A_17 = tpu.vector_load_idx %arg10[%get3A_16] : memref<10000xf32, #tpu.memory_space<vmem>>[vector<16xi32>], vector<16xf32>,
      %add3A_18 = arith.addf %gather3A, %gather3A_17 : vector<16xf32>
      %gt3A = arith.constant 0.000000e+00 : f32
      %gt3A_19 = vector.broadcast %gt3A : f32 to vector<16xf32>
      %gt3A_20 = arith.cmpf ogt, %add3A_18, %gt3A_19 : vector<16xf32>
      %mul3A_21 = arith.constant 2.000000e-01 : f32
      %mul3A_22 = vector.broadcast %mul3A_21 : f32 to vector<16xf32>
      %mul3A_23 = arith.mulf %mul3A_22, %add3A_18 : vector<16xf32>
      %select_n3A = arith.select %gt3A_20, %add3A_18, %mul3A_23 : vector<16xi1>, vector<16xf32>
      %sub3A = arith.subf %select_n3A, %get3A_3 : vector<16xf32>
      %exp3A = math.exp %sub3A : vector<16xf32>
      %swap3A = arith.constant 0 : index
      %swap3A_24 = tpu.vector_load %arg13[%swap3A] {strides = array<i32>} : memref<80xf32, #tpu.memory_space<vmem>>, vector<16xf32>,
      tpu.vector_store %arg13[%swap3A], %exp3A {strides = array<i32>} : memref<80xf32, #tpu.memory_space<vmem>>, vector<16xf32>,
      %get3A_25 = arith.index_cast %scan3A_10 : i32 to index
      %get3A_26 = arith.constant 16 : index
      %get3A_27 = tpu.vector_load %arg11[%get3A_25, %get3A_26] {strides = array<i32>} : memref<125x80xi32, #tpu.memory_space<vmem>>, vector<16xi32>,
      %get3A_28 = arith.index_cast %scan3A_10 : i32 to index
      %get3A_29 = arith.constant 16 : index
      %get3A_30 = tpu.vector_load %arg12[%get3A_28, %get3A_29] {strides = array<i32>} : memref<125x80xi32, #tpu.memory_space<vmem>>, vector<16xi32>,
      %gather3A_31 = tpu.vector_load_idx %arg9[%get3A_27] : memref<10000xf32, #tpu.memory_space<vmem>>[vector<16xi32>], vector<16xf32>,
      %gather3A_32 = tpu.vector_load_idx %arg10[%get3A_30] : memref<10000xf32, #tpu.memory_space<vmem>>[vector<16xi32>], vector<16xf32>,
      %add3A_33 = arith.addf %gather3A_31, %gather3A_32 : vector<16xf32>
      %gt3A_34 = arith.constant 0.000000e+00 : f32
      %gt3A_35 = vector.broadcast %gt3A_34 : f32 to vector<16xf32>
      %gt3A_36 = arith.cmpf ogt, %add3A_33, %gt3A_35 : vector<16xf32>
      %mul3A_37 = arith.constant 2.000000e-01 : f32
      %mul3A_38 = vector.broadcast %mul3A_37 : f32 to vector<16xf32>
      %mul3A_39 = arith.mulf %mul3A_38, %add3A_33 : vector<16xf32>
      %select_n3A_40 = arith.select %gt3A_36, %add3A_33, %mul3A_39 : vector<16xi1>, vector<16xf32>
      %sub3A_41 = arith.subf %select_n3A_40, %get3A_3 : vector<16xf32>
      %exp3A_42 = math.exp %sub3A_41 : vector<16xf32>
      %swap3A_43 = arith.constant 16 : index
      %swap3A_44 = tpu.vector_load %arg13[%swap3A_43] {strides = array<i32>} : memref<80xf32, #tpu.memory_space<vmem>>, vector<16xf32>,
      tpu.vector_store %arg13[%swap3A_43], %exp3A_42 {strides = array<i32>} : memref<80xf32, #tpu.memory_space<vmem>>, vector<16xf32>,
      %get3A_45 = arith.index_cast %scan3A_10 : i32 to index
      %get3A_46 = arith.constant 32 : index
      %get3A_47 = tpu.vector_load %arg11[%get3A_45, %get3A_46] {strides = array<i32>} : memref<125x80xi32, #tpu.memory_space<vmem>>, vector<16xi32>,
      %get3A_48 = arith.index_cast %scan3A_10 : i32 to index
      %get3A_49 = arith.constant 32 : index
      %get3A_50 = tpu.vector_load %arg12[%get3A_48, %get3A_49] {strides = array<i32>} : memref<125x80xi32, #tpu.memory_space<vmem>>, vector<16xi32>,
      %gather3A_51 = tpu.vector_load_idx %arg9[%get3A_47] : memref<10000xf32, #tpu.memory_space<vmem>>[vector<16xi32>], vector<16xf32>,
      %gather3A_52 = tpu.vector_load_idx %arg10[%get3A_50] : memref<10000xf32, #tpu.memory_space<vmem>>[vector<16xi32>], vector<16xf32>,
      %add3A_53 = arith.addf %gather3A_51, %gather3A_52 : vector<16xf32>
      %gt3A_54 = arith.constant 0.000000e+00 : f32
      %gt3A_55 = vector.broadcast %gt3A_54 : f32 to vector<16xf32>
      %gt3A_56 = arith.cmpf ogt, %add3A_53, %gt3A_55 : vector<16xf32>
      %mul3A_57 = arith.constant 2.000000e-01 : f32
      %mul3A_58 = vector.broadcast %mul3A_57 : f32 to vector<16xf32>
      %mul3A_59 = arith.mulf %mul3A_58, %add3A_53 : vector<16xf32>
      %select_n3A_60 = arith.select %gt3A_56, %add3A_53, %mul3A_59 : vector<16xi1>, vector<16xf32>
      %sub3A_61 = arith.subf %select_n3A_60, %get3A_3 : vector<16xf32>
      %exp3A_62 = math.exp %sub3A_61 : vector<16xf32>
      %swap3A_63 = arith.constant 32 : index
      %swap3A_64 = tpu.vector_load %arg13[%swap3A_63] {strides = array<i32>} : memref<80xf32, #tpu.memory_space<vmem>>, vector<16xf32>,
      tpu.vector_store %arg13[%swap3A_63], %exp3A_62 {strides = array<i32>} : memref<80xf32, #tpu.memory_space<vmem>>, vector<16xf32>,
      %get3A_65 = arith.index_cast %scan3A_10 : i32 to index
      %get3A_66 = arith.constant 48 : index
      %get3A_67 = tpu.vector_load %arg11[%get3A_65, %get3A_66] {strides = array<i32>} : memref<125x80xi32, #tpu.memory_space<vmem>>, vector<16xi32>,
      %get3A_68 = arith.index_cast %scan3A_10 : i32 to index
      %get3A_69 = arith.constant 48 : index
      %get3A_70 = tpu.vector_load %arg12[%get3A_68, %get3A_69] {strides = array<i32>} : memref<125x80xi32, #tpu.memory_space<vmem>>, vector<16xi32>,
      %gather3A_71 = tpu.vector_load_idx %arg9[%get3A_67] : memref<10000xf32, #tpu.memory_space<vmem>>[vector<16xi32>], vector<16xf32>,
      %gather3A_72 = tpu.vector_load_idx %arg10[%get3A_70] : memref<10000xf32, #tpu.memory_space<vmem>>[vector<16xi32>], vector<16xf32>,
      %add3A_73 = arith.addf %gather3A_71, %gather3A_72 : vector<16xf32>
      %gt3A_74 = arith.constant 0.000000e+00 : f32
      %gt3A_75 = vector.broadcast %gt3A_74 : f32 to vector<16xf32>
      %gt3A_76 = arith.cmpf ogt, %add3A_73, %gt3A_75 : vector<16xf32>
      %mul3A_77 = arith.constant 2.000000e-01 : f32
      %mul3A_78 = vector.broadcast %mul3A_77 : f32 to vector<16xf32>
      %mul3A_79 = arith.mulf %mul3A_78, %add3A_73 : vector<16xf32>
      %select_n3A_80 = arith.select %gt3A_76, %add3A_73, %mul3A_79 : vector<16xi1>, vector<16xf32>
      %sub3A_81 = arith.subf %select_n3A_80, %get3A_3 : vector<16xf32>
      %exp3A_82 = math.exp %sub3A_81 : vector<16xf32>
      %swap3A_83 = arith.constant 48 : index
      %swap3A_84 = tpu.vector_load %arg13[%swap3A_83] {strides = array<i32>} : memref<80xf32, #tpu.memory_space<vmem>>, vector<16xf32>,
      tpu.vector_store %arg13[%swap3A_83], %exp3A_82 {strides = array<i32>} : memref<80xf32, #tpu.memory_space<vmem>>, vector<16xf32>,
      %get3A_85 = arith.index_cast %scan3A_10 : i32 to index
      %get3A_86 = arith.constant 64 : index
      %get3A_87 = tpu.vector_load %arg11[%get3A_85, %get3A_86] {strides = array<i32>} : memref<125x80xi32, #tpu.memory_space<vmem>>, vector<16xi32>,
      %get3A_88 = arith.index_cast %scan3A_10 : i32 to index
      %get3A_89 = arith.constant 64 : index
      %get3A_90 = tpu.vector_load %arg12[%get3A_88, %get3A_89] {strides = array<i32>} : memref<125x80xi32, #tpu.memory_space<vmem>>, vector<16xi32>,
      %gather3A_91 = tpu.vector_load_idx %arg9[%get3A_87] : memref<10000xf32, #tpu.memory_space<vmem>>[vector<16xi32>], vector<16xf32>,
      %gather3A_92 = tpu.vector_load_idx %arg10[%get3A_90] : memref<10000xf32, #tpu.memory_space<vmem>>[vector<16xi32>], vector<16xf32>,
      %add3A_93 = arith.addf %gather3A_91, %gather3A_92 : vector<16xf32>
      %gt3A_94 = arith.constant 0.000000e+00 : f32
      %gt3A_95 = vector.broadcast %gt3A_94 : f32 to vector<16xf32>
      %gt3A_96 = arith.cmpf ogt, %add3A_93, %gt3A_95 : vector<16xf32>
      %mul3A_97 = arith.constant 2.000000e-01 : f32
      %mul3A_98 = vector.broadcast %mul3A_97 : f32 to vector<16xf32>
      %mul3A_99 = arith.mulf %mul3A_98, %add3A_93 : vector<16xf32>
      %select_n3A_100 = arith.select %gt3A_96, %add3A_93, %mul3A_99 : vector<16xi1>, vector<16xf32>
      %sub3A_101 = arith.subf %select_n3A_100, %get3A_3 : vector<16xf32>
      %exp3A_102 = math.exp %sub3A_101 : vector<16xf32>
      %swap3A_103 = arith.constant 64 : index
      %swap3A_104 = tpu.vector_load %arg13[%swap3A_103] {strides = array<i32>} : memref<80xf32, #tpu.memory_space<vmem>>, vector<16xf32>,
      tpu.vector_store %arg13[%swap3A_103], %exp3A_102 {strides = array<i32>} : memref<80xf32, #tpu.memory_space<vmem>>, vector<16xf32>,
      "tpu.region"() ({
        %run_scoped3A = tpu.sem_alloc : memref<!tpu.dma_semaphore, #tpu.memory_space<semaphore_mem>>
        %dma_start3A = arith.constant 0 : i32
        %dma_start3A_105 = tpu.memref_slice %arg12[%scan3A_10, %dma_start3A] : memref<125x80xi32, #tpu.memory_space<vmem>> -> memref<1x80xi32, #tpu.memory_space<vmem>>
        %dma_start3A_106 = tpu.memref_squeeze %dma_start3A_105 : memref<1x80xi32, #tpu.memory_space<vmem>> -> memref<80xi32, #tpu.memory_space<vmem>>
        %dma_start3A_107 = arith.constant 0 : i32
        %dma_start3A_108 = tpu.memref_slice %arg15[%dma_start3A_107] : memref<10240xf32, #tpu.memory_space<vmem_shared>> -> memref<10240xf32, #tpu.memory_space<vmem_shared>>
        tpu.enqueue_indirect_dma source(%arg13 : memref<80xf32, #tpu.memory_space<vmem>>) target(%dma_start3A_108 : memref<10240xf32, #tpu.memory_space<vmem_shared>>) offsets(%dma_start3A_106 : memref<80xi32, #tpu.memory_space<vmem>>) semaphore(%run_scoped3A : memref<!tpu.dma_semaphore, #tpu.memory_space<semaphore_mem>>) {add = true}
        %dma_wait3A = arith.constant 0 : i32
        %dma_wait3A_109 = tpu.memref_slice %arg12[%scan3A_10, %dma_wait3A] : memref<125x80xi32, #tpu.memory_space<vmem>> -> memref<1x80xi32, #tpu.memory_space<vmem>>
        %dma_wait3A_110 = tpu.memref_squeeze %dma_wait3A_109 : memref<1x80xi32, #tpu.memory_space<vmem>> -> memref<80xi32, #tpu.memory_space<vmem>>
        %dma_wait3A_111 = arith.constant 0 : i32
        %dma_wait3A_112 = tpu.memref_slice %arg15[%dma_wait3A_111] : memref<10240xf32, #tpu.memory_space<vmem_shared>> -> memref<10240xf32, #tpu.memory_space<vmem_shared>>
        tpu.wait_indirect_dma semaphore(%run_scoped3A : memref<!tpu.dma_semaphore, #tpu.memory_space<semaphore_mem>>) src(%arg13 : memref<80xf32, #tpu.memory_space<vmem>>) dst(%dma_wait3A_112 : memref<10240xf32, #tpu.memory_space<vmem_shared>>)
        tpu.yield
      }) : () -> ()
    }
    %scan3A_8 = arith.constant 125 : i32
    %barrier3A_9 = arith.constant 0 : index
    tpu.barrier barrier_id(%barrier3A_9)
    "tpu.region"() ({
      %run_scoped3A = tpu.sem_alloc : memref<!tpu.dma_semaphore, #tpu.memory_space<semaphore_mem>>
      %dma_start3A = tpu.memref_slice %arg8[%arg0, %multiple_of3A] : memref<2x10240xf32, #tpu.memory_space<hbm>> -> memref<1x640xf32, #tpu.memory_space<hbm>>
      %dma_start3A_10 = tpu.memref_squeeze %dma_start3A : memref<1x640xf32, #tpu.memory_space<hbm>> -> memref<640xf32, #tpu.memory_space<hbm>>
      %dma_start3A_11 = tpu.memref_slice %arg15[%multiple_of3A] : memref<10240xf32, #tpu.memory_space<vmem_shared>> -> memref<640xf32, #tpu.memory_space<vmem_shared>>
      tpu.enqueue_dma source(%dma_start3A_11 : memref<640xf32, #tpu.memory_space<vmem_shared>>) target(%dma_start3A_10 : memref<640xf32, #tpu.memory_space<hbm>>) target_semaphore(%run_scoped3A : memref<!tpu.dma_semaphore, #tpu.memory_space<semaphore_mem>>)
      %dma_wait3A = tpu.memref_slice %arg8[%arg0, %multiple_of3A] : memref<2x10240xf32, #tpu.memory_space<hbm>> -> memref<1x640xf32, #tpu.memory_space<hbm>>
      %dma_wait3A_12 = tpu.memref_squeeze %dma_wait3A : memref<1x640xf32, #tpu.memory_space<hbm>> -> memref<640xf32, #tpu.memory_space<hbm>>
      %dma_wait3A_13 = tpu.memref_slice %arg15[%multiple_of3A] : memref<10240xf32, #tpu.memory_space<vmem_shared>> -> memref<640xf32, #tpu.memory_space<vmem_shared>>
      tpu.wait_dma2 semaphore(%run_scoped3A : memref<!tpu.dma_semaphore, #tpu.memory_space<semaphore_mem>>) src(%dma_wait3A_13 : memref<640xf32, #tpu.memory_space<vmem_shared>>) dst(%dma_wait3A_12 : memref<640xf32, #tpu.memory_space<hbm>>)
      tpu.yield
    }) : () -> ()
    return
  }
}

#map = affine_map<(d0, d1) -> (0)>
#map1 = affine_map<(d0, d1) -> (0, 0)>
#map2 = affine_map<(d0, d1) -> (0, 0, 0)>
module attributes {stable_mosaic.version = 14 : i64} {
  func.func @_sc_agg(%arg0: i32, %arg1: i32, %arg2: memref<10000xf32, #tpu.memory_space<hbm>>, %arg3: memref<10000xf32, #tpu.memory_space<hbm>>, %arg4: memref<2x10240xf32, #tpu.memory_space<hbm>>, %arg5: memref<16x125x160xi32, #tpu.memory_space<hbm>>, %arg6: memref<16x125x160xi32, #tpu.memory_space<hbm>>, %arg7: memref<16xf32, #tpu.memory_space<hbm>>, %arg8: memref<640x16xf32, #tpu.memory_space<hbm>>, %arg9: memref<80000x16xf32, #tpu.memory_space<hbm>>, %arg10: memref<8x10000x16xf32, #tpu.memory_space<hbm>>, %arg11: memref<10000xf32, #tpu.memory_space<vmem>>, %arg12: memref<10000xf32, #tpu.memory_space<vmem>>, %arg13: memref<2x10240xf32, #tpu.memory_space<vmem>>, %arg14: memref<10240xf32, #tpu.memory_space<vmem>>, %arg15: memref<125x160xi32, #tpu.memory_space<vmem>>, %arg16: memref<125x160xi32, #tpu.memory_space<vmem>>, %arg17: memref<20000xf32, #tpu.memory_space<vmem>>, %arg18: memref<2x160x16xf32, #tpu.memory_space<vmem>>, %arg19: memref<2x160x16xf32, #tpu.memory_space<vmem>>, %arg20: memref<16xf32, #tpu.memory_space<vmem>>, %arg21: memref<10000x16xf32, #tpu.memory_space<vmem_shared>>, %arg22: memref<!tpu.dma_semaphore, #tpu.memory_space<semaphore_mem>>, %arg23: memref<!tpu.dma_semaphore, #tpu.memory_space<semaphore_mem>>) attributes {dimension_semantics = [#tpu.dimension_semantics<core_parallel>, #tpu.dimension_semantics<subcore_parallel>], iteration_bounds = array<i64: 2, 16>, scalar_prefetch = 0 : i64, scratch_operands = 13 : i64, tpu.core_type = #tpu.core_type<sc_vector_subcore>, window_params = [{transform_indices = #map}, {transform_indices = #map}, {transform_indices = #map1}, {transform_indices = #map2}, {transform_indices = #map2}, {transform_indices = #map}, {transform_indices = #map1}, {transform_indices = #map1}, {transform_indices = #map2}]} {
    %mul3A = arith.constant 624 : i32
    %mul3A_0 = arith.muli %arg1, %mul3A : i32
    %multiple_of3A = tpu.assume_multiple %mul3A_0, 8 : i32
    %eq3A = arith.constant 15 : i32
    %eq3A_1 = arith.cmpi eq, %arg1, %eq3A : i32
    "tpu.region"() ({
      %run_scoped3A = tpu.sem_alloc : memref<!tpu.dma_semaphore, #tpu.memory_space<semaphore_mem>>
      tpu.enqueue_dma source(%arg2 : memref<10000xf32, #tpu.memory_space<hbm>>) target(%arg11 : memref<10000xf32, #tpu.memory_space<vmem>>) target_semaphore(%run_scoped3A : memref<!tpu.dma_semaphore, #tpu.memory_space<semaphore_mem>>)
      tpu.wait_dma2 semaphore(%run_scoped3A : memref<!tpu.dma_semaphore, #tpu.memory_space<semaphore_mem>>) src(%arg2 : memref<10000xf32, #tpu.memory_space<hbm>>) dst(%arg11 : memref<10000xf32, #tpu.memory_space<vmem>>)
      tpu.yield
    }) : () -> ()
    "tpu.region"() ({
      %run_scoped3A = tpu.sem_alloc : memref<!tpu.dma_semaphore, #tpu.memory_space<semaphore_mem>>
      tpu.enqueue_dma source(%arg3 : memref<10000xf32, #tpu.memory_space<hbm>>) target(%arg12 : memref<10000xf32, #tpu.memory_space<vmem>>) target_semaphore(%run_scoped3A : memref<!tpu.dma_semaphore, #tpu.memory_space<semaphore_mem>>)
      tpu.wait_dma2 semaphore(%run_scoped3A : memref<!tpu.dma_semaphore, #tpu.memory_space<semaphore_mem>>) src(%arg3 : memref<10000xf32, #tpu.memory_space<hbm>>) dst(%arg12 : memref<10000xf32, #tpu.memory_space<vmem>>)
      tpu.yield
    }) : () -> ()
    "tpu.region"() ({
      %run_scoped3A = tpu.sem_alloc : memref<!tpu.dma_semaphore, #tpu.memory_space<semaphore_mem>>
      tpu.enqueue_dma source(%arg4 : memref<2x10240xf32, #tpu.memory_space<hbm>>) target(%arg13 : memref<2x10240xf32, #tpu.memory_space<vmem>>) target_semaphore(%run_scoped3A : memref<!tpu.dma_semaphore, #tpu.memory_space<semaphore_mem>>)
      tpu.wait_dma2 semaphore(%run_scoped3A : memref<!tpu.dma_semaphore, #tpu.memory_space<semaphore_mem>>) src(%arg4 : memref<2x10240xf32, #tpu.memory_space<hbm>>) dst(%arg13 : memref<2x10240xf32, #tpu.memory_space<vmem>>)
      tpu.yield
    }) : () -> ()
    "tpu.region"() ({
      %run_scoped3A = tpu.sem_alloc : memref<!tpu.dma_semaphore, #tpu.memory_space<semaphore_mem>>
      %dma_start3A_791 = arith.constant 0 : i32
      %dma_start3A_792 = arith.constant 0 : i32
      %dma_start3A_793 = tpu.memref_slice %arg5[%arg1, %dma_start3A_791, %dma_start3A_792] : memref<16x125x160xi32, #tpu.memory_space<hbm>> -> memref<1x125x160xi32, #tpu.memory_space<hbm>>
      %dma_start3A_794 = tpu.memref_squeeze %dma_start3A_793 : memref<1x125x160xi32, #tpu.memory_space<hbm>> -> memref<125x160xi32, #tpu.memory_space<hbm>>
      %dma_start3A_795 = arith.constant 0 : i32
      %dma_start3A_796 = arith.constant 0 : i32
      %dma_start3A_797 = tpu.memref_slice %arg5[%arg1, %dma_start3A_795, %dma_start3A_796] : memref<16x125x160xi32, #tpu.memory_space<hbm>> -> memref<1x125x160xi32, #tpu.memory_space<hbm>>
      %dma_start3A_798 = tpu.memref_squeeze %dma_start3A_797 : memref<1x125x160xi32, #tpu.memory_space<hbm>> -> memref<125x160xi32, #tpu.memory_space<hbm>>
      tpu.enqueue_dma source(%dma_start3A_798 : memref<125x160xi32, #tpu.memory_space<hbm>>) target(%arg15 : memref<125x160xi32, #tpu.memory_space<vmem>>) target_semaphore(%run_scoped3A : memref<!tpu.dma_semaphore, #tpu.memory_space<semaphore_mem>>)
      %dma_wait3A_799 = arith.constant 0 : i32
      %dma_wait3A_800 = arith.constant 0 : i32
      %dma_wait3A_801 = tpu.memref_slice %arg5[%arg1, %dma_wait3A_799, %dma_wait3A_800] : memref<16x125x160xi32, #tpu.memory_space<hbm>> -> memref<1x125x160xi32, #tpu.memory_space<hbm>>
      %dma_wait3A_802 = tpu.memref_squeeze %dma_wait3A_801 : memref<1x125x160xi32, #tpu.memory_space<hbm>> -> memref<125x160xi32, #tpu.memory_space<hbm>>
      %dma_wait3A_803 = arith.constant 0 : i32
      %dma_wait3A_804 = arith.constant 0 : i32
      %dma_wait3A_805 = tpu.memref_slice %arg5[%arg1, %dma_wait3A_803, %dma_wait3A_804] : memref<16x125x160xi32, #tpu.memory_space<hbm>> -> memref<1x125x160xi32, #tpu.memory_space<hbm>>
      %dma_wait3A_806 = tpu.memref_squeeze %dma_wait3A_805 : memref<1x125x160xi32, #tpu.memory_space<hbm>> -> memref<125x160xi32, #tpu.memory_space<hbm>>
      tpu.wait_dma2 semaphore(%run_scoped3A : memref<!tpu.dma_semaphore, #tpu.memory_space<semaphore_mem>>) src(%dma_wait3A_806 : memref<125x160xi32, #tpu.memory_space<hbm>>) dst(%arg15 : memref<125x160xi32, #tpu.memory_space<vmem>>)
      tpu.yield
    }) : () -> ()
    "tpu.region"() ({
      %run_scoped3A = tpu.sem_alloc : memref<!tpu.dma_semaphore, #tpu.memory_space<semaphore_mem>>
      %dma_start3A_791 = arith.constant 0 : i32
      %dma_start3A_792 = arith.constant 0 : i32
      %dma_start3A_793 = tpu.memref_slice %arg6[%arg1, %dma_start3A_791, %dma_start3A_792] : memref<16x125x160xi32, #tpu.memory_space<hbm>> -> memref<1x125x160xi32, #tpu.memory_space<hbm>>
      %dma_start3A_794 = tpu.memref_squeeze %dma_start3A_793 : memref<1x125x160xi32, #tpu.memory_space<hbm>> -> memref<125x160xi32, #tpu.memory_space<hbm>>
      %dma_start3A_795 = arith.constant 0 : i32
      %dma_start3A_796 = arith.constant 0 : i32
      %dma_start3A_797 = tpu.memref_slice %arg6[%arg1, %dma_start3A_795, %dma_start3A_796] : memref<16x125x160xi32, #tpu.memory_space<hbm>> -> memref<1x125x160xi32, #tpu.memory_space<hbm>>
      %dma_start3A_798 = tpu.memref_squeeze %dma_start3A_797 : memref<1x125x160xi32, #tpu.memory_space<hbm>> -> memref<125x160xi32, #tpu.memory_space<hbm>>
      tpu.enqueue_dma source(%dma_start3A_798 : memref<125x160xi32, #tpu.memory_space<hbm>>) target(%arg16 : memref<125x160xi32, #tpu.memory_space<vmem>>) target_semaphore(%run_scoped3A : memref<!tpu.dma_semaphore, #tpu.memory_space<semaphore_mem>>)
      %dma_wait3A_799 = arith.constant 0 : i32
      %dma_wait3A_800 = arith.constant 0 : i32
      %dma_wait3A_801 = tpu.memref_slice %arg6[%arg1, %dma_wait3A_799, %dma_wait3A_800] : memref<16x125x160xi32, #tpu.memory_space<hbm>> -> memref<1x125x160xi32, #tpu.memory_space<hbm>>
      %dma_wait3A_802 = tpu.memref_squeeze %dma_wait3A_801 : memref<1x125x160xi32, #tpu.memory_space<hbm>> -> memref<125x160xi32, #tpu.memory_space<hbm>>
      %dma_wait3A_803 = arith.constant 0 : i32
      %dma_wait3A_804 = arith.constant 0 : i32
      %dma_wait3A_805 = tpu.memref_slice %arg6[%arg1, %dma_wait3A_803, %dma_wait3A_804] : memref<16x125x160xi32, #tpu.memory_space<hbm>> -> memref<1x125x160xi32, #tpu.memory_space<hbm>>
      %dma_wait3A_806 = tpu.memref_squeeze %dma_wait3A_805 : memref<1x125x160xi32, #tpu.memory_space<hbm>> -> memref<125x160xi32, #tpu.memory_space<hbm>>
      tpu.wait_dma2 semaphore(%run_scoped3A : memref<!tpu.dma_semaphore, #tpu.memory_space<semaphore_mem>>) src(%dma_wait3A_806 : memref<125x160xi32, #tpu.memory_space<hbm>>) dst(%arg16 : memref<125x160xi32, #tpu.memory_space<vmem>>)
      tpu.yield
    }) : () -> ()
    "tpu.region"() ({
      %run_scoped3A = tpu.sem_alloc : memref<!tpu.dma_semaphore, #tpu.memory_space<semaphore_mem>>
      tpu.enqueue_dma source(%arg7 : memref<16xf32, #tpu.memory_space<hbm>>) target(%arg20 : memref<16xf32, #tpu.memory_space<vmem>>) target_semaphore(%run_scoped3A : memref<!tpu.dma_semaphore, #tpu.memory_space<semaphore_mem>>)
      tpu.wait_dma2 semaphore(%run_scoped3A : memref<!tpu.dma_semaphore, #tpu.memory_space<semaphore_mem>>) src(%arg7 : memref<16xf32, #tpu.memory_space<hbm>>) dst(%arg20 : memref<16xf32, #tpu.memory_space<vmem>>)
      tpu.yield
    }) : () -> ()
    %scan3A = arith.constant 0 : i32
    %scan3A_2 = arith.constant 0 : i32
    %scan3A_3 = arith.constant 640 : i32
    %scan3A_4 = arith.addi %scan3A_2, %scan3A_3 : i32
    %scan3A_5 = arith.constant 1 : i32
    scf.for %scan3A_791 = %scan3A_2 to %scan3A_4 step %scan3A_5  : i32 {
      %mul3A_792 = arith.constant 16 : i32
      %mul3A_793 = arith.muli %scan3A_791, %mul3A_792 : i32
      %multiple_of3A_794 = tpu.assume_multiple %mul3A_793, 16 : i32
      %get3A_795 = arith.constant 0 : i32
      %get3A_796 = arith.index_cast %get3A_795 : i32 to index
      %get3A_797 = arith.index_cast %multiple_of3A_794 : i32 to index
      %get3A_798 = tpu.vector_load %arg13[%get3A_796, %get3A_797] {strides = array<i32>} : memref<2x10240xf32, #tpu.memory_space<vmem>>, vector<16xf32>,
      %get3A_799 = arith.constant 1 : i32
      %get3A_800 = arith.index_cast %get3A_799 : i32 to index
      %get3A_801 = arith.index_cast %multiple_of3A_794 : i32 to index
      %get3A_802 = tpu.vector_load %arg13[%get3A_800, %get3A_801] {strides = array<i32>} : memref<2x10240xf32, #tpu.memory_space<vmem>>, vector<16xf32>,
      %add3A_803 = arith.addf %get3A_798, %get3A_802 : vector<16xf32>
      %swap3A_804 = arith.index_cast %multiple_of3A_794 : i32 to index
      %swap3A_805 = tpu.vector_load %arg14[%swap3A_804] {strides = array<i32>} : memref<10240xf32, #tpu.memory_space<vmem>>, vector<16xf32>,
      tpu.vector_store %arg14[%swap3A_804], %add3A_803 {strides = array<i32>} : memref<10240xf32, #tpu.memory_space<vmem>>, vector<16xf32>,
    }
    %scan3A_6 = arith.constant 640 : i32
    %get3A = arith.constant 0 : index
    %get3A_7 = tpu.vector_load %arg20[%get3A] {strides = array<i32>} : memref<16xf32, #tpu.memory_space<vmem>>, vector<16xf32>,
    %broadcast_in_dim3A = arith.constant 10000 : i32
    %broadcast_in_dim3A_8 = vector.broadcast %broadcast_in_dim3A : i32 to vector<16xi32>
    %broadcast_in_dim3A_9 = arith.constant 40000 : i32
    %broadcast_in_dim3A_10 = vector.broadcast %broadcast_in_dim3A_9 : i32 to vector<16xi32>
    %mul3A_11 = vector.broadcast %arg0 : i32 to vector<16xi32>
    %mul3A_12 = arith.muli %broadcast_in_dim3A_10, %mul3A_11 : vector<16xi32>
    %not3A = arith.constant true
    %not3A_13 = arith.xori %eq3A_1, %not3A : i1
    %convert_element_type3A = arith.extui %not3A_13 : i1 to i32
    %cond3A = arith.constant 0 : i32
    %cond3A_14 = arith.cmpi ne, %convert_element_type3A, %cond3A : i32
    scf.if %cond3A_14 {
      "tpu.region"() ({
        %run_scoped3A = tpu.sem_alloc : memref<!tpu.dma_semaphore, #tpu.memory_space<semaphore_mem>>
        %dma_start3A_791 = arith.constant 0 : i32
        %dma_start3A_792 = tpu.memref_slice %arg21[%multiple_of3A, %dma_start3A_791] : memref<10000x16xf32, #tpu.memory_space<vmem_shared>> -> memref<624x16xf32, #tpu.memory_space<vmem_shared>>
        %dma_start3A_793 = arith.constant 0 : i32
        %dma_start3A_794 = arith.constant 0 : i32
        %dma_start3A_795 = tpu.memref_slice %arg8[%dma_start3A_793, %dma_start3A_794] : memref<640x16xf32, #tpu.memory_space<hbm>> -> memref<624x16xf32, #tpu.memory_space<hbm>>
        tpu.enqueue_dma source(%dma_start3A_795 : memref<624x16xf32, #tpu.memory_space<hbm>>) target(%dma_start3A_792 : memref<624x16xf32, #tpu.memory_space<vmem_shared>>) target_semaphore(%run_scoped3A : memref<!tpu.dma_semaphore, #tpu.memory_space<semaphore_mem>>)
        %dma_wait3A_796 = arith.constant 0 : i32
        %dma_wait3A_797 = tpu.memref_slice %arg21[%multiple_of3A, %dma_wait3A_796] : memref<10000x16xf32, #tpu.memory_space<vmem_shared>> -> memref<624x16xf32, #tpu.memory_space<vmem_shared>>
        %dma_wait3A_798 = arith.constant 0 : i32
        %dma_wait3A_799 = arith.constant 0 : i32
        %dma_wait3A_800 = tpu.memref_slice %arg8[%dma_wait3A_798, %dma_wait3A_799] : memref<640x16xf32, #tpu.memory_space<hbm>> -> memref<624x16xf32, #tpu.memory_space<hbm>>
        tpu.wait_dma2 semaphore(%run_scoped3A : memref<!tpu.dma_semaphore, #tpu.memory_space<semaphore_mem>>) src(%dma_wait3A_800 : memref<624x16xf32, #tpu.memory_space<hbm>>) dst(%dma_wait3A_797 : memref<624x16xf32, #tpu.memory_space<vmem_shared>>)
        tpu.yield
      }) : () -> ()
    } else {
    }
    %convert_element_type3A_15 = arith.extui %eq3A_1 : i1 to i32
    %cond3A_16 = arith.constant 0 : i32
    %cond3A_17 = arith.cmpi ne, %convert_element_type3A_15, %cond3A_16 : i32
    scf.if %cond3A_17 {
      "tpu.region"() ({
        %run_scoped3A = tpu.sem_alloc : memref<!tpu.dma_semaphore, #tpu.memory_space<semaphore_mem>>
        %dma_start3A_791 = arith.constant 9360 : i32
        %dma_start3A_792 = arith.constant 0 : i32
        %dma_start3A_793 = tpu.memref_slice %arg21[%dma_start3A_791, %dma_start3A_792] : memref<10000x16xf32, #tpu.memory_space<vmem_shared>> -> memref<640x16xf32, #tpu.memory_space<vmem_shared>>
        tpu.enqueue_dma source(%arg8 : memref<640x16xf32, #tpu.memory_space<hbm>>) target(%dma_start3A_793 : memref<640x16xf32, #tpu.memory_space<vmem_shared>>) target_semaphore(%run_scoped3A : memref<!tpu.dma_semaphore, #tpu.memory_space<semaphore_mem>>)
        %dma_wait3A_794 = arith.constant 9360 : i32
        %dma_wait3A_795 = arith.constant 0 : i32
        %dma_wait3A_796 = tpu.memref_slice %arg21[%dma_wait3A_794, %dma_wait3A_795] : memref<10000x16xf32, #tpu.memory_space<vmem_shared>> -> memref<640x16xf32, #tpu.memory_space<vmem_shared>>
        tpu.wait_dma2 semaphore(%run_scoped3A : memref<!tpu.dma_semaphore, #tpu.memory_space<semaphore_mem>>) src(%arg8 : memref<640x16xf32, #tpu.memory_space<hbm>>) dst(%dma_wait3A_796 : memref<640x16xf32, #tpu.memory_space<vmem_shared>>)
        tpu.yield
      }) : () -> ()
    } else {
    }
    %barrier3A = arith.constant 0 : index
    tpu.barrier barrier_id(%barrier3A)
    %get3A_18 = arith.constant 0 : i32
    %get3A_19 = arith.index_cast %get3A_18 : i32 to index
    %get3A_20 = arith.constant 0 : index
    %get3A_21 = tpu.vector_load %arg15[%get3A_19, %get3A_20] {strides = array<i32>} : memref<125x160xi32, #tpu.memory_space<vmem>>, vector<16xi32>,
    %get3A_22 = arith.constant 0 : i32
    %get3A_23 = arith.index_cast %get3A_22 : i32 to index
    %get3A_24 = arith.constant 0 : index
    %get3A_25 = tpu.vector_load %arg16[%get3A_23, %get3A_24] {strides = array<i32>} : memref<125x160xi32, #tpu.memory_space<vmem>>, vector<16xi32>,
    %gather3A = tpu.vector_load_idx %arg11[%get3A_21] : memref<10000xf32, #tpu.memory_space<vmem>>[vector<16xi32>], vector<16xf32>,
    %gather3A_26 = tpu.vector_load_idx %arg12[%get3A_25] : memref<10000xf32, #tpu.memory_space<vmem>>[vector<16xi32>], vector<16xf32>,
    %add3A = arith.addf %gather3A, %gather3A_26 : vector<16xf32>
    %gt3A = arith.constant 0.000000e+00 : f32
    %gt3A_27 = vector.broadcast %gt3A : f32 to vector<16xf32>
    %gt3A_28 = arith.cmpf ogt, %add3A, %gt3A_27 : vector<16xf32>
    %mul3A_29 = arith.constant 2.000000e-01 : f32
    %mul3A_30 = vector.broadcast %mul3A_29 : f32 to vector<16xf32>
    %mul3A_31 = arith.mulf %mul3A_30, %add3A : vector<16xf32>
    %select_n3A = arith.select %gt3A_28, %add3A, %mul3A_31 : vector<16xi1>, vector<16xf32>
    %sub3A = arith.subf %select_n3A, %get3A_7 : vector<16xf32>
    %exp3A = math.exp %sub3A : vector<16xf32>
    %gather3A_32 = tpu.vector_load_idx %arg14[%get3A_25] : memref<10240xf32, #tpu.memory_space<vmem>>[vector<16xi32>], vector<16xf32>,
    %div3A = arith.divf %exp3A, %gather3A_32 : vector<16xf32>
    %multiple_of3A_33 = arith.constant 0 : i32
    %multiple_of3A_34 = tpu.assume_multiple %multiple_of3A_33, 16 : i32
    %add3A_35 = arith.constant 0 : i32
    %add3A_36 = arith.addi %multiple_of3A_34, %add3A_35 : i32
    %swap3A = arith.index_cast %add3A_36 : i32 to index
    %swap3A_37 = tpu.vector_load %arg17[%swap3A] {strides = array<i32>} : memref<20000xf32, #tpu.memory_space<vmem>>, vector<16xf32>,
    tpu.vector_store %arg17[%swap3A], %div3A {strides = array<i32>} : memref<20000xf32, #tpu.memory_space<vmem>>, vector<16xf32>,
    %add3A_38 = arith.addi %get3A_21, %mul3A_12 : vector<16xi32>
    %swap3A_39 = arith.constant 0 : i32
    %swap3A_40 = arith.index_cast %swap3A_39 : i32 to index
    %swap3A_41 = arith.constant 0 : index
    %swap3A_42 = tpu.vector_load %arg15[%swap3A_40, %swap3A_41] {strides = array<i32>} : memref<125x160xi32, #tpu.memory_space<vmem>>, vector<16xi32>,
    tpu.vector_store %arg15[%swap3A_40, %swap3A_41], %add3A_38 {strides = array<i32>} : memref<125x160xi32, #tpu.memory_space<vmem>>, vector<16xi32>,
    %get3A_43 = arith.constant 0 : i32
    %get3A_44 = arith.index_cast %get3A_43 : i32 to index
    %get3A_45 = arith.constant 16 : index
    %get3A_46 = tpu.vector_load %arg15[%get3A_44, %get3A_45] {strides = array<i32>} : memref<125x160xi32, #tpu.memory_space<vmem>>, vector<16xi32>,
    %get3A_47 = arith.constant 0 : i32
    %get3A_48 = arith.index_cast %get3A_47 : i32 to index
    %get3A_49 = arith.constant 16 : index
    %get3A_50 = tpu.vector_load %arg16[%get3A_48, %get3A_49] {strides = array<i32>} : memref<125x160xi32, #tpu.memory_space<vmem>>, vector<16xi32>,
    %gather3A_51 = tpu.vector_load_idx %arg11[%get3A_46] : memref<10000xf32, #tpu.memory_space<vmem>>[vector<16xi32>], vector<16xf32>,
    %gather3A_52 = tpu.vector_load_idx %arg12[%get3A_50] : memref<10000xf32, #tpu.memory_space<vmem>>[vector<16xi32>], vector<16xf32>,
    %add3A_53 = arith.addf %gather3A_51, %gather3A_52 : vector<16xf32>
    %gt3A_54 = arith.constant 0.000000e+00 : f32
    %gt3A_55 = vector.broadcast %gt3A_54 : f32 to vector<16xf32>
    %gt3A_56 = arith.cmpf ogt, %add3A_53, %gt3A_55 : vector<16xf32>
    %mul3A_57 = arith.constant 2.000000e-01 : f32
    %mul3A_58 = vector.broadcast %mul3A_57 : f32 to vector<16xf32>
    %mul3A_59 = arith.mulf %mul3A_58, %add3A_53 : vector<16xf32>
    %select_n3A_60 = arith.select %gt3A_56, %add3A_53, %mul3A_59 : vector<16xi1>, vector<16xf32>
    %sub3A_61 = arith.subf %select_n3A_60, %get3A_7 : vector<16xf32>
    %exp3A_62 = math.exp %sub3A_61 : vector<16xf32>
    %gather3A_63 = tpu.vector_load_idx %arg14[%get3A_50] : memref<10240xf32, #tpu.memory_space<vmem>>[vector<16xi32>], vector<16xf32>,
    %div3A_64 = arith.divf %exp3A_62, %gather3A_63 : vector<16xf32>
    %multiple_of3A_65 = arith.constant 0 : i32
    %multiple_of3A_66 = tpu.assume_multiple %multiple_of3A_65, 16 : i32
    %add3A_67 = arith.constant 16 : i32
    %add3A_68 = arith.addi %multiple_of3A_66, %add3A_67 : i32
    %swap3A_69 = arith.index_cast %add3A_68 : i32 to index
    %swap3A_70 = tpu.vector_load %arg17[%swap3A_69] {strides = array<i32>} : memref<20000xf32, #tpu.memory_space<vmem>>, vector<16xf32>,
    tpu.vector_store %arg17[%swap3A_69], %div3A_64 {strides = array<i32>} : memref<20000xf32, #tpu.memory_space<vmem>>, vector<16xf32>,
    %add3A_71 = arith.addi %get3A_46, %mul3A_12 : vector<16xi32>
    %swap3A_72 = arith.constant 0 : i32
    %swap3A_73 = arith.index_cast %swap3A_72 : i32 to index
    %swap3A_74 = arith.constant 16 : index
    %swap3A_75 = tpu.vector_load %arg15[%swap3A_73, %swap3A_74] {strides = array<i32>} : memref<125x160xi32, #tpu.memory_space<vmem>>, vector<16xi32>,
    tpu.vector_store %arg15[%swap3A_73, %swap3A_74], %add3A_71 {strides = array<i32>} : memref<125x160xi32, #tpu.memory_space<vmem>>, vector<16xi32>,
    %get3A_76 = arith.constant 0 : i32
    %get3A_77 = arith.index_cast %get3A_76 : i32 to index
    %get3A_78 = arith.constant 32 : index
    %get3A_79 = tpu.vector_load %arg15[%get3A_77, %get3A_78] {strides = array<i32>} : memref<125x160xi32, #tpu.memory_space<vmem>>, vector<16xi32>,
    %get3A_80 = arith.constant 0 : i32
    %get3A_81 = arith.index_cast %get3A_80 : i32 to index
    %get3A_82 = arith.constant 32 : index
    %get3A_83 = tpu.vector_load %arg16[%get3A_81, %get3A_82] {strides = array<i32>} : memref<125x160xi32, #tpu.memory_space<vmem>>, vector<16xi32>,
    %gather3A_84 = tpu.vector_load_idx %arg11[%get3A_79] : memref<10000xf32, #tpu.memory_space<vmem>>[vector<16xi32>], vector<16xf32>,
    %gather3A_85 = tpu.vector_load_idx %arg12[%get3A_83] : memref<10000xf32, #tpu.memory_space<vmem>>[vector<16xi32>], vector<16xf32>,
    %add3A_86 = arith.addf %gather3A_84, %gather3A_85 : vector<16xf32>
    %gt3A_87 = arith.constant 0.000000e+00 : f32
    %gt3A_88 = vector.broadcast %gt3A_87 : f32 to vector<16xf32>
    %gt3A_89 = arith.cmpf ogt, %add3A_86, %gt3A_88 : vector<16xf32>
    %mul3A_90 = arith.constant 2.000000e-01 : f32
    %mul3A_91 = vector.broadcast %mul3A_90 : f32 to vector<16xf32>
    %mul3A_92 = arith.mulf %mul3A_91, %add3A_86 : vector<16xf32>
    %select_n3A_93 = arith.select %gt3A_89, %add3A_86, %mul3A_92 : vector<16xi1>, vector<16xf32>
    %sub3A_94 = arith.subf %select_n3A_93, %get3A_7 : vector<16xf32>
    %exp3A_95 = math.exp %sub3A_94 : vector<16xf32>
    %gather3A_96 = tpu.vector_load_idx %arg14[%get3A_83] : memref<10240xf32, #tpu.memory_space<vmem>>[vector<16xi32>], vector<16xf32>,
    %div3A_97 = arith.divf %exp3A_95, %gather3A_96 : vector<16xf32>
    %multiple_of3A_98 = arith.constant 0 : i32
    %multiple_of3A_99 = tpu.assume_multiple %multiple_of3A_98, 16 : i32
    %add3A_100 = arith.constant 32 : i32
    %add3A_101 = arith.addi %multiple_of3A_99, %add3A_100 : i32
    %swap3A_102 = arith.index_cast %add3A_101 : i32 to index
    %swap3A_103 = tpu.vector_load %arg17[%swap3A_102] {strides = array<i32>} : memref<20000xf32, #tpu.memory_space<vmem>>, vector<16xf32>,
    tpu.vector_store %arg17[%swap3A_102], %div3A_97 {strides = array<i32>} : memref<20000xf32, #tpu.memory_space<vmem>>, vector<16xf32>,
    %add3A_104 = arith.addi %get3A_79, %mul3A_12 : vector<16xi32>
    %swap3A_105 = arith.constant 0 : i32
    %swap3A_106 = arith.index_cast %swap3A_105 : i32 to index
    %swap3A_107 = arith.constant 32 : index
    %swap3A_108 = tpu.vector_load %arg15[%swap3A_106, %swap3A_107] {strides = array<i32>} : memref<125x160xi32, #tpu.memory_space<vmem>>, vector<16xi32>,
    tpu.vector_store %arg15[%swap3A_106, %swap3A_107], %add3A_104 {strides = array<i32>} : memref<125x160xi32, #tpu.memory_space<vmem>>, vector<16xi32>,
    %get3A_109 = arith.constant 0 : i32
    %get3A_110 = arith.index_cast %get3A_109 : i32 to index
    %get3A_111 = arith.constant 48 : index
    %get3A_112 = tpu.vector_load %arg15[%get3A_110, %get3A_111] {strides = array<i32>} : memref<125x160xi32, #tpu.memory_space<vmem>>, vector<16xi32>,
    %get3A_113 = arith.constant 0 : i32
    %get3A_114 = arith.index_cast %get3A_113 : i32 to index
    %get3A_115 = arith.constant 48 : index
    %get3A_116 = tpu.vector_load %arg16[%get3A_114, %get3A_115] {strides = array<i32>} : memref<125x160xi32, #tpu.memory_space<vmem>>, vector<16xi32>,
    %gather3A_117 = tpu.vector_load_idx %arg11[%get3A_112] : memref<10000xf32, #tpu.memory_space<vmem>>[vector<16xi32>], vector<16xf32>,
    %gather3A_118 = tpu.vector_load_idx %arg12[%get3A_116] : memref<10000xf32, #tpu.memory_space<vmem>>[vector<16xi32>], vector<16xf32>,
    %add3A_119 = arith.addf %gather3A_117, %gather3A_118 : vector<16xf32>
    %gt3A_120 = arith.constant 0.000000e+00 : f32
    %gt3A_121 = vector.broadcast %gt3A_120 : f32 to vector<16xf32>
    %gt3A_122 = arith.cmpf ogt, %add3A_119, %gt3A_121 : vector<16xf32>
    %mul3A_123 = arith.constant 2.000000e-01 : f32
    %mul3A_124 = vector.broadcast %mul3A_123 : f32 to vector<16xf32>
    %mul3A_125 = arith.mulf %mul3A_124, %add3A_119 : vector<16xf32>
    %select_n3A_126 = arith.select %gt3A_122, %add3A_119, %mul3A_125 : vector<16xi1>, vector<16xf32>
    %sub3A_127 = arith.subf %select_n3A_126, %get3A_7 : vector<16xf32>
    %exp3A_128 = math.exp %sub3A_127 : vector<16xf32>
    %gather3A_129 = tpu.vector_load_idx %arg14[%get3A_116] : memref<10240xf32, #tpu.memory_space<vmem>>[vector<16xi32>], vector<16xf32>,
    %div3A_130 = arith.divf %exp3A_128, %gather3A_129 : vector<16xf32>
    %multiple_of3A_131 = arith.constant 0 : i32
    %multiple_of3A_132 = tpu.assume_multiple %multiple_of3A_131, 16 : i32
    %add3A_133 = arith.constant 48 : i32
    %add3A_134 = arith.addi %multiple_of3A_132, %add3A_133 : i32
    %swap3A_135 = arith.index_cast %add3A_134 : i32 to index
    %swap3A_136 = tpu.vector_load %arg17[%swap3A_135] {strides = array<i32>} : memref<20000xf32, #tpu.memory_space<vmem>>, vector<16xf32>,
    tpu.vector_store %arg17[%swap3A_135], %div3A_130 {strides = array<i32>} : memref<20000xf32, #tpu.memory_space<vmem>>, vector<16xf32>,
    %add3A_137 = arith.addi %get3A_112, %mul3A_12 : vector<16xi32>
    %swap3A_138 = arith.constant 0 : i32
    %swap3A_139 = arith.index_cast %swap3A_138 : i32 to index
    %swap3A_140 = arith.constant 48 : index
    %swap3A_141 = tpu.vector_load %arg15[%swap3A_139, %swap3A_140] {strides = array<i32>} : memref<125x160xi32, #tpu.memory_space<vmem>>, vector<16xi32>,
    tpu.vector_store %arg15[%swap3A_139, %swap3A_140], %add3A_137 {strides = array<i32>} : memref<125x160xi32, #tpu.memory_space<vmem>>, vector<16xi32>,
    %get3A_142 = arith.constant 0 : i32
    %get3A_143 = arith.index_cast %get3A_142 : i32 to index
    %get3A_144 = arith.constant 64 : index
    %get3A_145 = tpu.vector_load %arg15[%get3A_143, %get3A_144] {strides = array<i32>} : memref<125x160xi32, #tpu.memory_space<vmem>>, vector<16xi32>,
    %get3A_146 = arith.constant 0 : i32
    %get3A_147 = arith.index_cast %get3A_146 : i32 to index
    %get3A_148 = arith.constant 64 : index
    %get3A_149 = tpu.vector_load %arg16[%get3A_147, %get3A_148] {strides = array<i32>} : memref<125x160xi32, #tpu.memory_space<vmem>>, vector<16xi32>,
    %gather3A_150 = tpu.vector_load_idx %arg11[%get3A_145] : memref<10000xf32, #tpu.memory_space<vmem>>[vector<16xi32>], vector<16xf32>,
    %gather3A_151 = tpu.vector_load_idx %arg12[%get3A_149] : memref<10000xf32, #tpu.memory_space<vmem>>[vector<16xi32>], vector<16xf32>,
    %add3A_152 = arith.addf %gather3A_150, %gather3A_151 : vector<16xf32>
    %gt3A_153 = arith.constant 0.000000e+00 : f32
    %gt3A_154 = vector.broadcast %gt3A_153 : f32 to vector<16xf32>
    %gt3A_155 = arith.cmpf ogt, %add3A_152, %gt3A_154 : vector<16xf32>
    %mul3A_156 = arith.constant 2.000000e-01 : f32
    %mul3A_157 = vector.broadcast %mul3A_156 : f32 to vector<16xf32>
    %mul3A_158 = arith.mulf %mul3A_157, %add3A_152 : vector<16xf32>
    %select_n3A_159 = arith.select %gt3A_155, %add3A_152, %mul3A_158 : vector<16xi1>, vector<16xf32>
    %sub3A_160 = arith.subf %select_n3A_159, %get3A_7 : vector<16xf32>
    %exp3A_161 = math.exp %sub3A_160 : vector<16xf32>
    %gather3A_162 = tpu.vector_load_idx %arg14[%get3A_149] : memref<10240xf32, #tpu.memory_space<vmem>>[vector<16xi32>], vector<16xf32>,
    %div3A_163 = arith.divf %exp3A_161, %gather3A_162 : vector<16xf32>
    %multiple_of3A_164 = arith.constant 0 : i32
    %multiple_of3A_165 = tpu.assume_multiple %multiple_of3A_164, 16 : i32
    %add3A_166 = arith.constant 64 : i32
    %add3A_167 = arith.addi %multiple_of3A_165, %add3A_166 : i32
    %swap3A_168 = arith.index_cast %add3A_167 : i32 to index
    %swap3A_169 = tpu.vector_load %arg17[%swap3A_168] {strides = array<i32>} : memref<20000xf32, #tpu.memory_space<vmem>>, vector<16xf32>,
    tpu.vector_store %arg17[%swap3A_168], %div3A_163 {strides = array<i32>} : memref<20000xf32, #tpu.memory_space<vmem>>, vector<16xf32>,
    %add3A_170 = arith.addi %get3A_145, %mul3A_12 : vector<16xi32>
    %swap3A_171 = arith.constant 0 : i32
    %swap3A_172 = arith.index_cast %swap3A_171 : i32 to index
    %swap3A_173 = arith.constant 64 : index
    %swap3A_174 = tpu.vector_load %arg15[%swap3A_172, %swap3A_173] {strides = array<i32>} : memref<125x160xi32, #tpu.memory_space<vmem>>, vector<16xi32>,
    tpu.vector_store %arg15[%swap3A_172, %swap3A_173], %add3A_170 {strides = array<i32>} : memref<125x160xi32, #tpu.memory_space<vmem>>, vector<16xi32>,
    %get3A_175 = arith.constant 0 : i32
    %get3A_176 = arith.index_cast %get3A_175 : i32 to index
    %get3A_177 = arith.constant 80 : index
    %get3A_178 = tpu.vector_load %arg15[%get3A_176, %get3A_177] {strides = array<i32>} : memref<125x160xi32, #tpu.memory_space<vmem>>, vector<16xi32>,
    %get3A_179 = arith.constant 0 : i32
    %get3A_180 = arith.index_cast %get3A_179 : i32 to index
    %get3A_181 = arith.constant 80 : index
    %get3A_182 = tpu.vector_load %arg16[%get3A_180, %get3A_181] {strides = array<i32>} : memref<125x160xi32, #tpu.memory_space<vmem>>, vector<16xi32>,
    %gather3A_183 = tpu.vector_load_idx %arg11[%get3A_178] : memref<10000xf32, #tpu.memory_space<vmem>>[vector<16xi32>], vector<16xf32>,
    %gather3A_184 = tpu.vector_load_idx %arg12[%get3A_182] : memref<10000xf32, #tpu.memory_space<vmem>>[vector<16xi32>], vector<16xf32>,
    %add3A_185 = arith.addf %gather3A_183, %gather3A_184 : vector<16xf32>
    %gt3A_186 = arith.constant 0.000000e+00 : f32
    %gt3A_187 = vector.broadcast %gt3A_186 : f32 to vector<16xf32>
    %gt3A_188 = arith.cmpf ogt, %add3A_185, %gt3A_187 : vector<16xf32>
    %mul3A_189 = arith.constant 2.000000e-01 : f32
    %mul3A_190 = vector.broadcast %mul3A_189 : f32 to vector<16xf32>
    %mul3A_191 = arith.mulf %mul3A_190, %add3A_185 : vector<16xf32>
    %select_n3A_192 = arith.select %gt3A_188, %add3A_185, %mul3A_191 : vector<16xi1>, vector<16xf32>
    %sub3A_193 = arith.subf %select_n3A_192, %get3A_7 : vector<16xf32>
    %exp3A_194 = math.exp %sub3A_193 : vector<16xf32>
    %gather3A_195 = tpu.vector_load_idx %arg14[%get3A_182] : memref<10240xf32, #tpu.memory_space<vmem>>[vector<16xi32>], vector<16xf32>,
    %div3A_196 = arith.divf %exp3A_194, %gather3A_195 : vector<16xf32>
    %multiple_of3A_197 = arith.constant 0 : i32
    %multiple_of3A_198 = tpu.assume_multiple %multiple_of3A_197, 16 : i32
    %add3A_199 = arith.constant 80 : i32
    %add3A_200 = arith.addi %multiple_of3A_198, %add3A_199 : i32
    %swap3A_201 = arith.index_cast %add3A_200 : i32 to index
    %swap3A_202 = tpu.vector_load %arg17[%swap3A_201] {strides = array<i32>} : memref<20000xf32, #tpu.memory_space<vmem>>, vector<16xf32>,
    tpu.vector_store %arg17[%swap3A_201], %div3A_196 {strides = array<i32>} : memref<20000xf32, #tpu.memory_space<vmem>>, vector<16xf32>,
    %add3A_203 = arith.addi %get3A_178, %mul3A_12 : vector<16xi32>
    %swap3A_204 = arith.constant 0 : i32
    %swap3A_205 = arith.index_cast %swap3A_204 : i32 to index
    %swap3A_206 = arith.constant 80 : index
    %swap3A_207 = tpu.vector_load %arg15[%swap3A_205, %swap3A_206] {strides = array<i32>} : memref<125x160xi32, #tpu.memory_space<vmem>>, vector<16xi32>,
    tpu.vector_store %arg15[%swap3A_205, %swap3A_206], %add3A_203 {strides = array<i32>} : memref<125x160xi32, #tpu.memory_space<vmem>>, vector<16xi32>,
    %get3A_208 = arith.constant 0 : i32
    %get3A_209 = arith.index_cast %get3A_208 : i32 to index
    %get3A_210 = arith.constant 96 : index
    %get3A_211 = tpu.vector_load %arg15[%get3A_209, %get3A_210] {strides = array<i32>} : memref<125x160xi32, #tpu.memory_space<vmem>>, vector<16xi32>,
    %get3A_212 = arith.constant 0 : i32
    %get3A_213 = arith.index_cast %get3A_212 : i32 to index
    %get3A_214 = arith.constant 96 : index
    %get3A_215 = tpu.vector_load %arg16[%get3A_213, %get3A_214] {strides = array<i32>} : memref<125x160xi32, #tpu.memory_space<vmem>>, vector<16xi32>,
    %gather3A_216 = tpu.vector_load_idx %arg11[%get3A_211] : memref<10000xf32, #tpu.memory_space<vmem>>[vector<16xi32>], vector<16xf32>,
    %gather3A_217 = tpu.vector_load_idx %arg12[%get3A_215] : memref<10000xf32, #tpu.memory_space<vmem>>[vector<16xi32>], vector<16xf32>,
    %add3A_218 = arith.addf %gather3A_216, %gather3A_217 : vector<16xf32>
    %gt3A_219 = arith.constant 0.000000e+00 : f32
    %gt3A_220 = vector.broadcast %gt3A_219 : f32 to vector<16xf32>
    %gt3A_221 = arith.cmpf ogt, %add3A_218, %gt3A_220 : vector<16xf32>
    %mul3A_222 = arith.constant 2.000000e-01 : f32
    %mul3A_223 = vector.broadcast %mul3A_222 : f32 to vector<16xf32>
    %mul3A_224 = arith.mulf %mul3A_223, %add3A_218 : vector<16xf32>
    %select_n3A_225 = arith.select %gt3A_221, %add3A_218, %mul3A_224 : vector<16xi1>, vector<16xf32>
    %sub3A_226 = arith.subf %select_n3A_225, %get3A_7 : vector<16xf32>
    %exp3A_227 = math.exp %sub3A_226 : vector<16xf32>
    %gather3A_228 = tpu.vector_load_idx %arg14[%get3A_215] : memref<10240xf32, #tpu.memory_space<vmem>>[vector<16xi32>], vector<16xf32>,
    %div3A_229 = arith.divf %exp3A_227, %gather3A_228 : vector<16xf32>
    %multiple_of3A_230 = arith.constant 0 : i32
    %multiple_of3A_231 = tpu.assume_multiple %multiple_of3A_230, 16 : i32
    %add3A_232 = arith.constant 96 : i32
    %add3A_233 = arith.addi %multiple_of3A_231, %add3A_232 : i32
    %swap3A_234 = arith.index_cast %add3A_233 : i32 to index
    %swap3A_235 = tpu.vector_load %arg17[%swap3A_234] {strides = array<i32>} : memref<20000xf32, #tpu.memory_space<vmem>>, vector<16xf32>,
    tpu.vector_store %arg17[%swap3A_234], %div3A_229 {strides = array<i32>} : memref<20000xf32, #tpu.memory_space<vmem>>, vector<16xf32>,
    %add3A_236 = arith.addi %get3A_211, %mul3A_12 : vector<16xi32>
    %swap3A_237 = arith.constant 0 : i32
    %swap3A_238 = arith.index_cast %swap3A_237 : i32 to index
    %swap3A_239 = arith.constant 96 : index
    %swap3A_240 = tpu.vector_load %arg15[%swap3A_238, %swap3A_239] {strides = array<i32>} : memref<125x160xi32, #tpu.memory_space<vmem>>, vector<16xi32>,
    tpu.vector_store %arg15[%swap3A_238, %swap3A_239], %add3A_236 {strides = array<i32>} : memref<125x160xi32, #tpu.memory_space<vmem>>, vector<16xi32>,
    %get3A_241 = arith.constant 0 : i32
    %get3A_242 = arith.index_cast %get3A_241 : i32 to index
    %get3A_243 = arith.constant 112 : index
    %get3A_244 = tpu.vector_load %arg15[%get3A_242, %get3A_243] {strides = array<i32>} : memref<125x160xi32, #tpu.memory_space<vmem>>, vector<16xi32>,
    %get3A_245 = arith.constant 0 : i32
    %get3A_246 = arith.index_cast %get3A_245 : i32 to index
    %get3A_247 = arith.constant 112 : index
    %get3A_248 = tpu.vector_load %arg16[%get3A_246, %get3A_247] {strides = array<i32>} : memref<125x160xi32, #tpu.memory_space<vmem>>, vector<16xi32>,
    %gather3A_249 = tpu.vector_load_idx %arg11[%get3A_244] : memref<10000xf32, #tpu.memory_space<vmem>>[vector<16xi32>], vector<16xf32>,
    %gather3A_250 = tpu.vector_load_idx %arg12[%get3A_248] : memref<10000xf32, #tpu.memory_space<vmem>>[vector<16xi32>], vector<16xf32>,
    %add3A_251 = arith.addf %gather3A_249, %gather3A_250 : vector<16xf32>
    %gt3A_252 = arith.constant 0.000000e+00 : f32
    %gt3A_253 = vector.broadcast %gt3A_252 : f32 to vector<16xf32>
    %gt3A_254 = arith.cmpf ogt, %add3A_251, %gt3A_253 : vector<16xf32>
    %mul3A_255 = arith.constant 2.000000e-01 : f32
    %mul3A_256 = vector.broadcast %mul3A_255 : f32 to vector<16xf32>
    %mul3A_257 = arith.mulf %mul3A_256, %add3A_251 : vector<16xf32>
    %select_n3A_258 = arith.select %gt3A_254, %add3A_251, %mul3A_257 : vector<16xi1>, vector<16xf32>
    %sub3A_259 = arith.subf %select_n3A_258, %get3A_7 : vector<16xf32>
    %exp3A_260 = math.exp %sub3A_259 : vector<16xf32>
    %gather3A_261 = tpu.vector_load_idx %arg14[%get3A_248] : memref<10240xf32, #tpu.memory_space<vmem>>[vector<16xi32>], vector<16xf32>,
    %div3A_262 = arith.divf %exp3A_260, %gather3A_261 : vector<16xf32>
    %multiple_of3A_263 = arith.constant 0 : i32
    %multiple_of3A_264 = tpu.assume_multiple %multiple_of3A_263, 16 : i32
    %add3A_265 = arith.constant 112 : i32
    %add3A_266 = arith.addi %multiple_of3A_264, %add3A_265 : i32
    %swap3A_267 = arith.index_cast %add3A_266 : i32 to index
    %swap3A_268 = tpu.vector_load %arg17[%swap3A_267] {strides = array<i32>} : memref<20000xf32, #tpu.memory_space<vmem>>, vector<16xf32>,
    tpu.vector_store %arg17[%swap3A_267], %div3A_262 {strides = array<i32>} : memref<20000xf32, #tpu.memory_space<vmem>>, vector<16xf32>,
    %add3A_269 = arith.addi %get3A_244, %mul3A_12 : vector<16xi32>
    %swap3A_270 = arith.constant 0 : i32
    %swap3A_271 = arith.index_cast %swap3A_270 : i32 to index
    %swap3A_272 = arith.constant 112 : index
    %swap3A_273 = tpu.vector_load %arg15[%swap3A_271, %swap3A_272] {strides = array<i32>} : memref<125x160xi32, #tpu.memory_space<vmem>>, vector<16xi32>,
    tpu.vector_store %arg15[%swap3A_271, %swap3A_272], %add3A_269 {strides = array<i32>} : memref<125x160xi32, #tpu.memory_space<vmem>>, vector<16xi32>,
    %get3A_274 = arith.constant 0 : i32
    %get3A_275 = arith.index_cast %get3A_274 : i32 to index
    %get3A_276 = arith.constant 128 : index
    %get3A_277 = tpu.vector_load %arg15[%get3A_275, %get3A_276] {strides = array<i32>} : memref<125x160xi32, #tpu.memory_space<vmem>>, vector<16xi32>,
    %get3A_278 = arith.constant 0 : i32
    %get3A_279 = arith.index_cast %get3A_278 : i32 to index
    %get3A_280 = arith.constant 128 : index
    %get3A_281 = tpu.vector_load %arg16[%get3A_279, %get3A_280] {strides = array<i32>} : memref<125x160xi32, #tpu.memory_space<vmem>>, vector<16xi32>,
    %gather3A_282 = tpu.vector_load_idx %arg11[%get3A_277] : memref<10000xf32, #tpu.memory_space<vmem>>[vector<16xi32>], vector<16xf32>,
    %gather3A_283 = tpu.vector_load_idx %arg12[%get3A_281] : memref<10000xf32, #tpu.memory_space<vmem>>[vector<16xi32>], vector<16xf32>,
    %add3A_284 = arith.addf %gather3A_282, %gather3A_283 : vector<16xf32>
    %gt3A_285 = arith.constant 0.000000e+00 : f32
    %gt3A_286 = vector.broadcast %gt3A_285 : f32 to vector<16xf32>
    %gt3A_287 = arith.cmpf ogt, %add3A_284, %gt3A_286 : vector<16xf32>
    %mul3A_288 = arith.constant 2.000000e-01 : f32
    %mul3A_289 = vector.broadcast %mul3A_288 : f32 to vector<16xf32>
    %mul3A_290 = arith.mulf %mul3A_289, %add3A_284 : vector<16xf32>
    %select_n3A_291 = arith.select %gt3A_287, %add3A_284, %mul3A_290 : vector<16xi1>, vector<16xf32>
    %sub3A_292 = arith.subf %select_n3A_291, %get3A_7 : vector<16xf32>
    %exp3A_293 = math.exp %sub3A_292 : vector<16xf32>
    %gather3A_294 = tpu.vector_load_idx %arg14[%get3A_281] : memref<10240xf32, #tpu.memory_space<vmem>>[vector<16xi32>], vector<16xf32>,
    %div3A_295 = arith.divf %exp3A_293, %gather3A_294 : vector<16xf32>
    %multiple_of3A_296 = arith.constant 0 : i32
    %multiple_of3A_297 = tpu.assume_multiple %multiple_of3A_296, 16 : i32
    %add3A_298 = arith.constant 128 : i32
    %add3A_299 = arith.addi %multiple_of3A_297, %add3A_298 : i32
    %swap3A_300 = arith.index_cast %add3A_299 : i32 to index
    %swap3A_301 = tpu.vector_load %arg17[%swap3A_300] {strides = array<i32>} : memref<20000xf32, #tpu.memory_space<vmem>>, vector<16xf32>,
    tpu.vector_store %arg17[%swap3A_300], %div3A_295 {strides = array<i32>} : memref<20000xf32, #tpu.memory_space<vmem>>, vector<16xf32>,
    %add3A_302 = arith.addi %get3A_277, %mul3A_12 : vector<16xi32>
    %swap3A_303 = arith.constant 0 : i32
    %swap3A_304 = arith.index_cast %swap3A_303 : i32 to index
    %swap3A_305 = arith.constant 128 : index
    %swap3A_306 = tpu.vector_load %arg15[%swap3A_304, %swap3A_305] {strides = array<i32>} : memref<125x160xi32, #tpu.memory_space<vmem>>, vector<16xi32>,
    tpu.vector_store %arg15[%swap3A_304, %swap3A_305], %add3A_302 {strides = array<i32>} : memref<125x160xi32, #tpu.memory_space<vmem>>, vector<16xi32>,
    %get3A_307 = arith.constant 0 : i32
    %get3A_308 = arith.index_cast %get3A_307 : i32 to index
    %get3A_309 = arith.constant 144 : index
    %get3A_310 = tpu.vector_load %arg15[%get3A_308, %get3A_309] {strides = array<i32>} : memref<125x160xi32, #tpu.memory_space<vmem>>, vector<16xi32>,
    %get3A_311 = arith.constant 0 : i32
    %get3A_312 = arith.index_cast %get3A_311 : i32 to index
    %get3A_313 = arith.constant 144 : index
    %get3A_314 = tpu.vector_load %arg16[%get3A_312, %get3A_313] {strides = array<i32>} : memref<125x160xi32, #tpu.memory_space<vmem>>, vector<16xi32>,
    %gather3A_315 = tpu.vector_load_idx %arg11[%get3A_310] : memref<10000xf32, #tpu.memory_space<vmem>>[vector<16xi32>], vector<16xf32>,
    %gather3A_316 = tpu.vector_load_idx %arg12[%get3A_314] : memref<10000xf32, #tpu.memory_space<vmem>>[vector<16xi32>], vector<16xf32>,
    %add3A_317 = arith.addf %gather3A_315, %gather3A_316 : vector<16xf32>
    %gt3A_318 = arith.constant 0.000000e+00 : f32
    %gt3A_319 = vector.broadcast %gt3A_318 : f32 to vector<16xf32>
    %gt3A_320 = arith.cmpf ogt, %add3A_317, %gt3A_319 : vector<16xf32>
    %mul3A_321 = arith.constant 2.000000e-01 : f32
    %mul3A_322 = vector.broadcast %mul3A_321 : f32 to vector<16xf32>
    %mul3A_323 = arith.mulf %mul3A_322, %add3A_317 : vector<16xf32>
    %select_n3A_324 = arith.select %gt3A_320, %add3A_317, %mul3A_323 : vector<16xi1>, vector<16xf32>
    %sub3A_325 = arith.subf %select_n3A_324, %get3A_7 : vector<16xf32>
    %exp3A_326 = math.exp %sub3A_325 : vector<16xf32>
    %gather3A_327 = tpu.vector_load_idx %arg14[%get3A_314] : memref<10240xf32, #tpu.memory_space<vmem>>[vector<16xi32>], vector<16xf32>,
    %div3A_328 = arith.divf %exp3A_326, %gather3A_327 : vector<16xf32>
    %multiple_of3A_329 = arith.constant 0 : i32
    %multiple_of3A_330 = tpu.assume_multiple %multiple_of3A_329, 16 : i32
    %add3A_331 = arith.constant 144 : i32
    %add3A_332 = arith.addi %multiple_of3A_330, %add3A_331 : i32
    %swap3A_333 = arith.index_cast %add3A_332 : i32 to index
    %swap3A_334 = tpu.vector_load %arg17[%swap3A_333] {strides = array<i32>} : memref<20000xf32, #tpu.memory_space<vmem>>, vector<16xf32>,
    tpu.vector_store %arg17[%swap3A_333], %div3A_328 {strides = array<i32>} : memref<20000xf32, #tpu.memory_space<vmem>>, vector<16xf32>,
    %add3A_335 = arith.addi %get3A_310, %mul3A_12 : vector<16xi32>
    %swap3A_336 = arith.constant 0 : i32
    %swap3A_337 = arith.index_cast %swap3A_336 : i32 to index
    %swap3A_338 = arith.constant 144 : index
    %swap3A_339 = tpu.vector_load %arg15[%swap3A_337, %swap3A_338] {strides = array<i32>} : memref<125x160xi32, #tpu.memory_space<vmem>>, vector<16xi32>,
    tpu.vector_store %arg15[%swap3A_337, %swap3A_338], %add3A_335 {strides = array<i32>} : memref<125x160xi32, #tpu.memory_space<vmem>>, vector<16xi32>,
    %dma_start3A = arith.constant 0 : i32
    %dma_start3A_340 = arith.constant 0 : i32
    %dma_start3A_341 = arith.constant 0 : i32
    %dma_start3A_342 = arith.constant 0 : i32
    %dma_start3A_343 = tpu.memref_slice %arg18[%dma_start3A_340, %dma_start3A_341, %dma_start3A_342] : memref<2x160x16xf32, #tpu.memory_space<vmem>> -> memref<1x160x16xf32, #tpu.memory_space<vmem>>
    %dma_start3A_344 = tpu.memref_squeeze %dma_start3A_343 : memref<1x160x16xf32, #tpu.memory_space<vmem>> -> memref<160x16xf32, #tpu.memory_space<vmem>>
    %dma_start3A_345 = arith.constant 0 : i32
    %dma_start3A_346 = tpu.memref_slice %arg15[%dma_start3A, %dma_start3A_345] : memref<125x160xi32, #tpu.memory_space<vmem>> -> memref<1x160xi32, #tpu.memory_space<vmem>>
    %dma_start3A_347 = tpu.memref_squeeze %dma_start3A_346 : memref<1x160xi32, #tpu.memory_space<vmem>> -> memref<160xi32, #tpu.memory_space<vmem>>
    %dma_start3A_348 = arith.constant 0 : i32
    %dma_start3A_349 = arith.constant 0 : i32
    %dma_start3A_350 = tpu.memref_slice %arg9[%dma_start3A_348, %dma_start3A_349] : memref<80000x16xf32, #tpu.memory_space<hbm>> -> memref<80000x16xf32, #tpu.memory_space<hbm>>
    tpu.enqueue_indirect_dma source(%dma_start3A_350 : memref<80000x16xf32, #tpu.memory_space<hbm>>) target(%dma_start3A_344 : memref<160x16xf32, #tpu.memory_space<vmem>>) offsets(%dma_start3A_347 : memref<160xi32, #tpu.memory_space<vmem>>) semaphore(%arg22 : memref<!tpu.dma_semaphore, #tpu.memory_space<semaphore_mem>>)
    %scan3A_351 = arith.constant 0 : i32
    %scan3A_352 = arith.constant 0 : i32
    %scan3A_353 = arith.constant 125 : i32
    %scan3A_354 = arith.addi %scan3A_352, %scan3A_353 : i32
    %scan3A_355 = arith.constant 1 : i32
    scf.for %scan3A_791 = %scan3A_352 to %scan3A_354 step %scan3A_355  : i32 {
      %rem3A = arith.constant 2 : i32
      %rem3A_792 = arith.remsi %scan3A_791, %rem3A : i32
      %add3A_793 = arith.constant 1 : i32
      %add3A_794 = arith.addi %scan3A_791, %add3A_793 : i32
      %rem3A_795 = arith.constant 2 : i32
      %rem3A_796 = arith.remsi %add3A_794, %rem3A_795 : i32
      %add3A_797 = arith.constant 1 : i32
      %add3A_798 = arith.addi %scan3A_791, %add3A_797 : i32
      %lt3A = arith.constant 125 : i32
      %lt3A_799 = arith.cmpi slt, %add3A_798, %lt3A : i32
      %convert_element_type3A_800 = arith.extui %lt3A_799 : i1 to i32
      %cond3A_801 = arith.constant 0 : i32
      %cond3A_802 = arith.cmpi ne, %convert_element_type3A_800, %cond3A_801 : i32
      scf.if %cond3A_802 {
        %add3A_836 = arith.constant 1 : i32
        %add3A_837 = arith.addi %scan3A_791, %add3A_836 : i32
        %get3A_838 = arith.index_cast %add3A_837 : i32 to index
        %get3A_839 = arith.constant 0 : index
        %get3A_840 = tpu.vector_load %arg15[%get3A_838, %get3A_839] {strides = array<i32>} : memref<125x160xi32, #tpu.memory_space<vmem>>, vector<16xi32>,
        %get3A_841 = arith.index_cast %add3A_837 : i32 to index
        %get3A_842 = arith.constant 0 : index
        %get3A_843 = tpu.vector_load %arg16[%get3A_841, %get3A_842] {strides = array<i32>} : memref<125x160xi32, #tpu.memory_space<vmem>>, vector<16xi32>,
        %gather3A_844 = tpu.vector_load_idx %arg11[%get3A_840] : memref<10000xf32, #tpu.memory_space<vmem>>[vector<16xi32>], vector<16xf32>,
        %gather3A_845 = tpu.vector_load_idx %arg12[%get3A_843] : memref<10000xf32, #tpu.memory_space<vmem>>[vector<16xi32>], vector<16xf32>,
        %add3A_846 = arith.addf %gather3A_844, %gather3A_845 : vector<16xf32>
        %gt3A_847 = arith.constant 0.000000e+00 : f32
        %gt3A_848 = vector.broadcast %gt3A_847 : f32 to vector<16xf32>
        %gt3A_849 = arith.cmpf ogt, %add3A_846, %gt3A_848 : vector<16xf32>
        %mul3A_850 = arith.constant 2.000000e-01 : f32
        %mul3A_851 = vector.broadcast %mul3A_850 : f32 to vector<16xf32>
        %mul3A_852 = arith.mulf %mul3A_851, %add3A_846 : vector<16xf32>
        %select_n3A_853 = arith.select %gt3A_849, %add3A_846, %mul3A_852 : vector<16xi1>, vector<16xf32>
        %sub3A_854 = arith.subf %select_n3A_853, %get3A_7 : vector<16xf32>
        %exp3A_855 = math.exp %sub3A_854 : vector<16xf32>
        %gather3A_856 = tpu.vector_load_idx %arg14[%get3A_843] : memref<10240xf32, #tpu.memory_space<vmem>>[vector<16xi32>], vector<16xf32>,
        %div3A_857 = arith.divf %exp3A_855, %gather3A_856 : vector<16xf32>
        %mul3A_858 = arith.constant 160 : i32
        %mul3A_859 = arith.muli %add3A_837, %mul3A_858 : i32
        %multiple_of3A_860 = tpu.assume_multiple %mul3A_859, 16 : i32
        %add3A_861 = arith.constant 0 : i32
        %add3A_862 = arith.addi %multiple_of3A_860, %add3A_861 : i32
        %swap3A_863 = arith.index_cast %add3A_862 : i32 to index
        %swap3A_864 = tpu.vector_load %arg17[%swap3A_863] {strides = array<i32>} : memref<20000xf32, #tpu.memory_space<vmem>>, vector<16xf32>,
        tpu.vector_store %arg17[%swap3A_863], %div3A_857 {strides = array<i32>} : memref<20000xf32, #tpu.memory_space<vmem>>, vector<16xf32>,
        %add3A_865 = arith.addi %get3A_840, %mul3A_12 : vector<16xi32>
        %swap3A_866 = arith.index_cast %add3A_837 : i32 to index
        %swap3A_867 = arith.constant 0 : index
        %swap3A_868 = tpu.vector_load %arg15[%swap3A_866, %swap3A_867] {strides = array<i32>} : memref<125x160xi32, #tpu.memory_space<vmem>>, vector<16xi32>,
        tpu.vector_store %arg15[%swap3A_866, %swap3A_867], %add3A_865 {strides = array<i32>} : memref<125x160xi32, #tpu.memory_space<vmem>>, vector<16xi32>,
        %get3A_869 = arith.index_cast %add3A_837 : i32 to index
        %get3A_870 = arith.constant 16 : index
        %get3A_871 = tpu.vector_load %arg15[%get3A_869, %get3A_870] {strides = array<i32>} : memref<125x160xi32, #tpu.memory_space<vmem>>, vector<16xi32>,
        %get3A_872 = arith.index_cast %add3A_837 : i32 to index
        %get3A_873 = arith.constant 16 : index
        %get3A_874 = tpu.vector_load %arg16[%get3A_872, %get3A_873] {strides = array<i32>} : memref<125x160xi32, #tpu.memory_space<vmem>>, vector<16xi32>,
        %gather3A_875 = tpu.vector_load_idx %arg11[%get3A_871] : memref<10000xf32, #tpu.memory_space<vmem>>[vector<16xi32>], vector<16xf32>,
        %gather3A_876 = tpu.vector_load_idx %arg12[%get3A_874] : memref<10000xf32, #tpu.memory_space<vmem>>[vector<16xi32>], vector<16xf32>,
        %add3A_877 = arith.addf %gather3A_875, %gather3A_876 : vector<16xf32>
        %gt3A_878 = arith.constant 0.000000e+00 : f32
        %gt3A_879 = vector.broadcast %gt3A_878 : f32 to vector<16xf32>
        %gt3A_880 = arith.cmpf ogt, %add3A_877, %gt3A_879 : vector<16xf32>
        %mul3A_881 = arith.constant 2.000000e-01 : f32
        %mul3A_882 = vector.broadcast %mul3A_881 : f32 to vector<16xf32>
        %mul3A_883 = arith.mulf %mul3A_882, %add3A_877 : vector<16xf32>
        %select_n3A_884 = arith.select %gt3A_880, %add3A_877, %mul3A_883 : vector<16xi1>, vector<16xf32>
        %sub3A_885 = arith.subf %select_n3A_884, %get3A_7 : vector<16xf32>
        %exp3A_886 = math.exp %sub3A_885 : vector<16xf32>
        %gather3A_887 = tpu.vector_load_idx %arg14[%get3A_874] : memref<10240xf32, #tpu.memory_space<vmem>>[vector<16xi32>], vector<16xf32>,
        %div3A_888 = arith.divf %exp3A_886, %gather3A_887 : vector<16xf32>
        %mul3A_889 = arith.constant 160 : i32
        %mul3A_890 = arith.muli %add3A_837, %mul3A_889 : i32
        %multiple_of3A_891 = tpu.assume_multiple %mul3A_890, 16 : i32
        %add3A_892 = arith.constant 16 : i32
        %add3A_893 = arith.addi %multiple_of3A_891, %add3A_892 : i32
        %swap3A_894 = arith.index_cast %add3A_893 : i32 to index
        %swap3A_895 = tpu.vector_load %arg17[%swap3A_894] {strides = array<i32>} : memref<20000xf32, #tpu.memory_space<vmem>>, vector<16xf32>,
        tpu.vector_store %arg17[%swap3A_894], %div3A_888 {strides = array<i32>} : memref<20000xf32, #tpu.memory_space<vmem>>, vector<16xf32>,
        %add3A_896 = arith.addi %get3A_871, %mul3A_12 : vector<16xi32>
        %swap3A_897 = arith.index_cast %add3A_837 : i32 to index
        %swap3A_898 = arith.constant 16 : index
        %swap3A_899 = tpu.vector_load %arg15[%swap3A_897, %swap3A_898] {strides = array<i32>} : memref<125x160xi32, #tpu.memory_space<vmem>>, vector<16xi32>,
        tpu.vector_store %arg15[%swap3A_897, %swap3A_898], %add3A_896 {strides = array<i32>} : memref<125x160xi32, #tpu.memory_space<vmem>>, vector<16xi32>,
        %get3A_900 = arith.index_cast %add3A_837 : i32 to index
        %get3A_901 = arith.constant 32 : index
        %get3A_902 = tpu.vector_load %arg15[%get3A_900, %get3A_901] {strides = array<i32>} : memref<125x160xi32, #tpu.memory_space<vmem>>, vector<16xi32>,
        %get3A_903 = arith.index_cast %add3A_837 : i32 to index
        %get3A_904 = arith.constant 32 : index
        %get3A_905 = tpu.vector_load %arg16[%get3A_903, %get3A_904] {strides = array<i32>} : memref<125x160xi32, #tpu.memory_space<vmem>>, vector<16xi32>,
        %gather3A_906 = tpu.vector_load_idx %arg11[%get3A_902] : memref<10000xf32, #tpu.memory_space<vmem>>[vector<16xi32>], vector<16xf32>,
        %gather3A_907 = tpu.vector_load_idx %arg12[%get3A_905] : memref<10000xf32, #tpu.memory_space<vmem>>[vector<16xi32>], vector<16xf32>,
        %add3A_908 = arith.addf %gather3A_906, %gather3A_907 : vector<16xf32>
        %gt3A_909 = arith.constant 0.000000e+00 : f32
        %gt3A_910 = vector.broadcast %gt3A_909 : f32 to vector<16xf32>
        %gt3A_911 = arith.cmpf ogt, %add3A_908, %gt3A_910 : vector<16xf32>
        %mul3A_912 = arith.constant 2.000000e-01 : f32
        %mul3A_913 = vector.broadcast %mul3A_912 : f32 to vector<16xf32>
        %mul3A_914 = arith.mulf %mul3A_913, %add3A_908 : vector<16xf32>
        %select_n3A_915 = arith.select %gt3A_911, %add3A_908, %mul3A_914 : vector<16xi1>, vector<16xf32>
        %sub3A_916 = arith.subf %select_n3A_915, %get3A_7 : vector<16xf32>
        %exp3A_917 = math.exp %sub3A_916 : vector<16xf32>
        %gather3A_918 = tpu.vector_load_idx %arg14[%get3A_905] : memref<10240xf32, #tpu.memory_space<vmem>>[vector<16xi32>], vector<16xf32>,
        %div3A_919 = arith.divf %exp3A_917, %gather3A_918 : vector<16xf32>
        %mul3A_920 = arith.constant 160 : i32
        %mul3A_921 = arith.muli %add3A_837, %mul3A_920 : i32
        %multiple_of3A_922 = tpu.assume_multiple %mul3A_921, 16 : i32
        %add3A_923 = arith.constant 32 : i32
        %add3A_924 = arith.addi %multiple_of3A_922, %add3A_923 : i32
        %swap3A_925 = arith.index_cast %add3A_924 : i32 to index
        %swap3A_926 = tpu.vector_load %arg17[%swap3A_925] {strides = array<i32>} : memref<20000xf32, #tpu.memory_space<vmem>>, vector<16xf32>,
        tpu.vector_store %arg17[%swap3A_925], %div3A_919 {strides = array<i32>} : memref<20000xf32, #tpu.memory_space<vmem>>, vector<16xf32>,
        %add3A_927 = arith.addi %get3A_902, %mul3A_12 : vector<16xi32>
        %swap3A_928 = arith.index_cast %add3A_837 : i32 to index
        %swap3A_929 = arith.constant 32 : index
        %swap3A_930 = tpu.vector_load %arg15[%swap3A_928, %swap3A_929] {strides = array<i32>} : memref<125x160xi32, #tpu.memory_space<vmem>>, vector<16xi32>,
        tpu.vector_store %arg15[%swap3A_928, %swap3A_929], %add3A_927 {strides = array<i32>} : memref<125x160xi32, #tpu.memory_space<vmem>>, vector<16xi32>,
        %get3A_931 = arith.index_cast %add3A_837 : i32 to index
        %get3A_932 = arith.constant 48 : index
        %get3A_933 = tpu.vector_load %arg15[%get3A_931, %get3A_932] {strides = array<i32>} : memref<125x160xi32, #tpu.memory_space<vmem>>, vector<16xi32>,
        %get3A_934 = arith.index_cast %add3A_837 : i32 to index
        %get3A_935 = arith.constant 48 : index
        %get3A_936 = tpu.vector_load %arg16[%get3A_934, %get3A_935] {strides = array<i32>} : memref<125x160xi32, #tpu.memory_space<vmem>>, vector<16xi32>,
        %gather3A_937 = tpu.vector_load_idx %arg11[%get3A_933] : memref<10000xf32, #tpu.memory_space<vmem>>[vector<16xi32>], vector<16xf32>,
        %gather3A_938 = tpu.vector_load_idx %arg12[%get3A_936] : memref<10000xf32, #tpu.memory_space<vmem>>[vector<16xi32>], vector<16xf32>,
        %add3A_939 = arith.addf %gather3A_937, %gather3A_938 : vector<16xf32>
        %gt3A_940 = arith.constant 0.000000e+00 : f32
        %gt3A_941 = vector.broadcast %gt3A_940 : f32 to vector<16xf32>
        %gt3A_942 = arith.cmpf ogt, %add3A_939, %gt3A_941 : vector<16xf32>
        %mul3A_943 = arith.constant 2.000000e-01 : f32
        %mul3A_944 = vector.broadcast %mul3A_943 : f32 to vector<16xf32>
        %mul3A_945 = arith.mulf %mul3A_944, %add3A_939 : vector<16xf32>
        %select_n3A_946 = arith.select %gt3A_942, %add3A_939, %mul3A_945 : vector<16xi1>, vector<16xf32>
        %sub3A_947 = arith.subf %select_n3A_946, %get3A_7 : vector<16xf32>
        %exp3A_948 = math.exp %sub3A_947 : vector<16xf32>
        %gather3A_949 = tpu.vector_load_idx %arg14[%get3A_936] : memref<10240xf32, #tpu.memory_space<vmem>>[vector<16xi32>], vector<16xf32>,
        %div3A_950 = arith.divf %exp3A_948, %gather3A_949 : vector<16xf32>
        %mul3A_951 = arith.constant 160 : i32
        %mul3A_952 = arith.muli %add3A_837, %mul3A_951 : i32
        %multiple_of3A_953 = tpu.assume_multiple %mul3A_952, 16 : i32
        %add3A_954 = arith.constant 48 : i32
        %add3A_955 = arith.addi %multiple_of3A_953, %add3A_954 : i32
        %swap3A_956 = arith.index_cast %add3A_955 : i32 to index
        %swap3A_957 = tpu.vector_load %arg17[%swap3A_956] {strides = array<i32>} : memref<20000xf32, #tpu.memory_space<vmem>>, vector<16xf32>,
        tpu.vector_store %arg17[%swap3A_956], %div3A_950 {strides = array<i32>} : memref<20000xf32, #tpu.memory_space<vmem>>, vector<16xf32>,
        %add3A_958 = arith.addi %get3A_933, %mul3A_12 : vector<16xi32>
        %swap3A_959 = arith.index_cast %add3A_837 : i32 to index
        %swap3A_960 = arith.constant 48 : index
        %swap3A_961 = tpu.vector_load %arg15[%swap3A_959, %swap3A_960] {strides = array<i32>} : memref<125x160xi32, #tpu.memory_space<vmem>>, vector<16xi32>,
        tpu.vector_store %arg15[%swap3A_959, %swap3A_960], %add3A_958 {strides = array<i32>} : memref<125x160xi32, #tpu.memory_space<vmem>>, vector<16xi32>,
        %get3A_962 = arith.index_cast %add3A_837 : i32 to index
        %get3A_963 = arith.constant 64 : index
        %get3A_964 = tpu.vector_load %arg15[%get3A_962, %get3A_963] {strides = array<i32>} : memref<125x160xi32, #tpu.memory_space<vmem>>, vector<16xi32>,
        %get3A_965 = arith.index_cast %add3A_837 : i32 to index
        %get3A_966 = arith.constant 64 : index
        %get3A_967 = tpu.vector_load %arg16[%get3A_965, %get3A_966] {strides = array<i32>} : memref<125x160xi32, #tpu.memory_space<vmem>>, vector<16xi32>,
        %gather3A_968 = tpu.vector_load_idx %arg11[%get3A_964] : memref<10000xf32, #tpu.memory_space<vmem>>[vector<16xi32>], vector<16xf32>,
        %gather3A_969 = tpu.vector_load_idx %arg12[%get3A_967] : memref<10000xf32, #tpu.memory_space<vmem>>[vector<16xi32>], vector<16xf32>,
        %add3A_970 = arith.addf %gather3A_968, %gather3A_969 : vector<16xf32>
        %gt3A_971 = arith.constant 0.000000e+00 : f32
        %gt3A_972 = vector.broadcast %gt3A_971 : f32 to vector<16xf32>
        %gt3A_973 = arith.cmpf ogt, %add3A_970, %gt3A_972 : vector<16xf32>
        %mul3A_974 = arith.constant 2.000000e-01 : f32
        %mul3A_975 = vector.broadcast %mul3A_974 : f32 to vector<16xf32>
        %mul3A_976 = arith.mulf %mul3A_975, %add3A_970 : vector<16xf32>
        %select_n3A_977 = arith.select %gt3A_973, %add3A_970, %mul3A_976 : vector<16xi1>, vector<16xf32>
        %sub3A_978 = arith.subf %select_n3A_977, %get3A_7 : vector<16xf32>
        %exp3A_979 = math.exp %sub3A_978 : vector<16xf32>
        %gather3A_980 = tpu.vector_load_idx %arg14[%get3A_967] : memref<10240xf32, #tpu.memory_space<vmem>>[vector<16xi32>], vector<16xf32>,
        %div3A_981 = arith.divf %exp3A_979, %gather3A_980 : vector<16xf32>
        %mul3A_982 = arith.constant 160 : i32
        %mul3A_983 = arith.muli %add3A_837, %mul3A_982 : i32
        %multiple_of3A_984 = tpu.assume_multiple %mul3A_983, 16 : i32
        %add3A_985 = arith.constant 64 : i32
        %add3A_986 = arith.addi %multiple_of3A_984, %add3A_985 : i32
        %swap3A_987 = arith.index_cast %add3A_986 : i32 to index
        %swap3A_988 = tpu.vector_load %arg17[%swap3A_987] {strides = array<i32>} : memref<20000xf32, #tpu.memory_space<vmem>>, vector<16xf32>,
        tpu.vector_store %arg17[%swap3A_987], %div3A_981 {strides = array<i32>} : memref<20000xf32, #tpu.memory_space<vmem>>, vector<16xf32>,
        %add3A_989 = arith.addi %get3A_964, %mul3A_12 : vector<16xi32>
        %swap3A_990 = arith.index_cast %add3A_837 : i32 to index
        %swap3A_991 = arith.constant 64 : index
        %swap3A_992 = tpu.vector_load %arg15[%swap3A_990, %swap3A_991] {strides = array<i32>} : memref<125x160xi32, #tpu.memory_space<vmem>>, vector<16xi32>,
        tpu.vector_store %arg15[%swap3A_990, %swap3A_991], %add3A_989 {strides = array<i32>} : memref<125x160xi32, #tpu.memory_space<vmem>>, vector<16xi32>,
        %get3A_993 = arith.index_cast %add3A_837 : i32 to index
        %get3A_994 = arith.constant 80 : index
        %get3A_995 = tpu.vector_load %arg15[%get3A_993, %get3A_994] {strides = array<i32>} : memref<125x160xi32, #tpu.memory_space<vmem>>, vector<16xi32>,
        %get3A_996 = arith.index_cast %add3A_837 : i32 to index
        %get3A_997 = arith.constant 80 : index
        %get3A_998 = tpu.vector_load %arg16[%get3A_996, %get3A_997] {strides = array<i32>} : memref<125x160xi32, #tpu.memory_space<vmem>>, vector<16xi32>,
        %gather3A_999 = tpu.vector_load_idx %arg11[%get3A_995] : memref<10000xf32, #tpu.memory_space<vmem>>[vector<16xi32>], vector<16xf32>,
        %gather3A_1000 = tpu.vector_load_idx %arg12[%get3A_998] : memref<10000xf32, #tpu.memory_space<vmem>>[vector<16xi32>], vector<16xf32>,
        %add3A_1001 = arith.addf %gather3A_999, %gather3A_1000 : vector<16xf32>
        %gt3A_1002 = arith.constant 0.000000e+00 : f32
        %gt3A_1003 = vector.broadcast %gt3A_1002 : f32 to vector<16xf32>
        %gt3A_1004 = arith.cmpf ogt, %add3A_1001, %gt3A_1003 : vector<16xf32>
        %mul3A_1005 = arith.constant 2.000000e-01 : f32
        %mul3A_1006 = vector.broadcast %mul3A_1005 : f32 to vector<16xf32>
        %mul3A_1007 = arith.mulf %mul3A_1006, %add3A_1001 : vector<16xf32>
        %select_n3A_1008 = arith.select %gt3A_1004, %add3A_1001, %mul3A_1007 : vector<16xi1>, vector<16xf32>
        %sub3A_1009 = arith.subf %select_n3A_1008, %get3A_7 : vector<16xf32>
        %exp3A_1010 = math.exp %sub3A_1009 : vector<16xf32>
        %gather3A_1011 = tpu.vector_load_idx %arg14[%get3A_998] : memref<10240xf32, #tpu.memory_space<vmem>>[vector<16xi32>], vector<16xf32>,
        %div3A_1012 = arith.divf %exp3A_1010, %gather3A_1011 : vector<16xf32>
        %mul3A_1013 = arith.constant 160 : i32
        %mul3A_1014 = arith.muli %add3A_837, %mul3A_1013 : i32
        %multiple_of3A_1015 = tpu.assume_multiple %mul3A_1014, 16 : i32
        %add3A_1016 = arith.constant 80 : i32
        %add3A_1017 = arith.addi %multiple_of3A_1015, %add3A_1016 : i32
        %swap3A_1018 = arith.index_cast %add3A_1017 : i32 to index
        %swap3A_1019 = tpu.vector_load %arg17[%swap3A_1018] {strides = array<i32>} : memref<20000xf32, #tpu.memory_space<vmem>>, vector<16xf32>,
        tpu.vector_store %arg17[%swap3A_1018], %div3A_1012 {strides = array<i32>} : memref<20000xf32, #tpu.memory_space<vmem>>, vector<16xf32>,
        %add3A_1020 = arith.addi %get3A_995, %mul3A_12 : vector<16xi32>
        %swap3A_1021 = arith.index_cast %add3A_837 : i32 to index
        %swap3A_1022 = arith.constant 80 : index
        %swap3A_1023 = tpu.vector_load %arg15[%swap3A_1021, %swap3A_1022] {strides = array<i32>} : memref<125x160xi32, #tpu.memory_space<vmem>>, vector<16xi32>,
        tpu.vector_store %arg15[%swap3A_1021, %swap3A_1022], %add3A_1020 {strides = array<i32>} : memref<125x160xi32, #tpu.memory_space<vmem>>, vector<16xi32>,
        %get3A_1024 = arith.index_cast %add3A_837 : i32 to index
        %get3A_1025 = arith.constant 96 : index
        %get3A_1026 = tpu.vector_load %arg15[%get3A_1024, %get3A_1025] {strides = array<i32>} : memref<125x160xi32, #tpu.memory_space<vmem>>, vector<16xi32>,
        %get3A_1027 = arith.index_cast %add3A_837 : i32 to index
        %get3A_1028 = arith.constant 96 : index
        %get3A_1029 = tpu.vector_load %arg16[%get3A_1027, %get3A_1028] {strides = array<i32>} : memref<125x160xi32, #tpu.memory_space<vmem>>, vector<16xi32>,
        %gather3A_1030 = tpu.vector_load_idx %arg11[%get3A_1026] : memref<10000xf32, #tpu.memory_space<vmem>>[vector<16xi32>], vector<16xf32>,
        %gather3A_1031 = tpu.vector_load_idx %arg12[%get3A_1029] : memref<10000xf32, #tpu.memory_space<vmem>>[vector<16xi32>], vector<16xf32>,
        %add3A_1032 = arith.addf %gather3A_1030, %gather3A_1031 : vector<16xf32>
        %gt3A_1033 = arith.constant 0.000000e+00 : f32
        %gt3A_1034 = vector.broadcast %gt3A_1033 : f32 to vector<16xf32>
        %gt3A_1035 = arith.cmpf ogt, %add3A_1032, %gt3A_1034 : vector<16xf32>
        %mul3A_1036 = arith.constant 2.000000e-01 : f32
        %mul3A_1037 = vector.broadcast %mul3A_1036 : f32 to vector<16xf32>
        %mul3A_1038 = arith.mulf %mul3A_1037, %add3A_1032 : vector<16xf32>
        %select_n3A_1039 = arith.select %gt3A_1035, %add3A_1032, %mul3A_1038 : vector<16xi1>, vector<16xf32>
        %sub3A_1040 = arith.subf %select_n3A_1039, %get3A_7 : vector<16xf32>
        %exp3A_1041 = math.exp %sub3A_1040 : vector<16xf32>
        %gather3A_1042 = tpu.vector_load_idx %arg14[%get3A_1029] : memref<10240xf32, #tpu.memory_space<vmem>>[vector<16xi32>], vector<16xf32>,
        %div3A_1043 = arith.divf %exp3A_1041, %gather3A_1042 : vector<16xf32>
        %mul3A_1044 = arith.constant 160 : i32
        %mul3A_1045 = arith.muli %add3A_837, %mul3A_1044 : i32
        %multiple_of3A_1046 = tpu.assume_multiple %mul3A_1045, 16 : i32
        %add3A_1047 = arith.constant 96 : i32
        %add3A_1048 = arith.addi %multiple_of3A_1046, %add3A_1047 : i32
        %swap3A_1049 = arith.index_cast %add3A_1048 : i32 to index
        %swap3A_1050 = tpu.vector_load %arg17[%swap3A_1049] {strides = array<i32>} : memref<20000xf32, #tpu.memory_space<vmem>>, vector<16xf32>,
        tpu.vector_store %arg17[%swap3A_1049], %div3A_1043 {strides = array<i32>} : memref<20000xf32, #tpu.memory_space<vmem>>, vector<16xf32>,
        %add3A_1051 = arith.addi %get3A_1026, %mul3A_12 : vector<16xi32>
        %swap3A_1052 = arith.index_cast %add3A_837 : i32 to index
        %swap3A_1053 = arith.constant 96 : index
        %swap3A_1054 = tpu.vector_load %arg15[%swap3A_1052, %swap3A_1053] {strides = array<i32>} : memref<125x160xi32, #tpu.memory_space<vmem>>, vector<16xi32>,
        tpu.vector_store %arg15[%swap3A_1052, %swap3A_1053], %add3A_1051 {strides = array<i32>} : memref<125x160xi32, #tpu.memory_space<vmem>>, vector<16xi32>,
        %get3A_1055 = arith.index_cast %add3A_837 : i32 to index
        %get3A_1056 = arith.constant 112 : index
        %get3A_1057 = tpu.vector_load %arg15[%get3A_1055, %get3A_1056] {strides = array<i32>} : memref<125x160xi32, #tpu.memory_space<vmem>>, vector<16xi32>,
        %get3A_1058 = arith.index_cast %add3A_837 : i32 to index
        %get3A_1059 = arith.constant 112 : index
        %get3A_1060 = tpu.vector_load %arg16[%get3A_1058, %get3A_1059] {strides = array<i32>} : memref<125x160xi32, #tpu.memory_space<vmem>>, vector<16xi32>,
        %gather3A_1061 = tpu.vector_load_idx %arg11[%get3A_1057] : memref<10000xf32, #tpu.memory_space<vmem>>[vector<16xi32>], vector<16xf32>,
        %gather3A_1062 = tpu.vector_load_idx %arg12[%get3A_1060] : memref<10000xf32, #tpu.memory_space<vmem>>[vector<16xi32>], vector<16xf32>,
        %add3A_1063 = arith.addf %gather3A_1061, %gather3A_1062 : vector<16xf32>
        %gt3A_1064 = arith.constant 0.000000e+00 : f32
        %gt3A_1065 = vector.broadcast %gt3A_1064 : f32 to vector<16xf32>
        %gt3A_1066 = arith.cmpf ogt, %add3A_1063, %gt3A_1065 : vector<16xf32>
        %mul3A_1067 = arith.constant 2.000000e-01 : f32
        %mul3A_1068 = vector.broadcast %mul3A_1067 : f32 to vector<16xf32>
        %mul3A_1069 = arith.mulf %mul3A_1068, %add3A_1063 : vector<16xf32>
        %select_n3A_1070 = arith.select %gt3A_1066, %add3A_1063, %mul3A_1069 : vector<16xi1>, vector<16xf32>
        %sub3A_1071 = arith.subf %select_n3A_1070, %get3A_7 : vector<16xf32>
        %exp3A_1072 = math.exp %sub3A_1071 : vector<16xf32>
        %gather3A_1073 = tpu.vector_load_idx %arg14[%get3A_1060] : memref<10240xf32, #tpu.memory_space<vmem>>[vector<16xi32>], vector<16xf32>,
        %div3A_1074 = arith.divf %exp3A_1072, %gather3A_1073 : vector<16xf32>
        %mul3A_1075 = arith.constant 160 : i32
        %mul3A_1076 = arith.muli %add3A_837, %mul3A_1075 : i32
        %multiple_of3A_1077 = tpu.assume_multiple %mul3A_1076, 16 : i32
        %add3A_1078 = arith.constant 112 : i32
        %add3A_1079 = arith.addi %multiple_of3A_1077, %add3A_1078 : i32
        %swap3A_1080 = arith.index_cast %add3A_1079 : i32 to index
        %swap3A_1081 = tpu.vector_load %arg17[%swap3A_1080] {strides = array<i32>} : memref<20000xf32, #tpu.memory_space<vmem>>, vector<16xf32>,
        tpu.vector_store %arg17[%swap3A_1080], %div3A_1074 {strides = array<i32>} : memref<20000xf32, #tpu.memory_space<vmem>>, vector<16xf32>,
        %add3A_1082 = arith.addi %get3A_1057, %mul3A_12 : vector<16xi32>
        %swap3A_1083 = arith.index_cast %add3A_837 : i32 to index
        %swap3A_1084 = arith.constant 112 : index
        %swap3A_1085 = tpu.vector_load %arg15[%swap3A_1083, %swap3A_1084] {strides = array<i32>} : memref<125x160xi32, #tpu.memory_space<vmem>>, vector<16xi32>,
        tpu.vector_store %arg15[%swap3A_1083, %swap3A_1084], %add3A_1082 {strides = array<i32>} : memref<125x160xi32, #tpu.memory_space<vmem>>, vector<16xi32>,
        %get3A_1086 = arith.index_cast %add3A_837 : i32 to index
        %get3A_1087 = arith.constant 128 : index
        %get3A_1088 = tpu.vector_load %arg15[%get3A_1086, %get3A_1087] {strides = array<i32>} : memref<125x160xi32, #tpu.memory_space<vmem>>, vector<16xi32>,
        %get3A_1089 = arith.index_cast %add3A_837 : i32 to index
        %get3A_1090 = arith.constant 128 : index
        %get3A_1091 = tpu.vector_load %arg16[%get3A_1089, %get3A_1090] {strides = array<i32>} : memref<125x160xi32, #tpu.memory_space<vmem>>, vector<16xi32>,
        %gather3A_1092 = tpu.vector_load_idx %arg11[%get3A_1088] : memref<10000xf32, #tpu.memory_space<vmem>>[vector<16xi32>], vector<16xf32>,
        %gather3A_1093 = tpu.vector_load_idx %arg12[%get3A_1091] : memref<10000xf32, #tpu.memory_space<vmem>>[vector<16xi32>], vector<16xf32>,
        %add3A_1094 = arith.addf %gather3A_1092, %gather3A_1093 : vector<16xf32>
        %gt3A_1095 = arith.constant 0.000000e+00 : f32
        %gt3A_1096 = vector.broadcast %gt3A_1095 : f32 to vector<16xf32>
        %gt3A_1097 = arith.cmpf ogt, %add3A_1094, %gt3A_1096 : vector<16xf32>
        %mul3A_1098 = arith.constant 2.000000e-01 : f32
        %mul3A_1099 = vector.broadcast %mul3A_1098 : f32 to vector<16xf32>
        %mul3A_1100 = arith.mulf %mul3A_1099, %add3A_1094 : vector<16xf32>
        %select_n3A_1101 = arith.select %gt3A_1097, %add3A_1094, %mul3A_1100 : vector<16xi1>, vector<16xf32>
        %sub3A_1102 = arith.subf %select_n3A_1101, %get3A_7 : vector<16xf32>
        %exp3A_1103 = math.exp %sub3A_1102 : vector<16xf32>
        %gather3A_1104 = tpu.vector_load_idx %arg14[%get3A_1091] : memref<10240xf32, #tpu.memory_space<vmem>>[vector<16xi32>], vector<16xf32>,
        %div3A_1105 = arith.divf %exp3A_1103, %gather3A_1104 : vector<16xf32>
        %mul3A_1106 = arith.constant 160 : i32
        %mul3A_1107 = arith.muli %add3A_837, %mul3A_1106 : i32
        %multiple_of3A_1108 = tpu.assume_multiple %mul3A_1107, 16 : i32
        %add3A_1109 = arith.constant 128 : i32
        %add3A_1110 = arith.addi %multiple_of3A_1108, %add3A_1109 : i32
        %swap3A_1111 = arith.index_cast %add3A_1110 : i32 to index
        %swap3A_1112 = tpu.vector_load %arg17[%swap3A_1111] {strides = array<i32>} : memref<20000xf32, #tpu.memory_space<vmem>>, vector<16xf32>,
        tpu.vector_store %arg17[%swap3A_1111], %div3A_1105 {strides = array<i32>} : memref<20000xf32, #tpu.memory_space<vmem>>, vector<16xf32>,
        %add3A_1113 = arith.addi %get3A_1088, %mul3A_12 : vector<16xi32>
        %swap3A_1114 = arith.index_cast %add3A_837 : i32 to index
        %swap3A_1115 = arith.constant 128 : index
        %swap3A_1116 = tpu.vector_load %arg15[%swap3A_1114, %swap3A_1115] {strides = array<i32>} : memref<125x160xi32, #tpu.memory_space<vmem>>, vector<16xi32>,
        tpu.vector_store %arg15[%swap3A_1114, %swap3A_1115], %add3A_1113 {strides = array<i32>} : memref<125x160xi32, #tpu.memory_space<vmem>>, vector<16xi32>,
        %get3A_1117 = arith.index_cast %add3A_837 : i32 to index
        %get3A_1118 = arith.constant 144 : index
        %get3A_1119 = tpu.vector_load %arg15[%get3A_1117, %get3A_1118] {strides = array<i32>} : memref<125x160xi32, #tpu.memory_space<vmem>>, vector<16xi32>,
        %get3A_1120 = arith.index_cast %add3A_837 : i32 to index
        %get3A_1121 = arith.constant 144 : index
        %get3A_1122 = tpu.vector_load %arg16[%get3A_1120, %get3A_1121] {strides = array<i32>} : memref<125x160xi32, #tpu.memory_space<vmem>>, vector<16xi32>,
        %gather3A_1123 = tpu.vector_load_idx %arg11[%get3A_1119] : memref<10000xf32, #tpu.memory_space<vmem>>[vector<16xi32>], vector<16xf32>,
        %gather3A_1124 = tpu.vector_load_idx %arg12[%get3A_1122] : memref<10000xf32, #tpu.memory_space<vmem>>[vector<16xi32>], vector<16xf32>,
        %add3A_1125 = arith.addf %gather3A_1123, %gather3A_1124 : vector<16xf32>
        %gt3A_1126 = arith.constant 0.000000e+00 : f32
        %gt3A_1127 = vector.broadcast %gt3A_1126 : f32 to vector<16xf32>
        %gt3A_1128 = arith.cmpf ogt, %add3A_1125, %gt3A_1127 : vector<16xf32>
        %mul3A_1129 = arith.constant 2.000000e-01 : f32
        %mul3A_1130 = vector.broadcast %mul3A_1129 : f32 to vector<16xf32>
        %mul3A_1131 = arith.mulf %mul3A_1130, %add3A_1125 : vector<16xf32>
        %select_n3A_1132 = arith.select %gt3A_1128, %add3A_1125, %mul3A_1131 : vector<16xi1>, vector<16xf32>
        %sub3A_1133 = arith.subf %select_n3A_1132, %get3A_7 : vector<16xf32>
        %exp3A_1134 = math.exp %sub3A_1133 : vector<16xf32>
        %gather3A_1135 = tpu.vector_load_idx %arg14[%get3A_1122] : memref<10240xf32, #tpu.memory_space<vmem>>[vector<16xi32>], vector<16xf32>,
        %div3A_1136 = arith.divf %exp3A_1134, %gather3A_1135 : vector<16xf32>
        %mul3A_1137 = arith.constant 160 : i32
        %mul3A_1138 = arith.muli %add3A_837, %mul3A_1137 : i32
        %multiple_of3A_1139 = tpu.assume_multiple %mul3A_1138, 16 : i32
        %add3A_1140 = arith.constant 144 : i32
        %add3A_1141 = arith.addi %multiple_of3A_1139, %add3A_1140 : i32
        %swap3A_1142 = arith.index_cast %add3A_1141 : i32 to index
        %swap3A_1143 = tpu.vector_load %arg17[%swap3A_1142] {strides = array<i32>} : memref<20000xf32, #tpu.memory_space<vmem>>, vector<16xf32>,
        tpu.vector_store %arg17[%swap3A_1142], %div3A_1136 {strides = array<i32>} : memref<20000xf32, #tpu.memory_space<vmem>>, vector<16xf32>,
        %add3A_1144 = arith.addi %get3A_1119, %mul3A_12 : vector<16xi32>
        %swap3A_1145 = arith.index_cast %add3A_837 : i32 to index
        %swap3A_1146 = arith.constant 144 : index
        %swap3A_1147 = tpu.vector_load %arg15[%swap3A_1145, %swap3A_1146] {strides = array<i32>} : memref<125x160xi32, #tpu.memory_space<vmem>>, vector<16xi32>,
        tpu.vector_store %arg15[%swap3A_1145, %swap3A_1146], %add3A_1144 {strides = array<i32>} : memref<125x160xi32, #tpu.memory_space<vmem>>, vector<16xi32>,
        %add3A_1148 = arith.constant 1 : i32
        %add3A_1149 = arith.addi %scan3A_791, %add3A_1148 : i32
        %dma_start3A_1150 = arith.constant 0 : i32
        %dma_start3A_1151 = arith.constant 0 : i32
        %dma_start3A_1152 = tpu.memref_slice %arg18[%rem3A_796, %dma_start3A_1150, %dma_start3A_1151] : memref<2x160x16xf32, #tpu.memory_space<vmem>> -> memref<1x160x16xf32, #tpu.memory_space<vmem>>
        %dma_start3A_1153 = tpu.memref_squeeze %dma_start3A_1152 : memref<1x160x16xf32, #tpu.memory_space<vmem>> -> memref<160x16xf32, #tpu.memory_space<vmem>>
        %dma_start3A_1154 = arith.constant 0 : i32
        %dma_start3A_1155 = tpu.memref_slice %arg15[%add3A_1149, %dma_start3A_1154] : memref<125x160xi32, #tpu.memory_space<vmem>> -> memref<1x160xi32, #tpu.memory_space<vmem>>
        %dma_start3A_1156 = tpu.memref_squeeze %dma_start3A_1155 : memref<1x160xi32, #tpu.memory_space<vmem>> -> memref<160xi32, #tpu.memory_space<vmem>>
        %dma_start3A_1157 = arith.constant 0 : i32
        %dma_start3A_1158 = arith.constant 0 : i32
        %dma_start3A_1159 = tpu.memref_slice %arg9[%dma_start3A_1157, %dma_start3A_1158] : memref<80000x16xf32, #tpu.memory_space<hbm>> -> memref<80000x16xf32, #tpu.memory_space<hbm>>
        tpu.enqueue_indirect_dma source(%dma_start3A_1159 : memref<80000x16xf32, #tpu.memory_space<hbm>>) target(%dma_start3A_1153 : memref<160x16xf32, #tpu.memory_space<vmem>>) offsets(%dma_start3A_1156 : memref<160xi32, #tpu.memory_space<vmem>>) semaphore(%arg22 : memref<!tpu.dma_semaphore, #tpu.memory_space<semaphore_mem>>)
      } else {
      }
      %ge3A = arith.constant 1 : i32
      %ge3A_803 = arith.cmpi sge, %scan3A_791, %ge3A : i32
      %convert_element_type3A_804 = arith.extui %ge3A_803 : i1 to i32
      %cond3A_805 = arith.constant 0 : i32
      %cond3A_806 = arith.cmpi ne, %convert_element_type3A_804, %cond3A_805 : i32
      scf.if %cond3A_806 {
        %dma_wait3A_836 = arith.constant 0 : i32
        %dma_wait3A_837 = arith.constant 0 : i32
        %dma_wait3A_838 = arith.constant 0 : i32
        %dma_wait3A_839 = arith.constant 0 : i32
        %dma_wait3A_840 = tpu.memref_slice %arg19[%dma_wait3A_836, %dma_wait3A_838, %dma_wait3A_839] : memref<2x160x16xf32, #tpu.memory_space<vmem>> -> memref<1x160x16xf32, #tpu.memory_space<vmem>>
        %dma_wait3A_841 = tpu.memref_squeeze %dma_wait3A_840 : memref<1x160x16xf32, #tpu.memory_space<vmem>> -> memref<160x16xf32, #tpu.memory_space<vmem>>
        %dma_wait3A_842 = arith.constant 0 : i32
        %dma_wait3A_843 = tpu.memref_slice %arg16[%dma_wait3A_837, %dma_wait3A_842] : memref<125x160xi32, #tpu.memory_space<vmem>> -> memref<1x160xi32, #tpu.memory_space<vmem>>
        %dma_wait3A_844 = tpu.memref_squeeze %dma_wait3A_843 : memref<1x160xi32, #tpu.memory_space<vmem>> -> memref<160xi32, #tpu.memory_space<vmem>>
        %dma_wait3A_845 = arith.constant 0 : i32
        %dma_wait3A_846 = arith.constant 0 : i32
        %dma_wait3A_847 = tpu.memref_slice %arg21[%dma_wait3A_845, %dma_wait3A_846] : memref<10000x16xf32, #tpu.memory_space<vmem_shared>> -> memref<10000x16xf32, #tpu.memory_space<vmem_shared>>
        tpu.wait_indirect_dma semaphore(%arg23 : memref<!tpu.dma_semaphore, #tpu.memory_space<semaphore_mem>>) src(%dma_wait3A_841 : memref<160x16xf32, #tpu.memory_space<vmem>>) dst(%dma_wait3A_847 : memref<10000x16xf32, #tpu.memory_space<vmem_shared>>)
      } else {
      }
      %dma_wait3A_807 = arith.constant 0 : i32
      %dma_wait3A_808 = arith.constant 0 : i32
      %dma_wait3A_809 = tpu.memref_slice %arg18[%rem3A_792, %dma_wait3A_807, %dma_wait3A_808] : memref<2x160x16xf32, #tpu.memory_space<vmem>> -> memref<1x160x16xf32, #tpu.memory_space<vmem>>
      %dma_wait3A_810 = tpu.memref_squeeze %dma_wait3A_809 : memref<1x160x16xf32, #tpu.memory_space<vmem>> -> memref<160x16xf32, #tpu.memory_space<vmem>>
      %dma_wait3A_811 = arith.constant 0 : i32
      %dma_wait3A_812 = tpu.memref_slice %arg15[%scan3A_791, %dma_wait3A_811] : memref<125x160xi32, #tpu.memory_space<vmem>> -> memref<1x160xi32, #tpu.memory_space<vmem>>
      %dma_wait3A_813 = tpu.memref_squeeze %dma_wait3A_812 : memref<1x160xi32, #tpu.memory_space<vmem>> -> memref<160xi32, #tpu.memory_space<vmem>>
      %dma_wait3A_814 = arith.constant 0 : i32
      %dma_wait3A_815 = arith.constant 0 : i32
      %dma_wait3A_816 = tpu.memref_slice %arg9[%dma_wait3A_814, %dma_wait3A_815] : memref<80000x16xf32, #tpu.memory_space<hbm>> -> memref<80000x16xf32, #tpu.memory_space<hbm>>
      tpu.wait_indirect_dma semaphore(%arg22 : memref<!tpu.dma_semaphore, #tpu.memory_space<semaphore_mem>>) src(%dma_wait3A_816 : memref<80000x16xf32, #tpu.memory_space<hbm>>) dst(%dma_wait3A_810 : memref<160x16xf32, #tpu.memory_space<vmem>>)
      %mul3A_817 = arith.constant 160 : i32
      %mul3A_818 = arith.muli %scan3A_791, %mul3A_817 : i32
      %broadcast_in_dim3A_819 = vector.broadcast %mul3A_818 : i32 to vector<16xi32>
      %scan3A_820 = arith.constant 0 : i32
      %scan3A_821 = arith.constant 0 : i32
      %scan3A_822 = arith.constant 10 : i32
      %scan3A_823 = arith.addi %scan3A_821, %scan3A_822 : i32
      %scan3A_824 = arith.constant 1 : i32
      scf.for %scan3A_836 = %scan3A_821 to %scan3A_823 step %scan3A_824  : i32 {
        %mul3A_837 = arith.constant 16 : i32
        %mul3A_838 = arith.muli %scan3A_836, %mul3A_837 : i32
        %add3A_839 = arith.constant 0 : i32
        %add3A_840 = arith.addi %mul3A_838, %add3A_839 : i32
        %add3A_841 = vector.broadcast %add3A_840 : i32 to vector<16xi32>
        %add3A_842 = arith.addi %broadcast_in_dim3A_819, %add3A_841 : vector<16xi32>
        %gather3A_843 = tpu.vector_load_idx %arg17[%add3A_842] : memref<20000xf32, #tpu.memory_space<vmem>>[vector<16xi32>], vector<16xf32>,
        %get3A_844 = arith.index_cast %rem3A_792 : i32 to index
        %get3A_845 = arith.index_cast %add3A_840 : i32 to index
        %get3A_846 = arith.constant 0 : index
        %get3A_847 = tpu.vector_load %arg18[%get3A_844, %get3A_845, %get3A_846] {strides = array<i32>} : memref<2x160x16xf32, #tpu.memory_space<vmem>>, vector<16xf32>,
        %mul3A_848 = arith.mulf %get3A_847, %gather3A_843 : vector<16xf32>
        %swap3A_849 = arith.index_cast %rem3A_792 : i32 to index
        %swap3A_850 = arith.index_cast %add3A_840 : i32 to index
        %swap3A_851 = arith.constant 0 : index
        %swap3A_852 = tpu.vector_load %arg19[%swap3A_849, %swap3A_850, %swap3A_851] {strides = array<i32>} : memref<2x160x16xf32, #tpu.memory_space<vmem>>, vector<16xf32>,
        tpu.vector_store %arg19[%swap3A_849, %swap3A_850, %swap3A_851], %mul3A_848 {strides = array<i32>} : memref<2x160x16xf32, #tpu.memory_space<vmem>>, vector<16xf32>,
        %mul3A_853 = arith.constant 16 : i32
        %mul3A_854 = arith.muli %scan3A_836, %mul3A_853 : i32
        %add3A_855 = arith.constant 1 : i32
        %add3A_856 = arith.addi %mul3A_854, %add3A_855 : i32
        %add3A_857 = vector.broadcast %add3A_856 : i32 to vector<16xi32>
        %add3A_858 = arith.addi %broadcast_in_dim3A_819, %add3A_857 : vector<16xi32>
        %gather3A_859 = tpu.vector_load_idx %arg17[%add3A_858] : memref<20000xf32, #tpu.memory_space<vmem>>[vector<16xi32>], vector<16xf32>,
        %get3A_860 = arith.index_cast %rem3A_792 : i32 to index
        %get3A_861 = arith.index_cast %add3A_856 : i32 to index
        %get3A_862 = arith.constant 0 : index
        %get3A_863 = tpu.vector_load %arg18[%get3A_860, %get3A_861, %get3A_862] {strides = array<i32>} : memref<2x160x16xf32, #tpu.memory_space<vmem>>, vector<16xf32>,
        %mul3A_864 = arith.mulf %get3A_863, %gather3A_859 : vector<16xf32>
        %swap3A_865 = arith.index_cast %rem3A_792 : i32 to index
        %swap3A_866 = arith.index_cast %add3A_856 : i32 to index
        %swap3A_867 = arith.constant 0 : index
        %swap3A_868 = tpu.vector_load %arg19[%swap3A_865, %swap3A_866, %swap3A_867] {strides = array<i32>} : memref<2x160x16xf32, #tpu.memory_space<vmem>>, vector<16xf32>,
        tpu.vector_store %arg19[%swap3A_865, %swap3A_866, %swap3A_867], %mul3A_864 {strides = array<i32>} : memref<2x160x16xf32, #tpu.memory_space<vmem>>, vector<16xf32>,
        %mul3A_869 = arith.constant 16 : i32
        %mul3A_870 = arith.muli %scan3A_836, %mul3A_869 : i32
        %add3A_871 = arith.constant 2 : i32
        %add3A_872 = arith.addi %mul3A_870, %add3A_871 : i32
        %add3A_873 = vector.broadcast %add3A_872 : i32 to vector<16xi32>
        %add3A_874 = arith.addi %broadcast_in_dim3A_819, %add3A_873 : vector<16xi32>
        %gather3A_875 = tpu.vector_load_idx %arg17[%add3A_874] : memref<20000xf32, #tpu.memory_space<vmem>>[vector<16xi32>], vector<16xf32>,
        %get3A_876 = arith.index_cast %rem3A_792 : i32 to index
        %get3A_877 = arith.index_cast %add3A_872 : i32 to index
        %get3A_878 = arith.constant 0 : index
        %get3A_879 = tpu.vector_load %arg18[%get3A_876, %get3A_877, %get3A_878] {strides = array<i32>} : memref<2x160x16xf32, #tpu.memory_space<vmem>>, vector<16xf32>,
        %mul3A_880 = arith.mulf %get3A_879, %gather3A_875 : vector<16xf32>
        %swap3A_881 = arith.index_cast %rem3A_792 : i32 to index
        %swap3A_882 = arith.index_cast %add3A_872 : i32 to index
        %swap3A_883 = arith.constant 0 : index
        %swap3A_884 = tpu.vector_load %arg19[%swap3A_881, %swap3A_882, %swap3A_883] {strides = array<i32>} : memref<2x160x16xf32, #tpu.memory_space<vmem>>, vector<16xf32>,
        tpu.vector_store %arg19[%swap3A_881, %swap3A_882, %swap3A_883], %mul3A_880 {strides = array<i32>} : memref<2x160x16xf32, #tpu.memory_space<vmem>>, vector<16xf32>,
        %mul3A_885 = arith.constant 16 : i32
        %mul3A_886 = arith.muli %scan3A_836, %mul3A_885 : i32
        %add3A_887 = arith.constant 3 : i32
        %add3A_888 = arith.addi %mul3A_886, %add3A_887 : i32
        %add3A_889 = vector.broadcast %add3A_888 : i32 to vector<16xi32>
        %add3A_890 = arith.addi %broadcast_in_dim3A_819, %add3A_889 : vector<16xi32>
        %gather3A_891 = tpu.vector_load_idx %arg17[%add3A_890] : memref<20000xf32, #tpu.memory_space<vmem>>[vector<16xi32>], vector<16xf32>,
        %get3A_892 = arith.index_cast %rem3A_792 : i32 to index
        %get3A_893 = arith.index_cast %add3A_888 : i32 to index
        %get3A_894 = arith.constant 0 : index
        %get3A_895 = tpu.vector_load %arg18[%get3A_892, %get3A_893, %get3A_894] {strides = array<i32>} : memref<2x160x16xf32, #tpu.memory_space<vmem>>, vector<16xf32>,
        %mul3A_896 = arith.mulf %get3A_895, %gather3A_891 : vector<16xf32>
        %swap3A_897 = arith.index_cast %rem3A_792 : i32 to index
        %swap3A_898 = arith.index_cast %add3A_888 : i32 to index
        %swap3A_899 = arith.constant 0 : index
        %swap3A_900 = tpu.vector_load %arg19[%swap3A_897, %swap3A_898, %swap3A_899] {strides = array<i32>} : memref<2x160x16xf32, #tpu.memory_space<vmem>>, vector<16xf32>,
        tpu.vector_store %arg19[%swap3A_897, %swap3A_898, %swap3A_899], %mul3A_896 {strides = array<i32>} : memref<2x160x16xf32, #tpu.memory_space<vmem>>, vector<16xf32>,
        %mul3A_901 = arith.constant 16 : i32
        %mul3A_902 = arith.muli %scan3A_836, %mul3A_901 : i32
        %add3A_903 = arith.constant 4 : i32
        %add3A_904 = arith.addi %mul3A_902, %add3A_903 : i32
        %add3A_905 = vector.broadcast %add3A_904 : i32 to vector<16xi32>
        %add3A_906 = arith.addi %broadcast_in_dim3A_819, %add3A_905 : vector<16xi32>
        %gather3A_907 = tpu.vector_load_idx %arg17[%add3A_906] : memref<20000xf32, #tpu.memory_space<vmem>>[vector<16xi32>], vector<16xf32>,
        %get3A_908 = arith.index_cast %rem3A_792 : i32 to index
        %get3A_909 = arith.index_cast %add3A_904 : i32 to index
        %get3A_910 = arith.constant 0 : index
        %get3A_911 = tpu.vector_load %arg18[%get3A_908, %get3A_909, %get3A_910] {strides = array<i32>} : memref<2x160x16xf32, #tpu.memory_space<vmem>>, vector<16xf32>,
        %mul3A_912 = arith.mulf %get3A_911, %gather3A_907 : vector<16xf32>
        %swap3A_913 = arith.index_cast %rem3A_792 : i32 to index
        %swap3A_914 = arith.index_cast %add3A_904 : i32 to index
        %swap3A_915 = arith.constant 0 : index
        %swap3A_916 = tpu.vector_load %arg19[%swap3A_913, %swap3A_914, %swap3A_915] {strides = array<i32>} : memref<2x160x16xf32, #tpu.memory_space<vmem>>, vector<16xf32>,
        tpu.vector_store %arg19[%swap3A_913, %swap3A_914, %swap3A_915], %mul3A_912 {strides = array<i32>} : memref<2x160x16xf32, #tpu.memory_space<vmem>>, vector<16xf32>,
        %mul3A_917 = arith.constant 16 : i32
        %mul3A_918 = arith.muli %scan3A_836, %mul3A_917 : i32
        %add3A_919 = arith.constant 5 : i32
        %add3A_920 = arith.addi %mul3A_918, %add3A_919 : i32
        %add3A_921 = vector.broadcast %add3A_920 : i32 to vector<16xi32>
        %add3A_922 = arith.addi %broadcast_in_dim3A_819, %add3A_921 : vector<16xi32>
        %gather3A_923 = tpu.vector_load_idx %arg17[%add3A_922] : memref<20000xf32, #tpu.memory_space<vmem>>[vector<16xi32>], vector<16xf32>,
        %get3A_924 = arith.index_cast %rem3A_792 : i32 to index
        %get3A_925 = arith.index_cast %add3A_920 : i32 to index
        %get3A_926 = arith.constant 0 : index
        %get3A_927 = tpu.vector_load %arg18[%get3A_924, %get3A_925, %get3A_926] {strides = array<i32>} : memref<2x160x16xf32, #tpu.memory_space<vmem>>, vector<16xf32>,
        %mul3A_928 = arith.mulf %get3A_927, %gather3A_923 : vector<16xf32>
        %swap3A_929 = arith.index_cast %rem3A_792 : i32 to index
        %swap3A_930 = arith.index_cast %add3A_920 : i32 to index
        %swap3A_931 = arith.constant 0 : index
        %swap3A_932 = tpu.vector_load %arg19[%swap3A_929, %swap3A_930, %swap3A_931] {strides = array<i32>} : memref<2x160x16xf32, #tpu.memory_space<vmem>>, vector<16xf32>,
        tpu.vector_store %arg19[%swap3A_929, %swap3A_930, %swap3A_931], %mul3A_928 {strides = array<i32>} : memref<2x160x16xf32, #tpu.memory_space<vmem>>, vector<16xf32>,
        %mul3A_933 = arith.constant 16 : i32
        %mul3A_934 = arith.muli %scan3A_836, %mul3A_933 : i32
        %add3A_935 = arith.constant 6 : i32
        %add3A_936 = arith.addi %mul3A_934, %add3A_935 : i32
        %add3A_937 = vector.broadcast %add3A_936 : i32 to vector<16xi32>
        %add3A_938 = arith.addi %broadcast_in_dim3A_819, %add3A_937 : vector<16xi32>
        %gather3A_939 = tpu.vector_load_idx %arg17[%add3A_938] : memref<20000xf32, #tpu.memory_space<vmem>>[vector<16xi32>], vector<16xf32>,
        %get3A_940 = arith.index_cast %rem3A_792 : i32 to index
        %get3A_941 = arith.index_cast %add3A_936 : i32 to index
        %get3A_942 = arith.constant 0 : index
        %get3A_943 = tpu.vector_load %arg18[%get3A_940, %get3A_941, %get3A_942] {strides = array<i32>} : memref<2x160x16xf32, #tpu.memory_space<vmem>>, vector<16xf32>,
        %mul3A_944 = arith.mulf %get3A_943, %gather3A_939 : vector<16xf32>
        %swap3A_945 = arith.index_cast %rem3A_792 : i32 to index
        %swap3A_946 = arith.index_cast %add3A_936 : i32 to index
        %swap3A_947 = arith.constant 0 : index
        %swap3A_948 = tpu.vector_load %arg19[%swap3A_945, %swap3A_946, %swap3A_947] {strides = array<i32>} : memref<2x160x16xf32, #tpu.memory_space<vmem>>, vector<16xf32>,
        tpu.vector_store %arg19[%swap3A_945, %swap3A_946, %swap3A_947], %mul3A_944 {strides = array<i32>} : memref<2x160x16xf32, #tpu.memory_space<vmem>>, vector<16xf32>,
        %mul3A_949 = arith.constant 16 : i32
        %mul3A_950 = arith.muli %scan3A_836, %mul3A_949 : i32
        %add3A_951 = arith.constant 7 : i32
        %add3A_952 = arith.addi %mul3A_950, %add3A_951 : i32
        %add3A_953 = vector.broadcast %add3A_952 : i32 to vector<16xi32>
        %add3A_954 = arith.addi %broadcast_in_dim3A_819, %add3A_953 : vector<16xi32>
        %gather3A_955 = tpu.vector_load_idx %arg17[%add3A_954] : memref<20000xf32, #tpu.memory_space<vmem>>[vector<16xi32>], vector<16xf32>,
        %get3A_956 = arith.index_cast %rem3A_792 : i32 to index
        %get3A_957 = arith.index_cast %add3A_952 : i32 to index
        %get3A_958 = arith.constant 0 : index
        %get3A_959 = tpu.vector_load %arg18[%get3A_956, %get3A_957, %get3A_958] {strides = array<i32>} : memref<2x160x16xf32, #tpu.memory_space<vmem>>, vector<16xf32>,
        %mul3A_960 = arith.mulf %get3A_959, %gather3A_955 : vector<16xf32>
        %swap3A_961 = arith.index_cast %rem3A_792 : i32 to index
        %swap3A_962 = arith.index_cast %add3A_952 : i32 to index
        %swap3A_963 = arith.constant 0 : index
        %swap3A_964 = tpu.vector_load %arg19[%swap3A_961, %swap3A_962, %swap3A_963] {strides = array<i32>} : memref<2x160x16xf32, #tpu.memory_space<vmem>>, vector<16xf32>,
        tpu.vector_store %arg19[%swap3A_961, %swap3A_962, %swap3A_963], %mul3A_960 {strides = array<i32>} : memref<2x160x16xf32, #tpu.memory_space<vmem>>, vector<16xf32>,
        %mul3A_965 = arith.constant 16 : i32
        %mul3A_966 = arith.muli %scan3A_836, %mul3A_965 : i32
        %add3A_967 = arith.constant 8 : i32
        %add3A_968 = arith.addi %mul3A_966, %add3A_967 : i32
        %add3A_969 = vector.broadcast %add3A_968 : i32 to vector<16xi32>
        %add3A_970 = arith.addi %broadcast_in_dim3A_819, %add3A_969 : vector<16xi32>
        %gather3A_971 = tpu.vector_load_idx %arg17[%add3A_970] : memref<20000xf32, #tpu.memory_space<vmem>>[vector<16xi32>], vector<16xf32>,
        %get3A_972 = arith.index_cast %rem3A_792 : i32 to index
        %get3A_973 = arith.index_cast %add3A_968 : i32 to index
        %get3A_974 = arith.constant 0 : index
        %get3A_975 = tpu.vector_load %arg18[%get3A_972, %get3A_973, %get3A_974] {strides = array<i32>} : memref<2x160x16xf32, #tpu.memory_space<vmem>>, vector<16xf32>,
        %mul3A_976 = arith.mulf %get3A_975, %gather3A_971 : vector<16xf32>
        %swap3A_977 = arith.index_cast %rem3A_792 : i32 to index
        %swap3A_978 = arith.index_cast %add3A_968 : i32 to index
        %swap3A_979 = arith.constant 0 : index
        %swap3A_980 = tpu.vector_load %arg19[%swap3A_977, %swap3A_978, %swap3A_979] {strides = array<i32>} : memref<2x160x16xf32, #tpu.memory_space<vmem>>, vector<16xf32>,
        tpu.vector_store %arg19[%swap3A_977, %swap3A_978, %swap3A_979], %mul3A_976 {strides = array<i32>} : memref<2x160x16xf32, #tpu.memory_space<vmem>>, vector<16xf32>,
        %mul3A_981 = arith.constant 16 : i32
        %mul3A_982 = arith.muli %scan3A_836, %mul3A_981 : i32
        %add3A_983 = arith.constant 9 : i32
        %add3A_984 = arith.addi %mul3A_982, %add3A_983 : i32
        %add3A_985 = vector.broadcast %add3A_984 : i32 to vector<16xi32>
        %add3A_986 = arith.addi %broadcast_in_dim3A_819, %add3A_985 : vector<16xi32>
        %gather3A_987 = tpu.vector_load_idx %arg17[%add3A_986] : memref<20000xf32, #tpu.memory_space<vmem>>[vector<16xi32>], vector<16xf32>,
        %get3A_988 = arith.index_cast %rem3A_792 : i32 to index
        %get3A_989 = arith.index_cast %add3A_984 : i32 to index
        %get3A_990 = arith.constant 0 : index
        %get3A_991 = tpu.vector_load %arg18[%get3A_988, %get3A_989, %get3A_990] {strides = array<i32>} : memref<2x160x16xf32, #tpu.memory_space<vmem>>, vector<16xf32>,
        %mul3A_992 = arith.mulf %get3A_991, %gather3A_987 : vector<16xf32>
        %swap3A_993 = arith.index_cast %rem3A_792 : i32 to index
        %swap3A_994 = arith.index_cast %add3A_984 : i32 to index
        %swap3A_995 = arith.constant 0 : index
        %swap3A_996 = tpu.vector_load %arg19[%swap3A_993, %swap3A_994, %swap3A_995] {strides = array<i32>} : memref<2x160x16xf32, #tpu.memory_space<vmem>>, vector<16xf32>,
        tpu.vector_store %arg19[%swap3A_993, %swap3A_994, %swap3A_995], %mul3A_992 {strides = array<i32>} : memref<2x160x16xf32, #tpu.memory_space<vmem>>, vector<16xf32>,
        %mul3A_997 = arith.constant 16 : i32
        %mul3A_998 = arith.muli %scan3A_836, %mul3A_997 : i32
        %add3A_999 = arith.constant 10 : i32
        %add3A_1000 = arith.addi %mul3A_998, %add3A_999 : i32
        %add3A_1001 = vector.broadcast %add3A_1000 : i32 to vector<16xi32>
        %add3A_1002 = arith.addi %broadcast_in_dim3A_819, %add3A_1001 : vector<16xi32>
        %gather3A_1003 = tpu.vector_load_idx %arg17[%add3A_1002] : memref<20000xf32, #tpu.memory_space<vmem>>[vector<16xi32>], vector<16xf32>,
        %get3A_1004 = arith.index_cast %rem3A_792 : i32 to index
        %get3A_1005 = arith.index_cast %add3A_1000 : i32 to index
        %get3A_1006 = arith.constant 0 : index
        %get3A_1007 = tpu.vector_load %arg18[%get3A_1004, %get3A_1005, %get3A_1006] {strides = array<i32>} : memref<2x160x16xf32, #tpu.memory_space<vmem>>, vector<16xf32>,
        %mul3A_1008 = arith.mulf %get3A_1007, %gather3A_1003 : vector<16xf32>
        %swap3A_1009 = arith.index_cast %rem3A_792 : i32 to index
        %swap3A_1010 = arith.index_cast %add3A_1000 : i32 to index
        %swap3A_1011 = arith.constant 0 : index
        %swap3A_1012 = tpu.vector_load %arg19[%swap3A_1009, %swap3A_1010, %swap3A_1011] {strides = array<i32>} : memref<2x160x16xf32, #tpu.memory_space<vmem>>, vector<16xf32>,
        tpu.vector_store %arg19[%swap3A_1009, %swap3A_1010, %swap3A_1011], %mul3A_1008 {strides = array<i32>} : memref<2x160x16xf32, #tpu.memory_space<vmem>>, vector<16xf32>,
        %mul3A_1013 = arith.constant 16 : i32
        %mul3A_1014 = arith.muli %scan3A_836, %mul3A_1013 : i32
        %add3A_1015 = arith.constant 11 : i32
        %add3A_1016 = arith.addi %mul3A_1014, %add3A_1015 : i32
        %add3A_1017 = vector.broadcast %add3A_1016 : i32 to vector<16xi32>
        %add3A_1018 = arith.addi %broadcast_in_dim3A_819, %add3A_1017 : vector<16xi32>
        %gather3A_1019 = tpu.vector_load_idx %arg17[%add3A_1018] : memref<20000xf32, #tpu.memory_space<vmem>>[vector<16xi32>], vector<16xf32>,
        %get3A_1020 = arith.index_cast %rem3A_792 : i32 to index
        %get3A_1021 = arith.index_cast %add3A_1016 : i32 to index
        %get3A_1022 = arith.constant 0 : index
        %get3A_1023 = tpu.vector_load %arg18[%get3A_1020, %get3A_1021, %get3A_1022] {strides = array<i32>} : memref<2x160x16xf32, #tpu.memory_space<vmem>>, vector<16xf32>,
        %mul3A_1024 = arith.mulf %get3A_1023, %gather3A_1019 : vector<16xf32>
        %swap3A_1025 = arith.index_cast %rem3A_792 : i32 to index
        %swap3A_1026 = arith.index_cast %add3A_1016 : i32 to index
        %swap3A_1027 = arith.constant 0 : index
        %swap3A_1028 = tpu.vector_load %arg19[%swap3A_1025, %swap3A_1026, %swap3A_1027] {strides = array<i32>} : memref<2x160x16xf32, #tpu.memory_space<vmem>>, vector<16xf32>,
        tpu.vector_store %arg19[%swap3A_1025, %swap3A_1026, %swap3A_1027], %mul3A_1024 {strides = array<i32>} : memref<2x160x16xf32, #tpu.memory_space<vmem>>, vector<16xf32>,
        %mul3A_1029 = arith.constant 16 : i32
        %mul3A_1030 = arith.muli %scan3A_836, %mul3A_1029 : i32
        %add3A_1031 = arith.constant 12 : i32
        %add3A_1032 = arith.addi %mul3A_1030, %add3A_1031 : i32
        %add3A_1033 = vector.broadcast %add3A_1032 : i32 to vector<16xi32>
        %add3A_1034 = arith.addi %broadcast_in_dim3A_819, %add3A_1033 : vector<16xi32>
        %gather3A_1035 = tpu.vector_load_idx %arg17[%add3A_1034] : memref<20000xf32, #tpu.memory_space<vmem>>[vector<16xi32>], vector<16xf32>,
        %get3A_1036 = arith.index_cast %rem3A_792 : i32 to index
        %get3A_1037 = arith.index_cast %add3A_1032 : i32 to index
        %get3A_1038 = arith.constant 0 : index
        %get3A_1039 = tpu.vector_load %arg18[%get3A_1036, %get3A_1037, %get3A_1038] {strides = array<i32>} : memref<2x160x16xf32, #tpu.memory_space<vmem>>, vector<16xf32>,
        %mul3A_1040 = arith.mulf %get3A_1039, %gather3A_1035 : vector<16xf32>
        %swap3A_1041 = arith.index_cast %rem3A_792 : i32 to index
        %swap3A_1042 = arith.index_cast %add3A_1032 : i32 to index
        %swap3A_1043 = arith.constant 0 : index
        %swap3A_1044 = tpu.vector_load %arg19[%swap3A_1041, %swap3A_1042, %swap3A_1043] {strides = array<i32>} : memref<2x160x16xf32, #tpu.memory_space<vmem>>, vector<16xf32>,
        tpu.vector_store %arg19[%swap3A_1041, %swap3A_1042, %swap3A_1043], %mul3A_1040 {strides = array<i32>} : memref<2x160x16xf32, #tpu.memory_space<vmem>>, vector<16xf32>,
        %mul3A_1045 = arith.constant 16 : i32
        %mul3A_1046 = arith.muli %scan3A_836, %mul3A_1045 : i32
        %add3A_1047 = arith.constant 13 : i32
        %add3A_1048 = arith.addi %mul3A_1046, %add3A_1047 : i32
        %add3A_1049 = vector.broadcast %add3A_1048 : i32 to vector<16xi32>
        %add3A_1050 = arith.addi %broadcast_in_dim3A_819, %add3A_1049 : vector<16xi32>
        %gather3A_1051 = tpu.vector_load_idx %arg17[%add3A_1050] : memref<20000xf32, #tpu.memory_space<vmem>>[vector<16xi32>], vector<16xf32>,
        %get3A_1052 = arith.index_cast %rem3A_792 : i32 to index
        %get3A_1053 = arith.index_cast %add3A_1048 : i32 to index
        %get3A_1054 = arith.constant 0 : index
        %get3A_1055 = tpu.vector_load %arg18[%get3A_1052, %get3A_1053, %get3A_1054] {strides = array<i32>} : memref<2x160x16xf32, #tpu.memory_space<vmem>>, vector<16xf32>,
        %mul3A_1056 = arith.mulf %get3A_1055, %gather3A_1051 : vector<16xf32>
        %swap3A_1057 = arith.index_cast %rem3A_792 : i32 to index
        %swap3A_1058 = arith.index_cast %add3A_1048 : i32 to index
        %swap3A_1059 = arith.constant 0 : index
        %swap3A_1060 = tpu.vector_load %arg19[%swap3A_1057, %swap3A_1058, %swap3A_1059] {strides = array<i32>} : memref<2x160x16xf32, #tpu.memory_space<vmem>>, vector<16xf32>,
        tpu.vector_store %arg19[%swap3A_1057, %swap3A_1058, %swap3A_1059], %mul3A_1056 {strides = array<i32>} : memref<2x160x16xf32, #tpu.memory_space<vmem>>, vector<16xf32>,
        %mul3A_1061 = arith.constant 16 : i32
        %mul3A_1062 = arith.muli %scan3A_836, %mul3A_1061 : i32
        %add3A_1063 = arith.constant 14 : i32
        %add3A_1064 = arith.addi %mul3A_1062, %add3A_1063 : i32
        %add3A_1065 = vector.broadcast %add3A_1064 : i32 to vector<16xi32>
        %add3A_1066 = arith.addi %broadcast_in_dim3A_819, %add3A_1065 : vector<16xi32>
        %gather3A_1067 = tpu.vector_load_idx %arg17[%add3A_1066] : memref<20000xf32, #tpu.memory_space<vmem>>[vector<16xi32>], vector<16xf32>,
        %get3A_1068 = arith.index_cast %rem3A_792 : i32 to index
        %get3A_1069 = arith.index_cast %add3A_1064 : i32 to index
        %get3A_1070 = arith.constant 0 : index
        %get3A_1071 = tpu.vector_load %arg18[%get3A_1068, %get3A_1069, %get3A_1070] {strides = array<i32>} : memref<2x160x16xf32, #tpu.memory_space<vmem>>, vector<16xf32>,
        %mul3A_1072 = arith.mulf %get3A_1071, %gather3A_1067 : vector<16xf32>
        %swap3A_1073 = arith.index_cast %rem3A_792 : i32 to index
        %swap3A_1074 = arith.index_cast %add3A_1064 : i32 to index
        %swap3A_1075 = arith.constant 0 : index
        %swap3A_1076 = tpu.vector_load %arg19[%swap3A_1073, %swap3A_1074, %swap3A_1075] {strides = array<i32>} : memref<2x160x16xf32, #tpu.memory_space<vmem>>, vector<16xf32>,
        tpu.vector_store %arg19[%swap3A_1073, %swap3A_1074, %swap3A_1075], %mul3A_1072 {strides = array<i32>} : memref<2x160x16xf32, #tpu.memory_space<vmem>>, vector<16xf32>,
        %mul3A_1077 = arith.constant 16 : i32
        %mul3A_1078 = arith.muli %scan3A_836, %mul3A_1077 : i32
        %add3A_1079 = arith.constant 15 : i32
        %add3A_1080 = arith.addi %mul3A_1078, %add3A_1079 : i32
        %add3A_1081 = vector.broadcast %add3A_1080 : i32 to vector<16xi32>
        %add3A_1082 = arith.addi %broadcast_in_dim3A_819, %add3A_1081 : vector<16xi32>
        %gather3A_1083 = tpu.vector_load_idx %arg17[%add3A_1082] : memref<20000xf32, #tpu.memory_space<vmem>>[vector<16xi32>], vector<16xf32>,
        %get3A_1084 = arith.index_cast %rem3A_792 : i32 to index
        %get3A_1085 = arith.index_cast %add3A_1080 : i32 to index
        %get3A_1086 = arith.constant 0 : index
        %get3A_1087 = tpu.vector_load %arg18[%get3A_1084, %get3A_1085, %get3A_1086] {strides = array<i32>} : memref<2x160x16xf32, #tpu.memory_space<vmem>>, vector<16xf32>,
        %mul3A_1088 = arith.mulf %get3A_1087, %gather3A_1083 : vector<16xf32>
        %swap3A_1089 = arith.index_cast %rem3A_792 : i32 to index
        %swap3A_1090 = arith.index_cast %add3A_1080 : i32 to index
        %swap3A_1091 = arith.constant 0 : index
        %swap3A_1092 = tpu.vector_load %arg19[%swap3A_1089, %swap3A_1090, %swap3A_1091] {strides = array<i32>} : memref<2x160x16xf32, #tpu.memory_space<vmem>>, vector<16xf32>,
        tpu.vector_store %arg19[%swap3A_1089, %swap3A_1090, %swap3A_1091], %mul3A_1088 {strides = array<i32>} : memref<2x160x16xf32, #tpu.memory_space<vmem>>, vector<16xf32>,
      }
      %scan3A_825 = arith.constant 10 : i32
      %dma_start3A_826 = arith.constant 0 : i32
      %dma_start3A_827 = arith.constant 0 : i32
      %dma_start3A_828 = tpu.memref_slice %arg19[%rem3A_792, %dma_start3A_826, %dma_start3A_827] : memref<2x160x16xf32, #tpu.memory_space<vmem>> -> memref<1x160x16xf32, #tpu.memory_space<vmem>>
      %dma_start3A_829 = tpu.memref_squeeze %dma_start3A_828 : memref<1x160x16xf32, #tpu.memory_space<vmem>> -> memref<160x16xf32, #tpu.memory_space<vmem>>
      %dma_start3A_830 = arith.constant 0 : i32
      %dma_start3A_831 = tpu.memref_slice %arg16[%scan3A_791, %dma_start3A_830] : memref<125x160xi32, #tpu.memory_space<vmem>> -> memref<1x160xi32, #tpu.memory_space<vmem>>
      %dma_start3A_832 = tpu.memref_squeeze %dma_start3A_831 : memref<1x160xi32, #tpu.memory_space<vmem>> -> memref<160xi32, #tpu.memory_space<vmem>>
      %dma_start3A_833 = arith.constant 0 : i32
      %dma_start3A_834 = arith.constant 0 : i32
      %dma_start3A_835 = tpu.memref_slice %arg21[%dma_start3A_833, %dma_start3A_834] : memref<10000x16xf32, #tpu.memory_space<vmem_shared>> -> memref<10000x16xf32, #tpu.memory_space<vmem_shared>>
      tpu.enqueue_indirect_dma source(%dma_start3A_829 : memref<160x16xf32, #tpu.memory_space<vmem>>) target(%dma_start3A_835 : memref<10000x16xf32, #tpu.memory_space<vmem_shared>>) offsets(%dma_start3A_832 : memref<160xi32, #tpu.memory_space<vmem>>) semaphore(%arg23 : memref<!tpu.dma_semaphore, #tpu.memory_space<semaphore_mem>>) {add = true}
    }
    %scan3A_356 = arith.constant 125 : i32
    %dma_wait3A = arith.constant 0 : i32
    %dma_wait3A_357 = arith.constant 0 : i32
    %dma_wait3A_358 = arith.constant 0 : i32
    %dma_wait3A_359 = arith.constant 0 : i32
    %dma_wait3A_360 = tpu.memref_slice %arg19[%dma_wait3A, %dma_wait3A_358, %dma_wait3A_359] : memref<2x160x16xf32, #tpu.memory_space<vmem>> -> memref<1x160x16xf32, #tpu.memory_space<vmem>>
    %dma_wait3A_361 = tpu.memref_squeeze %dma_wait3A_360 : memref<1x160x16xf32, #tpu.memory_space<vmem>> -> memref<160x16xf32, #tpu.memory_space<vmem>>
    %dma_wait3A_362 = arith.constant 0 : i32
    %dma_wait3A_363 = tpu.memref_slice %arg16[%dma_wait3A_357, %dma_wait3A_362] : memref<125x160xi32, #tpu.memory_space<vmem>> -> memref<1x160xi32, #tpu.memory_space<vmem>>
    %dma_wait3A_364 = tpu.memref_squeeze %dma_wait3A_363 : memref<1x160xi32, #tpu.memory_space<vmem>> -> memref<160xi32, #tpu.memory_space<vmem>>
    %dma_wait3A_365 = arith.constant 0 : i32
    %dma_wait3A_366 = arith.constant 0 : i32
    %dma_wait3A_367 = tpu.memref_slice %arg21[%dma_wait3A_365, %dma_wait3A_366] : memref<10000x16xf32, #tpu.memory_space<vmem_shared>> -> memref<10000x16xf32, #tpu.memory_space<vmem_shared>>
    tpu.wait_indirect_dma semaphore(%arg23 : memref<!tpu.dma_semaphore, #tpu.memory_space<semaphore_mem>>) src(%dma_wait3A_361 : memref<160x16xf32, #tpu.memory_space<vmem>>) dst(%dma_wait3A_367 : memref<10000x16xf32, #tpu.memory_space<vmem_shared>>)
    %barrier3A_368 = arith.constant 0 : index
    tpu.barrier barrier_id(%barrier3A_368)
    %not3A_369 = arith.constant true
    %not3A_370 = arith.xori %eq3A_1, %not3A_369 : i1
    %convert_element_type3A_371 = arith.extui %not3A_370 : i1 to i32
    %cond3A_372 = arith.constant 0 : i32
    %cond3A_373 = arith.cmpi ne, %convert_element_type3A_371, %cond3A_372 : i32
    scf.if %cond3A_373 {
      %mul3A_791 = arith.constant 4 : i32
      %mul3A_792 = arith.muli %mul3A_791, %arg0 : i32
      %add3A_793 = arith.constant 0 : i32
      %add3A_794 = arith.addi %mul3A_792, %add3A_793 : i32
      "tpu.region"() ({
        %run_scoped3A = tpu.sem_alloc : memref<!tpu.dma_semaphore, #tpu.memory_space<semaphore_mem>>
        %dma_start3A_795 = arith.constant 0 : i32
        %dma_start3A_796 = tpu.memref_slice %arg10[%add3A_794, %multiple_of3A, %dma_start3A_795] : memref<8x10000x16xf32, #tpu.memory_space<hbm>> -> memref<1x624x16xf32, #tpu.memory_space<hbm>>
        %dma_start3A_797 = tpu.memref_squeeze %dma_start3A_796 : memref<1x624x16xf32, #tpu.memory_space<hbm>> -> memref<624x16xf32, #tpu.memory_space<hbm>>
        %dma_start3A_798 = arith.constant 0 : i32
        %dma_start3A_799 = tpu.memref_slice %arg21[%multiple_of3A, %dma_start3A_798] : memref<10000x16xf32, #tpu.memory_space<vmem_shared>> -> memref<624x16xf32, #tpu.memory_space<vmem_shared>>
        tpu.enqueue_dma source(%dma_start3A_799 : memref<624x16xf32, #tpu.memory_space<vmem_shared>>) target(%dma_start3A_797 : memref<624x16xf32, #tpu.memory_space<hbm>>) target_semaphore(%run_scoped3A : memref<!tpu.dma_semaphore, #tpu.memory_space<semaphore_mem>>)
        %dma_wait3A_800 = arith.constant 0 : i32
        %dma_wait3A_801 = tpu.memref_slice %arg10[%add3A_794, %multiple_of3A, %dma_wait3A_800] : memref<8x10000x16xf32, #tpu.memory_space<hbm>> -> memref<1x624x16xf32, #tpu.memory_space<hbm>>
        %dma_wait3A_802 = tpu.memref_squeeze %dma_wait3A_801 : memref<1x624x16xf32, #tpu.memory_space<hbm>> -> memref<624x16xf32, #tpu.memory_space<hbm>>
        %dma_wait3A_803 = arith.constant 0 : i32
        %dma_wait3A_804 = tpu.memref_slice %arg21[%multiple_of3A, %dma_wait3A_803] : memref<10000x16xf32, #tpu.memory_space<vmem_shared>> -> memref<624x16xf32, #tpu.memory_space<vmem_shared>>
        tpu.wait_dma2 semaphore(%run_scoped3A : memref<!tpu.dma_semaphore, #tpu.memory_space<semaphore_mem>>) src(%dma_wait3A_804 : memref<624x16xf32, #tpu.memory_space<vmem_shared>>) dst(%dma_wait3A_802 : memref<624x16xf32, #tpu.memory_space<hbm>>)
        tpu.yield
      }) : () -> ()
    } else {
    }
    %convert_element_type3A_374 = arith.extui %eq3A_1 : i1 to i32
    %cond3A_375 = arith.constant 0 : i32
    %cond3A_376 = arith.cmpi ne, %convert_element_type3A_374, %cond3A_375 : i32
    scf.if %cond3A_376 {
      %mul3A_791 = arith.constant 4 : i32
      %mul3A_792 = arith.muli %mul3A_791, %arg0 : i32
      %add3A_793 = arith.constant 0 : i32
      %add3A_794 = arith.addi %mul3A_792, %add3A_793 : i32
      "tpu.region"() ({
        %run_scoped3A = tpu.sem_alloc : memref<!tpu.dma_semaphore, #tpu.memory_space<semaphore_mem>>
        %dma_start3A_795 = arith.constant 9360 : i32
        %dma_start3A_796 = arith.constant 0 : i32
        %dma_start3A_797 = tpu.memref_slice %arg10[%add3A_794, %dma_start3A_795, %dma_start3A_796] : memref<8x10000x16xf32, #tpu.memory_space<hbm>> -> memref<1x640x16xf32, #tpu.memory_space<hbm>>
        %dma_start3A_798 = tpu.memref_squeeze %dma_start3A_797 : memref<1x640x16xf32, #tpu.memory_space<hbm>> -> memref<640x16xf32, #tpu.memory_space<hbm>>
        %dma_start3A_799 = arith.constant 9360 : i32
        %dma_start3A_800 = arith.constant 0 : i32
        %dma_start3A_801 = tpu.memref_slice %arg21[%dma_start3A_799, %dma_start3A_800] : memref<10000x16xf32, #tpu.memory_space<vmem_shared>> -> memref<640x16xf32, #tpu.memory_space<vmem_shared>>
        tpu.enqueue_dma source(%dma_start3A_801 : memref<640x16xf32, #tpu.memory_space<vmem_shared>>) target(%dma_start3A_798 : memref<640x16xf32, #tpu.memory_space<hbm>>) target_semaphore(%run_scoped3A : memref<!tpu.dma_semaphore, #tpu.memory_space<semaphore_mem>>)
        %dma_wait3A_802 = arith.constant 9360 : i32
        %dma_wait3A_803 = arith.constant 0 : i32
        %dma_wait3A_804 = tpu.memref_slice %arg10[%add3A_794, %dma_wait3A_802, %dma_wait3A_803] : memref<8x10000x16xf32, #tpu.memory_space<hbm>> -> memref<1x640x16xf32, #tpu.memory_space<hbm>>
        %dma_wait3A_805 = tpu.memref_squeeze %dma_wait3A_804 : memref<1x640x16xf32, #tpu.memory_space<hbm>> -> memref<640x16xf32, #tpu.memory_space<hbm>>
        %dma_wait3A_806 = arith.constant 9360 : i32
        %dma_wait3A_807 = arith.constant 0 : i32
        %dma_wait3A_808 = tpu.memref_slice %arg21[%dma_wait3A_806, %dma_wait3A_807] : memref<10000x16xf32, #tpu.memory_space<vmem_shared>> -> memref<640x16xf32, #tpu.memory_space<vmem_shared>>
        tpu.wait_dma2 semaphore(%run_scoped3A : memref<!tpu.dma_semaphore, #tpu.memory_space<semaphore_mem>>) src(%dma_wait3A_808 : memref<640x16xf32, #tpu.memory_space<vmem_shared>>) dst(%dma_wait3A_805 : memref<640x16xf32, #tpu.memory_space<hbm>>)
        tpu.yield
      }) : () -> ()
    } else {
    }
    %not3A_377 = arith.constant true
    %not3A_378 = arith.xori %eq3A_1, %not3A_377 : i1
    %convert_element_type3A_379 = arith.extui %not3A_378 : i1 to i32
    %cond3A_380 = arith.constant 0 : i32
    %cond3A_381 = arith.cmpi ne, %convert_element_type3A_379, %cond3A_380 : i32
    scf.if %cond3A_381 {
      "tpu.region"() ({
        %run_scoped3A = tpu.sem_alloc : memref<!tpu.dma_semaphore, #tpu.memory_space<semaphore_mem>>
        %dma_start3A_791 = arith.constant 0 : i32
        %dma_start3A_792 = tpu.memref_slice %arg21[%multiple_of3A, %dma_start3A_791] : memref<10000x16xf32, #tpu.memory_space<vmem_shared>> -> memref<624x16xf32, #tpu.memory_space<vmem_shared>>
        %dma_start3A_793 = arith.constant 0 : i32
        %dma_start3A_794 = arith.constant 0 : i32
        %dma_start3A_795 = tpu.memref_slice %arg8[%dma_start3A_793, %dma_start3A_794] : memref<640x16xf32, #tpu.memory_space<hbm>> -> memref<624x16xf32, #tpu.memory_space<hbm>>
        tpu.enqueue_dma source(%dma_start3A_795 : memref<624x16xf32, #tpu.memory_space<hbm>>) target(%dma_start3A_792 : memref<624x16xf32, #tpu.memory_space<vmem_shared>>) target_semaphore(%run_scoped3A : memref<!tpu.dma_semaphore, #tpu.memory_space<semaphore_mem>>)
        %dma_wait3A_796 = arith.constant 0 : i32
        %dma_wait3A_797 = tpu.memref_slice %arg21[%multiple_of3A, %dma_wait3A_796] : memref<10000x16xf32, #tpu.memory_space<vmem_shared>> -> memref<624x16xf32, #tpu.memory_space<vmem_shared>>
        %dma_wait3A_798 = arith.constant 0 : i32
        %dma_wait3A_799 = arith.constant 0 : i32
        %dma_wait3A_800 = tpu.memref_slice %arg8[%dma_wait3A_798, %dma_wait3A_799] : memref<640x16xf32, #tpu.memory_space<hbm>> -> memref<624x16xf32, #tpu.memory_space<hbm>>
        tpu.wait_dma2 semaphore(%run_scoped3A : memref<!tpu.dma_semaphore, #tpu.memory_space<semaphore_mem>>) src(%dma_wait3A_800 : memref<624x16xf32, #tpu.memory_space<hbm>>) dst(%dma_wait3A_797 : memref<624x16xf32, #tpu.memory_space<vmem_shared>>)
        tpu.yield
      }) : () -> ()
    } else {
    }
    %convert_element_type3A_382 = arith.extui %eq3A_1 : i1 to i32
    %cond3A_383 = arith.constant 0 : i32
    %cond3A_384 = arith.cmpi ne, %convert_element_type3A_382, %cond3A_383 : i32
    scf.if %cond3A_384 {
      "tpu.region"() ({
        %run_scoped3A = tpu.sem_alloc : memref<!tpu.dma_semaphore, #tpu.memory_space<semaphore_mem>>
        %dma_start3A_791 = arith.constant 9360 : i32
        %dma_start3A_792 = arith.constant 0 : i32
        %dma_start3A_793 = tpu.memref_slice %arg21[%dma_start3A_791, %dma_start3A_792] : memref<10000x16xf32, #tpu.memory_space<vmem_shared>> -> memref<640x16xf32, #tpu.memory_space<vmem_shared>>
        tpu.enqueue_dma source(%arg8 : memref<640x16xf32, #tpu.memory_space<hbm>>) target(%dma_start3A_793 : memref<640x16xf32, #tpu.memory_space<vmem_shared>>) target_semaphore(%run_scoped3A : memref<!tpu.dma_semaphore, #tpu.memory_space<semaphore_mem>>)
        %dma_wait3A_794 = arith.constant 9360 : i32
        %dma_wait3A_795 = arith.constant 0 : i32
        %dma_wait3A_796 = tpu.memref_slice %arg21[%dma_wait3A_794, %dma_wait3A_795] : memref<10000x16xf32, #tpu.memory_space<vmem_shared>> -> memref<640x16xf32, #tpu.memory_space<vmem_shared>>
        tpu.wait_dma2 semaphore(%run_scoped3A : memref<!tpu.dma_semaphore, #tpu.memory_space<semaphore_mem>>) src(%arg8 : memref<640x16xf32, #tpu.memory_space<hbm>>) dst(%dma_wait3A_796 : memref<640x16xf32, #tpu.memory_space<vmem_shared>>)
        tpu.yield
      }) : () -> ()
    } else {
    }
    %barrier3A_385 = arith.constant 0 : index
    tpu.barrier barrier_id(%barrier3A_385)
    %get3A_386 = arith.constant 0 : i32
    %get3A_387 = arith.index_cast %get3A_386 : i32 to index
    %get3A_388 = arith.constant 0 : index
    %get3A_389 = tpu.vector_load %arg15[%get3A_387, %get3A_388] {strides = array<i32>} : memref<125x160xi32, #tpu.memory_space<vmem>>, vector<16xi32>,
    %add3A_390 = arith.addi %get3A_389, %broadcast_in_dim3A_8 : vector<16xi32>
    %swap3A_391 = arith.constant 0 : i32
    %swap3A_392 = arith.index_cast %swap3A_391 : i32 to index
    %swap3A_393 = arith.constant 0 : index
    %swap3A_394 = tpu.vector_load %arg15[%swap3A_392, %swap3A_393] {strides = array<i32>} : memref<125x160xi32, #tpu.memory_space<vmem>>, vector<16xi32>,
    tpu.vector_store %arg15[%swap3A_392, %swap3A_393], %add3A_390 {strides = array<i32>} : memref<125x160xi32, #tpu.memory_space<vmem>>, vector<16xi32>,
    %get3A_395 = arith.constant 0 : i32
    %get3A_396 = arith.index_cast %get3A_395 : i32 to index
    %get3A_397 = arith.constant 16 : index
    %get3A_398 = tpu.vector_load %arg15[%get3A_396, %get3A_397] {strides = array<i32>} : memref<125x160xi32, #tpu.memory_space<vmem>>, vector<16xi32>,
    %add3A_399 = arith.addi %get3A_398, %broadcast_in_dim3A_8 : vector<16xi32>
    %swap3A_400 = arith.constant 0 : i32
    %swap3A_401 = arith.index_cast %swap3A_400 : i32 to index
    %swap3A_402 = arith.constant 16 : index
    %swap3A_403 = tpu.vector_load %arg15[%swap3A_401, %swap3A_402] {strides = array<i32>} : memref<125x160xi32, #tpu.memory_space<vmem>>, vector<16xi32>,
    tpu.vector_store %arg15[%swap3A_401, %swap3A_402], %add3A_399 {strides = array<i32>} : memref<125x160xi32, #tpu.memory_space<vmem>>, vector<16xi32>,
    %get3A_404 = arith.constant 0 : i32
    %get3A_405 = arith.index_cast %get3A_404 : i32 to index
    %get3A_406 = arith.constant 32 : index
    %get3A_407 = tpu.vector_load %arg15[%get3A_405, %get3A_406] {strides = array<i32>} : memref<125x160xi32, #tpu.memory_space<vmem>>, vector<16xi32>,
    %add3A_408 = arith.addi %get3A_407, %broadcast_in_dim3A_8 : vector<16xi32>
    %swap3A_409 = arith.constant 0 : i32
    %swap3A_410 = arith.index_cast %swap3A_409 : i32 to index
    %swap3A_411 = arith.constant 32 : index
    %swap3A_412 = tpu.vector_load %arg15[%swap3A_410, %swap3A_411] {strides = array<i32>} : memref<125x160xi32, #tpu.memory_space<vmem>>, vector<16xi32>,
    tpu.vector_store %arg15[%swap3A_410, %swap3A_411], %add3A_408 {strides = array<i32>} : memref<125x160xi32, #tpu.memory_space<vmem>>, vector<16xi32>,
    %get3A_413 = arith.constant 0 : i32
    %get3A_414 = arith.index_cast %get3A_413 : i32 to index
    %get3A_415 = arith.constant 48 : index
    %get3A_416 = tpu.vector_load %arg15[%get3A_414, %get3A_415] {strides = array<i32>} : memref<125x160xi32, #tpu.memory_space<vmem>>, vector<16xi32>,
    %add3A_417 = arith.addi %get3A_416, %broadcast_in_dim3A_8 : vector<16xi32>
    %swap3A_418 = arith.constant 0 : i32
    %swap3A_419 = arith.index_cast %swap3A_418 : i32 to index
    %swap3A_420 = arith.constant 48 : index
    %swap3A_421 = tpu.vector_load %arg15[%swap3A_419, %swap3A_420] {strides = array<i32>} : memref<125x160xi32, #tpu.memory_space<vmem>>, vector<16xi32>,
    tpu.vector_store %arg15[%swap3A_419, %swap3A_420], %add3A_417 {strides = array<i32>} : memref<125x160xi32, #tpu.memory_space<vmem>>, vector<16xi32>,
    %get3A_422 = arith.constant 0 : i32
    %get3A_423 = arith.index_cast %get3A_422 : i32 to index
    %get3A_424 = arith.constant 64 : index
    %get3A_425 = tpu.vector_load %arg15[%get3A_423, %get3A_424] {strides = array<i32>} : memref<125x160xi32, #tpu.memory_space<vmem>>, vector<16xi32>,
    %add3A_426 = arith.addi %get3A_425, %broadcast_in_dim3A_8 : vector<16xi32>
    %swap3A_427 = arith.constant 0 : i32
    %swap3A_428 = arith.index_cast %swap3A_427 : i32 to index
    %swap3A_429 = arith.constant 64 : index
    %swap3A_430 = tpu.vector_load %arg15[%swap3A_428, %swap3A_429] {strides = array<i32>} : memref<125x160xi32, #tpu.memory_space<vmem>>, vector<16xi32>,
    tpu.vector_store %arg15[%swap3A_428, %swap3A_429], %add3A_426 {strides = array<i32>} : memref<125x160xi32, #tpu.memory_space<vmem>>, vector<16xi32>,
    %get3A_431 = arith.constant 0 : i32
    %get3A_432 = arith.index_cast %get3A_431 : i32 to index
    %get3A_433 = arith.constant 80 : index
    %get3A_434 = tpu.vector_load %arg15[%get3A_432, %get3A_433] {strides = array<i32>} : memref<125x160xi32, #tpu.memory_space<vmem>>, vector<16xi32>,
    %add3A_435 = arith.addi %get3A_434, %broadcast_in_dim3A_8 : vector<16xi32>
    %swap3A_436 = arith.constant 0 : i32
    %swap3A_437 = arith.index_cast %swap3A_436 : i32 to index
    %swap3A_438 = arith.constant 80 : index
    %swap3A_439 = tpu.vector_load %arg15[%swap3A_437, %swap3A_438] {strides = array<i32>} : memref<125x160xi32, #tpu.memory_space<vmem>>, vector<16xi32>,
    tpu.vector_store %arg15[%swap3A_437, %swap3A_438], %add3A_435 {strides = array<i32>} : memref<125x160xi32, #tpu.memory_space<vmem>>, vector<16xi32>,
    %get3A_440 = arith.constant 0 : i32
    %get3A_441 = arith.index_cast %get3A_440 : i32 to index
    %get3A_442 = arith.constant 96 : index
    %get3A_443 = tpu.vector_load %arg15[%get3A_441, %get3A_442] {strides = array<i32>} : memref<125x160xi32, #tpu.memory_space<vmem>>, vector<16xi32>,
    %add3A_444 = arith.addi %get3A_443, %broadcast_in_dim3A_8 : vector<16xi32>
    %swap3A_445 = arith.constant 0 : i32
    %swap3A_446 = arith.index_cast %swap3A_445 : i32 to index
    %swap3A_447 = arith.constant 96 : index
    %swap3A_448 = tpu.vector_load %arg15[%swap3A_446, %swap3A_447] {strides = array<i32>} : memref<125x160xi32, #tpu.memory_space<vmem>>, vector<16xi32>,
    tpu.vector_store %arg15[%swap3A_446, %swap3A_447], %add3A_444 {strides = array<i32>} : memref<125x160xi32, #tpu.memory_space<vmem>>, vector<16xi32>,
    %get3A_449 = arith.constant 0 : i32
    %get3A_450 = arith.index_cast %get3A_449 : i32 to index
    %get3A_451 = arith.constant 112 : index
    %get3A_452 = tpu.vector_load %arg15[%get3A_450, %get3A_451] {strides = array<i32>} : memref<125x160xi32, #tpu.memory_space<vmem>>, vector<16xi32>,
    %add3A_453 = arith.addi %get3A_452, %broadcast_in_dim3A_8 : vector<16xi32>
    %swap3A_454 = arith.constant 0 : i32
    %swap3A_455 = arith.index_cast %swap3A_454 : i32 to index
    %swap3A_456 = arith.constant 112 : index
    %swap3A_457 = tpu.vector_load %arg15[%swap3A_455, %swap3A_456] {strides = array<i32>} : memref<125x160xi32, #tpu.memory_space<vmem>>, vector<16xi32>,
    tpu.vector_store %arg15[%swap3A_455, %swap3A_456], %add3A_453 {strides = array<i32>} : memref<125x160xi32, #tpu.memory_space<vmem>>, vector<16xi32>,
    %get3A_458 = arith.constant 0 : i32
    %get3A_459 = arith.index_cast %get3A_458 : i32 to index
    %get3A_460 = arith.constant 128 : index
    %get3A_461 = tpu.vector_load %arg15[%get3A_459, %get3A_460] {strides = array<i32>} : memref<125x160xi32, #tpu.memory_space<vmem>>, vector<16xi32>,
    %add3A_462 = arith.addi %get3A_461, %broadcast_in_dim3A_8 : vector<16xi32>
    %swap3A_463 = arith.constant 0 : i32
    %swap3A_464 = arith.index_cast %swap3A_463 : i32 to index
    %swap3A_465 = arith.constant 128 : index
    %swap3A_466 = tpu.vector_load %arg15[%swap3A_464, %swap3A_465] {strides = array<i32>} : memref<125x160xi32, #tpu.memory_space<vmem>>, vector<16xi32>,
    tpu.vector_store %arg15[%swap3A_464, %swap3A_465], %add3A_462 {strides = array<i32>} : memref<125x160xi32, #tpu.memory_space<vmem>>, vector<16xi32>,
    %get3A_467 = arith.constant 0 : i32
    %get3A_468 = arith.index_cast %get3A_467 : i32 to index
    %get3A_469 = arith.constant 144 : index
    %get3A_470 = tpu.vector_load %arg15[%get3A_468, %get3A_469] {strides = array<i32>} : memref<125x160xi32, #tpu.memory_space<vmem>>, vector<16xi32>,
    %add3A_471 = arith.addi %get3A_470, %broadcast_in_dim3A_8 : vector<16xi32>
    %swap3A_472 = arith.constant 0 : i32
    %swap3A_473 = arith.index_cast %swap3A_472 : i32 to index
    %swap3A_474 = arith.constant 144 : index
    %swap3A_475 = tpu.vector_load %arg15[%swap3A_473, %swap3A_474] {strides = array<i32>} : memref<125x160xi32, #tpu.memory_space<vmem>>, vector<16xi32>,
    tpu.vector_store %arg15[%swap3A_473, %swap3A_474], %add3A_471 {strides = array<i32>} : memref<125x160xi32, #tpu.memory_space<vmem>>, vector<16xi32>,
    %dma_start3A_476 = arith.constant 0 : i32
    %dma_start3A_477 = arith.constant 0 : i32
    %dma_start3A_478 = arith.constant 0 : i32
    %dma_start3A_479 = arith.constant 0 : i32
    %dma_start3A_480 = tpu.memref_slice %arg18[%dma_start3A_477, %dma_start3A_478, %dma_start3A_479] : memref<2x160x16xf32, #tpu.memory_space<vmem>> -> memref<1x160x16xf32, #tpu.memory_space<vmem>>
    %dma_start3A_481 = tpu.memref_squeeze %dma_start3A_480 : memref<1x160x16xf32, #tpu.memory_space<vmem>> -> memref<160x16xf32, #tpu.memory_space<vmem>>
    %dma_start3A_482 = arith.constant 0 : i32
    %dma_start3A_483 = tpu.memref_slice %arg15[%dma_start3A_476, %dma_start3A_482] : memref<125x160xi32, #tpu.memory_space<vmem>> -> memref<1x160xi32, #tpu.memory_space<vmem>>
    %dma_start3A_484 = tpu.memref_squeeze %dma_start3A_483 : memref<1x160xi32, #tpu.memory_space<vmem>> -> memref<160xi32, #tpu.memory_space<vmem>>
    %dma_start3A_485 = arith.constant 0 : i32
    %dma_start3A_486 = arith.constant 0 : i32
    %dma_start3A_487 = tpu.memref_slice %arg9[%dma_start3A_485, %dma_start3A_486] : memref<80000x16xf32, #tpu.memory_space<hbm>> -> memref<80000x16xf32, #tpu.memory_space<hbm>>
    tpu.enqueue_indirect_dma source(%dma_start3A_487 : memref<80000x16xf32, #tpu.memory_space<hbm>>) target(%dma_start3A_481 : memref<160x16xf32, #tpu.memory_space<vmem>>) offsets(%dma_start3A_484 : memref<160xi32, #tpu.memory_space<vmem>>) semaphore(%arg22 : memref<!tpu.dma_semaphore, #tpu.memory_space<semaphore_mem>>)
    %scan3A_488 = arith.constant 0 : i32
    %scan3A_489 = arith.constant 0 : i32
    %scan3A_490 = arith.constant 125 : i32
    %scan3A_491 = arith.addi %scan3A_489, %scan3A_490 : i32
    %scan3A_492 = arith.constant 1 : i32
    scf.for %scan3A_791 = %scan3A_489 to %scan3A_491 step %scan3A_492  : i32 {
      %rem3A = arith.constant 2 : i32
      %rem3A_792 = arith.remsi %scan3A_791, %rem3A : i32
      %add3A_793 = arith.constant 1 : i32
      %add3A_794 = arith.addi %scan3A_791, %add3A_793 : i32
      %rem3A_795 = arith.constant 2 : i32
      %rem3A_796 = arith.remsi %add3A_794, %rem3A_795 : i32
      %add3A_797 = arith.constant 1 : i32
      %add3A_798 = arith.addi %scan3A_791, %add3A_797 : i32
      %lt3A = arith.constant 125 : i32
      %lt3A_799 = arith.cmpi slt, %add3A_798, %lt3A : i32
      %convert_element_type3A_800 = arith.extui %lt3A_799 : i1 to i32
      %cond3A_801 = arith.constant 0 : i32
      %cond3A_802 = arith.cmpi ne, %convert_element_type3A_800, %cond3A_801 : i32
      scf.if %cond3A_802 {
        %add3A_836 = arith.constant 1 : i32
        %add3A_837 = arith.addi %scan3A_791, %add3A_836 : i32
        %get3A_838 = arith.index_cast %add3A_837 : i32 to index
        %get3A_839 = arith.constant 0 : index
        %get3A_840 = tpu.vector_load %arg15[%get3A_838, %get3A_839] {strides = array<i32>} : memref<125x160xi32, #tpu.memory_space<vmem>>, vector<16xi32>,
        %add3A_841 = arith.addi %get3A_840, %broadcast_in_dim3A_8 : vector<16xi32>
        %swap3A_842 = arith.index_cast %add3A_837 : i32 to index
        %swap3A_843 = arith.constant 0 : index
        %swap3A_844 = tpu.vector_load %arg15[%swap3A_842, %swap3A_843] {strides = array<i32>} : memref<125x160xi32, #tpu.memory_space<vmem>>, vector<16xi32>,
        tpu.vector_store %arg15[%swap3A_842, %swap3A_843], %add3A_841 {strides = array<i32>} : memref<125x160xi32, #tpu.memory_space<vmem>>, vector<16xi32>,
        %get3A_845 = arith.index_cast %add3A_837 : i32 to index
        %get3A_846 = arith.constant 16 : index
        %get3A_847 = tpu.vector_load %arg15[%get3A_845, %get3A_846] {strides = array<i32>} : memref<125x160xi32, #tpu.memory_space<vmem>>, vector<16xi32>,
        %add3A_848 = arith.addi %get3A_847, %broadcast_in_dim3A_8 : vector<16xi32>
        %swap3A_849 = arith.index_cast %add3A_837 : i32 to index
        %swap3A_850 = arith.constant 16 : index
        %swap3A_851 = tpu.vector_load %arg15[%swap3A_849, %swap3A_850] {strides = array<i32>} : memref<125x160xi32, #tpu.memory_space<vmem>>, vector<16xi32>,
        tpu.vector_store %arg15[%swap3A_849, %swap3A_850], %add3A_848 {strides = array<i32>} : memref<125x160xi32, #tpu.memory_space<vmem>>, vector<16xi32>,
        %get3A_852 = arith.index_cast %add3A_837 : i32 to index
        %get3A_853 = arith.constant 32 : index
        %get3A_854 = tpu.vector_load %arg15[%get3A_852, %get3A_853] {strides = array<i32>} : memref<125x160xi32, #tpu.memory_space<vmem>>, vector<16xi32>,
        %add3A_855 = arith.addi %get3A_854, %broadcast_in_dim3A_8 : vector<16xi32>
        %swap3A_856 = arith.index_cast %add3A_837 : i32 to index
        %swap3A_857 = arith.constant 32 : index
        %swap3A_858 = tpu.vector_load %arg15[%swap3A_856, %swap3A_857] {strides = array<i32>} : memref<125x160xi32, #tpu.memory_space<vmem>>, vector<16xi32>,
        tpu.vector_store %arg15[%swap3A_856, %swap3A_857], %add3A_855 {strides = array<i32>} : memref<125x160xi32, #tpu.memory_space<vmem>>, vector<16xi32>,
        %get3A_859 = arith.index_cast %add3A_837 : i32 to index
        %get3A_860 = arith.constant 48 : index
        %get3A_861 = tpu.vector_load %arg15[%get3A_859, %get3A_860] {strides = array<i32>} : memref<125x160xi32, #tpu.memory_space<vmem>>, vector<16xi32>,
        %add3A_862 = arith.addi %get3A_861, %broadcast_in_dim3A_8 : vector<16xi32>
        %swap3A_863 = arith.index_cast %add3A_837 : i32 to index
        %swap3A_864 = arith.constant 48 : index
        %swap3A_865 = tpu.vector_load %arg15[%swap3A_863, %swap3A_864] {strides = array<i32>} : memref<125x160xi32, #tpu.memory_space<vmem>>, vector<16xi32>,
        tpu.vector_store %arg15[%swap3A_863, %swap3A_864], %add3A_862 {strides = array<i32>} : memref<125x160xi32, #tpu.memory_space<vmem>>, vector<16xi32>,
        %get3A_866 = arith.index_cast %add3A_837 : i32 to index
        %get3A_867 = arith.constant 64 : index
        %get3A_868 = tpu.vector_load %arg15[%get3A_866, %get3A_867] {strides = array<i32>} : memref<125x160xi32, #tpu.memory_space<vmem>>, vector<16xi32>,
        %add3A_869 = arith.addi %get3A_868, %broadcast_in_dim3A_8 : vector<16xi32>
        %swap3A_870 = arith.index_cast %add3A_837 : i32 to index
        %swap3A_871 = arith.constant 64 : index
        %swap3A_872 = tpu.vector_load %arg15[%swap3A_870, %swap3A_871] {strides = array<i32>} : memref<125x160xi32, #tpu.memory_space<vmem>>, vector<16xi32>,
        tpu.vector_store %arg15[%swap3A_870, %swap3A_871], %add3A_869 {strides = array<i32>} : memref<125x160xi32, #tpu.memory_space<vmem>>, vector<16xi32>,
        %get3A_873 = arith.index_cast %add3A_837 : i32 to index
        %get3A_874 = arith.constant 80 : index
        %get3A_875 = tpu.vector_load %arg15[%get3A_873, %get3A_874] {strides = array<i32>} : memref<125x160xi32, #tpu.memory_space<vmem>>, vector<16xi32>,
        %add3A_876 = arith.addi %get3A_875, %broadcast_in_dim3A_8 : vector<16xi32>
        %swap3A_877 = arith.index_cast %add3A_837 : i32 to index
        %swap3A_878 = arith.constant 80 : index
        %swap3A_879 = tpu.vector_load %arg15[%swap3A_877, %swap3A_878] {strides = array<i32>} : memref<125x160xi32, #tpu.memory_space<vmem>>, vector<16xi32>,
        tpu.vector_store %arg15[%swap3A_877, %swap3A_878], %add3A_876 {strides = array<i32>} : memref<125x160xi32, #tpu.memory_space<vmem>>, vector<16xi32>,
        %get3A_880 = arith.index_cast %add3A_837 : i32 to index
        %get3A_881 = arith.constant 96 : index
        %get3A_882 = tpu.vector_load %arg15[%get3A_880, %get3A_881] {strides = array<i32>} : memref<125x160xi32, #tpu.memory_space<vmem>>, vector<16xi32>,
        %add3A_883 = arith.addi %get3A_882, %broadcast_in_dim3A_8 : vector<16xi32>
        %swap3A_884 = arith.index_cast %add3A_837 : i32 to index
        %swap3A_885 = arith.constant 96 : index
        %swap3A_886 = tpu.vector_load %arg15[%swap3A_884, %swap3A_885] {strides = array<i32>} : memref<125x160xi32, #tpu.memory_space<vmem>>, vector<16xi32>,
        tpu.vector_store %arg15[%swap3A_884, %swap3A_885], %add3A_883 {strides = array<i32>} : memref<125x160xi32, #tpu.memory_space<vmem>>, vector<16xi32>,
        %get3A_887 = arith.index_cast %add3A_837 : i32 to index
        %get3A_888 = arith.constant 112 : index
        %get3A_889 = tpu.vector_load %arg15[%get3A_887, %get3A_888] {strides = array<i32>} : memref<125x160xi32, #tpu.memory_space<vmem>>, vector<16xi32>,
        %add3A_890 = arith.addi %get3A_889, %broadcast_in_dim3A_8 : vector<16xi32>
        %swap3A_891 = arith.index_cast %add3A_837 : i32 to index
        %swap3A_892 = arith.constant 112 : index
        %swap3A_893 = tpu.vector_load %arg15[%swap3A_891, %swap3A_892] {strides = array<i32>} : memref<125x160xi32, #tpu.memory_space<vmem>>, vector<16xi32>,
        tpu.vector_store %arg15[%swap3A_891, %swap3A_892], %add3A_890 {strides = array<i32>} : memref<125x160xi32, #tpu.memory_space<vmem>>, vector<16xi32>,
        %get3A_894 = arith.index_cast %add3A_837 : i32 to index
        %get3A_895 = arith.constant 128 : index
        %get3A_896 = tpu.vector_load %arg15[%get3A_894, %get3A_895] {strides = array<i32>} : memref<125x160xi32, #tpu.memory_space<vmem>>, vector<16xi32>,
        %add3A_897 = arith.addi %get3A_896, %broadcast_in_dim3A_8 : vector<16xi32>
        %swap3A_898 = arith.index_cast %add3A_837 : i32 to index
        %swap3A_899 = arith.constant 128 : index
        %swap3A_900 = tpu.vector_load %arg15[%swap3A_898, %swap3A_899] {strides = array<i32>} : memref<125x160xi32, #tpu.memory_space<vmem>>, vector<16xi32>,
        tpu.vector_store %arg15[%swap3A_898, %swap3A_899], %add3A_897 {strides = array<i32>} : memref<125x160xi32, #tpu.memory_space<vmem>>, vector<16xi32>,
        %get3A_901 = arith.index_cast %add3A_837 : i32 to index
        %get3A_902 = arith.constant 144 : index
        %get3A_903 = tpu.vector_load %arg15[%get3A_901, %get3A_902] {strides = array<i32>} : memref<125x160xi32, #tpu.memory_space<vmem>>, vector<16xi32>,
        %add3A_904 = arith.addi %get3A_903, %broadcast_in_dim3A_8 : vector<16xi32>
        %swap3A_905 = arith.index_cast %add3A_837 : i32 to index
        %swap3A_906 = arith.constant 144 : index
        %swap3A_907 = tpu.vector_load %arg15[%swap3A_905, %swap3A_906] {strides = array<i32>} : memref<125x160xi32, #tpu.memory_space<vmem>>, vector<16xi32>,
        tpu.vector_store %arg15[%swap3A_905, %swap3A_906], %add3A_904 {strides = array<i32>} : memref<125x160xi32, #tpu.memory_space<vmem>>, vector<16xi32>,
        %add3A_908 = arith.constant 1 : i32
        %add3A_909 = arith.addi %scan3A_791, %add3A_908 : i32
        %dma_start3A_910 = arith.constant 0 : i32
        %dma_start3A_911 = arith.constant 0 : i32
        %dma_start3A_912 = tpu.memref_slice %arg18[%rem3A_796, %dma_start3A_910, %dma_start3A_911] : memref<2x160x16xf32, #tpu.memory_space<vmem>> -> memref<1x160x16xf32, #tpu.memory_space<vmem>>
        %dma_start3A_913 = tpu.memref_squeeze %dma_start3A_912 : memref<1x160x16xf32, #tpu.memory_space<vmem>> -> memref<160x16xf32, #tpu.memory_space<vmem>>
        %dma_start3A_914 = arith.constant 0 : i32
        %dma_start3A_915 = tpu.memref_slice %arg15[%add3A_909, %dma_start3A_914] : memref<125x160xi32, #tpu.memory_space<vmem>> -> memref<1x160xi32, #tpu.memory_space<vmem>>
        %dma_start3A_916 = tpu.memref_squeeze %dma_start3A_915 : memref<1x160xi32, #tpu.memory_space<vmem>> -> memref<160xi32, #tpu.memory_space<vmem>>
        %dma_start3A_917 = arith.constant 0 : i32
        %dma_start3A_918 = arith.constant 0 : i32
        %dma_start3A_919 = tpu.memref_slice %arg9[%dma_start3A_917, %dma_start3A_918] : memref<80000x16xf32, #tpu.memory_space<hbm>> -> memref<80000x16xf32, #tpu.memory_space<hbm>>
        tpu.enqueue_indirect_dma source(%dma_start3A_919 : memref<80000x16xf32, #tpu.memory_space<hbm>>) target(%dma_start3A_913 : memref<160x16xf32, #tpu.memory_space<vmem>>) offsets(%dma_start3A_916 : memref<160xi32, #tpu.memory_space<vmem>>) semaphore(%arg22 : memref<!tpu.dma_semaphore, #tpu.memory_space<semaphore_mem>>)
      } else {
      }
      %ge3A = arith.constant 1 : i32
      %ge3A_803 = arith.cmpi sge, %scan3A_791, %ge3A : i32
      %convert_element_type3A_804 = arith.extui %ge3A_803 : i1 to i32
      %cond3A_805 = arith.constant 0 : i32
      %cond3A_806 = arith.cmpi ne, %convert_element_type3A_804, %cond3A_805 : i32
      scf.if %cond3A_806 {
        %dma_wait3A_836 = arith.constant 0 : i32
        %dma_wait3A_837 = arith.constant 0 : i32
        %dma_wait3A_838 = arith.constant 0 : i32
        %dma_wait3A_839 = arith.constant 0 : i32
        %dma_wait3A_840 = tpu.memref_slice %arg19[%dma_wait3A_836, %dma_wait3A_838, %dma_wait3A_839] : memref<2x160x16xf32, #tpu.memory_space<vmem>> -> memref<1x160x16xf32, #tpu.memory_space<vmem>>
        %dma_wait3A_841 = tpu.memref_squeeze %dma_wait3A_840 : memref<1x160x16xf32, #tpu.memory_space<vmem>> -> memref<160x16xf32, #tpu.memory_space<vmem>>
        %dma_wait3A_842 = arith.constant 0 : i32
        %dma_wait3A_843 = tpu.memref_slice %arg16[%dma_wait3A_837, %dma_wait3A_842] : memref<125x160xi32, #tpu.memory_space<vmem>> -> memref<1x160xi32, #tpu.memory_space<vmem>>
        %dma_wait3A_844 = tpu.memref_squeeze %dma_wait3A_843 : memref<1x160xi32, #tpu.memory_space<vmem>> -> memref<160xi32, #tpu.memory_space<vmem>>
        %dma_wait3A_845 = arith.constant 0 : i32
        %dma_wait3A_846 = arith.constant 0 : i32
        %dma_wait3A_847 = tpu.memref_slice %arg21[%dma_wait3A_845, %dma_wait3A_846] : memref<10000x16xf32, #tpu.memory_space<vmem_shared>> -> memref<10000x16xf32, #tpu.memory_space<vmem_shared>>
        tpu.wait_indirect_dma semaphore(%arg23 : memref<!tpu.dma_semaphore, #tpu.memory_space<semaphore_mem>>) src(%dma_wait3A_841 : memref<160x16xf32, #tpu.memory_space<vmem>>) dst(%dma_wait3A_847 : memref<10000x16xf32, #tpu.memory_space<vmem_shared>>)
      } else {
      }
      %dma_wait3A_807 = arith.constant 0 : i32
      %dma_wait3A_808 = arith.constant 0 : i32
      %dma_wait3A_809 = tpu.memref_slice %arg18[%rem3A_792, %dma_wait3A_807, %dma_wait3A_808] : memref<2x160x16xf32, #tpu.memory_space<vmem>> -> memref<1x160x16xf32, #tpu.memory_space<vmem>>
      %dma_wait3A_810 = tpu.memref_squeeze %dma_wait3A_809 : memref<1x160x16xf32, #tpu.memory_space<vmem>> -> memref<160x16xf32, #tpu.memory_space<vmem>>
      %dma_wait3A_811 = arith.constant 0 : i32
      %dma_wait3A_812 = tpu.memref_slice %arg15[%scan3A_791, %dma_wait3A_811] : memref<125x160xi32, #tpu.memory_space<vmem>> -> memref<1x160xi32, #tpu.memory_space<vmem>>
      %dma_wait3A_813 = tpu.memref_squeeze %dma_wait3A_812 : memref<1x160xi32, #tpu.memory_space<vmem>> -> memref<160xi32, #tpu.memory_space<vmem>>
      %dma_wait3A_814 = arith.constant 0 : i32
      %dma_wait3A_815 = arith.constant 0 : i32
      %dma_wait3A_816 = tpu.memref_slice %arg9[%dma_wait3A_814, %dma_wait3A_815] : memref<80000x16xf32, #tpu.memory_space<hbm>> -> memref<80000x16xf32, #tpu.memory_space<hbm>>
      tpu.wait_indirect_dma semaphore(%arg22 : memref<!tpu.dma_semaphore, #tpu.memory_space<semaphore_mem>>) src(%dma_wait3A_816 : memref<80000x16xf32, #tpu.memory_space<hbm>>) dst(%dma_wait3A_810 : memref<160x16xf32, #tpu.memory_space<vmem>>)
      %mul3A_817 = arith.constant 160 : i32
      %mul3A_818 = arith.muli %scan3A_791, %mul3A_817 : i32
      %broadcast_in_dim3A_819 = vector.broadcast %mul3A_818 : i32 to vector<16xi32>
      %scan3A_820 = arith.constant 0 : i32
      %scan3A_821 = arith.constant 0 : i32
      %scan3A_822 = arith.constant 10 : i32
      %scan3A_823 = arith.addi %scan3A_821, %scan3A_822 : i32
      %scan3A_824 = arith.constant 1 : i32
      scf.for %scan3A_836 = %scan3A_821 to %scan3A_823 step %scan3A_824  : i32 {
        %mul3A_837 = arith.constant 16 : i32
        %mul3A_838 = arith.muli %scan3A_836, %mul3A_837 : i32
        %add3A_839 = arith.constant 0 : i32
        %add3A_840 = arith.addi %mul3A_838, %add3A_839 : i32
        %add3A_841 = vector.broadcast %add3A_840 : i32 to vector<16xi32>
        %add3A_842 = arith.addi %broadcast_in_dim3A_819, %add3A_841 : vector<16xi32>
        %gather3A_843 = tpu.vector_load_idx %arg17[%add3A_842] : memref<20000xf32, #tpu.memory_space<vmem>>[vector<16xi32>], vector<16xf32>,
        %get3A_844 = arith.index_cast %rem3A_792 : i32 to index
        %get3A_845 = arith.index_cast %add3A_840 : i32 to index
        %get3A_846 = arith.constant 0 : index
        %get3A_847 = tpu.vector_load %arg18[%get3A_844, %get3A_845, %get3A_846] {strides = array<i32>} : memref<2x160x16xf32, #tpu.memory_space<vmem>>, vector<16xf32>,
        %mul3A_848 = arith.mulf %get3A_847, %gather3A_843 : vector<16xf32>
        %swap3A_849 = arith.index_cast %rem3A_792 : i32 to index
        %swap3A_850 = arith.index_cast %add3A_840 : i32 to index
        %swap3A_851 = arith.constant 0 : index
        %swap3A_852 = tpu.vector_load %arg19[%swap3A_849, %swap3A_850, %swap3A_851] {strides = array<i32>} : memref<2x160x16xf32, #tpu.memory_space<vmem>>, vector<16xf32>,
        tpu.vector_store %arg19[%swap3A_849, %swap3A_850, %swap3A_851], %mul3A_848 {strides = array<i32>} : memref<2x160x16xf32, #tpu.memory_space<vmem>>, vector<16xf32>,
        %mul3A_853 = arith.constant 16 : i32
        %mul3A_854 = arith.muli %scan3A_836, %mul3A_853 : i32
        %add3A_855 = arith.constant 1 : i32
        %add3A_856 = arith.addi %mul3A_854, %add3A_855 : i32
        %add3A_857 = vector.broadcast %add3A_856 : i32 to vector<16xi32>
        %add3A_858 = arith.addi %broadcast_in_dim3A_819, %add3A_857 : vector<16xi32>
        %gather3A_859 = tpu.vector_load_idx %arg17[%add3A_858] : memref<20000xf32, #tpu.memory_space<vmem>>[vector<16xi32>], vector<16xf32>,
        %get3A_860 = arith.index_cast %rem3A_792 : i32 to index
        %get3A_861 = arith.index_cast %add3A_856 : i32 to index
        %get3A_862 = arith.constant 0 : index
        %get3A_863 = tpu.vector_load %arg18[%get3A_860, %get3A_861, %get3A_862] {strides = array<i32>} : memref<2x160x16xf32, #tpu.memory_space<vmem>>, vector<16xf32>,
        %mul3A_864 = arith.mulf %get3A_863, %gather3A_859 : vector<16xf32>
        %swap3A_865 = arith.index_cast %rem3A_792 : i32 to index
        %swap3A_866 = arith.index_cast %add3A_856 : i32 to index
        %swap3A_867 = arith.constant 0 : index
        %swap3A_868 = tpu.vector_load %arg19[%swap3A_865, %swap3A_866, %swap3A_867] {strides = array<i32>} : memref<2x160x16xf32, #tpu.memory_space<vmem>>, vector<16xf32>,
        tpu.vector_store %arg19[%swap3A_865, %swap3A_866, %swap3A_867], %mul3A_864 {strides = array<i32>} : memref<2x160x16xf32, #tpu.memory_space<vmem>>, vector<16xf32>,
        %mul3A_869 = arith.constant 16 : i32
        %mul3A_870 = arith.muli %scan3A_836, %mul3A_869 : i32
        %add3A_871 = arith.constant 2 : i32
        %add3A_872 = arith.addi %mul3A_870, %add3A_871 : i32
        %add3A_873 = vector.broadcast %add3A_872 : i32 to vector<16xi32>
        %add3A_874 = arith.addi %broadcast_in_dim3A_819, %add3A_873 : vector<16xi32>
        %gather3A_875 = tpu.vector_load_idx %arg17[%add3A_874] : memref<20000xf32, #tpu.memory_space<vmem>>[vector<16xi32>], vector<16xf32>,
        %get3A_876 = arith.index_cast %rem3A_792 : i32 to index
        %get3A_877 = arith.index_cast %add3A_872 : i32 to index
        %get3A_878 = arith.constant 0 : index
        %get3A_879 = tpu.vector_load %arg18[%get3A_876, %get3A_877, %get3A_878] {strides = array<i32>} : memref<2x160x16xf32, #tpu.memory_space<vmem>>, vector<16xf32>,
        %mul3A_880 = arith.mulf %get3A_879, %gather3A_875 : vector<16xf32>
        %swap3A_881 = arith.index_cast %rem3A_792 : i32 to index
        %swap3A_882 = arith.index_cast %add3A_872 : i32 to index
        %swap3A_883 = arith.constant 0 : index
        %swap3A_884 = tpu.vector_load %arg19[%swap3A_881, %swap3A_882, %swap3A_883] {strides = array<i32>} : memref<2x160x16xf32, #tpu.memory_space<vmem>>, vector<16xf32>,
        tpu.vector_store %arg19[%swap3A_881, %swap3A_882, %swap3A_883], %mul3A_880 {strides = array<i32>} : memref<2x160x16xf32, #tpu.memory_space<vmem>>, vector<16xf32>,
        %mul3A_885 = arith.constant 16 : i32
        %mul3A_886 = arith.muli %scan3A_836, %mul3A_885 : i32
        %add3A_887 = arith.constant 3 : i32
        %add3A_888 = arith.addi %mul3A_886, %add3A_887 : i32
        %add3A_889 = vector.broadcast %add3A_888 : i32 to vector<16xi32>
        %add3A_890 = arith.addi %broadcast_in_dim3A_819, %add3A_889 : vector<16xi32>
        %gather3A_891 = tpu.vector_load_idx %arg17[%add3A_890] : memref<20000xf32, #tpu.memory_space<vmem>>[vector<16xi32>], vector<16xf32>,
        %get3A_892 = arith.index_cast %rem3A_792 : i32 to index
        %get3A_893 = arith.index_cast %add3A_888 : i32 to index
        %get3A_894 = arith.constant 0 : index
        %get3A_895 = tpu.vector_load %arg18[%get3A_892, %get3A_893, %get3A_894] {strides = array<i32>} : memref<2x160x16xf32, #tpu.memory_space<vmem>>, vector<16xf32>,
        %mul3A_896 = arith.mulf %get3A_895, %gather3A_891 : vector<16xf32>
        %swap3A_897 = arith.index_cast %rem3A_792 : i32 to index
        %swap3A_898 = arith.index_cast %add3A_888 : i32 to index
        %swap3A_899 = arith.constant 0 : index
        %swap3A_900 = tpu.vector_load %arg19[%swap3A_897, %swap3A_898, %swap3A_899] {strides = array<i32>} : memref<2x160x16xf32, #tpu.memory_space<vmem>>, vector<16xf32>,
        tpu.vector_store %arg19[%swap3A_897, %swap3A_898, %swap3A_899], %mul3A_896 {strides = array<i32>} : memref<2x160x16xf32, #tpu.memory_space<vmem>>, vector<16xf32>,
        %mul3A_901 = arith.constant 16 : i32
        %mul3A_902 = arith.muli %scan3A_836, %mul3A_901 : i32
        %add3A_903 = arith.constant 4 : i32
        %add3A_904 = arith.addi %mul3A_902, %add3A_903 : i32
        %add3A_905 = vector.broadcast %add3A_904 : i32 to vector<16xi32>
        %add3A_906 = arith.addi %broadcast_in_dim3A_819, %add3A_905 : vector<16xi32>
        %gather3A_907 = tpu.vector_load_idx %arg17[%add3A_906] : memref<20000xf32, #tpu.memory_space<vmem>>[vector<16xi32>], vector<16xf32>,
        %get3A_908 = arith.index_cast %rem3A_792 : i32 to index
        %get3A_909 = arith.index_cast %add3A_904 : i32 to index
        %get3A_910 = arith.constant 0 : index
        %get3A_911 = tpu.vector_load %arg18[%get3A_908, %get3A_909, %get3A_910] {strides = array<i32>} : memref<2x160x16xf32, #tpu.memory_space<vmem>>, vector<16xf32>,
        %mul3A_912 = arith.mulf %get3A_911, %gather3A_907 : vector<16xf32>
        %swap3A_913 = arith.index_cast %rem3A_792 : i32 to index
        %swap3A_914 = arith.index_cast %add3A_904 : i32 to index
        %swap3A_915 = arith.constant 0 : index
        %swap3A_916 = tpu.vector_load %arg19[%swap3A_913, %swap3A_914, %swap3A_915] {strides = array<i32>} : memref<2x160x16xf32, #tpu.memory_space<vmem>>, vector<16xf32>,
        tpu.vector_store %arg19[%swap3A_913, %swap3A_914, %swap3A_915], %mul3A_912 {strides = array<i32>} : memref<2x160x16xf32, #tpu.memory_space<vmem>>, vector<16xf32>,
        %mul3A_917 = arith.constant 16 : i32
        %mul3A_918 = arith.muli %scan3A_836, %mul3A_917 : i32
        %add3A_919 = arith.constant 5 : i32
        %add3A_920 = arith.addi %mul3A_918, %add3A_919 : i32
        %add3A_921 = vector.broadcast %add3A_920 : i32 to vector<16xi32>
        %add3A_922 = arith.addi %broadcast_in_dim3A_819, %add3A_921 : vector<16xi32>
        %gather3A_923 = tpu.vector_load_idx %arg17[%add3A_922] : memref<20000xf32, #tpu.memory_space<vmem>>[vector<16xi32>], vector<16xf32>,
        %get3A_924 = arith.index_cast %rem3A_792 : i32 to index
        %get3A_925 = arith.index_cast %add3A_920 : i32 to index
        %get3A_926 = arith.constant 0 : index
        %get3A_927 = tpu.vector_load %arg18[%get3A_924, %get3A_925, %get3A_926] {strides = array<i32>} : memref<2x160x16xf32, #tpu.memory_space<vmem>>, vector<16xf32>,
        %mul3A_928 = arith.mulf %get3A_927, %gather3A_923 : vector<16xf32>
        %swap3A_929 = arith.index_cast %rem3A_792 : i32 to index
        %swap3A_930 = arith.index_cast %add3A_920 : i32 to index
        %swap3A_931 = arith.constant 0 : index
        %swap3A_932 = tpu.vector_load %arg19[%swap3A_929, %swap3A_930, %swap3A_931] {strides = array<i32>} : memref<2x160x16xf32, #tpu.memory_space<vmem>>, vector<16xf32>,
        tpu.vector_store %arg19[%swap3A_929, %swap3A_930, %swap3A_931], %mul3A_928 {strides = array<i32>} : memref<2x160x16xf32, #tpu.memory_space<vmem>>, vector<16xf32>,
        %mul3A_933 = arith.constant 16 : i32
        %mul3A_934 = arith.muli %scan3A_836, %mul3A_933 : i32
        %add3A_935 = arith.constant 6 : i32
        %add3A_936 = arith.addi %mul3A_934, %add3A_935 : i32
        %add3A_937 = vector.broadcast %add3A_936 : i32 to vector<16xi32>
        %add3A_938 = arith.addi %broadcast_in_dim3A_819, %add3A_937 : vector<16xi32>
        %gather3A_939 = tpu.vector_load_idx %arg17[%add3A_938] : memref<20000xf32, #tpu.memory_space<vmem>>[vector<16xi32>], vector<16xf32>,
        %get3A_940 = arith.index_cast %rem3A_792 : i32 to index
        %get3A_941 = arith.index_cast %add3A_936 : i32 to index
        %get3A_942 = arith.constant 0 : index
        %get3A_943 = tpu.vector_load %arg18[%get3A_940, %get3A_941, %get3A_942] {strides = array<i32>} : memref<2x160x16xf32, #tpu.memory_space<vmem>>, vector<16xf32>,
        %mul3A_944 = arith.mulf %get3A_943, %gather3A_939 : vector<16xf32>
        %swap3A_945 = arith.index_cast %rem3A_792 : i32 to index
        %swap3A_946 = arith.index_cast %add3A_936 : i32 to index
        %swap3A_947 = arith.constant 0 : index
        %swap3A_948 = tpu.vector_load %arg19[%swap3A_945, %swap3A_946, %swap3A_947] {strides = array<i32>} : memref<2x160x16xf32, #tpu.memory_space<vmem>>, vector<16xf32>,
        tpu.vector_store %arg19[%swap3A_945, %swap3A_946, %swap3A_947], %mul3A_944 {strides = array<i32>} : memref<2x160x16xf32, #tpu.memory_space<vmem>>, vector<16xf32>,
        %mul3A_949 = arith.constant 16 : i32
        %mul3A_950 = arith.muli %scan3A_836, %mul3A_949 : i32
        %add3A_951 = arith.constant 7 : i32
        %add3A_952 = arith.addi %mul3A_950, %add3A_951 : i32
        %add3A_953 = vector.broadcast %add3A_952 : i32 to vector<16xi32>
        %add3A_954 = arith.addi %broadcast_in_dim3A_819, %add3A_953 : vector<16xi32>
        %gather3A_955 = tpu.vector_load_idx %arg17[%add3A_954] : memref<20000xf32, #tpu.memory_space<vmem>>[vector<16xi32>], vector<16xf32>,
        %get3A_956 = arith.index_cast %rem3A_792 : i32 to index
        %get3A_957 = arith.index_cast %add3A_952 : i32 to index
        %get3A_958 = arith.constant 0 : index
        %get3A_959 = tpu.vector_load %arg18[%get3A_956, %get3A_957, %get3A_958] {strides = array<i32>} : memref<2x160x16xf32, #tpu.memory_space<vmem>>, vector<16xf32>,
        %mul3A_960 = arith.mulf %get3A_959, %gather3A_955 : vector<16xf32>
        %swap3A_961 = arith.index_cast %rem3A_792 : i32 to index
        %swap3A_962 = arith.index_cast %add3A_952 : i32 to index
        %swap3A_963 = arith.constant 0 : index
        %swap3A_964 = tpu.vector_load %arg19[%swap3A_961, %swap3A_962, %swap3A_963] {strides = array<i32>} : memref<2x160x16xf32, #tpu.memory_space<vmem>>, vector<16xf32>,
        tpu.vector_store %arg19[%swap3A_961, %swap3A_962, %swap3A_963], %mul3A_960 {strides = array<i32>} : memref<2x160x16xf32, #tpu.memory_space<vmem>>, vector<16xf32>,
        %mul3A_965 = arith.constant 16 : i32
        %mul3A_966 = arith.muli %scan3A_836, %mul3A_965 : i32
        %add3A_967 = arith.constant 8 : i32
        %add3A_968 = arith.addi %mul3A_966, %add3A_967 : i32
        %add3A_969 = vector.broadcast %add3A_968 : i32 to vector<16xi32>
        %add3A_970 = arith.addi %broadcast_in_dim3A_819, %add3A_969 : vector<16xi32>
        %gather3A_971 = tpu.vector_load_idx %arg17[%add3A_970] : memref<20000xf32, #tpu.memory_space<vmem>>[vector<16xi32>], vector<16xf32>,
        %get3A_972 = arith.index_cast %rem3A_792 : i32 to index
        %get3A_973 = arith.index_cast %add3A_968 : i32 to index
        %get3A_974 = arith.constant 0 : index
        %get3A_975 = tpu.vector_load %arg18[%get3A_972, %get3A_973, %get3A_974] {strides = array<i32>} : memref<2x160x16xf32, #tpu.memory_space<vmem>>, vector<16xf32>,
        %mul3A_976 = arith.mulf %get3A_975, %gather3A_971 : vector<16xf32>
        %swap3A_977 = arith.index_cast %rem3A_792 : i32 to index
        %swap3A_978 = arith.index_cast %add3A_968 : i32 to index
        %swap3A_979 = arith.constant 0 : index
        %swap3A_980 = tpu.vector_load %arg19[%swap3A_977, %swap3A_978, %swap3A_979] {strides = array<i32>} : memref<2x160x16xf32, #tpu.memory_space<vmem>>, vector<16xf32>,
        tpu.vector_store %arg19[%swap3A_977, %swap3A_978, %swap3A_979], %mul3A_976 {strides = array<i32>} : memref<2x160x16xf32, #tpu.memory_space<vmem>>, vector<16xf32>,
        %mul3A_981 = arith.constant 16 : i32
        %mul3A_982 = arith.muli %scan3A_836, %mul3A_981 : i32
        %add3A_983 = arith.constant 9 : i32
        %add3A_984 = arith.addi %mul3A_982, %add3A_983 : i32
        %add3A_985 = vector.broadcast %add3A_984 : i32 to vector<16xi32>
        %add3A_986 = arith.addi %broadcast_in_dim3A_819, %add3A_985 : vector<16xi32>
        %gather3A_987 = tpu.vector_load_idx %arg17[%add3A_986] : memref<20000xf32, #tpu.memory_space<vmem>>[vector<16xi32>], vector<16xf32>,
        %get3A_988 = arith.index_cast %rem3A_792 : i32 to index
        %get3A_989 = arith.index_cast %add3A_984 : i32 to index
        %get3A_990 = arith.constant 0 : index
        %get3A_991 = tpu.vector_load %arg18[%get3A_988, %get3A_989, %get3A_990] {strides = array<i32>} : memref<2x160x16xf32, #tpu.memory_space<vmem>>, vector<16xf32>,
        %mul3A_992 = arith.mulf %get3A_991, %gather3A_987 : vector<16xf32>
        %swap3A_993 = arith.index_cast %rem3A_792 : i32 to index
        %swap3A_994 = arith.index_cast %add3A_984 : i32 to index
        %swap3A_995 = arith.constant 0 : index
        %swap3A_996 = tpu.vector_load %arg19[%swap3A_993, %swap3A_994, %swap3A_995] {strides = array<i32>} : memref<2x160x16xf32, #tpu.memory_space<vmem>>, vector<16xf32>,
        tpu.vector_store %arg19[%swap3A_993, %swap3A_994, %swap3A_995], %mul3A_992 {strides = array<i32>} : memref<2x160x16xf32, #tpu.memory_space<vmem>>, vector<16xf32>,
        %mul3A_997 = arith.constant 16 : i32
        %mul3A_998 = arith.muli %scan3A_836, %mul3A_997 : i32
        %add3A_999 = arith.constant 10 : i32
        %add3A_1000 = arith.addi %mul3A_998, %add3A_999 : i32
        %add3A_1001 = vector.broadcast %add3A_1000 : i32 to vector<16xi32>
        %add3A_1002 = arith.addi %broadcast_in_dim3A_819, %add3A_1001 : vector<16xi32>
        %gather3A_1003 = tpu.vector_load_idx %arg17[%add3A_1002] : memref<20000xf32, #tpu.memory_space<vmem>>[vector<16xi32>], vector<16xf32>,
        %get3A_1004 = arith.index_cast %rem3A_792 : i32 to index
        %get3A_1005 = arith.index_cast %add3A_1000 : i32 to index
        %get3A_1006 = arith.constant 0 : index
        %get3A_1007 = tpu.vector_load %arg18[%get3A_1004, %get3A_1005, %get3A_1006] {strides = array<i32>} : memref<2x160x16xf32, #tpu.memory_space<vmem>>, vector<16xf32>,
        %mul3A_1008 = arith.mulf %get3A_1007, %gather3A_1003 : vector<16xf32>
        %swap3A_1009 = arith.index_cast %rem3A_792 : i32 to index
        %swap3A_1010 = arith.index_cast %add3A_1000 : i32 to index
        %swap3A_1011 = arith.constant 0 : index
        %swap3A_1012 = tpu.vector_load %arg19[%swap3A_1009, %swap3A_1010, %swap3A_1011] {strides = array<i32>} : memref<2x160x16xf32, #tpu.memory_space<vmem>>, vector<16xf32>,
        tpu.vector_store %arg19[%swap3A_1009, %swap3A_1010, %swap3A_1011], %mul3A_1008 {strides = array<i32>} : memref<2x160x16xf32, #tpu.memory_space<vmem>>, vector<16xf32>,
        %mul3A_1013 = arith.constant 16 : i32
        %mul3A_1014 = arith.muli %scan3A_836, %mul3A_1013 : i32
        %add3A_1015 = arith.constant 11 : i32
        %add3A_1016 = arith.addi %mul3A_1014, %add3A_1015 : i32
        %add3A_1017 = vector.broadcast %add3A_1016 : i32 to vector<16xi32>
        %add3A_1018 = arith.addi %broadcast_in_dim3A_819, %add3A_1017 : vector<16xi32>
        %gather3A_1019 = tpu.vector_load_idx %arg17[%add3A_1018] : memref<20000xf32, #tpu.memory_space<vmem>>[vector<16xi32>], vector<16xf32>,
        %get3A_1020 = arith.index_cast %rem3A_792 : i32 to index
        %get3A_1021 = arith.index_cast %add3A_1016 : i32 to index
        %get3A_1022 = arith.constant 0 : index
        %get3A_1023 = tpu.vector_load %arg18[%get3A_1020, %get3A_1021, %get3A_1022] {strides = array<i32>} : memref<2x160x16xf32, #tpu.memory_space<vmem>>, vector<16xf32>,
        %mul3A_1024 = arith.mulf %get3A_1023, %gather3A_1019 : vector<16xf32>
        %swap3A_1025 = arith.index_cast %rem3A_792 : i32 to index
        %swap3A_1026 = arith.index_cast %add3A_1016 : i32 to index
        %swap3A_1027 = arith.constant 0 : index
        %swap3A_1028 = tpu.vector_load %arg19[%swap3A_1025, %swap3A_1026, %swap3A_1027] {strides = array<i32>} : memref<2x160x16xf32, #tpu.memory_space<vmem>>, vector<16xf32>,
        tpu.vector_store %arg19[%swap3A_1025, %swap3A_1026, %swap3A_1027], %mul3A_1024 {strides = array<i32>} : memref<2x160x16xf32, #tpu.memory_space<vmem>>, vector<16xf32>,
        %mul3A_1029 = arith.constant 16 : i32
        %mul3A_1030 = arith.muli %scan3A_836, %mul3A_1029 : i32
        %add3A_1031 = arith.constant 12 : i32
        %add3A_1032 = arith.addi %mul3A_1030, %add3A_1031 : i32
        %add3A_1033 = vector.broadcast %add3A_1032 : i32 to vector<16xi32>
        %add3A_1034 = arith.addi %broadcast_in_dim3A_819, %add3A_1033 : vector<16xi32>
        %gather3A_1035 = tpu.vector_load_idx %arg17[%add3A_1034] : memref<20000xf32, #tpu.memory_space<vmem>>[vector<16xi32>], vector<16xf32>,
        %get3A_1036 = arith.index_cast %rem3A_792 : i32 to index
        %get3A_1037 = arith.index_cast %add3A_1032 : i32 to index
        %get3A_1038 = arith.constant 0 : index
        %get3A_1039 = tpu.vector_load %arg18[%get3A_1036, %get3A_1037, %get3A_1038] {strides = array<i32>} : memref<2x160x16xf32, #tpu.memory_space<vmem>>, vector<16xf32>,
        %mul3A_1040 = arith.mulf %get3A_1039, %gather3A_1035 : vector<16xf32>
        %swap3A_1041 = arith.index_cast %rem3A_792 : i32 to index
        %swap3A_1042 = arith.index_cast %add3A_1032 : i32 to index
        %swap3A_1043 = arith.constant 0 : index
        %swap3A_1044 = tpu.vector_load %arg19[%swap3A_1041, %swap3A_1042, %swap3A_1043] {strides = array<i32>} : memref<2x160x16xf32, #tpu.memory_space<vmem>>, vector<16xf32>,
        tpu.vector_store %arg19[%swap3A_1041, %swap3A_1042, %swap3A_1043], %mul3A_1040 {strides = array<i32>} : memref<2x160x16xf32, #tpu.memory_space<vmem>>, vector<16xf32>,
        %mul3A_1045 = arith.constant 16 : i32
        %mul3A_1046 = arith.muli %scan3A_836, %mul3A_1045 : i32
        %add3A_1047 = arith.constant 13 : i32
        %add3A_1048 = arith.addi %mul3A_1046, %add3A_1047 : i32
        %add3A_1049 = vector.broadcast %add3A_1048 : i32 to vector<16xi32>
        %add3A_1050 = arith.addi %broadcast_in_dim3A_819, %add3A_1049 : vector<16xi32>
        %gather3A_1051 = tpu.vector_load_idx %arg17[%add3A_1050] : memref<20000xf32, #tpu.memory_space<vmem>>[vector<16xi32>], vector<16xf32>,
        %get3A_1052 = arith.index_cast %rem3A_792 : i32 to index
        %get3A_1053 = arith.index_cast %add3A_1048 : i32 to index
        %get3A_1054 = arith.constant 0 : index
        %get3A_1055 = tpu.vector_load %arg18[%get3A_1052, %get3A_1053, %get3A_1054] {strides = array<i32>} : memref<2x160x16xf32, #tpu.memory_space<vmem>>, vector<16xf32>,
        %mul3A_1056 = arith.mulf %get3A_1055, %gather3A_1051 : vector<16xf32>
        %swap3A_1057 = arith.index_cast %rem3A_792 : i32 to index
        %swap3A_1058 = arith.index_cast %add3A_1048 : i32 to index
        %swap3A_1059 = arith.constant 0 : index
        %swap3A_1060 = tpu.vector_load %arg19[%swap3A_1057, %swap3A_1058, %swap3A_1059] {strides = array<i32>} : memref<2x160x16xf32, #tpu.memory_space<vmem>>, vector<16xf32>,
        tpu.vector_store %arg19[%swap3A_1057, %swap3A_1058, %swap3A_1059], %mul3A_1056 {strides = array<i32>} : memref<2x160x16xf32, #tpu.memory_space<vmem>>, vector<16xf32>,
        %mul3A_1061 = arith.constant 16 : i32
        %mul3A_1062 = arith.muli %scan3A_836, %mul3A_1061 : i32
        %add3A_1063 = arith.constant 14 : i32
        %add3A_1064 = arith.addi %mul3A_1062, %add3A_1063 : i32
        %add3A_1065 = vector.broadcast %add3A_1064 : i32 to vector<16xi32>
        %add3A_1066 = arith.addi %broadcast_in_dim3A_819, %add3A_1065 : vector<16xi32>
        %gather3A_1067 = tpu.vector_load_idx %arg17[%add3A_1066] : memref<20000xf32, #tpu.memory_space<vmem>>[vector<16xi32>], vector<16xf32>,
        %get3A_1068 = arith.index_cast %rem3A_792 : i32 to index
        %get3A_1069 = arith.index_cast %add3A_1064 : i32 to index
        %get3A_1070 = arith.constant 0 : index
        %get3A_1071 = tpu.vector_load %arg18[%get3A_1068, %get3A_1069, %get3A_1070] {strides = array<i32>} : memref<2x160x16xf32, #tpu.memory_space<vmem>>, vector<16xf32>,
        %mul3A_1072 = arith.mulf %get3A_1071, %gather3A_1067 : vector<16xf32>
        %swap3A_1073 = arith.index_cast %rem3A_792 : i32 to index
        %swap3A_1074 = arith.index_cast %add3A_1064 : i32 to index
        %swap3A_1075 = arith.constant 0 : index
        %swap3A_1076 = tpu.vector_load %arg19[%swap3A_1073, %swap3A_1074, %swap3A_1075] {strides = array<i32>} : memref<2x160x16xf32, #tpu.memory_space<vmem>>, vector<16xf32>,
        tpu.vector_store %arg19[%swap3A_1073, %swap3A_1074, %swap3A_1075], %mul3A_1072 {strides = array<i32>} : memref<2x160x16xf32, #tpu.memory_space<vmem>>, vector<16xf32>,
        %mul3A_1077 = arith.constant 16 : i32
        %mul3A_1078 = arith.muli %scan3A_836, %mul3A_1077 : i32
        %add3A_1079 = arith.constant 15 : i32
        %add3A_1080 = arith.addi %mul3A_1078, %add3A_1079 : i32
        %add3A_1081 = vector.broadcast %add3A_1080 : i32 to vector<16xi32>
        %add3A_1082 = arith.addi %broadcast_in_dim3A_819, %add3A_1081 : vector<16xi32>
        %gather3A_1083 = tpu.vector_load_idx %arg17[%add3A_1082] : memref<20000xf32, #tpu.memory_space<vmem>>[vector<16xi32>], vector<16xf32>,
        %get3A_1084 = arith.index_cast %rem3A_792 : i32 to index
        %get3A_1085 = arith.index_cast %add3A_1080 : i32 to index
        %get3A_1086 = arith.constant 0 : index
        %get3A_1087 = tpu.vector_load %arg18[%get3A_1084, %get3A_1085, %get3A_1086] {strides = array<i32>} : memref<2x160x16xf32, #tpu.memory_space<vmem>>, vector<16xf32>,
        %mul3A_1088 = arith.mulf %get3A_1087, %gather3A_1083 : vector<16xf32>
        %swap3A_1089 = arith.index_cast %rem3A_792 : i32 to index
        %swap3A_1090 = arith.index_cast %add3A_1080 : i32 to index
        %swap3A_1091 = arith.constant 0 : index
        %swap3A_1092 = tpu.vector_load %arg19[%swap3A_1089, %swap3A_1090, %swap3A_1091] {strides = array<i32>} : memref<2x160x16xf32, #tpu.memory_space<vmem>>, vector<16xf32>,
        tpu.vector_store %arg19[%swap3A_1089, %swap3A_1090, %swap3A_1091], %mul3A_1088 {strides = array<i32>} : memref<2x160x16xf32, #tpu.memory_space<vmem>>, vector<16xf32>,
      }
      %scan3A_825 = arith.constant 10 : i32
      %dma_start3A_826 = arith.constant 0 : i32
      %dma_start3A_827 = arith.constant 0 : i32
      %dma_start3A_828 = tpu.memref_slice %arg19[%rem3A_792, %dma_start3A_826, %dma_start3A_827] : memref<2x160x16xf32, #tpu.memory_space<vmem>> -> memref<1x160x16xf32, #tpu.memory_space<vmem>>
      %dma_start3A_829 = tpu.memref_squeeze %dma_start3A_828 : memref<1x160x16xf32, #tpu.memory_space<vmem>> -> memref<160x16xf32, #tpu.memory_space<vmem>>
      %dma_start3A_830 = arith.constant 0 : i32
      %dma_start3A_831 = tpu.memref_slice %arg16[%scan3A_791, %dma_start3A_830] : memref<125x160xi32, #tpu.memory_space<vmem>> -> memref<1x160xi32, #tpu.memory_space<vmem>>
      %dma_start3A_832 = tpu.memref_squeeze %dma_start3A_831 : memref<1x160xi32, #tpu.memory_space<vmem>> -> memref<160xi32, #tpu.memory_space<vmem>>
      %dma_start3A_833 = arith.constant 0 : i32
      %dma_start3A_834 = arith.constant 0 : i32
      %dma_start3A_835 = tpu.memref_slice %arg21[%dma_start3A_833, %dma_start3A_834] : memref<10000x16xf32, #tpu.memory_space<vmem_shared>> -> memref<10000x16xf32, #tpu.memory_space<vmem_shared>>
      tpu.enqueue_indirect_dma source(%dma_start3A_829 : memref<160x16xf32, #tpu.memory_space<vmem>>) target(%dma_start3A_835 : memref<10000x16xf32, #tpu.memory_space<vmem_shared>>) offsets(%dma_start3A_832 : memref<160xi32, #tpu.memory_space<vmem>>) semaphore(%arg23 : memref<!tpu.dma_semaphore, #tpu.memory_space<semaphore_mem>>) {add = true}
    }
    %scan3A_493 = arith.constant 125 : i32
    %dma_wait3A_494 = arith.constant 0 : i32
    %dma_wait3A_495 = arith.constant 0 : i32
    %dma_wait3A_496 = arith.constant 0 : i32
    %dma_wait3A_497 = arith.constant 0 : i32
    %dma_wait3A_498 = tpu.memref_slice %arg19[%dma_wait3A_494, %dma_wait3A_496, %dma_wait3A_497] : memref<2x160x16xf32, #tpu.memory_space<vmem>> -> memref<1x160x16xf32, #tpu.memory_space<vmem>>
    %dma_wait3A_499 = tpu.memref_squeeze %dma_wait3A_498 : memref<1x160x16xf32, #tpu.memory_space<vmem>> -> memref<160x16xf32, #tpu.memory_space<vmem>>
    %dma_wait3A_500 = arith.constant 0 : i32
    %dma_wait3A_501 = tpu.memref_slice %arg16[%dma_wait3A_495, %dma_wait3A_500] : memref<125x160xi32, #tpu.memory_space<vmem>> -> memref<1x160xi32, #tpu.memory_space<vmem>>
    %dma_wait3A_502 = tpu.memref_squeeze %dma_wait3A_501 : memref<1x160xi32, #tpu.memory_space<vmem>> -> memref<160xi32, #tpu.memory_space<vmem>>
    %dma_wait3A_503 = arith.constant 0 : i32
    %dma_wait3A_504 = arith.constant 0 : i32
    %dma_wait3A_505 = tpu.memref_slice %arg21[%dma_wait3A_503, %dma_wait3A_504] : memref<10000x16xf32, #tpu.memory_space<vmem_shared>> -> memref<10000x16xf32, #tpu.memory_space<vmem_shared>>
    tpu.wait_indirect_dma semaphore(%arg23 : memref<!tpu.dma_semaphore, #tpu.memory_space<semaphore_mem>>) src(%dma_wait3A_499 : memref<160x16xf32, #tpu.memory_space<vmem>>) dst(%dma_wait3A_505 : memref<10000x16xf32, #tpu.memory_space<vmem_shared>>)
    %barrier3A_506 = arith.constant 0 : index
    tpu.barrier barrier_id(%barrier3A_506)
    %not3A_507 = arith.constant true
    %not3A_508 = arith.xori %eq3A_1, %not3A_507 : i1
    %convert_element_type3A_509 = arith.extui %not3A_508 : i1 to i32
    %cond3A_510 = arith.constant 0 : i32
    %cond3A_511 = arith.cmpi ne, %convert_element_type3A_509, %cond3A_510 : i32
    scf.if %cond3A_511 {
      %mul3A_791 = arith.constant 4 : i32
      %mul3A_792 = arith.muli %mul3A_791, %arg0 : i32
      %add3A_793 = arith.constant 1 : i32
      %add3A_794 = arith.addi %mul3A_792, %add3A_793 : i32
      "tpu.region"() ({
        %run_scoped3A = tpu.sem_alloc : memref<!tpu.dma_semaphore, #tpu.memory_space<semaphore_mem>>
        %dma_start3A_795 = arith.constant 0 : i32
        %dma_start3A_796 = tpu.memref_slice %arg10[%add3A_794, %multiple_of3A, %dma_start3A_795] : memref<8x10000x16xf32, #tpu.memory_space<hbm>> -> memref<1x624x16xf32, #tpu.memory_space<hbm>>
        %dma_start3A_797 = tpu.memref_squeeze %dma_start3A_796 : memref<1x624x16xf32, #tpu.memory_space<hbm>> -> memref<624x16xf32, #tpu.memory_space<hbm>>
        %dma_start3A_798 = arith.constant 0 : i32
        %dma_start3A_799 = tpu.memref_slice %arg21[%multiple_of3A, %dma_start3A_798] : memref<10000x16xf32, #tpu.memory_space<vmem_shared>> -> memref<624x16xf32, #tpu.memory_space<vmem_shared>>
        tpu.enqueue_dma source(%dma_start3A_799 : memref<624x16xf32, #tpu.memory_space<vmem_shared>>) target(%dma_start3A_797 : memref<624x16xf32, #tpu.memory_space<hbm>>) target_semaphore(%run_scoped3A : memref<!tpu.dma_semaphore, #tpu.memory_space<semaphore_mem>>)
        %dma_wait3A_800 = arith.constant 0 : i32
        %dma_wait3A_801 = tpu.memref_slice %arg10[%add3A_794, %multiple_of3A, %dma_wait3A_800] : memref<8x10000x16xf32, #tpu.memory_space<hbm>> -> memref<1x624x16xf32, #tpu.memory_space<hbm>>
        %dma_wait3A_802 = tpu.memref_squeeze %dma_wait3A_801 : memref<1x624x16xf32, #tpu.memory_space<hbm>> -> memref<624x16xf32, #tpu.memory_space<hbm>>
        %dma_wait3A_803 = arith.constant 0 : i32
        %dma_wait3A_804 = tpu.memref_slice %arg21[%multiple_of3A, %dma_wait3A_803] : memref<10000x16xf32, #tpu.memory_space<vmem_shared>> -> memref<624x16xf32, #tpu.memory_space<vmem_shared>>
        tpu.wait_dma2 semaphore(%run_scoped3A : memref<!tpu.dma_semaphore, #tpu.memory_space<semaphore_mem>>) src(%dma_wait3A_804 : memref<624x16xf32, #tpu.memory_space<vmem_shared>>) dst(%dma_wait3A_802 : memref<624x16xf32, #tpu.memory_space<hbm>>)
        tpu.yield
      }) : () -> ()
    } else {
    }
    %convert_element_type3A_512 = arith.extui %eq3A_1 : i1 to i32
    %cond3A_513 = arith.constant 0 : i32
    %cond3A_514 = arith.cmpi ne, %convert_element_type3A_512, %cond3A_513 : i32
    scf.if %cond3A_514 {
      %mul3A_791 = arith.constant 4 : i32
      %mul3A_792 = arith.muli %mul3A_791, %arg0 : i32
      %add3A_793 = arith.constant 1 : i32
      %add3A_794 = arith.addi %mul3A_792, %add3A_793 : i32
      "tpu.region"() ({
        %run_scoped3A = tpu.sem_alloc : memref<!tpu.dma_semaphore, #tpu.memory_space<semaphore_mem>>
        %dma_start3A_795 = arith.constant 9360 : i32
        %dma_start3A_796 = arith.constant 0 : i32
        %dma_start3A_797 = tpu.memref_slice %arg10[%add3A_794, %dma_start3A_795, %dma_start3A_796] : memref<8x10000x16xf32, #tpu.memory_space<hbm>> -> memref<1x640x16xf32, #tpu.memory_space<hbm>>
        %dma_start3A_798 = tpu.memref_squeeze %dma_start3A_797 : memref<1x640x16xf32, #tpu.memory_space<hbm>> -> memref<640x16xf32, #tpu.memory_space<hbm>>
        %dma_start3A_799 = arith.constant 9360 : i32
        %dma_start3A_800 = arith.constant 0 : i32
        %dma_start3A_801 = tpu.memref_slice %arg21[%dma_start3A_799, %dma_start3A_800] : memref<10000x16xf32, #tpu.memory_space<vmem_shared>> -> memref<640x16xf32, #tpu.memory_space<vmem_shared>>
        tpu.enqueue_dma source(%dma_start3A_801 : memref<640x16xf32, #tpu.memory_space<vmem_shared>>) target(%dma_start3A_798 : memref<640x16xf32, #tpu.memory_space<hbm>>) target_semaphore(%run_scoped3A : memref<!tpu.dma_semaphore, #tpu.memory_space<semaphore_mem>>)
        %dma_wait3A_802 = arith.constant 9360 : i32
        %dma_wait3A_803 = arith.constant 0 : i32
        %dma_wait3A_804 = tpu.memref_slice %arg10[%add3A_794, %dma_wait3A_802, %dma_wait3A_803] : memref<8x10000x16xf32, #tpu.memory_space<hbm>> -> memref<1x640x16xf32, #tpu.memory_space<hbm>>
        %dma_wait3A_805 = tpu.memref_squeeze %dma_wait3A_804 : memref<1x640x16xf32, #tpu.memory_space<hbm>> -> memref<640x16xf32, #tpu.memory_space<hbm>>
        %dma_wait3A_806 = arith.constant 9360 : i32
        %dma_wait3A_807 = arith.constant 0 : i32
        %dma_wait3A_808 = tpu.memref_slice %arg21[%dma_wait3A_806, %dma_wait3A_807] : memref<10000x16xf32, #tpu.memory_space<vmem_shared>> -> memref<640x16xf32, #tpu.memory_space<vmem_shared>>
        tpu.wait_dma2 semaphore(%run_scoped3A : memref<!tpu.dma_semaphore, #tpu.memory_space<semaphore_mem>>) src(%dma_wait3A_808 : memref<640x16xf32, #tpu.memory_space<vmem_shared>>) dst(%dma_wait3A_805 : memref<640x16xf32, #tpu.memory_space<hbm>>)
        tpu.yield
      }) : () -> ()
    } else {
    }
    %not3A_515 = arith.constant true
    %not3A_516 = arith.xori %eq3A_1, %not3A_515 : i1
    %convert_element_type3A_517 = arith.extui %not3A_516 : i1 to i32
    %cond3A_518 = arith.constant 0 : i32
    %cond3A_519 = arith.cmpi ne, %convert_element_type3A_517, %cond3A_518 : i32
    scf.if %cond3A_519 {
      "tpu.region"() ({
        %run_scoped3A = tpu.sem_alloc : memref<!tpu.dma_semaphore, #tpu.memory_space<semaphore_mem>>
        %dma_start3A_791 = arith.constant 0 : i32
        %dma_start3A_792 = tpu.memref_slice %arg21[%multiple_of3A, %dma_start3A_791] : memref<10000x16xf32, #tpu.memory_space<vmem_shared>> -> memref<624x16xf32, #tpu.memory_space<vmem_shared>>
        %dma_start3A_793 = arith.constant 0 : i32
        %dma_start3A_794 = arith.constant 0 : i32
        %dma_start3A_795 = tpu.memref_slice %arg8[%dma_start3A_793, %dma_start3A_794] : memref<640x16xf32, #tpu.memory_space<hbm>> -> memref<624x16xf32, #tpu.memory_space<hbm>>
        tpu.enqueue_dma source(%dma_start3A_795 : memref<624x16xf32, #tpu.memory_space<hbm>>) target(%dma_start3A_792 : memref<624x16xf32, #tpu.memory_space<vmem_shared>>) target_semaphore(%run_scoped3A : memref<!tpu.dma_semaphore, #tpu.memory_space<semaphore_mem>>)
        %dma_wait3A_796 = arith.constant 0 : i32
        %dma_wait3A_797 = tpu.memref_slice %arg21[%multiple_of3A, %dma_wait3A_796] : memref<10000x16xf32, #tpu.memory_space<vmem_shared>> -> memref<624x16xf32, #tpu.memory_space<vmem_shared>>
        %dma_wait3A_798 = arith.constant 0 : i32
        %dma_wait3A_799 = arith.constant 0 : i32
        %dma_wait3A_800 = tpu.memref_slice %arg8[%dma_wait3A_798, %dma_wait3A_799] : memref<640x16xf32, #tpu.memory_space<hbm>> -> memref<624x16xf32, #tpu.memory_space<hbm>>
        tpu.wait_dma2 semaphore(%run_scoped3A : memref<!tpu.dma_semaphore, #tpu.memory_space<semaphore_mem>>) src(%dma_wait3A_800 : memref<624x16xf32, #tpu.memory_space<hbm>>) dst(%dma_wait3A_797 : memref<624x16xf32, #tpu.memory_space<vmem_shared>>)
        tpu.yield
      }) : () -> ()
    } else {
    }
    %convert_element_type3A_520 = arith.extui %eq3A_1 : i1 to i32
    %cond3A_521 = arith.constant 0 : i32
    %cond3A_522 = arith.cmpi ne, %convert_element_type3A_520, %cond3A_521 : i32
    scf.if %cond3A_522 {
      "tpu.region"() ({
        %run_scoped3A = tpu.sem_alloc : memref<!tpu.dma_semaphore, #tpu.memory_space<semaphore_mem>>
        %dma_start3A_791 = arith.constant 9360 : i32
        %dma_start3A_792 = arith.constant 0 : i32
        %dma_start3A_793 = tpu.memref_slice %arg21[%dma_start3A_791, %dma_start3A_792] : memref<10000x16xf32, #tpu.memory_space<vmem_shared>> -> memref<640x16xf32, #tpu.memory_space<vmem_shared>>
        tpu.enqueue_dma source(%arg8 : memref<640x16xf32, #tpu.memory_space<hbm>>) target(%dma_start3A_793 : memref<640x16xf32, #tpu.memory_space<vmem_shared>>) target_semaphore(%run_scoped3A : memref<!tpu.dma_semaphore, #tpu.memory_space<semaphore_mem>>)
        %dma_wait3A_794 = arith.constant 9360 : i32
        %dma_wait3A_795 = arith.constant 0 : i32
        %dma_wait3A_796 = tpu.memref_slice %arg21[%dma_wait3A_794, %dma_wait3A_795] : memref<10000x16xf32, #tpu.memory_space<vmem_shared>> -> memref<640x16xf32, #tpu.memory_space<vmem_shared>>
        tpu.wait_dma2 semaphore(%run_scoped3A : memref<!tpu.dma_semaphore, #tpu.memory_space<semaphore_mem>>) src(%arg8 : memref<640x16xf32, #tpu.memory_space<hbm>>) dst(%dma_wait3A_796 : memref<640x16xf32, #tpu.memory_space<vmem_shared>>)
        tpu.yield
      }) : () -> ()
    } else {
    }
    %barrier3A_523 = arith.constant 0 : index
    tpu.barrier barrier_id(%barrier3A_523)
    %get3A_524 = arith.constant 0 : i32
    %get3A_525 = arith.index_cast %get3A_524 : i32 to index
    %get3A_526 = arith.constant 0 : index
    %get3A_527 = tpu.vector_load %arg15[%get3A_525, %get3A_526] {strides = array<i32>} : memref<125x160xi32, #tpu.memory_space<vmem>>, vector<16xi32>,
    %add3A_528 = arith.addi %get3A_527, %broadcast_in_dim3A_8 : vector<16xi32>
    %swap3A_529 = arith.constant 0 : i32
    %swap3A_530 = arith.index_cast %swap3A_529 : i32 to index
    %swap3A_531 = arith.constant 0 : index
    %swap3A_532 = tpu.vector_load %arg15[%swap3A_530, %swap3A_531] {strides = array<i32>} : memref<125x160xi32, #tpu.memory_space<vmem>>, vector<16xi32>,
    tpu.vector_store %arg15[%swap3A_530, %swap3A_531], %add3A_528 {strides = array<i32>} : memref<125x160xi32, #tpu.memory_space<vmem>>, vector<16xi32>,
    %get3A_533 = arith.constant 0 : i32
    %get3A_534 = arith.index_cast %get3A_533 : i32 to index
    %get3A_535 = arith.constant 16 : index
    %get3A_536 = tpu.vector_load %arg15[%get3A_534, %get3A_535] {strides = array<i32>} : memref<125x160xi32, #tpu.memory_space<vmem>>, vector<16xi32>,
    %add3A_537 = arith.addi %get3A_536, %broadcast_in_dim3A_8 : vector<16xi32>
    %swap3A_538 = arith.constant 0 : i32
    %swap3A_539 = arith.index_cast %swap3A_538 : i32 to index
    %swap3A_540 = arith.constant 16 : index
    %swap3A_541 = tpu.vector_load %arg15[%swap3A_539, %swap3A_540] {strides = array<i32>} : memref<125x160xi32, #tpu.memory_space<vmem>>, vector<16xi32>,
    tpu.vector_store %arg15[%swap3A_539, %swap3A_540], %add3A_537 {strides = array<i32>} : memref<125x160xi32, #tpu.memory_space<vmem>>, vector<16xi32>,
    %get3A_542 = arith.constant 0 : i32
    %get3A_543 = arith.index_cast %get3A_542 : i32 to index
    %get3A_544 = arith.constant 32 : index
    %get3A_545 = tpu.vector_load %arg15[%get3A_543, %get3A_544] {strides = array<i32>} : memref<125x160xi32, #tpu.memory_space<vmem>>, vector<16xi32>,
    %add3A_546 = arith.addi %get3A_545, %broadcast_in_dim3A_8 : vector<16xi32>
    %swap3A_547 = arith.constant 0 : i32
    %swap3A_548 = arith.index_cast %swap3A_547 : i32 to index
    %swap3A_549 = arith.constant 32 : index
    %swap3A_550 = tpu.vector_load %arg15[%swap3A_548, %swap3A_549] {strides = array<i32>} : memref<125x160xi32, #tpu.memory_space<vmem>>, vector<16xi32>,
    tpu.vector_store %arg15[%swap3A_548, %swap3A_549], %add3A_546 {strides = array<i32>} : memref<125x160xi32, #tpu.memory_space<vmem>>, vector<16xi32>,
    %get3A_551 = arith.constant 0 : i32
    %get3A_552 = arith.index_cast %get3A_551 : i32 to index
    %get3A_553 = arith.constant 48 : index
    %get3A_554 = tpu.vector_load %arg15[%get3A_552, %get3A_553] {strides = array<i32>} : memref<125x160xi32, #tpu.memory_space<vmem>>, vector<16xi32>,
    %add3A_555 = arith.addi %get3A_554, %broadcast_in_dim3A_8 : vector<16xi32>
    %swap3A_556 = arith.constant 0 : i32
    %swap3A_557 = arith.index_cast %swap3A_556 : i32 to index
    %swap3A_558 = arith.constant 48 : index
    %swap3A_559 = tpu.vector_load %arg15[%swap3A_557, %swap3A_558] {strides = array<i32>} : memref<125x160xi32, #tpu.memory_space<vmem>>, vector<16xi32>,
    tpu.vector_store %arg15[%swap3A_557, %swap3A_558], %add3A_555 {strides = array<i32>} : memref<125x160xi32, #tpu.memory_space<vmem>>, vector<16xi32>,
    %get3A_560 = arith.constant 0 : i32
    %get3A_561 = arith.index_cast %get3A_560 : i32 to index
    %get3A_562 = arith.constant 64 : index
    %get3A_563 = tpu.vector_load %arg15[%get3A_561, %get3A_562] {strides = array<i32>} : memref<125x160xi32, #tpu.memory_space<vmem>>, vector<16xi32>,
    %add3A_564 = arith.addi %get3A_563, %broadcast_in_dim3A_8 : vector<16xi32>
    %swap3A_565 = arith.constant 0 : i32
    %swap3A_566 = arith.index_cast %swap3A_565 : i32 to index
    %swap3A_567 = arith.constant 64 : index
    %swap3A_568 = tpu.vector_load %arg15[%swap3A_566, %swap3A_567] {strides = array<i32>} : memref<125x160xi32, #tpu.memory_space<vmem>>, vector<16xi32>,
    tpu.vector_store %arg15[%swap3A_566, %swap3A_567], %add3A_564 {strides = array<i32>} : memref<125x160xi32, #tpu.memory_space<vmem>>, vector<16xi32>,
    %get3A_569 = arith.constant 0 : i32
    %get3A_570 = arith.index_cast %get3A_569 : i32 to index
    %get3A_571 = arith.constant 80 : index
    %get3A_572 = tpu.vector_load %arg15[%get3A_570, %get3A_571] {strides = array<i32>} : memref<125x160xi32, #tpu.memory_space<vmem>>, vector<16xi32>,
    %add3A_573 = arith.addi %get3A_572, %broadcast_in_dim3A_8 : vector<16xi32>
    %swap3A_574 = arith.constant 0 : i32
    %swap3A_575 = arith.index_cast %swap3A_574 : i32 to index
    %swap3A_576 = arith.constant 80 : index
    %swap3A_577 = tpu.vector_load %arg15[%swap3A_575, %swap3A_576] {strides = array<i32>} : memref<125x160xi32, #tpu.memory_space<vmem>>, vector<16xi32>,
    tpu.vector_store %arg15[%swap3A_575, %swap3A_576], %add3A_573 {strides = array<i32>} : memref<125x160xi32, #tpu.memory_space<vmem>>, vector<16xi32>,
    %get3A_578 = arith.constant 0 : i32
    %get3A_579 = arith.index_cast %get3A_578 : i32 to index
    %get3A_580 = arith.constant 96 : index
    %get3A_581 = tpu.vector_load %arg15[%get3A_579, %get3A_580] {strides = array<i32>} : memref<125x160xi32, #tpu.memory_space<vmem>>, vector<16xi32>,
    %add3A_582 = arith.addi %get3A_581, %broadcast_in_dim3A_8 : vector<16xi32>
    %swap3A_583 = arith.constant 0 : i32
    %swap3A_584 = arith.index_cast %swap3A_583 : i32 to index
    %swap3A_585 = arith.constant 96 : index
    %swap3A_586 = tpu.vector_load %arg15[%swap3A_584, %swap3A_585] {strides = array<i32>} : memref<125x160xi32, #tpu.memory_space<vmem>>, vector<16xi32>,
    tpu.vector_store %arg15[%swap3A_584, %swap3A_585], %add3A_582 {strides = array<i32>} : memref<125x160xi32, #tpu.memory_space<vmem>>, vector<16xi32>,
    %get3A_587 = arith.constant 0 : i32
    %get3A_588 = arith.index_cast %get3A_587 : i32 to index
    %get3A_589 = arith.constant 112 : index
    %get3A_590 = tpu.vector_load %arg15[%get3A_588, %get3A_589] {strides = array<i32>} : memref<125x160xi32, #tpu.memory_space<vmem>>, vector<16xi32>,
    %add3A_591 = arith.addi %get3A_590, %broadcast_in_dim3A_8 : vector<16xi32>
    %swap3A_592 = arith.constant 0 : i32
    %swap3A_593 = arith.index_cast %swap3A_592 : i32 to index
    %swap3A_594 = arith.constant 112 : index
    %swap3A_595 = tpu.vector_load %arg15[%swap3A_593, %swap3A_594] {strides = array<i32>} : memref<125x160xi32, #tpu.memory_space<vmem>>, vector<16xi32>,
    tpu.vector_store %arg15[%swap3A_593, %swap3A_594], %add3A_591 {strides = array<i32>} : memref<125x160xi32, #tpu.memory_space<vmem>>, vector<16xi32>,
    %get3A_596 = arith.constant 0 : i32
    %get3A_597 = arith.index_cast %get3A_596 : i32 to index
    %get3A_598 = arith.constant 128 : index
    %get3A_599 = tpu.vector_load %arg15[%get3A_597, %get3A_598] {strides = array<i32>} : memref<125x160xi32, #tpu.memory_space<vmem>>, vector<16xi32>,
    %add3A_600 = arith.addi %get3A_599, %broadcast_in_dim3A_8 : vector<16xi32>
    %swap3A_601 = arith.constant 0 : i32
    %swap3A_602 = arith.index_cast %swap3A_601 : i32 to index
    %swap3A_603 = arith.constant 128 : index
    %swap3A_604 = tpu.vector_load %arg15[%swap3A_602, %swap3A_603] {strides = array<i32>} : memref<125x160xi32, #tpu.memory_space<vmem>>, vector<16xi32>,
    tpu.vector_store %arg15[%swap3A_602, %swap3A_603], %add3A_600 {strides = array<i32>} : memref<125x160xi32, #tpu.memory_space<vmem>>, vector<16xi32>,
    %get3A_605 = arith.constant 0 : i32
    %get3A_606 = arith.index_cast %get3A_605 : i32 to index
    %get3A_607 = arith.constant 144 : index
    %get3A_608 = tpu.vector_load %arg15[%get3A_606, %get3A_607] {strides = array<i32>} : memref<125x160xi32, #tpu.memory_space<vmem>>, vector<16xi32>,
    %add3A_609 = arith.addi %get3A_608, %broadcast_in_dim3A_8 : vector<16xi32>
    %swap3A_610 = arith.constant 0 : i32
    %swap3A_611 = arith.index_cast %swap3A_610 : i32 to index
    %swap3A_612 = arith.constant 144 : index
    %swap3A_613 = tpu.vector_load %arg15[%swap3A_611, %swap3A_612] {strides = array<i32>} : memref<125x160xi32, #tpu.memory_space<vmem>>, vector<16xi32>,
    tpu.vector_store %arg15[%swap3A_611, %swap3A_612], %add3A_609 {strides = array<i32>} : memref<125x160xi32, #tpu.memory_space<vmem>>, vector<16xi32>,
    %dma_start3A_614 = arith.constant 0 : i32
    %dma_start3A_615 = arith.constant 0 : i32
    %dma_start3A_616 = arith.constant 0 : i32
    %dma_start3A_617 = arith.constant 0 : i32
    %dma_start3A_618 = tpu.memref_slice %arg18[%dma_start3A_615, %dma_start3A_616, %dma_start3A_617] : memref<2x160x16xf32, #tpu.memory_space<vmem>> -> memref<1x160x16xf32, #tpu.memory_space<vmem>>
    %dma_start3A_619 = tpu.memref_squeeze %dma_start3A_618 : memref<1x160x16xf32, #tpu.memory_space<vmem>> -> memref<160x16xf32, #tpu.memory_space<vmem>>
    %dma_start3A_620 = arith.constant 0 : i32
    %dma_start3A_621 = tpu.memref_slice %arg15[%dma_start3A_614, %dma_start3A_620] : memref<125x160xi32, #tpu.memory_space<vmem>> -> memref<1x160xi32, #tpu.memory_space<vmem>>
    %dma_start3A_622 = tpu.memref_squeeze %dma_start3A_621 : memref<1x160xi32, #tpu.memory_space<vmem>> -> memref<160xi32, #tpu.memory_space<vmem>>
    %dma_start3A_623 = arith.constant 0 : i32
    %dma_start3A_624 = arith.constant 0 : i32
    %dma_start3A_625 = tpu.memref_slice %arg9[%dma_start3A_623, %dma_start3A_624] : memref<80000x16xf32, #tpu.memory_space<hbm>> -> memref<80000x16xf32, #tpu.memory_space<hbm>>
    tpu.enqueue_indirect_dma source(%dma_start3A_625 : memref<80000x16xf32, #tpu.memory_space<hbm>>) target(%dma_start3A_619 : memref<160x16xf32, #tpu.memory_space<vmem>>) offsets(%dma_start3A_622 : memref<160xi32, #tpu.memory_space<vmem>>) semaphore(%arg22 : memref<!tpu.dma_semaphore, #tpu.memory_space<semaphore_mem>>)
    %scan3A_626 = arith.constant 0 : i32
    %scan3A_627 = arith.constant 0 : i32
    %scan3A_628 = arith.constant 125 : i32
    %scan3A_629 = arith.addi %scan3A_627, %scan3A_628 : i32
    %scan3A_630 = arith.constant 1 : i32
    scf.for %scan3A_791 = %scan3A_627 to %scan3A_629 step %scan3A_630  : i32 {
      %rem3A = arith.constant 2 : i32
      %rem3A_792 = arith.remsi %scan3A_791, %rem3A : i32
      %add3A_793 = arith.constant 1 : i32
      %add3A_794 = arith.addi %scan3A_791, %add3A_793 : i32
      %rem3A_795 = arith.constant 2 : i32
      %rem3A_796 = arith.remsi %add3A_794, %rem3A_795 : i32
      %add3A_797 = arith.constant 1 : i32
      %add3A_798 = arith.addi %scan3A_791, %add3A_797 : i32
      %lt3A = arith.constant 125 : i32
      %lt3A_799 = arith.cmpi slt, %add3A_798, %lt3A : i32
      %convert_element_type3A_800 = arith.extui %lt3A_799 : i1 to i32
      %cond3A_801 = arith.constant 0 : i32
      %cond3A_802 = arith.cmpi ne, %convert_element_type3A_800, %cond3A_801 : i32
      scf.if %cond3A_802 {
        %add3A_836 = arith.constant 1 : i32
        %add3A_837 = arith.addi %scan3A_791, %add3A_836 : i32
        %get3A_838 = arith.index_cast %add3A_837 : i32 to index
        %get3A_839 = arith.constant 0 : index
        %get3A_840 = tpu.vector_load %arg15[%get3A_838, %get3A_839] {strides = array<i32>} : memref<125x160xi32, #tpu.memory_space<vmem>>, vector<16xi32>,
        %add3A_841 = arith.addi %get3A_840, %broadcast_in_dim3A_8 : vector<16xi32>
        %swap3A_842 = arith.index_cast %add3A_837 : i32 to index
        %swap3A_843 = arith.constant 0 : index
        %swap3A_844 = tpu.vector_load %arg15[%swap3A_842, %swap3A_843] {strides = array<i32>} : memref<125x160xi32, #tpu.memory_space<vmem>>, vector<16xi32>,
        tpu.vector_store %arg15[%swap3A_842, %swap3A_843], %add3A_841 {strides = array<i32>} : memref<125x160xi32, #tpu.memory_space<vmem>>, vector<16xi32>,
        %get3A_845 = arith.index_cast %add3A_837 : i32 to index
        %get3A_846 = arith.constant 16 : index
        %get3A_847 = tpu.vector_load %arg15[%get3A_845, %get3A_846] {strides = array<i32>} : memref<125x160xi32, #tpu.memory_space<vmem>>, vector<16xi32>,
        %add3A_848 = arith.addi %get3A_847, %broadcast_in_dim3A_8 : vector<16xi32>
        %swap3A_849 = arith.index_cast %add3A_837 : i32 to index
        %swap3A_850 = arith.constant 16 : index
        %swap3A_851 = tpu.vector_load %arg15[%swap3A_849, %swap3A_850] {strides = array<i32>} : memref<125x160xi32, #tpu.memory_space<vmem>>, vector<16xi32>,
        tpu.vector_store %arg15[%swap3A_849, %swap3A_850], %add3A_848 {strides = array<i32>} : memref<125x160xi32, #tpu.memory_space<vmem>>, vector<16xi32>,
        %get3A_852 = arith.index_cast %add3A_837 : i32 to index
        %get3A_853 = arith.constant 32 : index
        %get3A_854 = tpu.vector_load %arg15[%get3A_852, %get3A_853] {strides = array<i32>} : memref<125x160xi32, #tpu.memory_space<vmem>>, vector<16xi32>,
        %add3A_855 = arith.addi %get3A_854, %broadcast_in_dim3A_8 : vector<16xi32>
        %swap3A_856 = arith.index_cast %add3A_837 : i32 to index
        %swap3A_857 = arith.constant 32 : index
        %swap3A_858 = tpu.vector_load %arg15[%swap3A_856, %swap3A_857] {strides = array<i32>} : memref<125x160xi32, #tpu.memory_space<vmem>>, vector<16xi32>,
        tpu.vector_store %arg15[%swap3A_856, %swap3A_857], %add3A_855 {strides = array<i32>} : memref<125x160xi32, #tpu.memory_space<vmem>>, vector<16xi32>,
        %get3A_859 = arith.index_cast %add3A_837 : i32 to index
        %get3A_860 = arith.constant 48 : index
        %get3A_861 = tpu.vector_load %arg15[%get3A_859, %get3A_860] {strides = array<i32>} : memref<125x160xi32, #tpu.memory_space<vmem>>, vector<16xi32>,
        %add3A_862 = arith.addi %get3A_861, %broadcast_in_dim3A_8 : vector<16xi32>
        %swap3A_863 = arith.index_cast %add3A_837 : i32 to index
        %swap3A_864 = arith.constant 48 : index
        %swap3A_865 = tpu.vector_load %arg15[%swap3A_863, %swap3A_864] {strides = array<i32>} : memref<125x160xi32, #tpu.memory_space<vmem>>, vector<16xi32>,
        tpu.vector_store %arg15[%swap3A_863, %swap3A_864], %add3A_862 {strides = array<i32>} : memref<125x160xi32, #tpu.memory_space<vmem>>, vector<16xi32>,
        %get3A_866 = arith.index_cast %add3A_837 : i32 to index
        %get3A_867 = arith.constant 64 : index
        %get3A_868 = tpu.vector_load %arg15[%get3A_866, %get3A_867] {strides = array<i32>} : memref<125x160xi32, #tpu.memory_space<vmem>>, vector<16xi32>,
        %add3A_869 = arith.addi %get3A_868, %broadcast_in_dim3A_8 : vector<16xi32>
        %swap3A_870 = arith.index_cast %add3A_837 : i32 to index
        %swap3A_871 = arith.constant 64 : index
        %swap3A_872 = tpu.vector_load %arg15[%swap3A_870, %swap3A_871] {strides = array<i32>} : memref<125x160xi32, #tpu.memory_space<vmem>>, vector<16xi32>,
        tpu.vector_store %arg15[%swap3A_870, %swap3A_871], %add3A_869 {strides = array<i32>} : memref<125x160xi32, #tpu.memory_space<vmem>>, vector<16xi32>,
        %get3A_873 = arith.index_cast %add3A_837 : i32 to index
        %get3A_874 = arith.constant 80 : index
        %get3A_875 = tpu.vector_load %arg15[%get3A_873, %get3A_874] {strides = array<i32>} : memref<125x160xi32, #tpu.memory_space<vmem>>, vector<16xi32>,
        %add3A_876 = arith.addi %get3A_875, %broadcast_in_dim3A_8 : vector<16xi32>
        %swap3A_877 = arith.index_cast %add3A_837 : i32 to index
        %swap3A_878 = arith.constant 80 : index
        %swap3A_879 = tpu.vector_load %arg15[%swap3A_877, %swap3A_878] {strides = array<i32>} : memref<125x160xi32, #tpu.memory_space<vmem>>, vector<16xi32>,
        tpu.vector_store %arg15[%swap3A_877, %swap3A_878], %add3A_876 {strides = array<i32>} : memref<125x160xi32, #tpu.memory_space<vmem>>, vector<16xi32>,
        %get3A_880 = arith.index_cast %add3A_837 : i32 to index
        %get3A_881 = arith.constant 96 : index
        %get3A_882 = tpu.vector_load %arg15[%get3A_880, %get3A_881] {strides = array<i32>} : memref<125x160xi32, #tpu.memory_space<vmem>>, vector<16xi32>,
        %add3A_883 = arith.addi %get3A_882, %broadcast_in_dim3A_8 : vector<16xi32>
        %swap3A_884 = arith.index_cast %add3A_837 : i32 to index
        %swap3A_885 = arith.constant 96 : index
        %swap3A_886 = tpu.vector_load %arg15[%swap3A_884, %swap3A_885] {strides = array<i32>} : memref<125x160xi32, #tpu.memory_space<vmem>>, vector<16xi32>,
        tpu.vector_store %arg15[%swap3A_884, %swap3A_885], %add3A_883 {strides = array<i32>} : memref<125x160xi32, #tpu.memory_space<vmem>>, vector<16xi32>,
        %get3A_887 = arith.index_cast %add3A_837 : i32 to index
        %get3A_888 = arith.constant 112 : index
        %get3A_889 = tpu.vector_load %arg15[%get3A_887, %get3A_888] {strides = array<i32>} : memref<125x160xi32, #tpu.memory_space<vmem>>, vector<16xi32>,
        %add3A_890 = arith.addi %get3A_889, %broadcast_in_dim3A_8 : vector<16xi32>
        %swap3A_891 = arith.index_cast %add3A_837 : i32 to index
        %swap3A_892 = arith.constant 112 : index
        %swap3A_893 = tpu.vector_load %arg15[%swap3A_891, %swap3A_892] {strides = array<i32>} : memref<125x160xi32, #tpu.memory_space<vmem>>, vector<16xi32>,
        tpu.vector_store %arg15[%swap3A_891, %swap3A_892], %add3A_890 {strides = array<i32>} : memref<125x160xi32, #tpu.memory_space<vmem>>, vector<16xi32>,
        %get3A_894 = arith.index_cast %add3A_837 : i32 to index
        %get3A_895 = arith.constant 128 : index
        %get3A_896 = tpu.vector_load %arg15[%get3A_894, %get3A_895] {strides = array<i32>} : memref<125x160xi32, #tpu.memory_space<vmem>>, vector<16xi32>,
        %add3A_897 = arith.addi %get3A_896, %broadcast_in_dim3A_8 : vector<16xi32>
        %swap3A_898 = arith.index_cast %add3A_837 : i32 to index
        %swap3A_899 = arith.constant 128 : index
        %swap3A_900 = tpu.vector_load %arg15[%swap3A_898, %swap3A_899] {strides = array<i32>} : memref<125x160xi32, #tpu.memory_space<vmem>>, vector<16xi32>,
        tpu.vector_store %arg15[%swap3A_898, %swap3A_899], %add3A_897 {strides = array<i32>} : memref<125x160xi32, #tpu.memory_space<vmem>>, vector<16xi32>,
        %get3A_901 = arith.index_cast %add3A_837 : i32 to index
        %get3A_902 = arith.constant 144 : index
        %get3A_903 = tpu.vector_load %arg15[%get3A_901, %get3A_902] {strides = array<i32>} : memref<125x160xi32, #tpu.memory_space<vmem>>, vector<16xi32>,
        %add3A_904 = arith.addi %get3A_903, %broadcast_in_dim3A_8 : vector<16xi32>
        %swap3A_905 = arith.index_cast %add3A_837 : i32 to index
        %swap3A_906 = arith.constant 144 : index
        %swap3A_907 = tpu.vector_load %arg15[%swap3A_905, %swap3A_906] {strides = array<i32>} : memref<125x160xi32, #tpu.memory_space<vmem>>, vector<16xi32>,
        tpu.vector_store %arg15[%swap3A_905, %swap3A_906], %add3A_904 {strides = array<i32>} : memref<125x160xi32, #tpu.memory_space<vmem>>, vector<16xi32>,
        %add3A_908 = arith.constant 1 : i32
        %add3A_909 = arith.addi %scan3A_791, %add3A_908 : i32
        %dma_start3A_910 = arith.constant 0 : i32
        %dma_start3A_911 = arith.constant 0 : i32
        %dma_start3A_912 = tpu.memref_slice %arg18[%rem3A_796, %dma_start3A_910, %dma_start3A_911] : memref<2x160x16xf32, #tpu.memory_space<vmem>> -> memref<1x160x16xf32, #tpu.memory_space<vmem>>
        %dma_start3A_913 = tpu.memref_squeeze %dma_start3A_912 : memref<1x160x16xf32, #tpu.memory_space<vmem>> -> memref<160x16xf32, #tpu.memory_space<vmem>>
        %dma_start3A_914 = arith.constant 0 : i32
        %dma_start3A_915 = tpu.memref_slice %arg15[%add3A_909, %dma_start3A_914] : memref<125x160xi32, #tpu.memory_space<vmem>> -> memref<1x160xi32, #tpu.memory_space<vmem>>
        %dma_start3A_916 = tpu.memref_squeeze %dma_start3A_915 : memref<1x160xi32, #tpu.memory_space<vmem>> -> memref<160xi32, #tpu.memory_space<vmem>>
        %dma_start3A_917 = arith.constant 0 : i32
        %dma_start3A_918 = arith.constant 0 : i32
        %dma_start3A_919 = tpu.memref_slice %arg9[%dma_start3A_917, %dma_start3A_918] : memref<80000x16xf32, #tpu.memory_space<hbm>> -> memref<80000x16xf32, #tpu.memory_space<hbm>>
        tpu.enqueue_indirect_dma source(%dma_start3A_919 : memref<80000x16xf32, #tpu.memory_space<hbm>>) target(%dma_start3A_913 : memref<160x16xf32, #tpu.memory_space<vmem>>) offsets(%dma_start3A_916 : memref<160xi32, #tpu.memory_space<vmem>>) semaphore(%arg22 : memref<!tpu.dma_semaphore, #tpu.memory_space<semaphore_mem>>)
      } else {
      }
      %ge3A = arith.constant 1 : i32
      %ge3A_803 = arith.cmpi sge, %scan3A_791, %ge3A : i32
      %convert_element_type3A_804 = arith.extui %ge3A_803 : i1 to i32
      %cond3A_805 = arith.constant 0 : i32
      %cond3A_806 = arith.cmpi ne, %convert_element_type3A_804, %cond3A_805 : i32
      scf.if %cond3A_806 {
        %dma_wait3A_836 = arith.constant 0 : i32
        %dma_wait3A_837 = arith.constant 0 : i32
        %dma_wait3A_838 = arith.constant 0 : i32
        %dma_wait3A_839 = arith.constant 0 : i32
        %dma_wait3A_840 = tpu.memref_slice %arg19[%dma_wait3A_836, %dma_wait3A_838, %dma_wait3A_839] : memref<2x160x16xf32, #tpu.memory_space<vmem>> -> memref<1x160x16xf32, #tpu.memory_space<vmem>>
        %dma_wait3A_841 = tpu.memref_squeeze %dma_wait3A_840 : memref<1x160x16xf32, #tpu.memory_space<vmem>> -> memref<160x16xf32, #tpu.memory_space<vmem>>
        %dma_wait3A_842 = arith.constant 0 : i32
        %dma_wait3A_843 = tpu.memref_slice %arg16[%dma_wait3A_837, %dma_wait3A_842] : memref<125x160xi32, #tpu.memory_space<vmem>> -> memref<1x160xi32, #tpu.memory_space<vmem>>
        %dma_wait3A_844 = tpu.memref_squeeze %dma_wait3A_843 : memref<1x160xi32, #tpu.memory_space<vmem>> -> memref<160xi32, #tpu.memory_space<vmem>>
        %dma_wait3A_845 = arith.constant 0 : i32
        %dma_wait3A_846 = arith.constant 0 : i32
        %dma_wait3A_847 = tpu.memref_slice %arg21[%dma_wait3A_845, %dma_wait3A_846] : memref<10000x16xf32, #tpu.memory_space<vmem_shared>> -> memref<10000x16xf32, #tpu.memory_space<vmem_shared>>
        tpu.wait_indirect_dma semaphore(%arg23 : memref<!tpu.dma_semaphore, #tpu.memory_space<semaphore_mem>>) src(%dma_wait3A_841 : memref<160x16xf32, #tpu.memory_space<vmem>>) dst(%dma_wait3A_847 : memref<10000x16xf32, #tpu.memory_space<vmem_shared>>)
      } else {
      }
      %dma_wait3A_807 = arith.constant 0 : i32
      %dma_wait3A_808 = arith.constant 0 : i32
      %dma_wait3A_809 = tpu.memref_slice %arg18[%rem3A_792, %dma_wait3A_807, %dma_wait3A_808] : memref<2x160x16xf32, #tpu.memory_space<vmem>> -> memref<1x160x16xf32, #tpu.memory_space<vmem>>
      %dma_wait3A_810 = tpu.memref_squeeze %dma_wait3A_809 : memref<1x160x16xf32, #tpu.memory_space<vmem>> -> memref<160x16xf32, #tpu.memory_space<vmem>>
      %dma_wait3A_811 = arith.constant 0 : i32
      %dma_wait3A_812 = tpu.memref_slice %arg15[%scan3A_791, %dma_wait3A_811] : memref<125x160xi32, #tpu.memory_space<vmem>> -> memref<1x160xi32, #tpu.memory_space<vmem>>
      %dma_wait3A_813 = tpu.memref_squeeze %dma_wait3A_812 : memref<1x160xi32, #tpu.memory_space<vmem>> -> memref<160xi32, #tpu.memory_space<vmem>>
      %dma_wait3A_814 = arith.constant 0 : i32
      %dma_wait3A_815 = arith.constant 0 : i32
      %dma_wait3A_816 = tpu.memref_slice %arg9[%dma_wait3A_814, %dma_wait3A_815] : memref<80000x16xf32, #tpu.memory_space<hbm>> -> memref<80000x16xf32, #tpu.memory_space<hbm>>
      tpu.wait_indirect_dma semaphore(%arg22 : memref<!tpu.dma_semaphore, #tpu.memory_space<semaphore_mem>>) src(%dma_wait3A_816 : memref<80000x16xf32, #tpu.memory_space<hbm>>) dst(%dma_wait3A_810 : memref<160x16xf32, #tpu.memory_space<vmem>>)
      %mul3A_817 = arith.constant 160 : i32
      %mul3A_818 = arith.muli %scan3A_791, %mul3A_817 : i32
      %broadcast_in_dim3A_819 = vector.broadcast %mul3A_818 : i32 to vector<16xi32>
      %scan3A_820 = arith.constant 0 : i32
      %scan3A_821 = arith.constant 0 : i32
      %scan3A_822 = arith.constant 10 : i32
      %scan3A_823 = arith.addi %scan3A_821, %scan3A_822 : i32
      %scan3A_824 = arith.constant 1 : i32
      scf.for %scan3A_836 = %scan3A_821 to %scan3A_823 step %scan3A_824  : i32 {
        %mul3A_837 = arith.constant 16 : i32
        %mul3A_838 = arith.muli %scan3A_836, %mul3A_837 : i32
        %add3A_839 = arith.constant 0 : i32
        %add3A_840 = arith.addi %mul3A_838, %add3A_839 : i32
        %add3A_841 = vector.broadcast %add3A_840 : i32 to vector<16xi32>
        %add3A_842 = arith.addi %broadcast_in_dim3A_819, %add3A_841 : vector<16xi32>
        %gather3A_843 = tpu.vector_load_idx %arg17[%add3A_842] : memref<20000xf32, #tpu.memory_space<vmem>>[vector<16xi32>], vector<16xf32>,
        %get3A_844 = arith.index_cast %rem3A_792 : i32 to index
        %get3A_845 = arith.index_cast %add3A_840 : i32 to index
        %get3A_846 = arith.constant 0 : index
        %get3A_847 = tpu.vector_load %arg18[%get3A_844, %get3A_845, %get3A_846] {strides = array<i32>} : memref<2x160x16xf32, #tpu.memory_space<vmem>>, vector<16xf32>,
        %mul3A_848 = arith.mulf %get3A_847, %gather3A_843 : vector<16xf32>
        %swap3A_849 = arith.index_cast %rem3A_792 : i32 to index
        %swap3A_850 = arith.index_cast %add3A_840 : i32 to index
        %swap3A_851 = arith.constant 0 : index
        %swap3A_852 = tpu.vector_load %arg19[%swap3A_849, %swap3A_850, %swap3A_851] {strides = array<i32>} : memref<2x160x16xf32, #tpu.memory_space<vmem>>, vector<16xf32>,
        tpu.vector_store %arg19[%swap3A_849, %swap3A_850, %swap3A_851], %mul3A_848 {strides = array<i32>} : memref<2x160x16xf32, #tpu.memory_space<vmem>>, vector<16xf32>,
        %mul3A_853 = arith.constant 16 : i32
        %mul3A_854 = arith.muli %scan3A_836, %mul3A_853 : i32
        %add3A_855 = arith.constant 1 : i32
        %add3A_856 = arith.addi %mul3A_854, %add3A_855 : i32
        %add3A_857 = vector.broadcast %add3A_856 : i32 to vector<16xi32>
        %add3A_858 = arith.addi %broadcast_in_dim3A_819, %add3A_857 : vector<16xi32>
        %gather3A_859 = tpu.vector_load_idx %arg17[%add3A_858] : memref<20000xf32, #tpu.memory_space<vmem>>[vector<16xi32>], vector<16xf32>,
        %get3A_860 = arith.index_cast %rem3A_792 : i32 to index
        %get3A_861 = arith.index_cast %add3A_856 : i32 to index
        %get3A_862 = arith.constant 0 : index
        %get3A_863 = tpu.vector_load %arg18[%get3A_860, %get3A_861, %get3A_862] {strides = array<i32>} : memref<2x160x16xf32, #tpu.memory_space<vmem>>, vector<16xf32>,
        %mul3A_864 = arith.mulf %get3A_863, %gather3A_859 : vector<16xf32>
        %swap3A_865 = arith.index_cast %rem3A_792 : i32 to index
        %swap3A_866 = arith.index_cast %add3A_856 : i32 to index
        %swap3A_867 = arith.constant 0 : index
        %swap3A_868 = tpu.vector_load %arg19[%swap3A_865, %swap3A_866, %swap3A_867] {strides = array<i32>} : memref<2x160x16xf32, #tpu.memory_space<vmem>>, vector<16xf32>,
        tpu.vector_store %arg19[%swap3A_865, %swap3A_866, %swap3A_867], %mul3A_864 {strides = array<i32>} : memref<2x160x16xf32, #tpu.memory_space<vmem>>, vector<16xf32>,
        %mul3A_869 = arith.constant 16 : i32
        %mul3A_870 = arith.muli %scan3A_836, %mul3A_869 : i32
        %add3A_871 = arith.constant 2 : i32
        %add3A_872 = arith.addi %mul3A_870, %add3A_871 : i32
        %add3A_873 = vector.broadcast %add3A_872 : i32 to vector<16xi32>
        %add3A_874 = arith.addi %broadcast_in_dim3A_819, %add3A_873 : vector<16xi32>
        %gather3A_875 = tpu.vector_load_idx %arg17[%add3A_874] : memref<20000xf32, #tpu.memory_space<vmem>>[vector<16xi32>], vector<16xf32>,
        %get3A_876 = arith.index_cast %rem3A_792 : i32 to index
        %get3A_877 = arith.index_cast %add3A_872 : i32 to index
        %get3A_878 = arith.constant 0 : index
        %get3A_879 = tpu.vector_load %arg18[%get3A_876, %get3A_877, %get3A_878] {strides = array<i32>} : memref<2x160x16xf32, #tpu.memory_space<vmem>>, vector<16xf32>,
        %mul3A_880 = arith.mulf %get3A_879, %gather3A_875 : vector<16xf32>
        %swap3A_881 = arith.index_cast %rem3A_792 : i32 to index
        %swap3A_882 = arith.index_cast %add3A_872 : i32 to index
        %swap3A_883 = arith.constant 0 : index
        %swap3A_884 = tpu.vector_load %arg19[%swap3A_881, %swap3A_882, %swap3A_883] {strides = array<i32>} : memref<2x160x16xf32, #tpu.memory_space<vmem>>, vector<16xf32>,
        tpu.vector_store %arg19[%swap3A_881, %swap3A_882, %swap3A_883], %mul3A_880 {strides = array<i32>} : memref<2x160x16xf32, #tpu.memory_space<vmem>>, vector<16xf32>,
        %mul3A_885 = arith.constant 16 : i32
        %mul3A_886 = arith.muli %scan3A_836, %mul3A_885 : i32
        %add3A_887 = arith.constant 3 : i32
        %add3A_888 = arith.addi %mul3A_886, %add3A_887 : i32
        %add3A_889 = vector.broadcast %add3A_888 : i32 to vector<16xi32>
        %add3A_890 = arith.addi %broadcast_in_dim3A_819, %add3A_889 : vector<16xi32>
        %gather3A_891 = tpu.vector_load_idx %arg17[%add3A_890] : memref<20000xf32, #tpu.memory_space<vmem>>[vector<16xi32>], vector<16xf32>,
        %get3A_892 = arith.index_cast %rem3A_792 : i32 to index
        %get3A_893 = arith.index_cast %add3A_888 : i32 to index
        %get3A_894 = arith.constant 0 : index
        %get3A_895 = tpu.vector_load %arg18[%get3A_892, %get3A_893, %get3A_894] {strides = array<i32>} : memref<2x160x16xf32, #tpu.memory_space<vmem>>, vector<16xf32>,
        %mul3A_896 = arith.mulf %get3A_895, %gather3A_891 : vector<16xf32>
        %swap3A_897 = arith.index_cast %rem3A_792 : i32 to index
        %swap3A_898 = arith.index_cast %add3A_888 : i32 to index
        %swap3A_899 = arith.constant 0 : index
        %swap3A_900 = tpu.vector_load %arg19[%swap3A_897, %swap3A_898, %swap3A_899] {strides = array<i32>} : memref<2x160x16xf32, #tpu.memory_space<vmem>>, vector<16xf32>,
        tpu.vector_store %arg19[%swap3A_897, %swap3A_898, %swap3A_899], %mul3A_896 {strides = array<i32>} : memref<2x160x16xf32, #tpu.memory_space<vmem>>, vector<16xf32>,
        %mul3A_901 = arith.constant 16 : i32
        %mul3A_902 = arith.muli %scan3A_836, %mul3A_901 : i32
        %add3A_903 = arith.constant 4 : i32
        %add3A_904 = arith.addi %mul3A_902, %add3A_903 : i32
        %add3A_905 = vector.broadcast %add3A_904 : i32 to vector<16xi32>
        %add3A_906 = arith.addi %broadcast_in_dim3A_819, %add3A_905 : vector<16xi32>
        %gather3A_907 = tpu.vector_load_idx %arg17[%add3A_906] : memref<20000xf32, #tpu.memory_space<vmem>>[vector<16xi32>], vector<16xf32>,
        %get3A_908 = arith.index_cast %rem3A_792 : i32 to index
        %get3A_909 = arith.index_cast %add3A_904 : i32 to index
        %get3A_910 = arith.constant 0 : index
        %get3A_911 = tpu.vector_load %arg18[%get3A_908, %get3A_909, %get3A_910] {strides = array<i32>} : memref<2x160x16xf32, #tpu.memory_space<vmem>>, vector<16xf32>,
        %mul3A_912 = arith.mulf %get3A_911, %gather3A_907 : vector<16xf32>
        %swap3A_913 = arith.index_cast %rem3A_792 : i32 to index
        %swap3A_914 = arith.index_cast %add3A_904 : i32 to index
        %swap3A_915 = arith.constant 0 : index
        %swap3A_916 = tpu.vector_load %arg19[%swap3A_913, %swap3A_914, %swap3A_915] {strides = array<i32>} : memref<2x160x16xf32, #tpu.memory_space<vmem>>, vector<16xf32>,
        tpu.vector_store %arg19[%swap3A_913, %swap3A_914, %swap3A_915], %mul3A_912 {strides = array<i32>} : memref<2x160x16xf32, #tpu.memory_space<vmem>>, vector<16xf32>,
        %mul3A_917 = arith.constant 16 : i32
        %mul3A_918 = arith.muli %scan3A_836, %mul3A_917 : i32
        %add3A_919 = arith.constant 5 : i32
        %add3A_920 = arith.addi %mul3A_918, %add3A_919 : i32
        %add3A_921 = vector.broadcast %add3A_920 : i32 to vector<16xi32>
        %add3A_922 = arith.addi %broadcast_in_dim3A_819, %add3A_921 : vector<16xi32>
        %gather3A_923 = tpu.vector_load_idx %arg17[%add3A_922] : memref<20000xf32, #tpu.memory_space<vmem>>[vector<16xi32>], vector<16xf32>,
        %get3A_924 = arith.index_cast %rem3A_792 : i32 to index
        %get3A_925 = arith.index_cast %add3A_920 : i32 to index
        %get3A_926 = arith.constant 0 : index
        %get3A_927 = tpu.vector_load %arg18[%get3A_924, %get3A_925, %get3A_926] {strides = array<i32>} : memref<2x160x16xf32, #tpu.memory_space<vmem>>, vector<16xf32>,
        %mul3A_928 = arith.mulf %get3A_927, %gather3A_923 : vector<16xf32>
        %swap3A_929 = arith.index_cast %rem3A_792 : i32 to index
        %swap3A_930 = arith.index_cast %add3A_920 : i32 to index
        %swap3A_931 = arith.constant 0 : index
        %swap3A_932 = tpu.vector_load %arg19[%swap3A_929, %swap3A_930, %swap3A_931] {strides = array<i32>} : memref<2x160x16xf32, #tpu.memory_space<vmem>>, vector<16xf32>,
        tpu.vector_store %arg19[%swap3A_929, %swap3A_930, %swap3A_931], %mul3A_928 {strides = array<i32>} : memref<2x160x16xf32, #tpu.memory_space<vmem>>, vector<16xf32>,
        %mul3A_933 = arith.constant 16 : i32
        %mul3A_934 = arith.muli %scan3A_836, %mul3A_933 : i32
        %add3A_935 = arith.constant 6 : i32
        %add3A_936 = arith.addi %mul3A_934, %add3A_935 : i32
        %add3A_937 = vector.broadcast %add3A_936 : i32 to vector<16xi32>
        %add3A_938 = arith.addi %broadcast_in_dim3A_819, %add3A_937 : vector<16xi32>
        %gather3A_939 = tpu.vector_load_idx %arg17[%add3A_938] : memref<20000xf32, #tpu.memory_space<vmem>>[vector<16xi32>], vector<16xf32>,
        %get3A_940 = arith.index_cast %rem3A_792 : i32 to index
        %get3A_941 = arith.index_cast %add3A_936 : i32 to index
        %get3A_942 = arith.constant 0 : index
        %get3A_943 = tpu.vector_load %arg18[%get3A_940, %get3A_941, %get3A_942] {strides = array<i32>} : memref<2x160x16xf32, #tpu.memory_space<vmem>>, vector<16xf32>,
        %mul3A_944 = arith.mulf %get3A_943, %gather3A_939 : vector<16xf32>
        %swap3A_945 = arith.index_cast %rem3A_792 : i32 to index
        %swap3A_946 = arith.index_cast %add3A_936 : i32 to index
        %swap3A_947 = arith.constant 0 : index
        %swap3A_948 = tpu.vector_load %arg19[%swap3A_945, %swap3A_946, %swap3A_947] {strides = array<i32>} : memref<2x160x16xf32, #tpu.memory_space<vmem>>, vector<16xf32>,
        tpu.vector_store %arg19[%swap3A_945, %swap3A_946, %swap3A_947], %mul3A_944 {strides = array<i32>} : memref<2x160x16xf32, #tpu.memory_space<vmem>>, vector<16xf32>,
        %mul3A_949 = arith.constant 16 : i32
        %mul3A_950 = arith.muli %scan3A_836, %mul3A_949 : i32
        %add3A_951 = arith.constant 7 : i32
        %add3A_952 = arith.addi %mul3A_950, %add3A_951 : i32
        %add3A_953 = vector.broadcast %add3A_952 : i32 to vector<16xi32>
        %add3A_954 = arith.addi %broadcast_in_dim3A_819, %add3A_953 : vector<16xi32>
        %gather3A_955 = tpu.vector_load_idx %arg17[%add3A_954] : memref<20000xf32, #tpu.memory_space<vmem>>[vector<16xi32>], vector<16xf32>,
        %get3A_956 = arith.index_cast %rem3A_792 : i32 to index
        %get3A_957 = arith.index_cast %add3A_952 : i32 to index
        %get3A_958 = arith.constant 0 : index
        %get3A_959 = tpu.vector_load %arg18[%get3A_956, %get3A_957, %get3A_958] {strides = array<i32>} : memref<2x160x16xf32, #tpu.memory_space<vmem>>, vector<16xf32>,
        %mul3A_960 = arith.mulf %get3A_959, %gather3A_955 : vector<16xf32>
        %swap3A_961 = arith.index_cast %rem3A_792 : i32 to index
        %swap3A_962 = arith.index_cast %add3A_952 : i32 to index
        %swap3A_963 = arith.constant 0 : index
        %swap3A_964 = tpu.vector_load %arg19[%swap3A_961, %swap3A_962, %swap3A_963] {strides = array<i32>} : memref<2x160x16xf32, #tpu.memory_space<vmem>>, vector<16xf32>,
        tpu.vector_store %arg19[%swap3A_961, %swap3A_962, %swap3A_963], %mul3A_960 {strides = array<i32>} : memref<2x160x16xf32, #tpu.memory_space<vmem>>, vector<16xf32>,
        %mul3A_965 = arith.constant 16 : i32
        %mul3A_966 = arith.muli %scan3A_836, %mul3A_965 : i32
        %add3A_967 = arith.constant 8 : i32
        %add3A_968 = arith.addi %mul3A_966, %add3A_967 : i32
        %add3A_969 = vector.broadcast %add3A_968 : i32 to vector<16xi32>
        %add3A_970 = arith.addi %broadcast_in_dim3A_819, %add3A_969 : vector<16xi32>
        %gather3A_971 = tpu.vector_load_idx %arg17[%add3A_970] : memref<20000xf32, #tpu.memory_space<vmem>>[vector<16xi32>], vector<16xf32>,
        %get3A_972 = arith.index_cast %rem3A_792 : i32 to index
        %get3A_973 = arith.index_cast %add3A_968 : i32 to index
        %get3A_974 = arith.constant 0 : index
        %get3A_975 = tpu.vector_load %arg18[%get3A_972, %get3A_973, %get3A_974] {strides = array<i32>} : memref<2x160x16xf32, #tpu.memory_space<vmem>>, vector<16xf32>,
        %mul3A_976 = arith.mulf %get3A_975, %gather3A_971 : vector<16xf32>
        %swap3A_977 = arith.index_cast %rem3A_792 : i32 to index
        %swap3A_978 = arith.index_cast %add3A_968 : i32 to index
        %swap3A_979 = arith.constant 0 : index
        %swap3A_980 = tpu.vector_load %arg19[%swap3A_977, %swap3A_978, %swap3A_979] {strides = array<i32>} : memref<2x160x16xf32, #tpu.memory_space<vmem>>, vector<16xf32>,
        tpu.vector_store %arg19[%swap3A_977, %swap3A_978, %swap3A_979], %mul3A_976 {strides = array<i32>} : memref<2x160x16xf32, #tpu.memory_space<vmem>>, vector<16xf32>,
        %mul3A_981 = arith.constant 16 : i32
        %mul3A_982 = arith.muli %scan3A_836, %mul3A_981 : i32
        %add3A_983 = arith.constant 9 : i32
        %add3A_984 = arith.addi %mul3A_982, %add3A_983 : i32
        %add3A_985 = vector.broadcast %add3A_984 : i32 to vector<16xi32>
        %add3A_986 = arith.addi %broadcast_in_dim3A_819, %add3A_985 : vector<16xi32>
        %gather3A_987 = tpu.vector_load_idx %arg17[%add3A_986] : memref<20000xf32, #tpu.memory_space<vmem>>[vector<16xi32>], vector<16xf32>,
        %get3A_988 = arith.index_cast %rem3A_792 : i32 to index
        %get3A_989 = arith.index_cast %add3A_984 : i32 to index
        %get3A_990 = arith.constant 0 : index
        %get3A_991 = tpu.vector_load %arg18[%get3A_988, %get3A_989, %get3A_990] {strides = array<i32>} : memref<2x160x16xf32, #tpu.memory_space<vmem>>, vector<16xf32>,
        %mul3A_992 = arith.mulf %get3A_991, %gather3A_987 : vector<16xf32>
        %swap3A_993 = arith.index_cast %rem3A_792 : i32 to index
        %swap3A_994 = arith.index_cast %add3A_984 : i32 to index
        %swap3A_995 = arith.constant 0 : index
        %swap3A_996 = tpu.vector_load %arg19[%swap3A_993, %swap3A_994, %swap3A_995] {strides = array<i32>} : memref<2x160x16xf32, #tpu.memory_space<vmem>>, vector<16xf32>,
        tpu.vector_store %arg19[%swap3A_993, %swap3A_994, %swap3A_995], %mul3A_992 {strides = array<i32>} : memref<2x160x16xf32, #tpu.memory_space<vmem>>, vector<16xf32>,
        %mul3A_997 = arith.constant 16 : i32
        %mul3A_998 = arith.muli %scan3A_836, %mul3A_997 : i32
        %add3A_999 = arith.constant 10 : i32
        %add3A_1000 = arith.addi %mul3A_998, %add3A_999 : i32
        %add3A_1001 = vector.broadcast %add3A_1000 : i32 to vector<16xi32>
        %add3A_1002 = arith.addi %broadcast_in_dim3A_819, %add3A_1001 : vector<16xi32>
        %gather3A_1003 = tpu.vector_load_idx %arg17[%add3A_1002] : memref<20000xf32, #tpu.memory_space<vmem>>[vector<16xi32>], vector<16xf32>,
        %get3A_1004 = arith.index_cast %rem3A_792 : i32 to index
        %get3A_1005 = arith.index_cast %add3A_1000 : i32 to index
        %get3A_1006 = arith.constant 0 : index
        %get3A_1007 = tpu.vector_load %arg18[%get3A_1004, %get3A_1005, %get3A_1006] {strides = array<i32>} : memref<2x160x16xf32, #tpu.memory_space<vmem>>, vector<16xf32>,
        %mul3A_1008 = arith.mulf %get3A_1007, %gather3A_1003 : vector<16xf32>
        %swap3A_1009 = arith.index_cast %rem3A_792 : i32 to index
        %swap3A_1010 = arith.index_cast %add3A_1000 : i32 to index
        %swap3A_1011 = arith.constant 0 : index
        %swap3A_1012 = tpu.vector_load %arg19[%swap3A_1009, %swap3A_1010, %swap3A_1011] {strides = array<i32>} : memref<2x160x16xf32, #tpu.memory_space<vmem>>, vector<16xf32>,
        tpu.vector_store %arg19[%swap3A_1009, %swap3A_1010, %swap3A_1011], %mul3A_1008 {strides = array<i32>} : memref<2x160x16xf32, #tpu.memory_space<vmem>>, vector<16xf32>,
        %mul3A_1013 = arith.constant 16 : i32
        %mul3A_1014 = arith.muli %scan3A_836, %mul3A_1013 : i32
        %add3A_1015 = arith.constant 11 : i32
        %add3A_1016 = arith.addi %mul3A_1014, %add3A_1015 : i32
        %add3A_1017 = vector.broadcast %add3A_1016 : i32 to vector<16xi32>
        %add3A_1018 = arith.addi %broadcast_in_dim3A_819, %add3A_1017 : vector<16xi32>
        %gather3A_1019 = tpu.vector_load_idx %arg17[%add3A_1018] : memref<20000xf32, #tpu.memory_space<vmem>>[vector<16xi32>], vector<16xf32>,
        %get3A_1020 = arith.index_cast %rem3A_792 : i32 to index
        %get3A_1021 = arith.index_cast %add3A_1016 : i32 to index
        %get3A_1022 = arith.constant 0 : index
        %get3A_1023 = tpu.vector_load %arg18[%get3A_1020, %get3A_1021, %get3A_1022] {strides = array<i32>} : memref<2x160x16xf32, #tpu.memory_space<vmem>>, vector<16xf32>,
        %mul3A_1024 = arith.mulf %get3A_1023, %gather3A_1019 : vector<16xf32>
        %swap3A_1025 = arith.index_cast %rem3A_792 : i32 to index
        %swap3A_1026 = arith.index_cast %add3A_1016 : i32 to index
        %swap3A_1027 = arith.constant 0 : index
        %swap3A_1028 = tpu.vector_load %arg19[%swap3A_1025, %swap3A_1026, %swap3A_1027] {strides = array<i32>} : memref<2x160x16xf32, #tpu.memory_space<vmem>>, vector<16xf32>,
        tpu.vector_store %arg19[%swap3A_1025, %swap3A_1026, %swap3A_1027], %mul3A_1024 {strides = array<i32>} : memref<2x160x16xf32, #tpu.memory_space<vmem>>, vector<16xf32>,
        %mul3A_1029 = arith.constant 16 : i32
        %mul3A_1030 = arith.muli %scan3A_836, %mul3A_1029 : i32
        %add3A_1031 = arith.constant 12 : i32
        %add3A_1032 = arith.addi %mul3A_1030, %add3A_1031 : i32
        %add3A_1033 = vector.broadcast %add3A_1032 : i32 to vector<16xi32>
        %add3A_1034 = arith.addi %broadcast_in_dim3A_819, %add3A_1033 : vector<16xi32>
        %gather3A_1035 = tpu.vector_load_idx %arg17[%add3A_1034] : memref<20000xf32, #tpu.memory_space<vmem>>[vector<16xi32>], vector<16xf32>,
        %get3A_1036 = arith.index_cast %rem3A_792 : i32 to index
        %get3A_1037 = arith.index_cast %add3A_1032 : i32 to index
        %get3A_1038 = arith.constant 0 : index
        %get3A_1039 = tpu.vector_load %arg18[%get3A_1036, %get3A_1037, %get3A_1038] {strides = array<i32>} : memref<2x160x16xf32, #tpu.memory_space<vmem>>, vector<16xf32>,
        %mul3A_1040 = arith.mulf %get3A_1039, %gather3A_1035 : vector<16xf32>
        %swap3A_1041 = arith.index_cast %rem3A_792 : i32 to index
        %swap3A_1042 = arith.index_cast %add3A_1032 : i32 to index
        %swap3A_1043 = arith.constant 0 : index
        %swap3A_1044 = tpu.vector_load %arg19[%swap3A_1041, %swap3A_1042, %swap3A_1043] {strides = array<i32>} : memref<2x160x16xf32, #tpu.memory_space<vmem>>, vector<16xf32>,
        tpu.vector_store %arg19[%swap3A_1041, %swap3A_1042, %swap3A_1043], %mul3A_1040 {strides = array<i32>} : memref<2x160x16xf32, #tpu.memory_space<vmem>>, vector<16xf32>,
        %mul3A_1045 = arith.constant 16 : i32
        %mul3A_1046 = arith.muli %scan3A_836, %mul3A_1045 : i32
        %add3A_1047 = arith.constant 13 : i32
        %add3A_1048 = arith.addi %mul3A_1046, %add3A_1047 : i32
        %add3A_1049 = vector.broadcast %add3A_1048 : i32 to vector<16xi32>
        %add3A_1050 = arith.addi %broadcast_in_dim3A_819, %add3A_1049 : vector<16xi32>
        %gather3A_1051 = tpu.vector_load_idx %arg17[%add3A_1050] : memref<20000xf32, #tpu.memory_space<vmem>>[vector<16xi32>], vector<16xf32>,
        %get3A_1052 = arith.index_cast %rem3A_792 : i32 to index
        %get3A_1053 = arith.index_cast %add3A_1048 : i32 to index
        %get3A_1054 = arith.constant 0 : index
        %get3A_1055 = tpu.vector_load %arg18[%get3A_1052, %get3A_1053, %get3A_1054] {strides = array<i32>} : memref<2x160x16xf32, #tpu.memory_space<vmem>>, vector<16xf32>,
        %mul3A_1056 = arith.mulf %get3A_1055, %gather3A_1051 : vector<16xf32>
        %swap3A_1057 = arith.index_cast %rem3A_792 : i32 to index
        %swap3A_1058 = arith.index_cast %add3A_1048 : i32 to index
        %swap3A_1059 = arith.constant 0 : index
        %swap3A_1060 = tpu.vector_load %arg19[%swap3A_1057, %swap3A_1058, %swap3A_1059] {strides = array<i32>} : memref<2x160x16xf32, #tpu.memory_space<vmem>>, vector<16xf32>,
        tpu.vector_store %arg19[%swap3A_1057, %swap3A_1058, %swap3A_1059], %mul3A_1056 {strides = array<i32>} : memref<2x160x16xf32, #tpu.memory_space<vmem>>, vector<16xf32>,
        %mul3A_1061 = arith.constant 16 : i32
        %mul3A_1062 = arith.muli %scan3A_836, %mul3A_1061 : i32
        %add3A_1063 = arith.constant 14 : i32
        %add3A_1064 = arith.addi %mul3A_1062, %add3A_1063 : i32
        %add3A_1065 = vector.broadcast %add3A_1064 : i32 to vector<16xi32>
        %add3A_1066 = arith.addi %broadcast_in_dim3A_819, %add3A_1065 : vector<16xi32>
        %gather3A_1067 = tpu.vector_load_idx %arg17[%add3A_1066] : memref<20000xf32, #tpu.memory_space<vmem>>[vector<16xi32>], vector<16xf32>,
        %get3A_1068 = arith.index_cast %rem3A_792 : i32 to index
        %get3A_1069 = arith.index_cast %add3A_1064 : i32 to index
        %get3A_1070 = arith.constant 0 : index
        %get3A_1071 = tpu.vector_load %arg18[%get3A_1068, %get3A_1069, %get3A_1070] {strides = array<i32>} : memref<2x160x16xf32, #tpu.memory_space<vmem>>, vector<16xf32>,
        %mul3A_1072 = arith.mulf %get3A_1071, %gather3A_1067 : vector<16xf32>
        %swap3A_1073 = arith.index_cast %rem3A_792 : i32 to index
        %swap3A_1074 = arith.index_cast %add3A_1064 : i32 to index
        %swap3A_1075 = arith.constant 0 : index
        %swap3A_1076 = tpu.vector_load %arg19[%swap3A_1073, %swap3A_1074, %swap3A_1075] {strides = array<i32>} : memref<2x160x16xf32, #tpu.memory_space<vmem>>, vector<16xf32>,
        tpu.vector_store %arg19[%swap3A_1073, %swap3A_1074, %swap3A_1075], %mul3A_1072 {strides = array<i32>} : memref<2x160x16xf32, #tpu.memory_space<vmem>>, vector<16xf32>,
        %mul3A_1077 = arith.constant 16 : i32
        %mul3A_1078 = arith.muli %scan3A_836, %mul3A_1077 : i32
        %add3A_1079 = arith.constant 15 : i32
        %add3A_1080 = arith.addi %mul3A_1078, %add3A_1079 : i32
        %add3A_1081 = vector.broadcast %add3A_1080 : i32 to vector<16xi32>
        %add3A_1082 = arith.addi %broadcast_in_dim3A_819, %add3A_1081 : vector<16xi32>
        %gather3A_1083 = tpu.vector_load_idx %arg17[%add3A_1082] : memref<20000xf32, #tpu.memory_space<vmem>>[vector<16xi32>], vector<16xf32>,
        %get3A_1084 = arith.index_cast %rem3A_792 : i32 to index
        %get3A_1085 = arith.index_cast %add3A_1080 : i32 to index
        %get3A_1086 = arith.constant 0 : index
        %get3A_1087 = tpu.vector_load %arg18[%get3A_1084, %get3A_1085, %get3A_1086] {strides = array<i32>} : memref<2x160x16xf32, #tpu.memory_space<vmem>>, vector<16xf32>,
        %mul3A_1088 = arith.mulf %get3A_1087, %gather3A_1083 : vector<16xf32>
        %swap3A_1089 = arith.index_cast %rem3A_792 : i32 to index
        %swap3A_1090 = arith.index_cast %add3A_1080 : i32 to index
        %swap3A_1091 = arith.constant 0 : index
        %swap3A_1092 = tpu.vector_load %arg19[%swap3A_1089, %swap3A_1090, %swap3A_1091] {strides = array<i32>} : memref<2x160x16xf32, #tpu.memory_space<vmem>>, vector<16xf32>,
        tpu.vector_store %arg19[%swap3A_1089, %swap3A_1090, %swap3A_1091], %mul3A_1088 {strides = array<i32>} : memref<2x160x16xf32, #tpu.memory_space<vmem>>, vector<16xf32>,
      }
      %scan3A_825 = arith.constant 10 : i32
      %dma_start3A_826 = arith.constant 0 : i32
      %dma_start3A_827 = arith.constant 0 : i32
      %dma_start3A_828 = tpu.memref_slice %arg19[%rem3A_792, %dma_start3A_826, %dma_start3A_827] : memref<2x160x16xf32, #tpu.memory_space<vmem>> -> memref<1x160x16xf32, #tpu.memory_space<vmem>>
      %dma_start3A_829 = tpu.memref_squeeze %dma_start3A_828 : memref<1x160x16xf32, #tpu.memory_space<vmem>> -> memref<160x16xf32, #tpu.memory_space<vmem>>
      %dma_start3A_830 = arith.constant 0 : i32
      %dma_start3A_831 = tpu.memref_slice %arg16[%scan3A_791, %dma_start3A_830] : memref<125x160xi32, #tpu.memory_space<vmem>> -> memref<1x160xi32, #tpu.memory_space<vmem>>
      %dma_start3A_832 = tpu.memref_squeeze %dma_start3A_831 : memref<1x160xi32, #tpu.memory_space<vmem>> -> memref<160xi32, #tpu.memory_space<vmem>>
      %dma_start3A_833 = arith.constant 0 : i32
      %dma_start3A_834 = arith.constant 0 : i32
      %dma_start3A_835 = tpu.memref_slice %arg21[%dma_start3A_833, %dma_start3A_834] : memref<10000x16xf32, #tpu.memory_space<vmem_shared>> -> memref<10000x16xf32, #tpu.memory_space<vmem_shared>>
      tpu.enqueue_indirect_dma source(%dma_start3A_829 : memref<160x16xf32, #tpu.memory_space<vmem>>) target(%dma_start3A_835 : memref<10000x16xf32, #tpu.memory_space<vmem_shared>>) offsets(%dma_start3A_832 : memref<160xi32, #tpu.memory_space<vmem>>) semaphore(%arg23 : memref<!tpu.dma_semaphore, #tpu.memory_space<semaphore_mem>>) {add = true}
    }
    %scan3A_631 = arith.constant 125 : i32
    %dma_wait3A_632 = arith.constant 0 : i32
    %dma_wait3A_633 = arith.constant 0 : i32
    %dma_wait3A_634 = arith.constant 0 : i32
    %dma_wait3A_635 = arith.constant 0 : i32
    %dma_wait3A_636 = tpu.memref_slice %arg19[%dma_wait3A_632, %dma_wait3A_634, %dma_wait3A_635] : memref<2x160x16xf32, #tpu.memory_space<vmem>> -> memref<1x160x16xf32, #tpu.memory_space<vmem>>
    %dma_wait3A_637 = tpu.memref_squeeze %dma_wait3A_636 : memref<1x160x16xf32, #tpu.memory_space<vmem>> -> memref<160x16xf32, #tpu.memory_space<vmem>>
    %dma_wait3A_638 = arith.constant 0 : i32
    %dma_wait3A_639 = tpu.memref_slice %arg16[%dma_wait3A_633, %dma_wait3A_638] : memref<125x160xi32, #tpu.memory_space<vmem>> -> memref<1x160xi32, #tpu.memory_space<vmem>>
    %dma_wait3A_640 = tpu.memref_squeeze %dma_wait3A_639 : memref<1x160xi32, #tpu.memory_space<vmem>> -> memref<160xi32, #tpu.memory_space<vmem>>
    %dma_wait3A_641 = arith.constant 0 : i32
    %dma_wait3A_642 = arith.constant 0 : i32
    %dma_wait3A_643 = tpu.memref_slice %arg21[%dma_wait3A_641, %dma_wait3A_642] : memref<10000x16xf32, #tpu.memory_space<vmem_shared>> -> memref<10000x16xf32, #tpu.memory_space<vmem_shared>>
    tpu.wait_indirect_dma semaphore(%arg23 : memref<!tpu.dma_semaphore, #tpu.memory_space<semaphore_mem>>) src(%dma_wait3A_637 : memref<160x16xf32, #tpu.memory_space<vmem>>) dst(%dma_wait3A_643 : memref<10000x16xf32, #tpu.memory_space<vmem_shared>>)
    %barrier3A_644 = arith.constant 0 : index
    tpu.barrier barrier_id(%barrier3A_644)
    %not3A_645 = arith.constant true
    %not3A_646 = arith.xori %eq3A_1, %not3A_645 : i1
    %convert_element_type3A_647 = arith.extui %not3A_646 : i1 to i32
    %cond3A_648 = arith.constant 0 : i32
    %cond3A_649 = arith.cmpi ne, %convert_element_type3A_647, %cond3A_648 : i32
    scf.if %cond3A_649 {
      %mul3A_791 = arith.constant 4 : i32
      %mul3A_792 = arith.muli %mul3A_791, %arg0 : i32
      %add3A_793 = arith.constant 2 : i32
      %add3A_794 = arith.addi %mul3A_792, %add3A_793 : i32
      "tpu.region"() ({
        %run_scoped3A = tpu.sem_alloc : memref<!tpu.dma_semaphore, #tpu.memory_space<semaphore_mem>>
        %dma_start3A_795 = arith.constant 0 : i32
        %dma_start3A_796 = tpu.memref_slice %arg10[%add3A_794, %multiple_of3A, %dma_start3A_795] : memref<8x10000x16xf32, #tpu.memory_space<hbm>> -> memref<1x624x16xf32, #tpu.memory_space<hbm>>
        %dma_start3A_797 = tpu.memref_squeeze %dma_start3A_796 : memref<1x624x16xf32, #tpu.memory_space<hbm>> -> memref<624x16xf32, #tpu.memory_space<hbm>>
        %dma_start3A_798 = arith.constant 0 : i32
        %dma_start3A_799 = tpu.memref_slice %arg21[%multiple_of3A, %dma_start3A_798] : memref<10000x16xf32, #tpu.memory_space<vmem_shared>> -> memref<624x16xf32, #tpu.memory_space<vmem_shared>>
        tpu.enqueue_dma source(%dma_start3A_799 : memref<624x16xf32, #tpu.memory_space<vmem_shared>>) target(%dma_start3A_797 : memref<624x16xf32, #tpu.memory_space<hbm>>) target_semaphore(%run_scoped3A : memref<!tpu.dma_semaphore, #tpu.memory_space<semaphore_mem>>)
        %dma_wait3A_800 = arith.constant 0 : i32
        %dma_wait3A_801 = tpu.memref_slice %arg10[%add3A_794, %multiple_of3A, %dma_wait3A_800] : memref<8x10000x16xf32, #tpu.memory_space<hbm>> -> memref<1x624x16xf32, #tpu.memory_space<hbm>>
        %dma_wait3A_802 = tpu.memref_squeeze %dma_wait3A_801 : memref<1x624x16xf32, #tpu.memory_space<hbm>> -> memref<624x16xf32, #tpu.memory_space<hbm>>
        %dma_wait3A_803 = arith.constant 0 : i32
        %dma_wait3A_804 = tpu.memref_slice %arg21[%multiple_of3A, %dma_wait3A_803] : memref<10000x16xf32, #tpu.memory_space<vmem_shared>> -> memref<624x16xf32, #tpu.memory_space<vmem_shared>>
        tpu.wait_dma2 semaphore(%run_scoped3A : memref<!tpu.dma_semaphore, #tpu.memory_space<semaphore_mem>>) src(%dma_wait3A_804 : memref<624x16xf32, #tpu.memory_space<vmem_shared>>) dst(%dma_wait3A_802 : memref<624x16xf32, #tpu.memory_space<hbm>>)
        tpu.yield
      }) : () -> ()
    } else {
    }
    %convert_element_type3A_650 = arith.extui %eq3A_1 : i1 to i32
    %cond3A_651 = arith.constant 0 : i32
    %cond3A_652 = arith.cmpi ne, %convert_element_type3A_650, %cond3A_651 : i32
    scf.if %cond3A_652 {
      %mul3A_791 = arith.constant 4 : i32
      %mul3A_792 = arith.muli %mul3A_791, %arg0 : i32
      %add3A_793 = arith.constant 2 : i32
      %add3A_794 = arith.addi %mul3A_792, %add3A_793 : i32
      "tpu.region"() ({
        %run_scoped3A = tpu.sem_alloc : memref<!tpu.dma_semaphore, #tpu.memory_space<semaphore_mem>>
        %dma_start3A_795 = arith.constant 9360 : i32
        %dma_start3A_796 = arith.constant 0 : i32
        %dma_start3A_797 = tpu.memref_slice %arg10[%add3A_794, %dma_start3A_795, %dma_start3A_796] : memref<8x10000x16xf32, #tpu.memory_space<hbm>> -> memref<1x640x16xf32, #tpu.memory_space<hbm>>
        %dma_start3A_798 = tpu.memref_squeeze %dma_start3A_797 : memref<1x640x16xf32, #tpu.memory_space<hbm>> -> memref<640x16xf32, #tpu.memory_space<hbm>>
        %dma_start3A_799 = arith.constant 9360 : i32
        %dma_start3A_800 = arith.constant 0 : i32
        %dma_start3A_801 = tpu.memref_slice %arg21[%dma_start3A_799, %dma_start3A_800] : memref<10000x16xf32, #tpu.memory_space<vmem_shared>> -> memref<640x16xf32, #tpu.memory_space<vmem_shared>>
        tpu.enqueue_dma source(%dma_start3A_801 : memref<640x16xf32, #tpu.memory_space<vmem_shared>>) target(%dma_start3A_798 : memref<640x16xf32, #tpu.memory_space<hbm>>) target_semaphore(%run_scoped3A : memref<!tpu.dma_semaphore, #tpu.memory_space<semaphore_mem>>)
        %dma_wait3A_802 = arith.constant 9360 : i32
        %dma_wait3A_803 = arith.constant 0 : i32
        %dma_wait3A_804 = tpu.memref_slice %arg10[%add3A_794, %dma_wait3A_802, %dma_wait3A_803] : memref<8x10000x16xf32, #tpu.memory_space<hbm>> -> memref<1x640x16xf32, #tpu.memory_space<hbm>>
        %dma_wait3A_805 = tpu.memref_squeeze %dma_wait3A_804 : memref<1x640x16xf32, #tpu.memory_space<hbm>> -> memref<640x16xf32, #tpu.memory_space<hbm>>
        %dma_wait3A_806 = arith.constant 9360 : i32
        %dma_wait3A_807 = arith.constant 0 : i32
        %dma_wait3A_808 = tpu.memref_slice %arg21[%dma_wait3A_806, %dma_wait3A_807] : memref<10000x16xf32, #tpu.memory_space<vmem_shared>> -> memref<640x16xf32, #tpu.memory_space<vmem_shared>>
        tpu.wait_dma2 semaphore(%run_scoped3A : memref<!tpu.dma_semaphore, #tpu.memory_space<semaphore_mem>>) src(%dma_wait3A_808 : memref<640x16xf32, #tpu.memory_space<vmem_shared>>) dst(%dma_wait3A_805 : memref<640x16xf32, #tpu.memory_space<hbm>>)
        tpu.yield
      }) : () -> ()
    } else {
    }
    %not3A_653 = arith.constant true
    %not3A_654 = arith.xori %eq3A_1, %not3A_653 : i1
    %convert_element_type3A_655 = arith.extui %not3A_654 : i1 to i32
    %cond3A_656 = arith.constant 0 : i32
    %cond3A_657 = arith.cmpi ne, %convert_element_type3A_655, %cond3A_656 : i32
    scf.if %cond3A_657 {
      "tpu.region"() ({
        %run_scoped3A = tpu.sem_alloc : memref<!tpu.dma_semaphore, #tpu.memory_space<semaphore_mem>>
        %dma_start3A_791 = arith.constant 0 : i32
        %dma_start3A_792 = tpu.memref_slice %arg21[%multiple_of3A, %dma_start3A_791] : memref<10000x16xf32, #tpu.memory_space<vmem_shared>> -> memref<624x16xf32, #tpu.memory_space<vmem_shared>>
        %dma_start3A_793 = arith.constant 0 : i32
        %dma_start3A_794 = arith.constant 0 : i32
        %dma_start3A_795 = tpu.memref_slice %arg8[%dma_start3A_793, %dma_start3A_794] : memref<640x16xf32, #tpu.memory_space<hbm>> -> memref<624x16xf32, #tpu.memory_space<hbm>>
        tpu.enqueue_dma source(%dma_start3A_795 : memref<624x16xf32, #tpu.memory_space<hbm>>) target(%dma_start3A_792 : memref<624x16xf32, #tpu.memory_space<vmem_shared>>) target_semaphore(%run_scoped3A : memref<!tpu.dma_semaphore, #tpu.memory_space<semaphore_mem>>)
        %dma_wait3A_796 = arith.constant 0 : i32
        %dma_wait3A_797 = tpu.memref_slice %arg21[%multiple_of3A, %dma_wait3A_796] : memref<10000x16xf32, #tpu.memory_space<vmem_shared>> -> memref<624x16xf32, #tpu.memory_space<vmem_shared>>
        %dma_wait3A_798 = arith.constant 0 : i32
        %dma_wait3A_799 = arith.constant 0 : i32
        %dma_wait3A_800 = tpu.memref_slice %arg8[%dma_wait3A_798, %dma_wait3A_799] : memref<640x16xf32, #tpu.memory_space<hbm>> -> memref<624x16xf32, #tpu.memory_space<hbm>>
        tpu.wait_dma2 semaphore(%run_scoped3A : memref<!tpu.dma_semaphore, #tpu.memory_space<semaphore_mem>>) src(%dma_wait3A_800 : memref<624x16xf32, #tpu.memory_space<hbm>>) dst(%dma_wait3A_797 : memref<624x16xf32, #tpu.memory_space<vmem_shared>>)
        tpu.yield
      }) : () -> ()
    } else {
    }
    %convert_element_type3A_658 = arith.extui %eq3A_1 : i1 to i32
    %cond3A_659 = arith.constant 0 : i32
    %cond3A_660 = arith.cmpi ne, %convert_element_type3A_658, %cond3A_659 : i32
    scf.if %cond3A_660 {
      "tpu.region"() ({
        %run_scoped3A = tpu.sem_alloc : memref<!tpu.dma_semaphore, #tpu.memory_space<semaphore_mem>>
        %dma_start3A_791 = arith.constant 9360 : i32
        %dma_start3A_792 = arith.constant 0 : i32
        %dma_start3A_793 = tpu.memref_slice %arg21[%dma_start3A_791, %dma_start3A_792] : memref<10000x16xf32, #tpu.memory_space<vmem_shared>> -> memref<640x16xf32, #tpu.memory_space<vmem_shared>>
        tpu.enqueue_dma source(%arg8 : memref<640x16xf32, #tpu.memory_space<hbm>>) target(%dma_start3A_793 : memref<640x16xf32, #tpu.memory_space<vmem_shared>>) target_semaphore(%run_scoped3A : memref<!tpu.dma_semaphore, #tpu.memory_space<semaphore_mem>>)
        %dma_wait3A_794 = arith.constant 9360 : i32
        %dma_wait3A_795 = arith.constant 0 : i32
        %dma_wait3A_796 = tpu.memref_slice %arg21[%dma_wait3A_794, %dma_wait3A_795] : memref<10000x16xf32, #tpu.memory_space<vmem_shared>> -> memref<640x16xf32, #tpu.memory_space<vmem_shared>>
        tpu.wait_dma2 semaphore(%run_scoped3A : memref<!tpu.dma_semaphore, #tpu.memory_space<semaphore_mem>>) src(%arg8 : memref<640x16xf32, #tpu.memory_space<hbm>>) dst(%dma_wait3A_796 : memref<640x16xf32, #tpu.memory_space<vmem_shared>>)
        tpu.yield
      }) : () -> ()
    } else {
    }
    %barrier3A_661 = arith.constant 0 : index
    tpu.barrier barrier_id(%barrier3A_661)
    %get3A_662 = arith.constant 0 : i32
    %get3A_663 = arith.index_cast %get3A_662 : i32 to index
    %get3A_664 = arith.constant 0 : index
    %get3A_665 = tpu.vector_load %arg15[%get3A_663, %get3A_664] {strides = array<i32>} : memref<125x160xi32, #tpu.memory_space<vmem>>, vector<16xi32>,
    %add3A_666 = arith.addi %get3A_665, %broadcast_in_dim3A_8 : vector<16xi32>
    %swap3A_667 = arith.constant 0 : i32
    %swap3A_668 = arith.index_cast %swap3A_667 : i32 to index
    %swap3A_669 = arith.constant 0 : index
    %swap3A_670 = tpu.vector_load %arg15[%swap3A_668, %swap3A_669] {strides = array<i32>} : memref<125x160xi32, #tpu.memory_space<vmem>>, vector<16xi32>,
    tpu.vector_store %arg15[%swap3A_668, %swap3A_669], %add3A_666 {strides = array<i32>} : memref<125x160xi32, #tpu.memory_space<vmem>>, vector<16xi32>,
    %get3A_671 = arith.constant 0 : i32
    %get3A_672 = arith.index_cast %get3A_671 : i32 to index
    %get3A_673 = arith.constant 16 : index
    %get3A_674 = tpu.vector_load %arg15[%get3A_672, %get3A_673] {strides = array<i32>} : memref<125x160xi32, #tpu.memory_space<vmem>>, vector<16xi32>,
    %add3A_675 = arith.addi %get3A_674, %broadcast_in_dim3A_8 : vector<16xi32>
    %swap3A_676 = arith.constant 0 : i32
    %swap3A_677 = arith.index_cast %swap3A_676 : i32 to index
    %swap3A_678 = arith.constant 16 : index
    %swap3A_679 = tpu.vector_load %arg15[%swap3A_677, %swap3A_678] {strides = array<i32>} : memref<125x160xi32, #tpu.memory_space<vmem>>, vector<16xi32>,
    tpu.vector_store %arg15[%swap3A_677, %swap3A_678], %add3A_675 {strides = array<i32>} : memref<125x160xi32, #tpu.memory_space<vmem>>, vector<16xi32>,
    %get3A_680 = arith.constant 0 : i32
    %get3A_681 = arith.index_cast %get3A_680 : i32 to index
    %get3A_682 = arith.constant 32 : index
    %get3A_683 = tpu.vector_load %arg15[%get3A_681, %get3A_682] {strides = array<i32>} : memref<125x160xi32, #tpu.memory_space<vmem>>, vector<16xi32>,
    %add3A_684 = arith.addi %get3A_683, %broadcast_in_dim3A_8 : vector<16xi32>
    %swap3A_685 = arith.constant 0 : i32
    %swap3A_686 = arith.index_cast %swap3A_685 : i32 to index
    %swap3A_687 = arith.constant 32 : index
    %swap3A_688 = tpu.vector_load %arg15[%swap3A_686, %swap3A_687] {strides = array<i32>} : memref<125x160xi32, #tpu.memory_space<vmem>>, vector<16xi32>,
    tpu.vector_store %arg15[%swap3A_686, %swap3A_687], %add3A_684 {strides = array<i32>} : memref<125x160xi32, #tpu.memory_space<vmem>>, vector<16xi32>,
    %get3A_689 = arith.constant 0 : i32
    %get3A_690 = arith.index_cast %get3A_689 : i32 to index
    %get3A_691 = arith.constant 48 : index
    %get3A_692 = tpu.vector_load %arg15[%get3A_690, %get3A_691] {strides = array<i32>} : memref<125x160xi32, #tpu.memory_space<vmem>>, vector<16xi32>,
    %add3A_693 = arith.addi %get3A_692, %broadcast_in_dim3A_8 : vector<16xi32>
    %swap3A_694 = arith.constant 0 : i32
    %swap3A_695 = arith.index_cast %swap3A_694 : i32 to index
    %swap3A_696 = arith.constant 48 : index
    %swap3A_697 = tpu.vector_load %arg15[%swap3A_695, %swap3A_696] {strides = array<i32>} : memref<125x160xi32, #tpu.memory_space<vmem>>, vector<16xi32>,
    tpu.vector_store %arg15[%swap3A_695, %swap3A_696], %add3A_693 {strides = array<i32>} : memref<125x160xi32, #tpu.memory_space<vmem>>, vector<16xi32>,
    %get3A_698 = arith.constant 0 : i32
    %get3A_699 = arith.index_cast %get3A_698 : i32 to index
    %get3A_700 = arith.constant 64 : index
    %get3A_701 = tpu.vector_load %arg15[%get3A_699, %get3A_700] {strides = array<i32>} : memref<125x160xi32, #tpu.memory_space<vmem>>, vector<16xi32>,
    %add3A_702 = arith.addi %get3A_701, %broadcast_in_dim3A_8 : vector<16xi32>
    %swap3A_703 = arith.constant 0 : i32
    %swap3A_704 = arith.index_cast %swap3A_703 : i32 to index
    %swap3A_705 = arith.constant 64 : index
    %swap3A_706 = tpu.vector_load %arg15[%swap3A_704, %swap3A_705] {strides = array<i32>} : memref<125x160xi32, #tpu.memory_space<vmem>>, vector<16xi32>,
    tpu.vector_store %arg15[%swap3A_704, %swap3A_705], %add3A_702 {strides = array<i32>} : memref<125x160xi32, #tpu.memory_space<vmem>>, vector<16xi32>,
    %get3A_707 = arith.constant 0 : i32
    %get3A_708 = arith.index_cast %get3A_707 : i32 to index
    %get3A_709 = arith.constant 80 : index
    %get3A_710 = tpu.vector_load %arg15[%get3A_708, %get3A_709] {strides = array<i32>} : memref<125x160xi32, #tpu.memory_space<vmem>>, vector<16xi32>,
    %add3A_711 = arith.addi %get3A_710, %broadcast_in_dim3A_8 : vector<16xi32>
    %swap3A_712 = arith.constant 0 : i32
    %swap3A_713 = arith.index_cast %swap3A_712 : i32 to index
    %swap3A_714 = arith.constant 80 : index
    %swap3A_715 = tpu.vector_load %arg15[%swap3A_713, %swap3A_714] {strides = array<i32>} : memref<125x160xi32, #tpu.memory_space<vmem>>, vector<16xi32>,
    tpu.vector_store %arg15[%swap3A_713, %swap3A_714], %add3A_711 {strides = array<i32>} : memref<125x160xi32, #tpu.memory_space<vmem>>, vector<16xi32>,
    %get3A_716 = arith.constant 0 : i32
    %get3A_717 = arith.index_cast %get3A_716 : i32 to index
    %get3A_718 = arith.constant 96 : index
    %get3A_719 = tpu.vector_load %arg15[%get3A_717, %get3A_718] {strides = array<i32>} : memref<125x160xi32, #tpu.memory_space<vmem>>, vector<16xi32>,
    %add3A_720 = arith.addi %get3A_719, %broadcast_in_dim3A_8 : vector<16xi32>
    %swap3A_721 = arith.constant 0 : i32
    %swap3A_722 = arith.index_cast %swap3A_721 : i32 to index
    %swap3A_723 = arith.constant 96 : index
    %swap3A_724 = tpu.vector_load %arg15[%swap3A_722, %swap3A_723] {strides = array<i32>} : memref<125x160xi32, #tpu.memory_space<vmem>>, vector<16xi32>,
    tpu.vector_store %arg15[%swap3A_722, %swap3A_723], %add3A_720 {strides = array<i32>} : memref<125x160xi32, #tpu.memory_space<vmem>>, vector<16xi32>,
    %get3A_725 = arith.constant 0 : i32
    %get3A_726 = arith.index_cast %get3A_725 : i32 to index
    %get3A_727 = arith.constant 112 : index
    %get3A_728 = tpu.vector_load %arg15[%get3A_726, %get3A_727] {strides = array<i32>} : memref<125x160xi32, #tpu.memory_space<vmem>>, vector<16xi32>,
    %add3A_729 = arith.addi %get3A_728, %broadcast_in_dim3A_8 : vector<16xi32>
    %swap3A_730 = arith.constant 0 : i32
    %swap3A_731 = arith.index_cast %swap3A_730 : i32 to index
    %swap3A_732 = arith.constant 112 : index
    %swap3A_733 = tpu.vector_load %arg15[%swap3A_731, %swap3A_732] {strides = array<i32>} : memref<125x160xi32, #tpu.memory_space<vmem>>, vector<16xi32>,
    tpu.vector_store %arg15[%swap3A_731, %swap3A_732], %add3A_729 {strides = array<i32>} : memref<125x160xi32, #tpu.memory_space<vmem>>, vector<16xi32>,
    %get3A_734 = arith.constant 0 : i32
    %get3A_735 = arith.index_cast %get3A_734 : i32 to index
    %get3A_736 = arith.constant 128 : index
    %get3A_737 = tpu.vector_load %arg15[%get3A_735, %get3A_736] {strides = array<i32>} : memref<125x160xi32, #tpu.memory_space<vmem>>, vector<16xi32>,
    %add3A_738 = arith.addi %get3A_737, %broadcast_in_dim3A_8 : vector<16xi32>
    %swap3A_739 = arith.constant 0 : i32
    %swap3A_740 = arith.index_cast %swap3A_739 : i32 to index
    %swap3A_741 = arith.constant 128 : index
    %swap3A_742 = tpu.vector_load %arg15[%swap3A_740, %swap3A_741] {strides = array<i32>} : memref<125x160xi32, #tpu.memory_space<vmem>>, vector<16xi32>,
    tpu.vector_store %arg15[%swap3A_740, %swap3A_741], %add3A_738 {strides = array<i32>} : memref<125x160xi32, #tpu.memory_space<vmem>>, vector<16xi32>,
    %get3A_743 = arith.constant 0 : i32
    %get3A_744 = arith.index_cast %get3A_743 : i32 to index
    %get3A_745 = arith.constant 144 : index
    %get3A_746 = tpu.vector_load %arg15[%get3A_744, %get3A_745] {strides = array<i32>} : memref<125x160xi32, #tpu.memory_space<vmem>>, vector<16xi32>,
    %add3A_747 = arith.addi %get3A_746, %broadcast_in_dim3A_8 : vector<16xi32>
    %swap3A_748 = arith.constant 0 : i32
    %swap3A_749 = arith.index_cast %swap3A_748 : i32 to index
    %swap3A_750 = arith.constant 144 : index
    %swap3A_751 = tpu.vector_load %arg15[%swap3A_749, %swap3A_750] {strides = array<i32>} : memref<125x160xi32, #tpu.memory_space<vmem>>, vector<16xi32>,
    tpu.vector_store %arg15[%swap3A_749, %swap3A_750], %add3A_747 {strides = array<i32>} : memref<125x160xi32, #tpu.memory_space<vmem>>, vector<16xi32>,
    %dma_start3A_752 = arith.constant 0 : i32
    %dma_start3A_753 = arith.constant 0 : i32
    %dma_start3A_754 = arith.constant 0 : i32
    %dma_start3A_755 = arith.constant 0 : i32
    %dma_start3A_756 = tpu.memref_slice %arg18[%dma_start3A_753, %dma_start3A_754, %dma_start3A_755] : memref<2x160x16xf32, #tpu.memory_space<vmem>> -> memref<1x160x16xf32, #tpu.memory_space<vmem>>
    %dma_start3A_757 = tpu.memref_squeeze %dma_start3A_756 : memref<1x160x16xf32, #tpu.memory_space<vmem>> -> memref<160x16xf32, #tpu.memory_space<vmem>>
    %dma_start3A_758 = arith.constant 0 : i32
    %dma_start3A_759 = tpu.memref_slice %arg15[%dma_start3A_752, %dma_start3A_758] : memref<125x160xi32, #tpu.memory_space<vmem>> -> memref<1x160xi32, #tpu.memory_space<vmem>>
    %dma_start3A_760 = tpu.memref_squeeze %dma_start3A_759 : memref<1x160xi32, #tpu.memory_space<vmem>> -> memref<160xi32, #tpu.memory_space<vmem>>
    %dma_start3A_761 = arith.constant 0 : i32
    %dma_start3A_762 = arith.constant 0 : i32
    %dma_start3A_763 = tpu.memref_slice %arg9[%dma_start3A_761, %dma_start3A_762] : memref<80000x16xf32, #tpu.memory_space<hbm>> -> memref<80000x16xf32, #tpu.memory_space<hbm>>
    tpu.enqueue_indirect_dma source(%dma_start3A_763 : memref<80000x16xf32, #tpu.memory_space<hbm>>) target(%dma_start3A_757 : memref<160x16xf32, #tpu.memory_space<vmem>>) offsets(%dma_start3A_760 : memref<160xi32, #tpu.memory_space<vmem>>) semaphore(%arg22 : memref<!tpu.dma_semaphore, #tpu.memory_space<semaphore_mem>>)
    %scan3A_764 = arith.constant 0 : i32
    %scan3A_765 = arith.constant 0 : i32
    %scan3A_766 = arith.constant 125 : i32
    %scan3A_767 = arith.addi %scan3A_765, %scan3A_766 : i32
    %scan3A_768 = arith.constant 1 : i32
    scf.for %scan3A_791 = %scan3A_765 to %scan3A_767 step %scan3A_768  : i32 {
      %rem3A = arith.constant 2 : i32
      %rem3A_792 = arith.remsi %scan3A_791, %rem3A : i32
      %add3A_793 = arith.constant 1 : i32
      %add3A_794 = arith.addi %scan3A_791, %add3A_793 : i32
      %rem3A_795 = arith.constant 2 : i32
      %rem3A_796 = arith.remsi %add3A_794, %rem3A_795 : i32
      %add3A_797 = arith.constant 1 : i32
      %add3A_798 = arith.addi %scan3A_791, %add3A_797 : i32
      %lt3A = arith.constant 125 : i32
      %lt3A_799 = arith.cmpi slt, %add3A_798, %lt3A : i32
      %convert_element_type3A_800 = arith.extui %lt3A_799 : i1 to i32
      %cond3A_801 = arith.constant 0 : i32
      %cond3A_802 = arith.cmpi ne, %convert_element_type3A_800, %cond3A_801 : i32
      scf.if %cond3A_802 {
        %add3A_836 = arith.constant 1 : i32
        %add3A_837 = arith.addi %scan3A_791, %add3A_836 : i32
        %get3A_838 = arith.index_cast %add3A_837 : i32 to index
        %get3A_839 = arith.constant 0 : index
        %get3A_840 = tpu.vector_load %arg15[%get3A_838, %get3A_839] {strides = array<i32>} : memref<125x160xi32, #tpu.memory_space<vmem>>, vector<16xi32>,
        %add3A_841 = arith.addi %get3A_840, %broadcast_in_dim3A_8 : vector<16xi32>
        %swap3A_842 = arith.index_cast %add3A_837 : i32 to index
        %swap3A_843 = arith.constant 0 : index
        %swap3A_844 = tpu.vector_load %arg15[%swap3A_842, %swap3A_843] {strides = array<i32>} : memref<125x160xi32, #tpu.memory_space<vmem>>, vector<16xi32>,
        tpu.vector_store %arg15[%swap3A_842, %swap3A_843], %add3A_841 {strides = array<i32>} : memref<125x160xi32, #tpu.memory_space<vmem>>, vector<16xi32>,
        %get3A_845 = arith.index_cast %add3A_837 : i32 to index
        %get3A_846 = arith.constant 16 : index
        %get3A_847 = tpu.vector_load %arg15[%get3A_845, %get3A_846] {strides = array<i32>} : memref<125x160xi32, #tpu.memory_space<vmem>>, vector<16xi32>,
        %add3A_848 = arith.addi %get3A_847, %broadcast_in_dim3A_8 : vector<16xi32>
        %swap3A_849 = arith.index_cast %add3A_837 : i32 to index
        %swap3A_850 = arith.constant 16 : index
        %swap3A_851 = tpu.vector_load %arg15[%swap3A_849, %swap3A_850] {strides = array<i32>} : memref<125x160xi32, #tpu.memory_space<vmem>>, vector<16xi32>,
        tpu.vector_store %arg15[%swap3A_849, %swap3A_850], %add3A_848 {strides = array<i32>} : memref<125x160xi32, #tpu.memory_space<vmem>>, vector<16xi32>,
        %get3A_852 = arith.index_cast %add3A_837 : i32 to index
        %get3A_853 = arith.constant 32 : index
        %get3A_854 = tpu.vector_load %arg15[%get3A_852, %get3A_853] {strides = array<i32>} : memref<125x160xi32, #tpu.memory_space<vmem>>, vector<16xi32>,
        %add3A_855 = arith.addi %get3A_854, %broadcast_in_dim3A_8 : vector<16xi32>
        %swap3A_856 = arith.index_cast %add3A_837 : i32 to index
        %swap3A_857 = arith.constant 32 : index
        %swap3A_858 = tpu.vector_load %arg15[%swap3A_856, %swap3A_857] {strides = array<i32>} : memref<125x160xi32, #tpu.memory_space<vmem>>, vector<16xi32>,
        tpu.vector_store %arg15[%swap3A_856, %swap3A_857], %add3A_855 {strides = array<i32>} : memref<125x160xi32, #tpu.memory_space<vmem>>, vector<16xi32>,
        %get3A_859 = arith.index_cast %add3A_837 : i32 to index
        %get3A_860 = arith.constant 48 : index
        %get3A_861 = tpu.vector_load %arg15[%get3A_859, %get3A_860] {strides = array<i32>} : memref<125x160xi32, #tpu.memory_space<vmem>>, vector<16xi32>,
        %add3A_862 = arith.addi %get3A_861, %broadcast_in_dim3A_8 : vector<16xi32>
        %swap3A_863 = arith.index_cast %add3A_837 : i32 to index
        %swap3A_864 = arith.constant 48 : index
        %swap3A_865 = tpu.vector_load %arg15[%swap3A_863, %swap3A_864] {strides = array<i32>} : memref<125x160xi32, #tpu.memory_space<vmem>>, vector<16xi32>,
        tpu.vector_store %arg15[%swap3A_863, %swap3A_864], %add3A_862 {strides = array<i32>} : memref<125x160xi32, #tpu.memory_space<vmem>>, vector<16xi32>,
        %get3A_866 = arith.index_cast %add3A_837 : i32 to index
        %get3A_867 = arith.constant 64 : index
        %get3A_868 = tpu.vector_load %arg15[%get3A_866, %get3A_867] {strides = array<i32>} : memref<125x160xi32, #tpu.memory_space<vmem>>, vector<16xi32>,
        %add3A_869 = arith.addi %get3A_868, %broadcast_in_dim3A_8 : vector<16xi32>
        %swap3A_870 = arith.index_cast %add3A_837 : i32 to index
        %swap3A_871 = arith.constant 64 : index
        %swap3A_872 = tpu.vector_load %arg15[%swap3A_870, %swap3A_871] {strides = array<i32>} : memref<125x160xi32, #tpu.memory_space<vmem>>, vector<16xi32>,
        tpu.vector_store %arg15[%swap3A_870, %swap3A_871], %add3A_869 {strides = array<i32>} : memref<125x160xi32, #tpu.memory_space<vmem>>, vector<16xi32>,
        %get3A_873 = arith.index_cast %add3A_837 : i32 to index
        %get3A_874 = arith.constant 80 : index
        %get3A_875 = tpu.vector_load %arg15[%get3A_873, %get3A_874] {strides = array<i32>} : memref<125x160xi32, #tpu.memory_space<vmem>>, vector<16xi32>,
        %add3A_876 = arith.addi %get3A_875, %broadcast_in_dim3A_8 : vector<16xi32>
        %swap3A_877 = arith.index_cast %add3A_837 : i32 to index
        %swap3A_878 = arith.constant 80 : index
        %swap3A_879 = tpu.vector_load %arg15[%swap3A_877, %swap3A_878] {strides = array<i32>} : memref<125x160xi32, #tpu.memory_space<vmem>>, vector<16xi32>,
        tpu.vector_store %arg15[%swap3A_877, %swap3A_878], %add3A_876 {strides = array<i32>} : memref<125x160xi32, #tpu.memory_space<vmem>>, vector<16xi32>,
        %get3A_880 = arith.index_cast %add3A_837 : i32 to index
        %get3A_881 = arith.constant 96 : index
        %get3A_882 = tpu.vector_load %arg15[%get3A_880, %get3A_881] {strides = array<i32>} : memref<125x160xi32, #tpu.memory_space<vmem>>, vector<16xi32>,
        %add3A_883 = arith.addi %get3A_882, %broadcast_in_dim3A_8 : vector<16xi32>
        %swap3A_884 = arith.index_cast %add3A_837 : i32 to index
        %swap3A_885 = arith.constant 96 : index
        %swap3A_886 = tpu.vector_load %arg15[%swap3A_884, %swap3A_885] {strides = array<i32>} : memref<125x160xi32, #tpu.memory_space<vmem>>, vector<16xi32>,
        tpu.vector_store %arg15[%swap3A_884, %swap3A_885], %add3A_883 {strides = array<i32>} : memref<125x160xi32, #tpu.memory_space<vmem>>, vector<16xi32>,
        %get3A_887 = arith.index_cast %add3A_837 : i32 to index
        %get3A_888 = arith.constant 112 : index
        %get3A_889 = tpu.vector_load %arg15[%get3A_887, %get3A_888] {strides = array<i32>} : memref<125x160xi32, #tpu.memory_space<vmem>>, vector<16xi32>,
        %add3A_890 = arith.addi %get3A_889, %broadcast_in_dim3A_8 : vector<16xi32>
        %swap3A_891 = arith.index_cast %add3A_837 : i32 to index
        %swap3A_892 = arith.constant 112 : index
        %swap3A_893 = tpu.vector_load %arg15[%swap3A_891, %swap3A_892] {strides = array<i32>} : memref<125x160xi32, #tpu.memory_space<vmem>>, vector<16xi32>,
        tpu.vector_store %arg15[%swap3A_891, %swap3A_892], %add3A_890 {strides = array<i32>} : memref<125x160xi32, #tpu.memory_space<vmem>>, vector<16xi32>,
        %get3A_894 = arith.index_cast %add3A_837 : i32 to index
        %get3A_895 = arith.constant 128 : index
        %get3A_896 = tpu.vector_load %arg15[%get3A_894, %get3A_895] {strides = array<i32>} : memref<125x160xi32, #tpu.memory_space<vmem>>, vector<16xi32>,
        %add3A_897 = arith.addi %get3A_896, %broadcast_in_dim3A_8 : vector<16xi32>
        %swap3A_898 = arith.index_cast %add3A_837 : i32 to index
        %swap3A_899 = arith.constant 128 : index
        %swap3A_900 = tpu.vector_load %arg15[%swap3A_898, %swap3A_899] {strides = array<i32>} : memref<125x160xi32, #tpu.memory_space<vmem>>, vector<16xi32>,
        tpu.vector_store %arg15[%swap3A_898, %swap3A_899], %add3A_897 {strides = array<i32>} : memref<125x160xi32, #tpu.memory_space<vmem>>, vector<16xi32>,
        %get3A_901 = arith.index_cast %add3A_837 : i32 to index
        %get3A_902 = arith.constant 144 : index
        %get3A_903 = tpu.vector_load %arg15[%get3A_901, %get3A_902] {strides = array<i32>} : memref<125x160xi32, #tpu.memory_space<vmem>>, vector<16xi32>,
        %add3A_904 = arith.addi %get3A_903, %broadcast_in_dim3A_8 : vector<16xi32>
        %swap3A_905 = arith.index_cast %add3A_837 : i32 to index
        %swap3A_906 = arith.constant 144 : index
        %swap3A_907 = tpu.vector_load %arg15[%swap3A_905, %swap3A_906] {strides = array<i32>} : memref<125x160xi32, #tpu.memory_space<vmem>>, vector<16xi32>,
        tpu.vector_store %arg15[%swap3A_905, %swap3A_906], %add3A_904 {strides = array<i32>} : memref<125x160xi32, #tpu.memory_space<vmem>>, vector<16xi32>,
        %add3A_908 = arith.constant 1 : i32
        %add3A_909 = arith.addi %scan3A_791, %add3A_908 : i32
        %dma_start3A_910 = arith.constant 0 : i32
        %dma_start3A_911 = arith.constant 0 : i32
        %dma_start3A_912 = tpu.memref_slice %arg18[%rem3A_796, %dma_start3A_910, %dma_start3A_911] : memref<2x160x16xf32, #tpu.memory_space<vmem>> -> memref<1x160x16xf32, #tpu.memory_space<vmem>>
        %dma_start3A_913 = tpu.memref_squeeze %dma_start3A_912 : memref<1x160x16xf32, #tpu.memory_space<vmem>> -> memref<160x16xf32, #tpu.memory_space<vmem>>
        %dma_start3A_914 = arith.constant 0 : i32
        %dma_start3A_915 = tpu.memref_slice %arg15[%add3A_909, %dma_start3A_914] : memref<125x160xi32, #tpu.memory_space<vmem>> -> memref<1x160xi32, #tpu.memory_space<vmem>>
        %dma_start3A_916 = tpu.memref_squeeze %dma_start3A_915 : memref<1x160xi32, #tpu.memory_space<vmem>> -> memref<160xi32, #tpu.memory_space<vmem>>
        %dma_start3A_917 = arith.constant 0 : i32
        %dma_start3A_918 = arith.constant 0 : i32
        %dma_start3A_919 = tpu.memref_slice %arg9[%dma_start3A_917, %dma_start3A_918] : memref<80000x16xf32, #tpu.memory_space<hbm>> -> memref<80000x16xf32, #tpu.memory_space<hbm>>
        tpu.enqueue_indirect_dma source(%dma_start3A_919 : memref<80000x16xf32, #tpu.memory_space<hbm>>) target(%dma_start3A_913 : memref<160x16xf32, #tpu.memory_space<vmem>>) offsets(%dma_start3A_916 : memref<160xi32, #tpu.memory_space<vmem>>) semaphore(%arg22 : memref<!tpu.dma_semaphore, #tpu.memory_space<semaphore_mem>>)
      } else {
      }
      %ge3A = arith.constant 1 : i32
      %ge3A_803 = arith.cmpi sge, %scan3A_791, %ge3A : i32
      %convert_element_type3A_804 = arith.extui %ge3A_803 : i1 to i32
      %cond3A_805 = arith.constant 0 : i32
      %cond3A_806 = arith.cmpi ne, %convert_element_type3A_804, %cond3A_805 : i32
      scf.if %cond3A_806 {
        %dma_wait3A_836 = arith.constant 0 : i32
        %dma_wait3A_837 = arith.constant 0 : i32
        %dma_wait3A_838 = arith.constant 0 : i32
        %dma_wait3A_839 = arith.constant 0 : i32
        %dma_wait3A_840 = tpu.memref_slice %arg19[%dma_wait3A_836, %dma_wait3A_838, %dma_wait3A_839] : memref<2x160x16xf32, #tpu.memory_space<vmem>> -> memref<1x160x16xf32, #tpu.memory_space<vmem>>
        %dma_wait3A_841 = tpu.memref_squeeze %dma_wait3A_840 : memref<1x160x16xf32, #tpu.memory_space<vmem>> -> memref<160x16xf32, #tpu.memory_space<vmem>>
        %dma_wait3A_842 = arith.constant 0 : i32
        %dma_wait3A_843 = tpu.memref_slice %arg16[%dma_wait3A_837, %dma_wait3A_842] : memref<125x160xi32, #tpu.memory_space<vmem>> -> memref<1x160xi32, #tpu.memory_space<vmem>>
        %dma_wait3A_844 = tpu.memref_squeeze %dma_wait3A_843 : memref<1x160xi32, #tpu.memory_space<vmem>> -> memref<160xi32, #tpu.memory_space<vmem>>
        %dma_wait3A_845 = arith.constant 0 : i32
        %dma_wait3A_846 = arith.constant 0 : i32
        %dma_wait3A_847 = tpu.memref_slice %arg21[%dma_wait3A_845, %dma_wait3A_846] : memref<10000x16xf32, #tpu.memory_space<vmem_shared>> -> memref<10000x16xf32, #tpu.memory_space<vmem_shared>>
        tpu.wait_indirect_dma semaphore(%arg23 : memref<!tpu.dma_semaphore, #tpu.memory_space<semaphore_mem>>) src(%dma_wait3A_841 : memref<160x16xf32, #tpu.memory_space<vmem>>) dst(%dma_wait3A_847 : memref<10000x16xf32, #tpu.memory_space<vmem_shared>>)
      } else {
      }
      %dma_wait3A_807 = arith.constant 0 : i32
      %dma_wait3A_808 = arith.constant 0 : i32
      %dma_wait3A_809 = tpu.memref_slice %arg18[%rem3A_792, %dma_wait3A_807, %dma_wait3A_808] : memref<2x160x16xf32, #tpu.memory_space<vmem>> -> memref<1x160x16xf32, #tpu.memory_space<vmem>>
      %dma_wait3A_810 = tpu.memref_squeeze %dma_wait3A_809 : memref<1x160x16xf32, #tpu.memory_space<vmem>> -> memref<160x16xf32, #tpu.memory_space<vmem>>
      %dma_wait3A_811 = arith.constant 0 : i32
      %dma_wait3A_812 = tpu.memref_slice %arg15[%scan3A_791, %dma_wait3A_811] : memref<125x160xi32, #tpu.memory_space<vmem>> -> memref<1x160xi32, #tpu.memory_space<vmem>>
      %dma_wait3A_813 = tpu.memref_squeeze %dma_wait3A_812 : memref<1x160xi32, #tpu.memory_space<vmem>> -> memref<160xi32, #tpu.memory_space<vmem>>
      %dma_wait3A_814 = arith.constant 0 : i32
      %dma_wait3A_815 = arith.constant 0 : i32
      %dma_wait3A_816 = tpu.memref_slice %arg9[%dma_wait3A_814, %dma_wait3A_815] : memref<80000x16xf32, #tpu.memory_space<hbm>> -> memref<80000x16xf32, #tpu.memory_space<hbm>>
      tpu.wait_indirect_dma semaphore(%arg22 : memref<!tpu.dma_semaphore, #tpu.memory_space<semaphore_mem>>) src(%dma_wait3A_816 : memref<80000x16xf32, #tpu.memory_space<hbm>>) dst(%dma_wait3A_810 : memref<160x16xf32, #tpu.memory_space<vmem>>)
      %mul3A_817 = arith.constant 160 : i32
      %mul3A_818 = arith.muli %scan3A_791, %mul3A_817 : i32
      %broadcast_in_dim3A_819 = vector.broadcast %mul3A_818 : i32 to vector<16xi32>
      %scan3A_820 = arith.constant 0 : i32
      %scan3A_821 = arith.constant 0 : i32
      %scan3A_822 = arith.constant 10 : i32
      %scan3A_823 = arith.addi %scan3A_821, %scan3A_822 : i32
      %scan3A_824 = arith.constant 1 : i32
      scf.for %scan3A_836 = %scan3A_821 to %scan3A_823 step %scan3A_824  : i32 {
        %mul3A_837 = arith.constant 16 : i32
        %mul3A_838 = arith.muli %scan3A_836, %mul3A_837 : i32
        %add3A_839 = arith.constant 0 : i32
        %add3A_840 = arith.addi %mul3A_838, %add3A_839 : i32
        %add3A_841 = vector.broadcast %add3A_840 : i32 to vector<16xi32>
        %add3A_842 = arith.addi %broadcast_in_dim3A_819, %add3A_841 : vector<16xi32>
        %gather3A_843 = tpu.vector_load_idx %arg17[%add3A_842] : memref<20000xf32, #tpu.memory_space<vmem>>[vector<16xi32>], vector<16xf32>,
        %get3A_844 = arith.index_cast %rem3A_792 : i32 to index
        %get3A_845 = arith.index_cast %add3A_840 : i32 to index
        %get3A_846 = arith.constant 0 : index
        %get3A_847 = tpu.vector_load %arg18[%get3A_844, %get3A_845, %get3A_846] {strides = array<i32>} : memref<2x160x16xf32, #tpu.memory_space<vmem>>, vector<16xf32>,
        %mul3A_848 = arith.mulf %get3A_847, %gather3A_843 : vector<16xf32>
        %swap3A_849 = arith.index_cast %rem3A_792 : i32 to index
        %swap3A_850 = arith.index_cast %add3A_840 : i32 to index
        %swap3A_851 = arith.constant 0 : index
        %swap3A_852 = tpu.vector_load %arg19[%swap3A_849, %swap3A_850, %swap3A_851] {strides = array<i32>} : memref<2x160x16xf32, #tpu.memory_space<vmem>>, vector<16xf32>,
        tpu.vector_store %arg19[%swap3A_849, %swap3A_850, %swap3A_851], %mul3A_848 {strides = array<i32>} : memref<2x160x16xf32, #tpu.memory_space<vmem>>, vector<16xf32>,
        %mul3A_853 = arith.constant 16 : i32
        %mul3A_854 = arith.muli %scan3A_836, %mul3A_853 : i32
        %add3A_855 = arith.constant 1 : i32
        %add3A_856 = arith.addi %mul3A_854, %add3A_855 : i32
        %add3A_857 = vector.broadcast %add3A_856 : i32 to vector<16xi32>
        %add3A_858 = arith.addi %broadcast_in_dim3A_819, %add3A_857 : vector<16xi32>
        %gather3A_859 = tpu.vector_load_idx %arg17[%add3A_858] : memref<20000xf32, #tpu.memory_space<vmem>>[vector<16xi32>], vector<16xf32>,
        %get3A_860 = arith.index_cast %rem3A_792 : i32 to index
        %get3A_861 = arith.index_cast %add3A_856 : i32 to index
        %get3A_862 = arith.constant 0 : index
        %get3A_863 = tpu.vector_load %arg18[%get3A_860, %get3A_861, %get3A_862] {strides = array<i32>} : memref<2x160x16xf32, #tpu.memory_space<vmem>>, vector<16xf32>,
        %mul3A_864 = arith.mulf %get3A_863, %gather3A_859 : vector<16xf32>
        %swap3A_865 = arith.index_cast %rem3A_792 : i32 to index
        %swap3A_866 = arith.index_cast %add3A_856 : i32 to index
        %swap3A_867 = arith.constant 0 : index
        %swap3A_868 = tpu.vector_load %arg19[%swap3A_865, %swap3A_866, %swap3A_867] {strides = array<i32>} : memref<2x160x16xf32, #tpu.memory_space<vmem>>, vector<16xf32>,
        tpu.vector_store %arg19[%swap3A_865, %swap3A_866, %swap3A_867], %mul3A_864 {strides = array<i32>} : memref<2x160x16xf32, #tpu.memory_space<vmem>>, vector<16xf32>,
        %mul3A_869 = arith.constant 16 : i32
        %mul3A_870 = arith.muli %scan3A_836, %mul3A_869 : i32
        %add3A_871 = arith.constant 2 : i32
        %add3A_872 = arith.addi %mul3A_870, %add3A_871 : i32
        %add3A_873 = vector.broadcast %add3A_872 : i32 to vector<16xi32>
        %add3A_874 = arith.addi %broadcast_in_dim3A_819, %add3A_873 : vector<16xi32>
        %gather3A_875 = tpu.vector_load_idx %arg17[%add3A_874] : memref<20000xf32, #tpu.memory_space<vmem>>[vector<16xi32>], vector<16xf32>,
        %get3A_876 = arith.index_cast %rem3A_792 : i32 to index
        %get3A_877 = arith.index_cast %add3A_872 : i32 to index
        %get3A_878 = arith.constant 0 : index
        %get3A_879 = tpu.vector_load %arg18[%get3A_876, %get3A_877, %get3A_878] {strides = array<i32>} : memref<2x160x16xf32, #tpu.memory_space<vmem>>, vector<16xf32>,
        %mul3A_880 = arith.mulf %get3A_879, %gather3A_875 : vector<16xf32>
        %swap3A_881 = arith.index_cast %rem3A_792 : i32 to index
        %swap3A_882 = arith.index_cast %add3A_872 : i32 to index
        %swap3A_883 = arith.constant 0 : index
        %swap3A_884 = tpu.vector_load %arg19[%swap3A_881, %swap3A_882, %swap3A_883] {strides = array<i32>} : memref<2x160x16xf32, #tpu.memory_space<vmem>>, vector<16xf32>,
        tpu.vector_store %arg19[%swap3A_881, %swap3A_882, %swap3A_883], %mul3A_880 {strides = array<i32>} : memref<2x160x16xf32, #tpu.memory_space<vmem>>, vector<16xf32>,
        %mul3A_885 = arith.constant 16 : i32
        %mul3A_886 = arith.muli %scan3A_836, %mul3A_885 : i32
        %add3A_887 = arith.constant 3 : i32
        %add3A_888 = arith.addi %mul3A_886, %add3A_887 : i32
        %add3A_889 = vector.broadcast %add3A_888 : i32 to vector<16xi32>
        %add3A_890 = arith.addi %broadcast_in_dim3A_819, %add3A_889 : vector<16xi32>
        %gather3A_891 = tpu.vector_load_idx %arg17[%add3A_890] : memref<20000xf32, #tpu.memory_space<vmem>>[vector<16xi32>], vector<16xf32>,
        %get3A_892 = arith.index_cast %rem3A_792 : i32 to index
        %get3A_893 = arith.index_cast %add3A_888 : i32 to index
        %get3A_894 = arith.constant 0 : index
        %get3A_895 = tpu.vector_load %arg18[%get3A_892, %get3A_893, %get3A_894] {strides = array<i32>} : memref<2x160x16xf32, #tpu.memory_space<vmem>>, vector<16xf32>,
        %mul3A_896 = arith.mulf %get3A_895, %gather3A_891 : vector<16xf32>
        %swap3A_897 = arith.index_cast %rem3A_792 : i32 to index
        %swap3A_898 = arith.index_cast %add3A_888 : i32 to index
        %swap3A_899 = arith.constant 0 : index
        %swap3A_900 = tpu.vector_load %arg19[%swap3A_897, %swap3A_898, %swap3A_899] {strides = array<i32>} : memref<2x160x16xf32, #tpu.memory_space<vmem>>, vector<16xf32>,
        tpu.vector_store %arg19[%swap3A_897, %swap3A_898, %swap3A_899], %mul3A_896 {strides = array<i32>} : memref<2x160x16xf32, #tpu.memory_space<vmem>>, vector<16xf32>,
        %mul3A_901 = arith.constant 16 : i32
        %mul3A_902 = arith.muli %scan3A_836, %mul3A_901 : i32
        %add3A_903 = arith.constant 4 : i32
        %add3A_904 = arith.addi %mul3A_902, %add3A_903 : i32
        %add3A_905 = vector.broadcast %add3A_904 : i32 to vector<16xi32>
        %add3A_906 = arith.addi %broadcast_in_dim3A_819, %add3A_905 : vector<16xi32>
        %gather3A_907 = tpu.vector_load_idx %arg17[%add3A_906] : memref<20000xf32, #tpu.memory_space<vmem>>[vector<16xi32>], vector<16xf32>,
        %get3A_908 = arith.index_cast %rem3A_792 : i32 to index
        %get3A_909 = arith.index_cast %add3A_904 : i32 to index
        %get3A_910 = arith.constant 0 : index
        %get3A_911 = tpu.vector_load %arg18[%get3A_908, %get3A_909, %get3A_910] {strides = array<i32>} : memref<2x160x16xf32, #tpu.memory_space<vmem>>, vector<16xf32>,
        %mul3A_912 = arith.mulf %get3A_911, %gather3A_907 : vector<16xf32>
        %swap3A_913 = arith.index_cast %rem3A_792 : i32 to index
        %swap3A_914 = arith.index_cast %add3A_904 : i32 to index
        %swap3A_915 = arith.constant 0 : index
        %swap3A_916 = tpu.vector_load %arg19[%swap3A_913, %swap3A_914, %swap3A_915] {strides = array<i32>} : memref<2x160x16xf32, #tpu.memory_space<vmem>>, vector<16xf32>,
        tpu.vector_store %arg19[%swap3A_913, %swap3A_914, %swap3A_915], %mul3A_912 {strides = array<i32>} : memref<2x160x16xf32, #tpu.memory_space<vmem>>, vector<16xf32>,
        %mul3A_917 = arith.constant 16 : i32
        %mul3A_918 = arith.muli %scan3A_836, %mul3A_917 : i32
        %add3A_919 = arith.constant 5 : i32
        %add3A_920 = arith.addi %mul3A_918, %add3A_919 : i32
        %add3A_921 = vector.broadcast %add3A_920 : i32 to vector<16xi32>
        %add3A_922 = arith.addi %broadcast_in_dim3A_819, %add3A_921 : vector<16xi32>
        %gather3A_923 = tpu.vector_load_idx %arg17[%add3A_922] : memref<20000xf32, #tpu.memory_space<vmem>>[vector<16xi32>], vector<16xf32>,
        %get3A_924 = arith.index_cast %rem3A_792 : i32 to index
        %get3A_925 = arith.index_cast %add3A_920 : i32 to index
        %get3A_926 = arith.constant 0 : index
        %get3A_927 = tpu.vector_load %arg18[%get3A_924, %get3A_925, %get3A_926] {strides = array<i32>} : memref<2x160x16xf32, #tpu.memory_space<vmem>>, vector<16xf32>,
        %mul3A_928 = arith.mulf %get3A_927, %gather3A_923 : vector<16xf32>
        %swap3A_929 = arith.index_cast %rem3A_792 : i32 to index
        %swap3A_930 = arith.index_cast %add3A_920 : i32 to index
        %swap3A_931 = arith.constant 0 : index
        %swap3A_932 = tpu.vector_load %arg19[%swap3A_929, %swap3A_930, %swap3A_931] {strides = array<i32>} : memref<2x160x16xf32, #tpu.memory_space<vmem>>, vector<16xf32>,
        tpu.vector_store %arg19[%swap3A_929, %swap3A_930, %swap3A_931], %mul3A_928 {strides = array<i32>} : memref<2x160x16xf32, #tpu.memory_space<vmem>>, vector<16xf32>,
        %mul3A_933 = arith.constant 16 : i32
        %mul3A_934 = arith.muli %scan3A_836, %mul3A_933 : i32
        %add3A_935 = arith.constant 6 : i32
        %add3A_936 = arith.addi %mul3A_934, %add3A_935 : i32
        %add3A_937 = vector.broadcast %add3A_936 : i32 to vector<16xi32>
        %add3A_938 = arith.addi %broadcast_in_dim3A_819, %add3A_937 : vector<16xi32>
        %gather3A_939 = tpu.vector_load_idx %arg17[%add3A_938] : memref<20000xf32, #tpu.memory_space<vmem>>[vector<16xi32>], vector<16xf32>,
        %get3A_940 = arith.index_cast %rem3A_792 : i32 to index
        %get3A_941 = arith.index_cast %add3A_936 : i32 to index
        %get3A_942 = arith.constant 0 : index
        %get3A_943 = tpu.vector_load %arg18[%get3A_940, %get3A_941, %get3A_942] {strides = array<i32>} : memref<2x160x16xf32, #tpu.memory_space<vmem>>, vector<16xf32>,
        %mul3A_944 = arith.mulf %get3A_943, %gather3A_939 : vector<16xf32>
        %swap3A_945 = arith.index_cast %rem3A_792 : i32 to index
        %swap3A_946 = arith.index_cast %add3A_936 : i32 to index
        %swap3A_947 = arith.constant 0 : index
        %swap3A_948 = tpu.vector_load %arg19[%swap3A_945, %swap3A_946, %swap3A_947] {strides = array<i32>} : memref<2x160x16xf32, #tpu.memory_space<vmem>>, vector<16xf32>,
        tpu.vector_store %arg19[%swap3A_945, %swap3A_946, %swap3A_947], %mul3A_944 {strides = array<i32>} : memref<2x160x16xf32, #tpu.memory_space<vmem>>, vector<16xf32>,
        %mul3A_949 = arith.constant 16 : i32
        %mul3A_950 = arith.muli %scan3A_836, %mul3A_949 : i32
        %add3A_951 = arith.constant 7 : i32
        %add3A_952 = arith.addi %mul3A_950, %add3A_951 : i32
        %add3A_953 = vector.broadcast %add3A_952 : i32 to vector<16xi32>
        %add3A_954 = arith.addi %broadcast_in_dim3A_819, %add3A_953 : vector<16xi32>
        %gather3A_955 = tpu.vector_load_idx %arg17[%add3A_954] : memref<20000xf32, #tpu.memory_space<vmem>>[vector<16xi32>], vector<16xf32>,
        %get3A_956 = arith.index_cast %rem3A_792 : i32 to index
        %get3A_957 = arith.index_cast %add3A_952 : i32 to index
        %get3A_958 = arith.constant 0 : index
        %get3A_959 = tpu.vector_load %arg18[%get3A_956, %get3A_957, %get3A_958] {strides = array<i32>} : memref<2x160x16xf32, #tpu.memory_space<vmem>>, vector<16xf32>,
        %mul3A_960 = arith.mulf %get3A_959, %gather3A_955 : vector<16xf32>
        %swap3A_961 = arith.index_cast %rem3A_792 : i32 to index
        %swap3A_962 = arith.index_cast %add3A_952 : i32 to index
        %swap3A_963 = arith.constant 0 : index
        %swap3A_964 = tpu.vector_load %arg19[%swap3A_961, %swap3A_962, %swap3A_963] {strides = array<i32>} : memref<2x160x16xf32, #tpu.memory_space<vmem>>, vector<16xf32>,
        tpu.vector_store %arg19[%swap3A_961, %swap3A_962, %swap3A_963], %mul3A_960 {strides = array<i32>} : memref<2x160x16xf32, #tpu.memory_space<vmem>>, vector<16xf32>,
        %mul3A_965 = arith.constant 16 : i32
        %mul3A_966 = arith.muli %scan3A_836, %mul3A_965 : i32
        %add3A_967 = arith.constant 8 : i32
        %add3A_968 = arith.addi %mul3A_966, %add3A_967 : i32
        %add3A_969 = vector.broadcast %add3A_968 : i32 to vector<16xi32>
        %add3A_970 = arith.addi %broadcast_in_dim3A_819, %add3A_969 : vector<16xi32>
        %gather3A_971 = tpu.vector_load_idx %arg17[%add3A_970] : memref<20000xf32, #tpu.memory_space<vmem>>[vector<16xi32>], vector<16xf32>,
        %get3A_972 = arith.index_cast %rem3A_792 : i32 to index
        %get3A_973 = arith.index_cast %add3A_968 : i32 to index
        %get3A_974 = arith.constant 0 : index
        %get3A_975 = tpu.vector_load %arg18[%get3A_972, %get3A_973, %get3A_974] {strides = array<i32>} : memref<2x160x16xf32, #tpu.memory_space<vmem>>, vector<16xf32>,
        %mul3A_976 = arith.mulf %get3A_975, %gather3A_971 : vector<16xf32>
        %swap3A_977 = arith.index_cast %rem3A_792 : i32 to index
        %swap3A_978 = arith.index_cast %add3A_968 : i32 to index
        %swap3A_979 = arith.constant 0 : index
        %swap3A_980 = tpu.vector_load %arg19[%swap3A_977, %swap3A_978, %swap3A_979] {strides = array<i32>} : memref<2x160x16xf32, #tpu.memory_space<vmem>>, vector<16xf32>,
        tpu.vector_store %arg19[%swap3A_977, %swap3A_978, %swap3A_979], %mul3A_976 {strides = array<i32>} : memref<2x160x16xf32, #tpu.memory_space<vmem>>, vector<16xf32>,
        %mul3A_981 = arith.constant 16 : i32
        %mul3A_982 = arith.muli %scan3A_836, %mul3A_981 : i32
        %add3A_983 = arith.constant 9 : i32
        %add3A_984 = arith.addi %mul3A_982, %add3A_983 : i32
        %add3A_985 = vector.broadcast %add3A_984 : i32 to vector<16xi32>
        %add3A_986 = arith.addi %broadcast_in_dim3A_819, %add3A_985 : vector<16xi32>
        %gather3A_987 = tpu.vector_load_idx %arg17[%add3A_986] : memref<20000xf32, #tpu.memory_space<vmem>>[vector<16xi32>], vector<16xf32>,
        %get3A_988 = arith.index_cast %rem3A_792 : i32 to index
        %get3A_989 = arith.index_cast %add3A_984 : i32 to index
        %get3A_990 = arith.constant 0 : index
        %get3A_991 = tpu.vector_load %arg18[%get3A_988, %get3A_989, %get3A_990] {strides = array<i32>} : memref<2x160x16xf32, #tpu.memory_space<vmem>>, vector<16xf32>,
        %mul3A_992 = arith.mulf %get3A_991, %gather3A_987 : vector<16xf32>
        %swap3A_993 = arith.index_cast %rem3A_792 : i32 to index
        %swap3A_994 = arith.index_cast %add3A_984 : i32 to index
        %swap3A_995 = arith.constant 0 : index
        %swap3A_996 = tpu.vector_load %arg19[%swap3A_993, %swap3A_994, %swap3A_995] {strides = array<i32>} : memref<2x160x16xf32, #tpu.memory_space<vmem>>, vector<16xf32>,
        tpu.vector_store %arg19[%swap3A_993, %swap3A_994, %swap3A_995], %mul3A_992 {strides = array<i32>} : memref<2x160x16xf32, #tpu.memory_space<vmem>>, vector<16xf32>,
        %mul3A_997 = arith.constant 16 : i32
        %mul3A_998 = arith.muli %scan3A_836, %mul3A_997 : i32
        %add3A_999 = arith.constant 10 : i32
        %add3A_1000 = arith.addi %mul3A_998, %add3A_999 : i32
        %add3A_1001 = vector.broadcast %add3A_1000 : i32 to vector<16xi32>
        %add3A_1002 = arith.addi %broadcast_in_dim3A_819, %add3A_1001 : vector<16xi32>
        %gather3A_1003 = tpu.vector_load_idx %arg17[%add3A_1002] : memref<20000xf32, #tpu.memory_space<vmem>>[vector<16xi32>], vector<16xf32>,
        %get3A_1004 = arith.index_cast %rem3A_792 : i32 to index
        %get3A_1005 = arith.index_cast %add3A_1000 : i32 to index
        %get3A_1006 = arith.constant 0 : index
        %get3A_1007 = tpu.vector_load %arg18[%get3A_1004, %get3A_1005, %get3A_1006] {strides = array<i32>} : memref<2x160x16xf32, #tpu.memory_space<vmem>>, vector<16xf32>,
        %mul3A_1008 = arith.mulf %get3A_1007, %gather3A_1003 : vector<16xf32>
        %swap3A_1009 = arith.index_cast %rem3A_792 : i32 to index
        %swap3A_1010 = arith.index_cast %add3A_1000 : i32 to index
        %swap3A_1011 = arith.constant 0 : index
        %swap3A_1012 = tpu.vector_load %arg19[%swap3A_1009, %swap3A_1010, %swap3A_1011] {strides = array<i32>} : memref<2x160x16xf32, #tpu.memory_space<vmem>>, vector<16xf32>,
        tpu.vector_store %arg19[%swap3A_1009, %swap3A_1010, %swap3A_1011], %mul3A_1008 {strides = array<i32>} : memref<2x160x16xf32, #tpu.memory_space<vmem>>, vector<16xf32>,
        %mul3A_1013 = arith.constant 16 : i32
        %mul3A_1014 = arith.muli %scan3A_836, %mul3A_1013 : i32
        %add3A_1015 = arith.constant 11 : i32
        %add3A_1016 = arith.addi %mul3A_1014, %add3A_1015 : i32
        %add3A_1017 = vector.broadcast %add3A_1016 : i32 to vector<16xi32>
        %add3A_1018 = arith.addi %broadcast_in_dim3A_819, %add3A_1017 : vector<16xi32>
        %gather3A_1019 = tpu.vector_load_idx %arg17[%add3A_1018] : memref<20000xf32, #tpu.memory_space<vmem>>[vector<16xi32>], vector<16xf32>,
        %get3A_1020 = arith.index_cast %rem3A_792 : i32 to index
        %get3A_1021 = arith.index_cast %add3A_1016 : i32 to index
        %get3A_1022 = arith.constant 0 : index
        %get3A_1023 = tpu.vector_load %arg18[%get3A_1020, %get3A_1021, %get3A_1022] {strides = array<i32>} : memref<2x160x16xf32, #tpu.memory_space<vmem>>, vector<16xf32>,
        %mul3A_1024 = arith.mulf %get3A_1023, %gather3A_1019 : vector<16xf32>
        %swap3A_1025 = arith.index_cast %rem3A_792 : i32 to index
        %swap3A_1026 = arith.index_cast %add3A_1016 : i32 to index
        %swap3A_1027 = arith.constant 0 : index
        %swap3A_1028 = tpu.vector_load %arg19[%swap3A_1025, %swap3A_1026, %swap3A_1027] {strides = array<i32>} : memref<2x160x16xf32, #tpu.memory_space<vmem>>, vector<16xf32>,
        tpu.vector_store %arg19[%swap3A_1025, %swap3A_1026, %swap3A_1027], %mul3A_1024 {strides = array<i32>} : memref<2x160x16xf32, #tpu.memory_space<vmem>>, vector<16xf32>,
        %mul3A_1029 = arith.constant 16 : i32
        %mul3A_1030 = arith.muli %scan3A_836, %mul3A_1029 : i32
        %add3A_1031 = arith.constant 12 : i32
        %add3A_1032 = arith.addi %mul3A_1030, %add3A_1031 : i32
        %add3A_1033 = vector.broadcast %add3A_1032 : i32 to vector<16xi32>
        %add3A_1034 = arith.addi %broadcast_in_dim3A_819, %add3A_1033 : vector<16xi32>
        %gather3A_1035 = tpu.vector_load_idx %arg17[%add3A_1034] : memref<20000xf32, #tpu.memory_space<vmem>>[vector<16xi32>], vector<16xf32>,
        %get3A_1036 = arith.index_cast %rem3A_792 : i32 to index
        %get3A_1037 = arith.index_cast %add3A_1032 : i32 to index
        %get3A_1038 = arith.constant 0 : index
        %get3A_1039 = tpu.vector_load %arg18[%get3A_1036, %get3A_1037, %get3A_1038] {strides = array<i32>} : memref<2x160x16xf32, #tpu.memory_space<vmem>>, vector<16xf32>,
        %mul3A_1040 = arith.mulf %get3A_1039, %gather3A_1035 : vector<16xf32>
        %swap3A_1041 = arith.index_cast %rem3A_792 : i32 to index
        %swap3A_1042 = arith.index_cast %add3A_1032 : i32 to index
        %swap3A_1043 = arith.constant 0 : index
        %swap3A_1044 = tpu.vector_load %arg19[%swap3A_1041, %swap3A_1042, %swap3A_1043] {strides = array<i32>} : memref<2x160x16xf32, #tpu.memory_space<vmem>>, vector<16xf32>,
        tpu.vector_store %arg19[%swap3A_1041, %swap3A_1042, %swap3A_1043], %mul3A_1040 {strides = array<i32>} : memref<2x160x16xf32, #tpu.memory_space<vmem>>, vector<16xf32>,
        %mul3A_1045 = arith.constant 16 : i32
        %mul3A_1046 = arith.muli %scan3A_836, %mul3A_1045 : i32
        %add3A_1047 = arith.constant 13 : i32
        %add3A_1048 = arith.addi %mul3A_1046, %add3A_1047 : i32
        %add3A_1049 = vector.broadcast %add3A_1048 : i32 to vector<16xi32>
        %add3A_1050 = arith.addi %broadcast_in_dim3A_819, %add3A_1049 : vector<16xi32>
        %gather3A_1051 = tpu.vector_load_idx %arg17[%add3A_1050] : memref<20000xf32, #tpu.memory_space<vmem>>[vector<16xi32>], vector<16xf32>,
        %get3A_1052 = arith.index_cast %rem3A_792 : i32 to index
        %get3A_1053 = arith.index_cast %add3A_1048 : i32 to index
        %get3A_1054 = arith.constant 0 : index
        %get3A_1055 = tpu.vector_load %arg18[%get3A_1052, %get3A_1053, %get3A_1054] {strides = array<i32>} : memref<2x160x16xf32, #tpu.memory_space<vmem>>, vector<16xf32>,
        %mul3A_1056 = arith.mulf %get3A_1055, %gather3A_1051 : vector<16xf32>
        %swap3A_1057 = arith.index_cast %rem3A_792 : i32 to index
        %swap3A_1058 = arith.index_cast %add3A_1048 : i32 to index
        %swap3A_1059 = arith.constant 0 : index
        %swap3A_1060 = tpu.vector_load %arg19[%swap3A_1057, %swap3A_1058, %swap3A_1059] {strides = array<i32>} : memref<2x160x16xf32, #tpu.memory_space<vmem>>, vector<16xf32>,
        tpu.vector_store %arg19[%swap3A_1057, %swap3A_1058, %swap3A_1059], %mul3A_1056 {strides = array<i32>} : memref<2x160x16xf32, #tpu.memory_space<vmem>>, vector<16xf32>,
        %mul3A_1061 = arith.constant 16 : i32
        %mul3A_1062 = arith.muli %scan3A_836, %mul3A_1061 : i32
        %add3A_1063 = arith.constant 14 : i32
        %add3A_1064 = arith.addi %mul3A_1062, %add3A_1063 : i32
        %add3A_1065 = vector.broadcast %add3A_1064 : i32 to vector<16xi32>
        %add3A_1066 = arith.addi %broadcast_in_dim3A_819, %add3A_1065 : vector<16xi32>
        %gather3A_1067 = tpu.vector_load_idx %arg17[%add3A_1066] : memref<20000xf32, #tpu.memory_space<vmem>>[vector<16xi32>], vector<16xf32>,
        %get3A_1068 = arith.index_cast %rem3A_792 : i32 to index
        %get3A_1069 = arith.index_cast %add3A_1064 : i32 to index
        %get3A_1070 = arith.constant 0 : index
        %get3A_1071 = tpu.vector_load %arg18[%get3A_1068, %get3A_1069, %get3A_1070] {strides = array<i32>} : memref<2x160x16xf32, #tpu.memory_space<vmem>>, vector<16xf32>,
        %mul3A_1072 = arith.mulf %get3A_1071, %gather3A_1067 : vector<16xf32>
        %swap3A_1073 = arith.index_cast %rem3A_792 : i32 to index
        %swap3A_1074 = arith.index_cast %add3A_1064 : i32 to index
        %swap3A_1075 = arith.constant 0 : index
        %swap3A_1076 = tpu.vector_load %arg19[%swap3A_1073, %swap3A_1074, %swap3A_1075] {strides = array<i32>} : memref<2x160x16xf32, #tpu.memory_space<vmem>>, vector<16xf32>,
        tpu.vector_store %arg19[%swap3A_1073, %swap3A_1074, %swap3A_1075], %mul3A_1072 {strides = array<i32>} : memref<2x160x16xf32, #tpu.memory_space<vmem>>, vector<16xf32>,
        %mul3A_1077 = arith.constant 16 : i32
        %mul3A_1078 = arith.muli %scan3A_836, %mul3A_1077 : i32
        %add3A_1079 = arith.constant 15 : i32
        %add3A_1080 = arith.addi %mul3A_1078, %add3A_1079 : i32
        %add3A_1081 = vector.broadcast %add3A_1080 : i32 to vector<16xi32>
        %add3A_1082 = arith.addi %broadcast_in_dim3A_819, %add3A_1081 : vector<16xi32>
        %gather3A_1083 = tpu.vector_load_idx %arg17[%add3A_1082] : memref<20000xf32, #tpu.memory_space<vmem>>[vector<16xi32>], vector<16xf32>,
        %get3A_1084 = arith.index_cast %rem3A_792 : i32 to index
        %get3A_1085 = arith.index_cast %add3A_1080 : i32 to index
        %get3A_1086 = arith.constant 0 : index
        %get3A_1087 = tpu.vector_load %arg18[%get3A_1084, %get3A_1085, %get3A_1086] {strides = array<i32>} : memref<2x160x16xf32, #tpu.memory_space<vmem>>, vector<16xf32>,
        %mul3A_1088 = arith.mulf %get3A_1087, %gather3A_1083 : vector<16xf32>
        %swap3A_1089 = arith.index_cast %rem3A_792 : i32 to index
        %swap3A_1090 = arith.index_cast %add3A_1080 : i32 to index
        %swap3A_1091 = arith.constant 0 : index
        %swap3A_1092 = tpu.vector_load %arg19[%swap3A_1089, %swap3A_1090, %swap3A_1091] {strides = array<i32>} : memref<2x160x16xf32, #tpu.memory_space<vmem>>, vector<16xf32>,
        tpu.vector_store %arg19[%swap3A_1089, %swap3A_1090, %swap3A_1091], %mul3A_1088 {strides = array<i32>} : memref<2x160x16xf32, #tpu.memory_space<vmem>>, vector<16xf32>,
      }
      %scan3A_825 = arith.constant 10 : i32
      %dma_start3A_826 = arith.constant 0 : i32
      %dma_start3A_827 = arith.constant 0 : i32
      %dma_start3A_828 = tpu.memref_slice %arg19[%rem3A_792, %dma_start3A_826, %dma_start3A_827] : memref<2x160x16xf32, #tpu.memory_space<vmem>> -> memref<1x160x16xf32, #tpu.memory_space<vmem>>
      %dma_start3A_829 = tpu.memref_squeeze %dma_start3A_828 : memref<1x160x16xf32, #tpu.memory_space<vmem>> -> memref<160x16xf32, #tpu.memory_space<vmem>>
      %dma_start3A_830 = arith.constant 0 : i32
      %dma_start3A_831 = tpu.memref_slice %arg16[%scan3A_791, %dma_start3A_830] : memref<125x160xi32, #tpu.memory_space<vmem>> -> memref<1x160xi32, #tpu.memory_space<vmem>>
      %dma_start3A_832 = tpu.memref_squeeze %dma_start3A_831 : memref<1x160xi32, #tpu.memory_space<vmem>> -> memref<160xi32, #tpu.memory_space<vmem>>
      %dma_start3A_833 = arith.constant 0 : i32
      %dma_start3A_834 = arith.constant 0 : i32
      %dma_start3A_835 = tpu.memref_slice %arg21[%dma_start3A_833, %dma_start3A_834] : memref<10000x16xf32, #tpu.memory_space<vmem_shared>> -> memref<10000x16xf32, #tpu.memory_space<vmem_shared>>
      tpu.enqueue_indirect_dma source(%dma_start3A_829 : memref<160x16xf32, #tpu.memory_space<vmem>>) target(%dma_start3A_835 : memref<10000x16xf32, #tpu.memory_space<vmem_shared>>) offsets(%dma_start3A_832 : memref<160xi32, #tpu.memory_space<vmem>>) semaphore(%arg23 : memref<!tpu.dma_semaphore, #tpu.memory_space<semaphore_mem>>) {add = true}
    }
    %scan3A_769 = arith.constant 125 : i32
    %dma_wait3A_770 = arith.constant 0 : i32
    %dma_wait3A_771 = arith.constant 0 : i32
    %dma_wait3A_772 = arith.constant 0 : i32
    %dma_wait3A_773 = arith.constant 0 : i32
    %dma_wait3A_774 = tpu.memref_slice %arg19[%dma_wait3A_770, %dma_wait3A_772, %dma_wait3A_773] : memref<2x160x16xf32, #tpu.memory_space<vmem>> -> memref<1x160x16xf32, #tpu.memory_space<vmem>>
    %dma_wait3A_775 = tpu.memref_squeeze %dma_wait3A_774 : memref<1x160x16xf32, #tpu.memory_space<vmem>> -> memref<160x16xf32, #tpu.memory_space<vmem>>
    %dma_wait3A_776 = arith.constant 0 : i32
    %dma_wait3A_777 = tpu.memref_slice %arg16[%dma_wait3A_771, %dma_wait3A_776] : memref<125x160xi32, #tpu.memory_space<vmem>> -> memref<1x160xi32, #tpu.memory_space<vmem>>
    %dma_wait3A_778 = tpu.memref_squeeze %dma_wait3A_777 : memref<1x160xi32, #tpu.memory_space<vmem>> -> memref<160xi32, #tpu.memory_space<vmem>>
    %dma_wait3A_779 = arith.constant 0 : i32
    %dma_wait3A_780 = arith.constant 0 : i32
    %dma_wait3A_781 = tpu.memref_slice %arg21[%dma_wait3A_779, %dma_wait3A_780] : memref<10000x16xf32, #tpu.memory_space<vmem_shared>> -> memref<10000x16xf32, #tpu.memory_space<vmem_shared>>
    tpu.wait_indirect_dma semaphore(%arg23 : memref<!tpu.dma_semaphore, #tpu.memory_space<semaphore_mem>>) src(%dma_wait3A_775 : memref<160x16xf32, #tpu.memory_space<vmem>>) dst(%dma_wait3A_781 : memref<10000x16xf32, #tpu.memory_space<vmem_shared>>)
    %barrier3A_782 = arith.constant 0 : index
    tpu.barrier barrier_id(%barrier3A_782)
    %not3A_783 = arith.constant true
    %not3A_784 = arith.xori %eq3A_1, %not3A_783 : i1
    %convert_element_type3A_785 = arith.extui %not3A_784 : i1 to i32
    %cond3A_786 = arith.constant 0 : i32
    %cond3A_787 = arith.cmpi ne, %convert_element_type3A_785, %cond3A_786 : i32
    scf.if %cond3A_787 {
      %mul3A_791 = arith.constant 4 : i32
      %mul3A_792 = arith.muli %mul3A_791, %arg0 : i32
      %add3A_793 = arith.constant 3 : i32
      %add3A_794 = arith.addi %mul3A_792, %add3A_793 : i32
      "tpu.region"() ({
        %run_scoped3A = tpu.sem_alloc : memref<!tpu.dma_semaphore, #tpu.memory_space<semaphore_mem>>
        %dma_start3A_795 = arith.constant 0 : i32
        %dma_start3A_796 = tpu.memref_slice %arg10[%add3A_794, %multiple_of3A, %dma_start3A_795] : memref<8x10000x16xf32, #tpu.memory_space<hbm>> -> memref<1x624x16xf32, #tpu.memory_space<hbm>>
        %dma_start3A_797 = tpu.memref_squeeze %dma_start3A_796 : memref<1x624x16xf32, #tpu.memory_space<hbm>> -> memref<624x16xf32, #tpu.memory_space<hbm>>
        %dma_start3A_798 = arith.constant 0 : i32
        %dma_start3A_799 = tpu.memref_slice %arg21[%multiple_of3A, %dma_start3A_798] : memref<10000x16xf32, #tpu.memory_space<vmem_shared>> -> memref<624x16xf32, #tpu.memory_space<vmem_shared>>
        tpu.enqueue_dma source(%dma_start3A_799 : memref<624x16xf32, #tpu.memory_space<vmem_shared>>) target(%dma_start3A_797 : memref<624x16xf32, #tpu.memory_space<hbm>>) target_semaphore(%run_scoped3A : memref<!tpu.dma_semaphore, #tpu.memory_space<semaphore_mem>>)
        %dma_wait3A_800 = arith.constant 0 : i32
        %dma_wait3A_801 = tpu.memref_slice %arg10[%add3A_794, %multiple_of3A, %dma_wait3A_800] : memref<8x10000x16xf32, #tpu.memory_space<hbm>> -> memref<1x624x16xf32, #tpu.memory_space<hbm>>
        %dma_wait3A_802 = tpu.memref_squeeze %dma_wait3A_801 : memref<1x624x16xf32, #tpu.memory_space<hbm>> -> memref<624x16xf32, #tpu.memory_space<hbm>>
        %dma_wait3A_803 = arith.constant 0 : i32
        %dma_wait3A_804 = tpu.memref_slice %arg21[%multiple_of3A, %dma_wait3A_803] : memref<10000x16xf32, #tpu.memory_space<vmem_shared>> -> memref<624x16xf32, #tpu.memory_space<vmem_shared>>
        tpu.wait_dma2 semaphore(%run_scoped3A : memref<!tpu.dma_semaphore, #tpu.memory_space<semaphore_mem>>) src(%dma_wait3A_804 : memref<624x16xf32, #tpu.memory_space<vmem_shared>>) dst(%dma_wait3A_802 : memref<624x16xf32, #tpu.memory_space<hbm>>)
        tpu.yield
      }) : () -> ()
    } else {
    }
    %convert_element_type3A_788 = arith.extui %eq3A_1 : i1 to i32
    %cond3A_789 = arith.constant 0 : i32
    %cond3A_790 = arith.cmpi ne, %convert_element_type3A_788, %cond3A_789 : i32
    scf.if %cond3A_790 {
      %mul3A_791 = arith.constant 4 : i32
      %mul3A_792 = arith.muli %mul3A_791, %arg0 : i32
      %add3A_793 = arith.constant 3 : i32
      %add3A_794 = arith.addi %mul3A_792, %add3A_793 : i32
      "tpu.region"() ({
        %run_scoped3A = tpu.sem_alloc : memref<!tpu.dma_semaphore, #tpu.memory_space<semaphore_mem>>
        %dma_start3A_795 = arith.constant 9360 : i32
        %dma_start3A_796 = arith.constant 0 : i32
        %dma_start3A_797 = tpu.memref_slice %arg10[%add3A_794, %dma_start3A_795, %dma_start3A_796] : memref<8x10000x16xf32, #tpu.memory_space<hbm>> -> memref<1x640x16xf32, #tpu.memory_space<hbm>>
        %dma_start3A_798 = tpu.memref_squeeze %dma_start3A_797 : memref<1x640x16xf32, #tpu.memory_space<hbm>> -> memref<640x16xf32, #tpu.memory_space<hbm>>
        %dma_start3A_799 = arith.constant 9360 : i32
        %dma_start3A_800 = arith.constant 0 : i32
        %dma_start3A_801 = tpu.memref_slice %arg21[%dma_start3A_799, %dma_start3A_800] : memref<10000x16xf32, #tpu.memory_space<vmem_shared>> -> memref<640x16xf32, #tpu.memory_space<vmem_shared>>
        tpu.enqueue_dma source(%dma_start3A_801 : memref<640x16xf32, #tpu.memory_space<vmem_shared>>) target(%dma_start3A_798 : memref<640x16xf32, #tpu.memory_space<hbm>>) target_semaphore(%run_scoped3A : memref<!tpu.dma_semaphore, #tpu.memory_space<semaphore_mem>>)
        %dma_wait3A_802 = arith.constant 9360 : i32
        %dma_wait3A_803 = arith.constant 0 : i32
        %dma_wait3A_804 = tpu.memref_slice %arg10[%add3A_794, %dma_wait3A_802, %dma_wait3A_803] : memref<8x10000x16xf32, #tpu.memory_space<hbm>> -> memref<1x640x16xf32, #tpu.memory_space<hbm>>
        %dma_wait3A_805 = tpu.memref_squeeze %dma_wait3A_804 : memref<1x640x16xf32, #tpu.memory_space<hbm>> -> memref<640x16xf32, #tpu.memory_space<hbm>>
        %dma_wait3A_806 = arith.constant 9360 : i32
        %dma_wait3A_807 = arith.constant 0 : i32
        %dma_wait3A_808 = tpu.memref_slice %arg21[%dma_wait3A_806, %dma_wait3A_807] : memref<10000x16xf32, #tpu.memory_space<vmem_shared>> -> memref<640x16xf32, #tpu.memory_space<vmem_shared>>
        tpu.wait_dma2 semaphore(%run_scoped3A : memref<!tpu.dma_semaphore, #tpu.memory_space<semaphore_mem>>) src(%dma_wait3A_808 : memref<640x16xf32, #tpu.memory_space<vmem_shared>>) dst(%dma_wait3A_805 : memref<640x16xf32, #tpu.memory_space<hbm>>)
        tpu.yield
      }) : () -> ()
    } else {
    }
    return
  }
}

module attributes {stable_mosaic.version = 14 : i64} {
  func.func @_mm_body(%arg0: i32, %arg1: memref<2000x128xf32, #tpu.memory_space<vmem>>, %arg2: memref<128x128xf32, #tpu.memory_space<vmem>>, %arg3: memref<1x128xf32, #tpu.memory_space<vmem>>, %arg4: memref<128x128xf32, #tpu.memory_space<vmem>>, %arg5: memref<128x1xf32, #tpu.memory_space<vmem>>, %arg6: memref<128x1xf32, #tpu.memory_space<vmem>>, %arg7: memref<2000x128xf32, #tpu.memory_space<vmem>>, %arg8: memref<2000x128xf32, #tpu.memory_space<vmem>>, %arg9: memref<2000x1xf32, #tpu.memory_space<vmem>>, %arg10: memref<2000x1xf32, #tpu.memory_space<vmem>>, %arg11: memref<1x256xf32, #tpu.memory_space<vmem>>) attributes {dimension_semantics = [#tpu.dimension_semantics<arbitrary>], iteration_bounds = array<i64: 5>, scalar_prefetch = 0 : i64, scratch_operands = 0 : i64, tpu.core_type = #tpu.core_type<tc>, window_params = [{transform_indices = @transform_0, window_bounds = array<i64: 2000, 128>}, {pipeline_mode = #tpu.pipeline_mode<synchronous>, transform_indices = @transform_1, window_bounds = array<i64: 128, 128>}, {pipeline_mode = #tpu.pipeline_mode<synchronous>, transform_indices = @transform_2, window_bounds = array<i64: 1, 128>}, {pipeline_mode = #tpu.pipeline_mode<synchronous>, transform_indices = @transform_3, window_bounds = array<i64: 128, 128>}, {pipeline_mode = #tpu.pipeline_mode<synchronous>, transform_indices = @transform_4, window_bounds = array<i64: 128, 1>}, {pipeline_mode = #tpu.pipeline_mode<synchronous>, transform_indices = @transform_5, window_bounds = array<i64: 128, 1>}, {transform_indices = @transform_6, window_bounds = array<i64: 2000, 128>}, {transform_indices = @transform_7, window_bounds = array<i64: 2000, 128>}, {transform_indices = @transform_8, window_bounds = array<i64: 2000, 1>}, {transform_indices = @transform_9, window_bounds = array<i64: 2000, 1>}, {pipeline_mode = #tpu.pipeline_mode<synchronous>, transform_indices = @transform_10, window_bounds = array<i64: 1, 256>}]} {
    %get3A = arith.constant 0 : index
    %get3A_0 = arith.constant 0 : index
    %get3A_1 = vector.load %arg1[%get3A, %get3A_0] : memref<2000x128xf32, #tpu.memory_space<vmem>>, vector<2000x128xf32>
    %get3A_2 = arith.constant 0 : index
    %get3A_3 = arith.constant 0 : index
    %get3A_4 = vector.load %arg2[%get3A_2, %get3A_3] : memref<128x128xf32, #tpu.memory_space<vmem>>, vector<128x128xf32>
    %dot_general3A = arith.constant dense<0.000000e+00> : vector<2000x128xf32>
    %dot_general3A_5 = tpu.matmul %get3A_1, %get3A_4, %dot_general3A {dimension_numbers = #tpu.dot_dimension_numbers<[1], [0], [0], [1], [0, 0, 1, 1], [], []>, transpose_lhs_hint = false} : vector<2000x128xf32>, vector<128x128xf32>, vector<2000x128xf32> -> vector<2000x128xf32>
    %get3A_6 = arith.constant 0 : index
    %get3A_7 = arith.constant 0 : index
    %get3A_8 = vector.load %arg3[%get3A_6, %get3A_7] : memref<1x128xf32, #tpu.memory_space<vmem>>, vector<1x128xf32>
    %add3A = vector.broadcast %get3A_8 : vector<1x128xf32> to vector<2000x128xf32>
    %add3A_9 = arith.addf %dot_general3A_5, %add3A : vector<2000x128xf32>
    %get3A_10 = arith.constant 0 : index
    %get3A_11 = arith.constant 0 : index
    %get3A_12 = vector.load %arg4[%get3A_10, %get3A_11] : memref<128x128xf32, #tpu.memory_space<vmem>>, vector<128x128xf32>
    %dot_general3A_13 = arith.constant dense<0.000000e+00> : vector<2000x128xf32>
    %dot_general3A_14 = tpu.matmul %add3A_9, %get3A_12, %dot_general3A_13 {dimension_numbers = #tpu.dot_dimension_numbers<[1], [0], [0], [1], [0, 0, 1, 1], [], []>, transpose_lhs_hint = false} : vector<2000x128xf32>, vector<128x128xf32>, vector<2000x128xf32> -> vector<2000x128xf32>
    %swap3A = arith.constant 0 : index
    %swap3A_15 = arith.constant 0 : index
    %swap3A_16 = vector.load %arg7[%swap3A, %swap3A_15] : memref<2000x128xf32, #tpu.memory_space<vmem>>, vector<2000x128xf32>
    tpu.vector_store %arg7[%swap3A, %swap3A_15], %add3A_9 {strides = array<i32>} : memref<2000x128xf32, #tpu.memory_space<vmem>>, vector<2000x128xf32>,
    %swap3A_17 = arith.constant 0 : index
    %swap3A_18 = arith.constant 0 : index
    %swap3A_19 = vector.load %arg8[%swap3A_17, %swap3A_18] : memref<2000x128xf32, #tpu.memory_space<vmem>>, vector<2000x128xf32>
    tpu.vector_store %arg8[%swap3A_17, %swap3A_18], %dot_general3A_14 {strides = array<i32>} : memref<2000x128xf32, #tpu.memory_space<vmem>>, vector<2000x128xf32>,
    %get3A_20 = arith.constant 0 : index
    %get3A_21 = arith.constant 0 : index
    %get3A_22 = vector.load %arg5[%get3A_20, %get3A_21] : memref<128x1xf32, #tpu.memory_space<vmem>>, vector<128x1xf32>
    %dot_general3A_23 = arith.constant dense<0.000000e+00> : vector<2000x1xf32>
    %dot_general3A_24 = tpu.matmul %dot_general3A_14, %get3A_22, %dot_general3A_23 {dimension_numbers = #tpu.dot_dimension_numbers<[1], [0], [0], [1], [0, 0, 1, 1], [], []>, transpose_lhs_hint = false} : vector<2000x128xf32>, vector<128x1xf32>, vector<2000x1xf32> -> vector<2000x1xf32>
    %get3A_25 = arith.constant 0 : index
    %get3A_26 = arith.constant 0 : index
    %get3A_27 = vector.load %arg6[%get3A_25, %get3A_26] : memref<128x1xf32, #tpu.memory_space<vmem>>, vector<128x1xf32>
    %dot_general3A_28 = arith.constant dense<0.000000e+00> : vector<2000x1xf32>
    %dot_general3A_29 = tpu.matmul %dot_general3A_14, %get3A_27, %dot_general3A_28 {dimension_numbers = #tpu.dot_dimension_numbers<[1], [0], [0], [1], [0, 0, 1, 1], [], []>, transpose_lhs_hint = false} : vector<2000x128xf32>, vector<128x1xf32>, vector<2000x1xf32> -> vector<2000x1xf32>
    %swap3A_30 = arith.constant 0 : index
    %swap3A_31 = arith.constant 0 : index
    %swap3A_32 = vector.load %arg9[%swap3A_30, %swap3A_31] : memref<2000x1xf32, #tpu.memory_space<vmem>>, vector<2000x1xf32>
    tpu.vector_store %arg9[%swap3A_30, %swap3A_31], %dot_general3A_24 {strides = array<i32>} : memref<2000x1xf32, #tpu.memory_space<vmem>>, vector<2000x1xf32>,
    %swap3A_33 = arith.constant 0 : index
    %swap3A_34 = arith.constant 0 : index
    %swap3A_35 = vector.load %arg10[%swap3A_33, %swap3A_34] : memref<2000x1xf32, #tpu.memory_space<vmem>>, vector<2000x1xf32>
    tpu.vector_store %arg10[%swap3A_33, %swap3A_34], %dot_general3A_29 {strides = array<i32>} : memref<2000x1xf32, #tpu.memory_space<vmem>>, vector<2000x1xf32>,
    %reduce_max3A = vector.shape_cast %dot_general3A_24 : vector<2000x1xf32> to vector<1x2000x1xf32>
    %reduce_max3A_36 = arith.constant dense<0xFF800000> : vector<1xf32>
    %reduce_max3A_37 = vector.multi_reduction <maximumf>, %reduce_max3A, %reduce_max3A_36 [1, 2] : vector<1x2000x1xf32> to vector<1xf32>
    %reduce_max3A_38 = vector.shape_cast %reduce_max3A_37 : vector<1xf32> to vector<1x1x1xf32>
    %reduce_max3A_39 = vector.extract %reduce_max3A_38[0, 0, 0] : f32 from vector<1x1x1xf32>
    %reduce_max3A_40 = vector.shape_cast %dot_general3A_29 : vector<2000x1xf32> to vector<1x2000x1xf32>
    %reduce_max3A_41 = arith.constant dense<0xFF800000> : vector<1xf32>
    %reduce_max3A_42 = vector.multi_reduction <maximumf>, %reduce_max3A_40, %reduce_max3A_41 [1, 2] : vector<1x2000x1xf32> to vector<1xf32>
    %reduce_max3A_43 = vector.shape_cast %reduce_max3A_42 : vector<1xf32> to vector<1x1x1xf32>
    %reduce_max3A_44 = vector.extract %reduce_max3A_43[0, 0, 0] : f32 from vector<1x1x1xf32>
    %broadcast_in_dim3A = vector.broadcast %reduce_max3A_39 : f32 to vector<1x128xf32>
    %broadcast_in_dim3A_45 = vector.broadcast %reduce_max3A_44 : f32 to vector<1x128xf32>
    %concatenate3A = tpu.concatenate %broadcast_in_dim3A, %broadcast_in_dim3A_45 in 1 : vector<1x128xf32>, vector<1x128xf32> -> vector<1x256xf32>
    %eq3A = arith.constant 0 : i32
    %eq3A_46 = arith.cmpi eq, %arg0, %eq3A : i32
    %convert_element_type3A = arith.extui %eq3A_46 : i1 to i32
    %cond3A = arith.constant 0 : i32
    %cond3A_47 = arith.cmpi ne, %convert_element_type3A, %cond3A : i32
    scf.if %cond3A_47 {
      %swap3A_52 = arith.constant 0 : index
      %swap3A_53 = arith.constant 0 : index
      %swap3A_54 = vector.load %arg11[%swap3A_52, %swap3A_53] : memref<1x256xf32, #tpu.memory_space<vmem>>, vector<1x256xf32>
      tpu.vector_store %arg11[%swap3A_52, %swap3A_53], %concatenate3A {strides = array<i32>} : memref<1x256xf32, #tpu.memory_space<vmem>>, vector<1x256xf32>,
    } else {
    }
    %gt3A = arith.constant 0 : i32
    %gt3A_48 = arith.cmpi sgt, %arg0, %gt3A : i32
    %convert_element_type3A_49 = arith.extui %gt3A_48 : i1 to i32
    %cond3A_50 = arith.constant 0 : i32
    %cond3A_51 = arith.cmpi ne, %convert_element_type3A_49, %cond3A_50 : i32
    scf.if %cond3A_51 {
      %get3A_52 = arith.constant 0 : index
      %get3A_53 = arith.constant 0 : index
      %get3A_54 = vector.load %arg11[%get3A_52, %get3A_53] : memref<1x256xf32, #tpu.memory_space<vmem>>, vector<1x256xf32>
      %max3A = arith.maximumf %get3A_54, %concatenate3A : vector<1x256xf32>
      %swap3A_55 = arith.constant 0 : index
      %swap3A_56 = arith.constant 0 : index
      %swap3A_57 = vector.load %arg11[%swap3A_55, %swap3A_56] : memref<1x256xf32, #tpu.memory_space<vmem>>, vector<1x256xf32>
      tpu.vector_store %arg11[%swap3A_55, %swap3A_56], %max3A {strides = array<i32>} : memref<1x256xf32, #tpu.memory_space<vmem>>, vector<1x256xf32>,
    } else {
    }
    return
  }
  func.func @transform_0(%arg0: i32) -> (i32, i32) {
    %c0_i32 = arith.constant 0 : i32
    %c0_i32_0 = arith.constant 0 : i32
    return %arg0, %c0_i32 : i32, i32
  }
  func.func @transform_1(%arg0: i32) -> (i32, i32) {
    %c0_i32 = arith.constant 0 : i32
    %c0_i32_0 = arith.constant 0 : i32
    %c0_i32_1 = arith.constant 0 : i32
    return %c0_i32, %c0_i32_0 : i32, i32
  }
  func.func @transform_2(%arg0: i32) -> (i32, i32) {
    %c0_i32 = arith.constant 0 : i32
    %c0_i32_0 = arith.constant 0 : i32
    %c0_i32_1 = arith.constant 0 : i32
    return %c0_i32, %c0_i32_0 : i32, i32
  }
  func.func @transform_3(%arg0: i32) -> (i32, i32) {
    %c0_i32 = arith.constant 0 : i32
    %c0_i32_0 = arith.constant 0 : i32
    %c0_i32_1 = arith.constant 0 : i32
    return %c0_i32, %c0_i32_0 : i32, i32
  }
  func.func @transform_4(%arg0: i32) -> (i32, i32) {
    %c0_i32 = arith.constant 0 : i32
    %c0_i32_0 = arith.constant 0 : i32
    %c0_i32_1 = arith.constant 0 : i32
    return %c0_i32, %c0_i32_0 : i32, i32
  }
  func.func @transform_5(%arg0: i32) -> (i32, i32) {
    %c0_i32 = arith.constant 0 : i32
    %c0_i32_0 = arith.constant 0 : i32
    %c0_i32_1 = arith.constant 0 : i32
    return %c0_i32, %c0_i32_0 : i32, i32
  }
  func.func @transform_6(%arg0: i32) -> (i32, i32) {
    %c0_i32 = arith.constant 0 : i32
    %c0_i32_0 = arith.constant 0 : i32
    return %arg0, %c0_i32 : i32, i32
  }
  func.func @transform_7(%arg0: i32) -> (i32, i32) {
    %c0_i32 = arith.constant 0 : i32
    %c0_i32_0 = arith.constant 0 : i32
    return %arg0, %c0_i32 : i32, i32
  }
  func.func @transform_8(%arg0: i32) -> (i32, i32) {
    %c0_i32 = arith.constant 0 : i32
    %c0_i32_0 = arith.constant 0 : i32
    return %arg0, %c0_i32 : i32, i32
  }
  func.func @transform_9(%arg0: i32) -> (i32, i32) {
    %c0_i32 = arith.constant 0 : i32
    %c0_i32_0 = arith.constant 0 : i32
    return %arg0, %c0_i32 : i32, i32
  }
  func.func @transform_10(%arg0: i32) -> (i32, i32) {
    %c0_i32 = arith.constant 0 : i32
    %c0_i32_0 = arith.constant 0 : i32
    %c0_i32_1 = arith.constant 0 : i32
    return %c0_i32, %c0_i32_0 : i32, i32
  }
}

module attributes {stable_mosaic.version = 14 : i64} {
  func.func @_out_body(%arg0: i32, %arg1: memref<2000x128xf32, #tpu.memory_space<vmem>>, %arg2: memref<8x2000x16xf32, #tpu.memory_space<vmem>>, %arg3: memref<1x128xf32, #tpu.memory_space<vmem>>, %arg4: memref<128x16xf32, #tpu.memory_space<vmem>>, %arg5: memref<1x16xf32, #tpu.memory_space<vmem>>, %arg6: memref<2000x16xf32, #tpu.memory_space<vmem>>) attributes {dimension_semantics = [#tpu.dimension_semantics<arbitrary>], iteration_bounds = array<i64: 5>, scalar_prefetch = 0 : i64, scratch_operands = 0 : i64, tpu.core_type = #tpu.core_type<tc>, window_params = [{transform_indices = @transform_0, window_bounds = array<i64: 2000, 128>}, {transform_indices = @transform_1, window_bounds = array<i64: 8, 2000, 16>}, {pipeline_mode = #tpu.pipeline_mode<synchronous>, transform_indices = @transform_2, window_bounds = array<i64: 1, 128>}, {pipeline_mode = #tpu.pipeline_mode<synchronous>, transform_indices = @transform_3, window_bounds = array<i64: 128, 16>}, {pipeline_mode = #tpu.pipeline_mode<synchronous>, transform_indices = @transform_4, window_bounds = array<i64: 1, 16>}, {transform_indices = @transform_5, window_bounds = array<i64: 2000, 16>}]} {
    %get3A = arith.constant 0 : index
    %get3A_0 = arith.constant 0 : index
    %get3A_1 = arith.constant 0 : index
    %get3A_2 = vector.load %arg2[%get3A, %get3A_0, %get3A_1] : memref<8x2000x16xf32, #tpu.memory_space<vmem>>, vector<1x2000x16xf32>
    %get3A_3 = vector.shape_cast %get3A_2 : vector<1x2000x16xf32> to vector<2000x16xf32>
    %get3A_4 = arith.constant 1 : index
    %get3A_5 = arith.constant 0 : index
    %get3A_6 = arith.constant 0 : index
    %get3A_7 = vector.load %arg2[%get3A_4, %get3A_5, %get3A_6] : memref<8x2000x16xf32, #tpu.memory_space<vmem>>, vector<1x2000x16xf32>
    %get3A_8 = vector.shape_cast %get3A_7 : vector<1x2000x16xf32> to vector<2000x16xf32>
    %get3A_9 = arith.constant 2 : index
    %get3A_10 = arith.constant 0 : index
    %get3A_11 = arith.constant 0 : index
    %get3A_12 = vector.load %arg2[%get3A_9, %get3A_10, %get3A_11] : memref<8x2000x16xf32, #tpu.memory_space<vmem>>, vector<1x2000x16xf32>
    %get3A_13 = vector.shape_cast %get3A_12 : vector<1x2000x16xf32> to vector<2000x16xf32>
    %get3A_14 = arith.constant 3 : index
    %get3A_15 = arith.constant 0 : index
    %get3A_16 = arith.constant 0 : index
    %get3A_17 = vector.load %arg2[%get3A_14, %get3A_15, %get3A_16] : memref<8x2000x16xf32, #tpu.memory_space<vmem>>, vector<1x2000x16xf32>
    %get3A_18 = vector.shape_cast %get3A_17 : vector<1x2000x16xf32> to vector<2000x16xf32>
    %get3A_19 = arith.constant 4 : index
    %get3A_20 = arith.constant 0 : index
    %get3A_21 = arith.constant 0 : index
    %get3A_22 = vector.load %arg2[%get3A_19, %get3A_20, %get3A_21] : memref<8x2000x16xf32, #tpu.memory_space<vmem>>, vector<1x2000x16xf32>
    %get3A_23 = vector.shape_cast %get3A_22 : vector<1x2000x16xf32> to vector<2000x16xf32>
    %get3A_24 = arith.constant 5 : index
    %get3A_25 = arith.constant 0 : index
    %get3A_26 = arith.constant 0 : index
    %get3A_27 = vector.load %arg2[%get3A_24, %get3A_25, %get3A_26] : memref<8x2000x16xf32, #tpu.memory_space<vmem>>, vector<1x2000x16xf32>
    %get3A_28 = vector.shape_cast %get3A_27 : vector<1x2000x16xf32> to vector<2000x16xf32>
    %get3A_29 = arith.constant 6 : index
    %get3A_30 = arith.constant 0 : index
    %get3A_31 = arith.constant 0 : index
    %get3A_32 = vector.load %arg2[%get3A_29, %get3A_30, %get3A_31] : memref<8x2000x16xf32, #tpu.memory_space<vmem>>, vector<1x2000x16xf32>
    %get3A_33 = vector.shape_cast %get3A_32 : vector<1x2000x16xf32> to vector<2000x16xf32>
    %get3A_34 = arith.constant 7 : index
    %get3A_35 = arith.constant 0 : index
    %get3A_36 = arith.constant 0 : index
    %get3A_37 = vector.load %arg2[%get3A_34, %get3A_35, %get3A_36] : memref<8x2000x16xf32, #tpu.memory_space<vmem>>, vector<1x2000x16xf32>
    %get3A_38 = vector.shape_cast %get3A_37 : vector<1x2000x16xf32> to vector<2000x16xf32>
    %concatenate3A = tpu.concatenate %get3A_3, %get3A_8, %get3A_13, %get3A_18, %get3A_23, %get3A_28, %get3A_33, %get3A_38 in 1 : vector<2000x16xf32>, vector<2000x16xf32>, vector<2000x16xf32>, vector<2000x16xf32>, vector<2000x16xf32>, vector<2000x16xf32>, vector<2000x16xf32>, vector<2000x16xf32> -> vector<2000x128xf32>
    %get3A_39 = arith.constant 0 : index
    %get3A_40 = arith.constant 0 : index
    %get3A_41 = vector.load %arg3[%get3A_39, %get3A_40] : memref<1x128xf32, #tpu.memory_space<vmem>>, vector<1x128xf32>
    %add3A = vector.broadcast %get3A_41 : vector<1x128xf32> to vector<2000x128xf32>
    %add3A_42 = arith.addf %concatenate3A, %add3A : vector<2000x128xf32>
    %max3A = arith.constant 0.000000e+00 : f32
    %max3A_43 = vector.broadcast %max3A : f32 to vector<2000x128xf32>
    %max3A_44 = arith.maximumf %add3A_42, %max3A_43 : vector<2000x128xf32>
    %get3A_45 = arith.constant 0 : index
    %get3A_46 = arith.constant 0 : index
    %get3A_47 = vector.load %arg1[%get3A_45, %get3A_46] : memref<2000x128xf32, #tpu.memory_space<vmem>>, vector<2000x128xf32>
    %add3A_48 = arith.addf %get3A_47, %max3A_44 : vector<2000x128xf32>
    %get3A_49 = arith.constant 0 : index
    %get3A_50 = arith.constant 0 : index
    %get3A_51 = vector.load %arg4[%get3A_49, %get3A_50] : memref<128x16xf32, #tpu.memory_space<vmem>>, vector<128x16xf32>
    %dot_general3A = arith.constant dense<0.000000e+00> : vector<2000x16xf32>
    %dot_general3A_52 = tpu.matmul %add3A_48, %get3A_51, %dot_general3A {dimension_numbers = #tpu.dot_dimension_numbers<[1], [0], [0], [1], [0, 0, 1, 1], [], []>, transpose_lhs_hint = false} : vector<2000x128xf32>, vector<128x16xf32>, vector<2000x16xf32> -> vector<2000x16xf32>
    %get3A_53 = arith.constant 0 : index
    %get3A_54 = arith.constant 0 : index
    %get3A_55 = vector.load %arg5[%get3A_53, %get3A_54] : memref<1x16xf32, #tpu.memory_space<vmem>>, vector<1x16xf32>
    %add3A_56 = vector.broadcast %get3A_55 : vector<1x16xf32> to vector<2000x16xf32>
    %add3A_57 = arith.addf %dot_general3A_52, %add3A_56 : vector<2000x16xf32>
    %reduce_max3A = arith.constant dense<0xFF800000> : vector<2000xf32>
    %reduce_max3A_58 = vector.multi_reduction <maximumf>, %add3A_57, %reduce_max3A [1] : vector<2000x16xf32> to vector<2000xf32>
    %broadcast_in_dim3A = vector.shape_cast %reduce_max3A_58 : vector<2000xf32> to vector<2000x1xf32>
    %sub3A = vector.broadcast %broadcast_in_dim3A : vector<2000x1xf32> to vector<2000x16xf32>
    %sub3A_59 = arith.subf %add3A_57, %sub3A : vector<2000x16xf32>
    %exp3A = math.exp %sub3A_59 : vector<2000x16xf32>
    %reduce_sum3A = arith.constant dense<0.000000e+00> : vector<2000xf32>
    %reduce_sum3A_60 = vector.multi_reduction <add>, %exp3A, %reduce_sum3A [1] : vector<2000x16xf32> to vector<2000xf32>
    %broadcast_in_dim3A_61 = vector.shape_cast %reduce_sum3A_60 : vector<2000xf32> to vector<2000x1xf32>
    %log3A = math.log %broadcast_in_dim3A_61 : vector<2000x1xf32>
    %sub3A_62 = vector.broadcast %broadcast_in_dim3A : vector<2000x1xf32> to vector<2000x16xf32>
    %sub3A_63 = arith.subf %add3A_57, %sub3A_62 : vector<2000x16xf32>
    %sub3A_64 = vector.broadcast %log3A : vector<2000x1xf32> to vector<2000x16xf32>
    %sub3A_65 = arith.subf %sub3A_63, %sub3A_64 : vector<2000x16xf32>
    %swap3A = arith.constant 0 : index
    %swap3A_66 = arith.constant 0 : index
    %swap3A_67 = vector.load %arg6[%swap3A, %swap3A_66] : memref<2000x16xf32, #tpu.memory_space<vmem>>, vector<2000x16xf32>
    tpu.vector_store %arg6[%swap3A, %swap3A_66], %sub3A_65 {strides = array<i32>} : memref<2000x16xf32, #tpu.memory_space<vmem>>, vector<2000x16xf32>,
    return
  }
  func.func @transform_0(%arg0: i32) -> (i32, i32) {
    %c0_i32 = arith.constant 0 : i32
    %c0_i32_0 = arith.constant 0 : i32
    return %arg0, %c0_i32 : i32, i32
  }
  func.func @transform_1(%arg0: i32) -> (i32, i32, i32) {
    %c0_i32 = arith.constant 0 : i32
    %c0_i32_0 = arith.constant 0 : i32
    %c0_i32_1 = arith.constant 0 : i32
    return %c0_i32, %arg0, %c0_i32_0 : i32, i32, i32
  }
  func.func @transform_2(%arg0: i32) -> (i32, i32) {
    %c0_i32 = arith.constant 0 : i32
    %c0_i32_0 = arith.constant 0 : i32
    %c0_i32_1 = arith.constant 0 : i32
    return %c0_i32, %c0_i32_0 : i32, i32
  }
  func.func @transform_3(%arg0: i32) -> (i32, i32) {
    %c0_i32 = arith.constant 0 : i32
    %c0_i32_0 = arith.constant 0 : i32
    %c0_i32_1 = arith.constant 0 : i32
    return %c0_i32, %c0_i32_0 : i32, i32
  }
  func.func @transform_4(%arg0: i32) -> (i32, i32) {
    %c0_i32 = arith.constant 0 : i32
    %c0_i32_0 = arith.constant 0 : i32
    %c0_i32_1 = arith.constant 0 : i32
    return %c0_i32, %c0_i32_0 : i32, i32
  }
  func.func @transform_5(%arg0: i32) -> (i32, i32) {
    %c0_i32 = arith.constant 0 : i32
    %c0_i32_0 = arith.constant 0 : i32
    return %arg0, %c0_i32 : i32, i32
  }
}

</mosaic_0001>

<sc_bundles>
// kernel: kernel.6.cloned.1.call-start
scs
__scs_entry_jumppad:
0x0: {  	(pc) =	sbr.rel $0x88, $3  }
0x1: {  	(tag) =	ssettag $0x0;
	lr =	simm.s32 $0x1  }
0x2: {  	[smem:$0x3F97] =	sst lr;
	_ =	strace $0xD0000000  }
0x3: {  	_ = 	snop  }
0x4: {  	_ = 	snop  }
0x5: {  	_ = 	snop  }
0x6: {  	_ = 	snop  }
0x7: {  	_ = 	snop  }
__scs_overlays_trampoline_lowered:
0x8: {  	[smem:$0x3FA6] =	sst s0  }
0x9: {  	[smem:$0x3FA7] =	sst s1  }
0xa: {  	[smem:$0x3FA8] =	sst s2  }
0xb: {  	[smem:$0x3FA9] =	sst s3  }
0xc: {  	[smem:$0x3FAA] =	sst s4  }
0xd: {  	[smem:$0x3FAB] =	sst s5  }
0xe: {  	[smem:$0x3FAC] =	sst s6  }
0xf: {  	[smem:$0x3FAD] =	sst s7  }
0x10: {  	[smem:$0x3FAE] =	sst s8  }
0x11: {  	[smem:$0x3FAF] =	sst s9;
	s0 =	simm.s32 @!p0 $0x0  }
0x12: {  	s1 =	sld [smem:$0x3F95];
	s0 =	simm.s32 @p0 $0x1  }
0x13: {  	[smem:$0x3FB0] =	sst s0;
	s0 =	simm.s32 @!p1 $0x0  }
0x14: {  	s2 =	sld [smem:$0x3F94];
	s0 =	simm.s32 @p1 $0x1  }
0x15: {  	[smem:$0x3FB1] =	sst s0;
	s0 =	simm.s32 @!p2 $0x0  }
0x16: {  	s3 =	sld [smem:$0x3FDB];
	s0 =	simm.s32 @p2 $0x1  }
0x17: {  	s4 =	simm.s32 $0x1BF5;
	[smem:$0x3FB3] =	sst s0  }
0x18: {  	s0 =	sld [smem:$0x3F96];
	_ =	swait.ge [sflag:s4], $0x0  }
0x19: {  	s7 =	sld [smem:$0x3F97]  }
0x1a: {  	s8 =	sadd.s32 $0xFFFFE003, lr  }
0x1b: {  	s9 =	sadd.s32 $0xFFFFFEF7, lr;
	s5 =	simm.s32 $0xFFFFFFFF;
	p2 =	slt.u32 s8, $0xFFFFF086  }
0x1c: {  	p1 =	slt.u32 s9, $0xF7A;
	s5 =	simm.s32 @!p2 $0x0  }
0x1d: {  	s5 =	simm.s32 @p1 $0x1;
	p0 =	seq.s32 s7, s2  }
0x1e: {  	s7 =	smul.u32 @!p0 $0xF7A, s2;
	p2 =	seq.s32 @!p0 s5, $0x0  }
0x1f: {  	s9 =	smul.u32 $0xF7A, s1;
	s8 =	simm.s32 @!p0 $0x1BF5;
	p2 =	por !p2, p0  }
0x20: {  	[sflag:s8] =	ssyncset.s32 @!p0 $0xFFFFF086;
	s6 =	sadd.s32 @!p0 s3, s7;
	s7 =	simm.s32 @!p0 $0x108  }
0x21: {  	s3 =	sadd.s32 s3, s9;
	s6 =	sadd.s32 @!p0 $0x88, s6;
	s7 =	simm.s32 @p2 $0x1082  }
0x22: {  	[simem:s7], [sflag:s8] =	dma.local @!p0 [hbm:s6], $0xF7A  }
0x23: {  	s9 =	sor.u32 $0xD0000000, s2;
	s6 =	simm.s32 $0x108;
	_ =	swait.ge @!p0 [sflag:s8], $0x0  }
0x24: {  	s3 =	sadd.s32 $0x88, s3;
	s6 =	simm.s32 @!p1 $0x1082;
	[sflag:s4] =	ssyncset.s32 $0xFFFFF086  }
0x25: {  	[simem:s6], [sflag:s4] =	dma.local [hbm:s3], $0xF7A  }
0x26: {  	[smem:$0x3F97] =	sst s1;
	(tag) =	ssettag s2;
	_ =	strace s9  }
0x27: {  	s1 =	sld [smem:$0x3FA7]  }
0x28: {  	s2 =	sld [smem:$0x3FA8]  }
0x29: {  	s4 =	sld [smem:$0x3FAA]  }
0x2a: {  	p0 =	seq.s32 s5, $0x0;
	s5 =	sld [smem:$0x3FAB]  }
0x2b: {  	s6 =	sld [smem:$0x3FAC]  }
0x2c: {  	s7 =	sld [smem:$0x3FAD]  }
0x2d: {  	s3 =	simm.s32 $0x108;
	s8 =	sld [smem:$0x3FAE]  }
0x2e: {  	s3 =	simm.s32 @!p0 $0x1082;
	s9 =	sld [smem:$0x3FAF]  }
0x2f: {  	lr =	sadd.s32 s0, s3;
	s0 =	sld [smem:$0x3FA6]  }
0x30: {  	s3 =	sld [smem:$0x3FA9]  }
0x31: {  	[smem:$0x3FB2] =	sst s10  }
0x32: {  	s10 =	sld [smem:$0x3FB0];
	_ =	sdelay $0x3  }
0x33: {  	p0 =	seq.s32 s10, $0x1;
	s10 =	sld [smem:$0x3FB2];
	_ =	sdelay $0x3  }
0x34: {  	[smem:$0x3FB2] =	sst s10  }
0x35: {  	s10 =	sld [smem:$0x3FB1];
	_ =	sdelay $0x3  }
0x36: {  	p1 =	seq.s32 s10, $0x1;
	s10 =	sld [smem:$0x3FB2];
	_ =	sdelay $0x3  }
0x37: {  	[smem:$0x3FB2] =	sst s10  }
0x38: {  	s10 =	sld [smem:$0x3FB3]  }
0x39: {  	_ = 	snop;
	(pc) =	sbr.ind lr, $3  }
0x3a: {  	_ = 	snop  }
0x3b: {  	_ = 	snop  }
0x3c: {  	p2 =	seq.s32 s10, $0x1;
	s10 =	sld [smem:$0x3FB2]  }
0x3d: {  	_ =	shalt  }
0x3e: {  	_ =	shalt  }
0x3f: {  	_ =	shalt  }
0x40: {  	_ =	shalt  }
0x41: {  	_ =	shalt  }
0x42: {  	_ =	shalt  }
0x43: {  	_ =	shalt  }
0x44: {  	_ =	shalt  }
0x45: {  	_ =	shalt  }
0x46: {  	_ =	shalt  }
0x47: {  	_ =	shalt  }
0x48: {  	_ =	shalt  }
0x49: {  	_ =	shalt  }
0x4a: {  	_ =	shalt  }
0x4b: {  	_ =	shalt  }
0x4c: {  	_ =	shalt  }
0x4d: {  	_ =	shalt  }
0x4e: {  	_ =	shalt  }
0x4f: {  	_ =	shalt  }
0x50: {  	_ =	shalt  }
0x51: {  	_ =	shalt  }
0x52: {  	_ =	shalt  }
0x53: {  	_ =	shalt  }
0x54: {  	_ =	shalt  }
0x55: {  	_ =	shalt  }
0x56: {  	_ =	shalt  }
0x57: {  	_ =	shalt  }
0x58: {  	_ =	shalt  }
0x59: {  	_ =	shalt  }
0x5a: {  	_ =	shalt  }
0x5b: {  	_ =	shalt  }
0x5c: {  	_ =	shalt  }
0x5d: {  	_ =	shalt  }
0x5e: {  	_ =	shalt  }
0x5f: {  	_ =	shalt  }
0x60: {  	_ =	shalt  }
0x61: {  	_ =	shalt  }
0x62: {  	_ =	shalt  }
0x63: {  	_ =	shalt  }
0x64: {  	_ =	shalt  }
0x65: {  	_ =	shalt  }
0x66: {  	_ =	shalt  }
0x67: {  	_ =	shalt  }
0x68: {  	_ =	shalt  }
0x69: {  	_ =	shalt  }
0x6a: {  	_ =	shalt  }
0x6b: {  	_ =	shalt  }
0x6c: {  	_ =	shalt  }
0x6d: {  	_ =	shalt  }
0x6e: {  	_ =	shalt  }
0x6f: {  	_ =	shalt  }
0x70: {  	_ =	shalt  }
0x71: {  	_ =	shalt  }
0x72: {  	_ =	shalt  }
0x73: {  	_ =	shalt  }
0x74: {  	_ =	shalt  }
0x75: {  	_ =	shalt  }
0x76: {  	_ =	shalt  }
0x77: {  	_ =	shalt  }
0x78: {  	_ =	shalt  }
0x79: {  	_ =	shalt  }
0x7a: {  	_ =	shalt  }
0x7b: {  	_ =	shalt  }
0x7c: {  	_ =	shalt  }
0x7d: {  	_ =	shalt  }
0x7e: {  	_ =	shalt  }
0x7f: {  	_ =	shalt  }
0x80: {  	_ =	shalt  }
0x81: {  	_ =	shalt  }
0x82: {  	_ =	shalt  }
0x83: {  	_ =	shalt  }
0x84: {  	_ =	shalt  }
0x85: {  	_ =	shalt  }
0x86: {  	_ =	shalt  }
0x87: {  	_ =	shalt  }
.Lfunc_end0:
.L_simem_size_0:
called_computation_lowered:
.L_overlay_start_0:
0x88: {  	s2 =	sld [smem:$0x3FD9]  }
0x89: {  	s3 =	sld [smem:$0x3FFE];
	_ =	sdelay $0x1  }
0x8a: {  	s1 =	srdreg.scid  }
0x8b: {  	s0 =	sand.u32 $0x1, s1  }
0x8c: {  	s17 =	sshll.u32 s0, $0xA;
	s2 =	sadd.s32 s3, s2  }
0x8d: {  	s2 =	sadd.s32 s2, s17  }
0x8e: {  	[smem:$0x3FBE] =	sst s2  }
0x8f: {  	_ = 	snop  }
0x90: {  	s2 =	sld [smem:$0x3FD0];
	(tm) =	ssettm $0x1  }
0x91: {  	s18 =	sld [smem:$0x3FFB];
	_ =	sdelay $0x3  }
0x92: {  	_ =	strace s18  }
0x93: {  	s3 =	sld [smem:$0x3FFC];
	_ =	sdelay $0x3  }
0x94: {  	_ =	strace s3  }
0x95: {  	s3 =	sld [smem:$0x3FFD];
	_ =	sdelay $0x3  }
0x96: {  	_ =	strace s3  }
0x97: {  	_ =	strace $0x8FFFFFFF  }
0x98: {  	s19 =	sld [smem:$0x3FDB];
	_ =	sdelay $0x1  }
0x99: {  	s4 =	simm.s32 $_scs_section_size  }
0x9a: {  	s5 =	simm.s32 $_size__tile_overlayer_lowered;
	s6 =	simm.s32 $_tile_overlayer_lowered  }
0x9b: {  	s22 =	simm.s32 $0x1BFF;
	s21 =	sshll.u32 s6, $0x1;
	s3 =	sadd.s32 s4, s19  }
0x9c: {  	s7 =	simm.s32 $0x0;
	s20 =	sshll.u32 s5, $0x1;
	s5 =	sadd.s32 s21, s3  }
0x9d: {  	[timem:s7], [sflag:s22] =	dma.local [hbm:s5], s20  }
0x9e: {  	_ =	swait.ge [sflag:s22], s20  }
0x9f: {  	s4 =	ssub.s32 $0x0, s20;
	[sflag:s22] =	ssyncset.done $0x0  }
0xa0: {  	[sflag:s22] =	ssyncadd.s32 s4;
	_ =	sdelay $0x1  }
0xa1: {  	s23 =	simm.s32 $0x1B8B  }
0xa2: {  	_ =	swait.ge [sflag:s23], $0x1  }
0xa3: {  	[sflag:s23] =	ssyncset.done $0x0  }
0xa4: {  	s25 =	simm.s32 $0x1B8E;
	s24 =	sld [smem:$0x3FFE];
	[sflag:s23] =	ssyncadd.s32 $0xFFFFFFFF  }
0xa5: {  	s26 =	simm.s32 $execute0_lowered;
	[smem:$0x3FD2] =	sst s25  }
0xa6: {  	s5 =	sshll.u32 s26, $0x1;
	_ =	strace $0x80000046;
	[dreg:$0x1] =	wrdreg $0xFFFFFFFF  }
0xa7: {  	s28 =	simm.s32 $_size_execute0_lowered;
	s3 =	sadd.s32 s3, s5;
	[dreg:$0x0] =	wrdreg $0x0  }
0xa8: {  	s5 =	sshll.u32 s28, $0x1;
	[dreg:$0x2] =	wrdreg s3  }
0xa9: {  	[dreg:$0x3] =	wrdreg s5  }
0xaa: {  	[dreg:$0x4] =	wrdreg $0xC0  }
0xab: {  	_ =	task [dreg:s7], $0x5FFFF  }
0xac: {  	[dreg:$0x1] =	wrdreg $0xFFFFFFFF  }
0xad: {  	[dreg:$0x0] =	wrdreg $0x60  }
0xae: {  	[dreg:$0x2] =	wrdreg s24  }
0xaf: {  	[dreg:$0x3] =	wrdreg s2  }
0xb0: {  	[dreg:$0x4] =	wrdreg $0x9CA00  }
0xb1: {  	[dreg:$0x5] =	wrdreg $0x9  }
0xb2: {  	_ =	task.clear_ibuf [dreg:s7], $0x6FFFF;
	_ =	strace $0x90000046  }
0xb3: {  	s29 =	simm.s32 $0x9;
	_ =	strace $0x80000048  }
0xb4: {  	_ =	swait.ge [sflag:s29], $0x1  }
0xb5: {  	[sflag:s29] =	ssyncadd.s32 $0xFFFFFFFF  }
0xb6: {  	_ =	strace $0x90000048  }
0xb7: {  	_ =	sfence  }
0xb8: {  	s30 =	sld [smem:$0x0];
	_ =	sdelay $0x2  }
0xb9: {  	s31 =	sshll.u32 s1, $0xD;
	s1 =	sshrl.u32 s1, $0x2  }
0xba: {  	s3 =	sand.u32 $0x4000, s31;
	s1 =	sadd.s32 s1, s30  }
0xbb: {  	s0 =	sor.u32 s3, s0;
	s1 =	sshll.u32 s1, $0x11  }
0xbc: {  	s0 =	sor.u32 s1, s0  }
0xbd: {  	s0 =	sadd.s32 $0x8F2B, s0  }
0xbe: {  	[sflag:s0] =	ssyncadd.remote.s32 $0x1  }
0xbf: {  	_ =	sfence.sel $0xFFFF  }
0xc0: {  	[dreg:$0x0] =	wrdreg $0xFFFFFFFF;
	(pc) =	sbr.abs _section_cstart, $3  }
0xc1: {  	[dreg:$0x1] =	wrdreg $0xFFFFFFFF  }
0xc2: {  	_ =	task.clear_ibuf [dreg:s7], $0x2FFFF;
	_ =	strace $0x9FFFFFFF  }
0xc3: {  	(tm) =	ssettm $0x7FFFFFFF  }
tec
execute0_lowered:
.L_overlay_start_1:
0x0: {  	(tag) =	ssettag $0x1  }
0x1: {  	s7 =	rddreg [dreg:$0x0]  }
0x2: {  	s11 =	rddreg [dreg:$0x1]  }
0x3: {  	s1 =	rddreg [dreg:$0x2]  }
0x4: {  	s2 =	srdreg.scid;
	s0 =	rddreg [dreg:$0x3]  }
0x5: {  	s3 =	simm.s32 $0x0;
	s16 =	simm.s32 $0x4E20;
	s17 =	simm.s32 $0x7530  }
0x6: {  	s18 =	simm.s32 $0x9C90;
	s19 =	simm.s32 $0x50;
	s20 =	simm.s32 $0x9C40  }
0x7: {  	s21 =	simm.s32 $0x0;
	s6 =	sand.u32 $0x1, s2;
	s2 =	stileid.u32  }
0x8: {  	[smem:$0x7FF] =	sst s3;
	s4 =	sshll.u32 s6, $0x4;
	s10 =	smul.u32 $0x280, s2  }
0x9: {  	_ =	strace $0x80000047;
	s9 =	ssub.s32 $0x2, s6;
	s13 =	smul.u32 $0x2800, s6  }
0xa: {  	s6 =	sadd.s32 $0x600, s7;
	s31 =	sshll.u32 s2, $0x6;
	s5 =	sor.u32 s2, s4  }
0xb: {  	s4 =	sadd.s32 $0xE00, s7;
	s30 =	sshrl.u32 s9, $0x1;
	s8 =	smul.u32 $0x4E2, s5  }
0xc: {  	s5 =	sadd.s32 $0x800, s7;
	s15 =	sadd.s32 s10, s1;
	s10 =	sadd.s32 s10, s13  }
0xd: {  	s14 =	ssub.s32 s9, s30;
	s13 =	sshrl.u32 s10, $0x3;
	s12 =	sadd.s32 s8, s7  }
0xe: {  	s7 =	sadd.s32 $0x15000, s7;
	s8 =	sor.u32 $0x1C01, s31;
	s11 =	sadd.s32 s11, s13  }
0xf: {  	s13 =	sshrl.u32 s15, $0x3;
	s15 =	simm.s32 $0x2710;
	s9 =	sadd.s32 $0xB200, s12  }
0x10: {  	s10 =	sadd.s32 $0x1400, s12;
	s12 =	smax.u32 s14, $0x1;
	s14 =	simm.s32 $0x1  }
.LBB2_1:
0x11: {  	[spmem:s13], [sflag:s8] =	dma.local [hbm:s7], $0x50  }
0x12: {  	_ =	swait.ge [sflag:s14], $0x50  }
0x13: {  	[sflag:s14] =	ssyncset.done $0x0  }
0x14: {  	[sflag:s14] =	ssyncadd.s32 $0xFFFFFFB0  }
0x15: {  	[tilespmem:s3], [sflag:$0x1] =	stream.linear.gather [hbm4b:s4+s3], $0x2710, $0x38;
	[tilespmem:$0x9F20] =	vst v63  }
0x16: {  	_ =	swait.ge [sflag:s14], $0x2710  }
0x17: {  	[sflag:s14] =	ssyncset.done $0x0  }
0x18: {  	[sflag:s14] =	ssyncadd.s32 $0xFFFFD8F0  }
0x19: {  	[tilespmem:s15], [sflag:$0x1] =	stream.linear.gather [hbm4b:s5+s3], $0x2710, $0x38;
	[tilespmem:$0x9F20] =	vst v63  }
0x1a: {  	_ =	swait.ge [sflag:s14], $0x2710  }
0x1b: {  	[sflag:s14] =	ssyncset.done $0x0  }
0x1c: {  	[sflag:s14] =	ssyncadd.s32 $0xFFFFD8F0  }
0x1d: {  	[tilespmem:s16], [sflag:$0x1] =	stream.linear.gather [hbm4b:s9+s3], $0x2710, $0x38;
	[tilespmem:$0x9F20] =	vst v63  }
0x1e: {  	_ =	swait.ge [sflag:s14], $0x2710  }
0x1f: {  	[sflag:s14] =	ssyncset.done $0x0  }
0x20: {  	[sflag:s14] =	ssyncadd.s32 $0xFFFFD8F0  }
0x21: {  	[tilespmem:s17], [sflag:$0x1] =	stream.linear.gather [hbm4b:s10+s3], $0x2710, $0x38;
	[tilespmem:$0x9F20] =	vst v63  }
0x22: {  	_ =	swait.ge [sflag:s14], $0x2710  }
0x23: {  	[sflag:s14] =	ssyncset.done $0x0  }
0x24: {  	[sflag:s14] =	ssyncadd.s32 $0xFFFFD8F0  }
0x25: {  	[tilespmem:s18], [sflag:$0x1] =	stream.linear.gather [hbm4b:s6+s3], $0x10, $0x38;
	[tilespmem:$0x9F20] =	vst v63  }
0x26: {  	_ =	swait.ge [sflag:s14], $0x10  }
0x27: {  	[sflag:s14] =	ssyncset.done $0x0  }
0x28: {  	[sflag:s14] =	ssyncadd.s32 $0xFFFFFFF0  }
0x29: {  	[bflag:$0x0] =	sbarrier.arrive $0xFFFF  }
0x2a: {  	s22 =	simm.s32 $0x0;
	v0 =	vld [tilespmem:$0x9C90]  }
.LBB2_2:
0x2b: {  	s23 =	sshra.s32 s22, $0x2  }
0x2c: {  	v1 =	vld [tilespmem:s23+$0x4E20]  }
0x2d: {  	v2 =	vld [tilespmem:s23+$0x7530];
	_ =	sdelay $0x6  }
0x2e: {  	v1 =	vld.idx.msk [tilespmem:v1+s3+$0x0], $0xffff  }
0x2f: {  	v2 =	vld.idx.msk [tilespmem:v2+s15+$0x0], $0xffff;
	_ =	sdelay $0x4  }
0x30: {  	v1 =	vadd.f32 v2, v1;
	_ =	sdelay $0x1  }
0x31: {  	v2 =	vmul.f32 $2.000000030e-01, v1  }
0x32: {  	vm0 =	vgt.f32 v1, $0.0e+00  }
0x33: {  	v1 =	vsel vm0, v1, v2  }
0x34: {  	v1 =	vsub.f32 v1, v0;
	_ =	sdelay $0x1  }
0x35: {  	v1 =	vmul.f32 $1.442695020e+00, v1;
	_ =	sdelay $0x1  }
0x36: {  	(erf) = vpow2.f32 v1;
	_ =	sdelay $0x8  }
0x37: {  	v1 =	vpop (erf)  }
0x38: {  	[tilespmem:$0x9C40] =	vst v1  }
0x39: {  	v1 =	vld [tilespmem:s23+$0x4E30]  }
0x3a: {  	v2 =	vld [tilespmem:s23+$0x7540];
	_ =	sdelay $0x6  }
0x3b: {  	v1 =	vld.idx.msk [tilespmem:v1+s3+$0x0], $0xffff  }
0x3c: {  	v2 =	vld.idx.msk [tilespmem:v2+s15+$0x0], $0xffff;
	_ =	sdelay $0x4  }
0x3d: {  	v1 =	vadd.f32 v2, v1;
	_ =	sdelay $0x1  }
0x3e: {  	v2 =	vmul.f32 $2.000000030e-01, v1  }
0x3f: {  	vm12 =	vgt.f32 v1, $0.0e+00  }
0x40: {  	v1 =	vsel vm12, v1, v2  }
0x41: {  	v1 =	vsub.f32 v1, v0;
	_ =	sdelay $0x1  }
0x42: {  	v1 =	vmul.f32 $1.442695020e+00, v1;
	_ =	sdelay $0x1  }
0x43: {  	(erf) = vpow2.f32 v1;
	_ =	sdelay $0x8  }
0x44: {  	v1 =	vpop (erf)  }
0x45: {  	[tilespmem:$0x9C50] =	vst v1  }
0x46: {  	v1 =	vld [tilespmem:s23+$0x4E40]  }
0x47: {  	v2 =	vld [tilespmem:s23+$0x7550];
	_ =	sdelay $0x6  }
0x48: {  	v1 =	vld.idx.msk [tilespmem:v1+s3+$0x0], $0xffff  }
0x49: {  	v2 =	vld.idx.msk [tilespmem:v2+s15+$0x0], $0xffff;
	_ =	sdelay $0x4  }
0x4a: {  	v1 =	vadd.f32 v2, v1;
	_ =	sdelay $0x1  }
0x4b: {  	v2 =	vmul.f32 $2.000000030e-01, v1  }
0x4c: {  	vm13 =	vgt.f32 v1, $0.0e+00  }
0x4d: {  	v1 =	vsel vm13, v1, v2  }
0x4e: {  	v1 =	vsub.f32 v1, v0;
	_ =	sdelay $0x1  }
0x4f: {  	v1 =	vmul.f32 $1.442695020e+00, v1;
	_ =	sdelay $0x1  }
0x50: {  	(erf) = vpow2.f32 v1;
	_ =	sdelay $0x8  }
0x51: {  	v1 =	vpop (erf)  }
0x52: {  	[tilespmem:$0x9C60] =	vst v1  }
0x53: {  	v1 =	vld [tilespmem:s23+$0x4E50]  }
0x54: {  	v2 =	vld [tilespmem:s23+$0x7560];
	_ =	sdelay $0x6  }
0x55: {  	v1 =	vld.idx.msk [tilespmem:v1+s3+$0x0], $0xffff  }
0x56: {  	v2 =	vld.idx.msk [tilespmem:v2+s15+$0x0], $0xffff;
	_ =	sdelay $0x4  }
0x57: {  	v1 =	vadd.f32 v2, v1;
	_ =	sdelay $0x1  }
0x58: {  	v2 =	vmul.f32 $2.000000030e-01, v1  }
0x59: {  	vm14 =	vgt.f32 v1, $0.0e+00  }
0x5a: {  	v1 =	vsel vm14, v1, v2  }
0x5b: {  	v1 =	vsub.f32 v1, v0;
	_ =	sdelay $0x1  }
0x5c: {  	v1 =	vmul.f32 $1.442695020e+00, v1;
	_ =	sdelay $0x1  }
0x5d: {  	(erf) = vpow2.f32 v1;
	_ =	sdelay $0x8  }
0x5e: {  	v1 =	vpop (erf)  }
0x5f: {  	[tilespmem:$0x9C70] =	vst v1  }
0x60: {  	v1 =	vld [tilespmem:s23+$0x4E60]  }
0x61: {  	v2 =	vld [tilespmem:s23+$0x7570];
	_ =	sdelay $0x6  }
0x62: {  	v1 =	vld.idx.msk [tilespmem:v1+s3+$0x0], $0xffff  }
0x63: {  	v2 =	vld.idx.msk [tilespmem:v2+s15+$0x0], $0xffff;
	_ =	sdelay $0x4  }
0x64: {  	v1 =	vadd.f32 v2, v1;
	_ =	sdelay $0x1  }
0x65: {  	v2 =	vmul.f32 $2.000000030e-01, v1  }
0x66: {  	vm15 =	vgt.f32 v1, $0.0e+00  }
0x67: {  	v1 =	vsel vm15, v1, v2  }
0x68: {  	v1 =	vsub.f32 v1, v0;
	_ =	sdelay $0x1  }
0x69: {  	v1 =	vmul.f32 $1.442695020e+00, v1;
	_ =	sdelay $0x1  }
0x6a: {  	(erf) = vpow2.f32 v1;
	_ =	sdelay $0x8  }
0x6b: {  	p0 =	sne.s32 s22, $0x9B00;
	v1 =	vpop (erf)  }
.Ltmp0:
0x6c: {  	s23 =	sadd.s32 $0x7530, s23;
	[tilespmem:$0x9C80] =	vst v1;
	(pc) =	sbr.rel @p0 .LBB2_2-.Ltmp0, $4  }
0x6d: {  	[spmem:s1] =	stream.indirect.scatter.add.f32 [tilespmem:s20], [sflag:$0x1], $0x1, s23, s19, $0xb8;
	[tilespmem:$0x9F20] =	vst v63  }
0x6e: {  	_ =	swait.ge [sflag:s14], $0x50  }
0x6f: {  	[sflag:s14] =	ssyncset.done $0x0  }
0x70: {  	s22 =	sadd.s32 $0x140, s22;
	[sflag:s14] =	ssyncadd.s32 $0xFFFFFFB0  }
0x71: {  	s21 =	sadd.s32 $0x1, s21  }
0x72: {  	p0 =	sne.s32 s21, s12  }
.Ltmp1:
0x73: {  	[bflag:$0x0] =	sbarrier.arrive $0xFFFF;
	(pc) =	sbr.rel @p0 .LBB2_1-.Ltmp1, $4  }
0x74: {  	[hbm:s11], [sflag:s8] =	dma.local [spmem:s13], $0x50  }
0x75: {  	_ =	swait.ge [sflag:s14], $0x50  }
0x76: {  	[sflag:s14] =	ssyncset.done $0x0  }
0x77: {  	[sflag:s14] =	ssyncadd.s32 $0xFFFFFFB0  }
0x78: {  	_ =	sfence.sel $0x180000  }
0x79: {  	[bflag:$0x0] =	sbarrier.arrive $0xFFFF  }
0x7a: {  	p0 =	sne.s32 s2, $0x0;
	_ =	strace $0x90000047  }
0x7b: {  	s0 =	sadd.s32 @!p0 $0x100000, s0;
	[bflag:$0x2] =	sbarrier.arrive $0xFFFF  }
0x7c: {  	[sflag:s0] =	ssyncadd.tile.s32 @!p0 $0x1;
	_ =	shalt  }
.Lfunc_end2:
_tile_overlayer_lowered:
.L_overlay_start_2:
0x7d: {  	(tag) =	ssettag $0x2  }
0x7e: {  	s0 =	rddreg [dreg:$0x0];
	s2 =	stileid.u32  }
0x7f: {  	s1 =	rddreg [dreg:$0x1];
	p0 =	sne.s32 s2, $0x0  }
0x80: {  	s3 =	rddreg [dreg:$0x2];
	[bflag:$0x3] =	sbarrier.arrive $0xFFFF;
	s2 =	simm.s32 @!p0 $0x1C01  }
0x81: {  	[timem:s3], [sflag:s2] =	dma.local @!p0 [hbm:s0], s1  }
0x82: {  	s0 =	simm.s32 @!p0 $0x1  }
0x83: {  	_ =	swait.ge @!p0 [sflag:s0], s1  }
0x84: {  	s1 =	ssub.s32 @!p0 $0x0, s1;
	[sflag:s0] =	ssyncset.done @!p0 $0x0  }
0x85: {  	[sflag:s0] =	ssyncadd.s32 @!p0 s1  }
0x86: {  	[bflag:$0x3] =	sbarrier.arrive $0xFFFF  }
0x87: {  	_ =	shalt  }

// kernel: kernel.9.cloned.1.call-start
scs
__scs_entry_jumppad:
0x0: {  	(pc) =	sbr.rel $0x88, $3  }
0x1: {  	(tag) =	ssettag $0x0;
	lr =	simm.s32 $0x1  }
0x2: {  	[smem:$0x3F97] =	sst lr;
	_ =	strace $0xD0000000  }
0x3: {  	_ = 	snop  }
0x4: {  	_ = 	snop  }
0x5: {  	_ = 	snop  }
0x6: {  	_ = 	snop  }
0x7: {  	_ = 	snop  }
__scs_overlays_trampoline_lowered:
0x8: {  	[smem:$0x3FA6] =	sst s0  }
0x9: {  	[smem:$0x3FA7] =	sst s1  }
0xa: {  	[smem:$0x3FA8] =	sst s2  }
0xb: {  	[smem:$0x3FA9] =	sst s3  }
0xc: {  	[smem:$0x3FAA] =	sst s4  }
0xd: {  	[smem:$0x3FAB] =	sst s5  }
0xe: {  	[smem:$0x3FAC] =	sst s6  }
0xf: {  	[smem:$0x3FAD] =	sst s7  }
0x10: {  	[smem:$0x3FAE] =	sst s8  }
0x11: {  	[smem:$0x3FAF] =	sst s9;
	s0 =	simm.s32 @!p0 $0x0  }
0x12: {  	s1 =	sld [smem:$0x3F95];
	s0 =	simm.s32 @p0 $0x1  }
0x13: {  	[smem:$0x3FB0] =	sst s0;
	s0 =	simm.s32 @!p1 $0x0  }
0x14: {  	s2 =	sld [smem:$0x3F94];
	s0 =	simm.s32 @p1 $0x1  }
0x15: {  	[smem:$0x3FB1] =	sst s0;
	s0 =	simm.s32 @!p2 $0x0  }
0x16: {  	s3 =	sld [smem:$0x3FDB];
	s0 =	simm.s32 @p2 $0x1  }
0x17: {  	s4 =	simm.s32 $0x1BF5;
	[smem:$0x3FB3] =	sst s0  }
0x18: {  	s0 =	sld [smem:$0x3F96];
	_ =	swait.ge [sflag:s4], $0x0  }
0x19: {  	s7 =	sld [smem:$0x3F97]  }
0x1a: {  	s8 =	sadd.s32 $0xFFFFE003, lr  }
0x1b: {  	s9 =	sadd.s32 $0xFFFFFEF7, lr;
	s5 =	simm.s32 $0xFFFFFFFF;
	p2 =	slt.u32 s8, $0xFFFFF086  }
0x1c: {  	p1 =	slt.u32 s9, $0xF7A;
	s5 =	simm.s32 @!p2 $0x0  }
0x1d: {  	s5 =	simm.s32 @p1 $0x1;
	p0 =	seq.s32 s7, s2  }
0x1e: {  	s7 =	smul.u32 @!p0 $0xF7A, s2;
	p2 =	seq.s32 @!p0 s5, $0x0  }
0x1f: {  	s9 =	smul.u32 $0xF7A, s1;
	s8 =	simm.s32 @!p0 $0x1BF5;
	p2 =	por !p2, p0  }
0x20: {  	[sflag:s8] =	ssyncset.s32 @!p0 $0xFFFFF086;
	s6 =	sadd.s32 @!p0 s3, s7;
	s7 =	simm.s32 @!p0 $0x108  }
0x21: {  	s3 =	sadd.s32 s3, s9;
	s6 =	sadd.s32 @!p0 $0x88, s6;
	s7 =	simm.s32 @p2 $0x1082  }
0x22: {  	[simem:s7], [sflag:s8] =	dma.local @!p0 [hbm:s6], $0xF7A  }
0x23: {  	s9 =	sor.u32 $0xD0000000, s2;
	s6 =	simm.s32 $0x108;
	_ =	swait.ge @!p0 [sflag:s8], $0x0  }
0x24: {  	s3 =	sadd.s32 $0x88, s3;
	s6 =	simm.s32 @!p1 $0x1082;
	[sflag:s4] =	ssyncset.s32 $0xFFFFF086  }
0x25: {  	[simem:s6], [sflag:s4] =	dma.local [hbm:s3], $0xF7A  }
0x26: {  	[smem:$0x3F97] =	sst s1;
	(tag) =	ssettag s2;
	_ =	strace s9  }
0x27: {  	s1 =	sld [smem:$0x3FA7]  }
0x28: {  	s2 =	sld [smem:$0x3FA8]  }
0x29: {  	s4 =	sld [smem:$0x3FAA]  }
0x2a: {  	p0 =	seq.s32 s5, $0x0;
	s5 =	sld [smem:$0x3FAB]  }
0x2b: {  	s6 =	sld [smem:$0x3FAC]  }
0x2c: {  	s7 =	sld [smem:$0x3FAD]  }
0x2d: {  	s3 =	simm.s32 $0x108;
	s8 =	sld [smem:$0x3FAE]  }
0x2e: {  	s3 =	simm.s32 @!p0 $0x1082;
	s9 =	sld [smem:$0x3FAF]  }
0x2f: {  	lr =	sadd.s32 s0, s3;
	s0 =	sld [smem:$0x3FA6]  }
0x30: {  	s3 =	sld [smem:$0x3FA9]  }
0x31: {  	[smem:$0x3FB2] =	sst s10  }
0x32: {  	s10 =	sld [smem:$0x3FB0];
	_ =	sdelay $0x3  }
0x33: {  	p0 =	seq.s32 s10, $0x1;
	s10 =	sld [smem:$0x3FB2];
	_ =	sdelay $0x3  }
0x34: {  	[smem:$0x3FB2] =	sst s10  }
0x35: {  	s10 =	sld [smem:$0x3FB1];
	_ =	sdelay $0x3  }
0x36: {  	p1 =	seq.s32 s10, $0x1;
	s10 =	sld [smem:$0x3FB2];
	_ =	sdelay $0x3  }
0x37: {  	[smem:$0x3FB2] =	sst s10  }
0x38: {  	s10 =	sld [smem:$0x3FB3]  }
0x39: {  	_ = 	snop;
	(pc) =	sbr.ind lr, $3  }
0x3a: {  	_ = 	snop  }
0x3b: {  	_ = 	snop  }
0x3c: {  	p2 =	seq.s32 s10, $0x1;
	s10 =	sld [smem:$0x3FB2]  }
0x3d: {  	_ =	shalt  }
0x3e: {  	_ =	shalt  }
0x3f: {  	_ =	shalt  }
0x40: {  	_ =	shalt  }
0x41: {  	_ =	shalt  }
0x42: {  	_ =	shalt  }
0x43: {  	_ =	shalt  }
0x44: {  	_ =	shalt  }
0x45: {  	_ =	shalt  }
0x46: {  	_ =	shalt  }
0x47: {  	_ =	shalt  }
0x48: {  	_ =	shalt  }
0x49: {  	_ =	shalt  }
0x4a: {  	_ =	shalt  }
0x4b: {  	_ =	shalt  }
0x4c: {  	_ =	shalt  }
0x4d: {  	_ =	shalt  }
0x4e: {  	_ =	shalt  }
0x4f: {  	_ =	shalt  }
0x50: {  	_ =	shalt  }
0x51: {  	_ =	shalt  }
0x52: {  	_ =	shalt  }
0x53: {  	_ =	shalt  }
0x54: {  	_ =	shalt  }
0x55: {  	_ =	shalt  }
0x56: {  	_ =	shalt  }
0x57: {  	_ =	shalt  }
0x58: {  	_ =	shalt  }
0x59: {  	_ =	shalt  }
0x5a: {  	_ =	shalt  }
0x5b: {  	_ =	shalt  }
0x5c: {  	_ =	shalt  }
0x5d: {  	_ =	shalt  }
0x5e: {  	_ =	shalt  }
0x5f: {  	_ =	shalt  }
0x60: {  	_ =	shalt  }
0x61: {  	_ =	shalt  }
0x62: {  	_ =	shalt  }
0x63: {  	_ =	shalt  }
0x64: {  	_ =	shalt  }
0x65: {  	_ =	shalt  }
0x66: {  	_ =	shalt  }
0x67: {  	_ =	shalt  }
0x68: {  	_ =	shalt  }
0x69: {  	_ =	shalt  }
0x6a: {  	_ =	shalt  }
0x6b: {  	_ =	shalt  }
0x6c: {  	_ =	shalt  }
0x6d: {  	_ =	shalt  }
0x6e: {  	_ =	shalt  }
0x6f: {  	_ =	shalt  }
0x70: {  	_ =	shalt  }
0x71: {  	_ =	shalt  }
0x72: {  	_ =	shalt  }
0x73: {  	_ =	shalt  }
0x74: {  	_ =	shalt  }
0x75: {  	_ =	shalt  }
0x76: {  	_ =	shalt  }
0x77: {  	_ =	shalt  }
0x78: {  	_ =	shalt  }
0x79: {  	_ =	shalt  }
0x7a: {  	_ =	shalt  }
0x7b: {  	_ =	shalt  }
0x7c: {  	_ =	shalt  }
0x7d: {  	_ =	shalt  }
0x7e: {  	_ =	shalt  }
0x7f: {  	_ =	shalt  }
0x80: {  	_ =	shalt  }
0x81: {  	_ =	shalt  }
0x82: {  	_ =	shalt  }
0x83: {  	_ =	shalt  }
0x84: {  	_ =	shalt  }
0x85: {  	_ =	shalt  }
0x86: {  	_ =	shalt  }
0x87: {  	_ =	shalt  }
.Lfunc_end0:
.L_simem_size_0:
called_computation.1_lowered:
.L_overlay_start_0:
0x88: {  	s2 =	sld [smem:$0x3FD9]  }
0x89: {  	s3 =	sld [smem:$0x3FFE];
	_ =	sdelay $0x1  }
0x8a: {  	s1 =	srdreg.scid  }
0x8b: {  	s0 =	sand.u32 $0x1, s1  }
0x8c: {  	s17 =	sshll.u32 s0, $0xA;
	s2 =	sadd.s32 s3, s2  }
0x8d: {  	s2 =	sadd.s32 s2, s17  }
0x8e: {  	[smem:$0x3FBE] =	sst s2  }
0x8f: {  	_ = 	snop  }
0x90: {  	s2 =	sld [smem:$0x3FD0];
	(tm) =	ssettm $0x1  }
0x91: {  	s18 =	sld [smem:$0x3FFB];
	_ =	sdelay $0x3  }
0x92: {  	_ =	strace s18  }
0x93: {  	s3 =	sld [smem:$0x3FFC];
	_ =	sdelay $0x3  }
0x94: {  	_ =	strace s3  }
0x95: {  	s3 =	sld [smem:$0x3FFD];
	_ =	sdelay $0x3  }
0x96: {  	_ =	strace s3  }
0x97: {  	_ =	strace $0x8FFFFFFF  }
0x98: {  	s19 =	sld [smem:$0x3FDB];
	_ =	sdelay $0x1  }
0x99: {  	s4 =	simm.s32 $_scs_section_size  }
0x9a: {  	s5 =	simm.s32 $_size__tile_overlayer_lowered;
	s6 =	simm.s32 $_tile_overlayer_lowered  }
0x9b: {  	s22 =	simm.s32 $0x1BFF;
	s21 =	sshll.u32 s6, $0x1;
	s3 =	sadd.s32 s4, s19  }
0x9c: {  	s7 =	simm.s32 $0x0;
	s20 =	sshll.u32 s5, $0x1;
	s5 =	sadd.s32 s21, s3  }
0x9d: {  	[timem:s7], [sflag:s22] =	dma.local [hbm:s5], s20  }
0x9e: {  	_ =	swait.ge [sflag:s22], s20  }
0x9f: {  	s4 =	ssub.s32 $0x0, s20;
	[sflag:s22] =	ssyncset.done $0x0  }
0xa0: {  	[sflag:s22] =	ssyncadd.s32 s4;
	_ =	sdelay $0x1  }
0xa1: {  	s23 =	simm.s32 $0x1B8B  }
0xa2: {  	_ =	swait.ge [sflag:s23], $0x1  }
0xa3: {  	[sflag:s23] =	ssyncset.done $0x0  }
0xa4: {  	s25 =	simm.s32 $0x1B8E;
	s24 =	sld [smem:$0x3FFE];
	[sflag:s23] =	ssyncadd.s32 $0xFFFFFFFF  }
0xa5: {  	s26 =	simm.s32 $execute0_lowered;
	[smem:$0x3FD2] =	sst s25  }
0xa6: {  	s5 =	sshll.u32 s26, $0x1;
	_ =	strace $0x80000049;
	[dreg:$0x1] =	wrdreg $0xFFFFFFFF  }
0xa7: {  	s28 =	simm.s32 $_size_execute0_lowered;
	s3 =	sadd.s32 s3, s5;
	[dreg:$0x0] =	wrdreg $0x0  }
0xa8: {  	s5 =	sshll.u32 s28, $0x1;
	[dreg:$0x2] =	wrdreg s3  }
0xa9: {  	[dreg:$0x3] =	wrdreg s5  }
0xaa: {  	[dreg:$0x4] =	wrdreg $0xC0  }
0xab: {  	_ =	task [dreg:s7], $0x5FFFF  }
0xac: {  	[dreg:$0x1] =	wrdreg $0xFFFFFFFF  }
0xad: {  	[dreg:$0x0] =	wrdreg $0x60  }
0xae: {  	[dreg:$0x2] =	wrdreg s24  }
0xaf: {  	[dreg:$0x3] =	wrdreg s2  }
0xb0: {  	[dreg:$0x4] =	wrdreg $0x1D8900  }
0xb1: {  	[dreg:$0x5] =	wrdreg $0x9  }
0xb2: {  	_ =	task.clear_ibuf [dreg:s7], $0x6FFFF;
	_ =	strace $0x90000049  }
0xb3: {  	s29 =	simm.s32 $0x9;
	_ =	strace $0x8000004B  }
0xb4: {  	_ =	swait.ge [sflag:s29], $0x1  }
0xb5: {  	[sflag:s29] =	ssyncadd.s32 $0xFFFFFFFF  }
0xb6: {  	_ =	strace $0x9000004B  }
0xb7: {  	_ =	sfence  }
0xb8: {  	s30 =	sld [smem:$0x0];
	_ =	sdelay $0x2  }
0xb9: {  	s31 =	sshll.u32 s1, $0xD;
	s1 =	sshrl.u32 s1, $0x2  }
0xba: {  	s3 =	sand.u32 $0x4000, s31;
	s1 =	sadd.s32 s1, s30  }
0xbb: {  	s0 =	sor.u32 s3, s0;
	s1 =	sshll.u32 s1, $0x11  }
0xbc: {  	s0 =	sor.u32 s1, s0  }
0xbd: {  	s0 =	sadd.s32 $0x8F2B, s0  }
0xbe: {  	[sflag:s0] =	ssyncadd.remote.s32 $0x1  }
0xbf: {  	_ =	sfence.sel $0xFFFF  }
0xc0: {  	[dreg:$0x0] =	wrdreg $0xFFFFFFFF;
	(pc) =	sbr.abs _section_cstart, $3  }
0xc1: {  	[dreg:$0x1] =	wrdreg $0xFFFFFFFF  }
0xc2: {  	_ =	task.clear_ibuf [dreg:s7], $0x2FFFF;
	_ =	strace $0x9FFFFFFF  }
0xc3: {  	(tm) =	ssettm $0x7FFFFFFF  }
tec
execute0_lowered:
.L_overlay_start_1:
0x0: {  	(tag) =	ssettag $0x1  }
0x1: {  	s0 =	rddreg [dreg:$0x0]  }
0x2: {  	s3 =	rddreg [dreg:$0x2];
	s1 =	simm.s32 $0x0;
	s10 =	stileid.u32  }
0x3: {  	s14 =	srdreg.scid;
	[smem:$0x7FF] =	sst s1  }
0x4: {  	s12 =	smul.u32 $0x9C4, s10;
	s2 =	sadd.s32 $0xE00, s0;
	s13 =	sadd.s32 $0x800, s0  }
0x5: {  	s4 =	sadd.s32 $0x600, s0;
	_ =	strace $0x8000004A;
	[dreg:$0x4] =	wrdreg s2  }
0x6: {  	s8 =	sadd.s32 $0x15000, s0;
	s5 =	smul.u32 $0x9C00, s10;
	[dreg:$0x5] =	wrdreg s13  }
0x7: {  	s9 =	sadd.s32 $0x14DA00, s0;
	s20 =	sadd.s32 $0x24900, s3;
	[dreg:$0x6] =	wrdreg s4  }
0x8: {  	s16 =	smul.u32 $0x2700, s10;
	s2 =	sand.u32 $0x1, s14;
	[dreg:$0xa] =	wrdreg s20  }
0x9: {  	s1 =	sadd.s32 s12, s0;
	s15 =	ssub.s32 $0x2, s2;
	s7 =	smul.u32 $0x9C400, s2  }
0xa: {  	s0 =	sadd.s32 $0x15600, s0;
	s17 =	sshrl.u32 s5, $0x2;
	s21 =	sadd.s32 s16, s3  }
0xb: {  	s6 =	sshrl.u32 s15, $0x1;
	s11 =	sadd.s32 $0xB200, s1;
	[dreg:$0xc] =	wrdreg s21  }
0xc: {  	s1 =	sadd.s32 $0x1400, s1;
	s4 =	ssub.s32 s15, s6;
	[dreg:$0x7] =	wrdreg s11  }
0xd: {  	[dreg:$0x8] =	wrdreg s1;
	s1 =	sadd.s32 s17, s3;
	s19 =	sshrl.u32 s7, $0x3  }
0xe: {  	[dreg:$0x9] =	wrdreg s1;
	s5 =	sadd.s32 s0, s19;
	s31 =	smax.u32 s4, $0x1  }
0xf: {  	s29 =	simm.s32 $0x16260;
	s22 =	sadd.s32 $0x4920, s5;
	[dreg:$0x14] =	wrdreg s31  }
0x10: {  	s18 =	sadd.s32 s16, s7;
	s24 =	sadd.s32 $0x9740, s5;
	[dreg:$0xd] =	wrdreg s22  }
0x11: {  	s1 =	sshrl.u32 s18, $0x3;
	s26 =	sadd.s32 $0xE560, s5;
	[dreg:$0xf] =	wrdreg s24  }
0x12: {  	s30 =	simm.s32 $0x2;
	s0 =	sadd.s32 s0, s1;
	[dreg:$0x11] =	wrdreg s26  }
0x13: {  	p0 =	seq.s32 s10, $0xF;
	s28 =	sadd.s32 $0x13380, s5;
	[dreg:$0xb] =	wrdreg s0  }
0x14: {  	v0 =	vmov s2;
	s2 =	simm.s32 $0x0;
	s23 =	sadd.s32 $0x4E20, s0;
	[dreg:$0x13] =	wrdreg s28  }
0x15: {  	v0 =	vmul.u32 $0x9C40, v0;
	s11 =	simm.s32 $0x2710;
	s25 =	sadd.s32 $0x9C40, s0;
	[dreg:$0xe] =	wrdreg s23  }
0x16: {  	v1 =	vimm.s32 $0x0;
	vm0 =	vcmask $0x300;
	s0 =	sadd.s32 $0xEA60, s0;
	s24 =	simm.s32 $0x3;
	[dreg:$0x10] =	wrdreg s25  }
0x17: {  	v1 =	vsel vm0, $0x3, v1;
	v0 =	vbroadcast v0, $0x0;
	s26 =	simm.s32 $0x1;
	[dreg:$0x12] =	wrdreg s0;
	s0 =	simm.s32 $0xA0  }
.LBB2_1:
0x18: {  	s4 =	simm.s32 $0x0;
	s1 =	rddreg [dreg:$0x4]  }
0x19: {  	[tilespmem:s4], [sflag:$0x3] =	stream.linear.gather [hbm4b:s1+s4], $0x2710, $0x38;
	[tilespmem:$0x1FFA0] =	vst v63  }
0x1a: {  	_ =	swait.ge [sflag:s24], $0x2710  }
0x1b: {  	[sflag:s24] =	ssyncset.done $0x0  }
0x1c: {  	s19 =	rddreg [dreg:$0x5];
	[sflag:s24] =	ssyncadd.s32 $0xFFFFD8F0  }
0x1d: {  	[tilespmem:s11], [sflag:$0x3] =	stream.linear.gather [hbm4b:s19+s4], $0x2710, $0x38;
	[tilespmem:$0x1FFA0] =	vst v63  }
0x1e: {  	_ =	swait.ge [sflag:s24], $0x2710  }
0x1f: {  	[sflag:s24] =	ssyncset.done $0x0  }
0x20: {  	[sflag:s24] =	ssyncadd.s32 $0xFFFFD8F0  }
0x21: {  	s5 =	simm.s32 $0x4E20;
	s20 =	rddreg [dreg:$0x1]  }
0x22: {  	[tilespmem:s5], [sflag:$0x3] =	stream.linear.gather [hbm4b:s20+s4], $0x5000, $0x38;
	[tilespmem:$0x1FFA0] =	vst v63  }
0x23: {  	_ =	swait.ge [sflag:s24], $0x5000  }
0x24: {  	[sflag:s24] =	ssyncset.done $0x0  }
0x25: {  	s22 =	simm.s32 $0xC620;
	s21 =	rddreg [dreg:$0x7];
	[sflag:s24] =	ssyncadd.s32 $0xFFFFB000  }
0x26: {  	[tilespmem:s22], [sflag:$0x3] =	stream.linear.gather [hbm4b:s21+s4], $0x4E20, $0x38;
	[tilespmem:$0x1FFA0] =	vst v63  }
0x27: {  	_ =	swait.ge [sflag:s24], $0x4E20  }
0x28: {  	[sflag:s24] =	ssyncset.done $0x0  }
0x29: {  	s25 =	simm.s32 $0x11440;
	s23 =	rddreg [dreg:$0x8];
	[sflag:s24] =	ssyncadd.s32 $0xFFFFB1E0  }
0x2a: {  	[tilespmem:s25], [sflag:$0x3] =	stream.linear.gather [hbm4b:s23+s4], $0x4E20, $0x38;
	[tilespmem:$0x1FFA0] =	vst v63  }
0x2b: {  	_ =	swait.ge [sflag:s24], $0x4E20  }
0x2c: {  	[sflag:s24] =	ssyncset.done $0x0  }
0x2d: {  	s31 =	simm.s32 $0x1D880;
	s28 =	rddreg [dreg:$0x6];
	[sflag:s24] =	ssyncadd.s32 $0xFFFFB1E0  }
0x2e: {  	[tilespmem:s31], [sflag:$0x3] =	stream.linear.gather [hbm4b:s28+s4], $0x10, $0x38;
	[tilespmem:$0x1FFA0] =	vst v63  }
0x2f: {  	_ =	swait.ge [sflag:s24], $0x10  }
0x30: {  	[sflag:s24] =	ssyncset.done $0x0  }
0x31: {  	s1 =	simm.s32 $0x0;
	[sflag:s24] =	ssyncadd.s32 $0xFFFFFFF0  }
0x32: {  	v2 =	vld [tilespmem:s1+$0x4E20]  }
0x33: {  	s4 =	simm.s32 $0x40;
	v3 =	vld [tilespmem:s1+$0x7620]  }
.LBB2_2:
0x34: {  	_ = 	snop  }
0x35: {  	p1 =	sne.s32 s4, $0x9FC0  }
.Ltmp0:
0x36: {  	_ = 	snop;
	(pc) =	sbr.rel @p1 .LBB2_2-.Ltmp0, $4  }
0x37: {  	_ = 	snop  }
0x38: {  	s5 =	sshra.s32 s4, $0x2;
	v4 =	vadd.f32 v3, v2  }
0x39: {  	v2 =	vld [tilespmem:s5+$0x4E20]  }
0x3a: {  	s4 =	sadd.s32 $0x40, s4;
	v3 =	vld [tilespmem:s5+$0x7620];
	[tilespmem:s1+$0x9E20] =	vst v4;
	s1 =	smov.u32 s5  }
0x3b: {  	_ =	sdelay $0x3  }
0x3c: {  	v2 =	vadd.f32 v3, v2;
	_ =	sdelay $0x1  }
0x3d: {  	[tilespmem:s1+$0x9E20] =	vst v2;
	s1 =	rddreg [dreg:$0xa]  }
0x3e: {  	s5 =	sshrl.u32 @p0 s1, $0x3;
	s1 =	simm.s32 @p0 $0x1FC3  }
0x3f: {  	v2 =	vld [tilespmem:$0x1D880];
	[spmem:s5], [sflag:s1] =	dma.local @p0 [hbm:s8], $0x500  }
0x40: {  	s1 =	simm.s32 @p0 $0x3  }
0x41: {  	_ =	swait.ge @p0 [sflag:s1], $0x500  }
0x42: {  	s4 =	stileid.u32;
	[sflag:s1] =	ssyncset.done @p0 $0x0  }
0x43: {  	s4 =	sshll.u32 @!p0 s4, $0x6;
	[sflag:s1] =	ssyncadd.s32 @p0 $0xFFFFFB00;
	s1 =	rddreg [dreg:$0x9]  }
0x44: {  	s6 =	sor.u32 @!p0 $0x1C03, s4;
	s7 =	sshrl.u32 @!p0 s1, $0x3;
	s1 =	simm.s32 @!p0 $0x3  }
0x45: {  	[spmem:s7], [sflag:s6] =	dma.local @!p0 [hbm:s8], $0x4E0  }
0x46: {  	_ =	swait.ge @!p0 [sflag:s1], $0x4E0  }
0x47: {  	[sflag:s1] =	ssyncset.done @!p0 $0x0  }
0x48: {  	[sflag:s1] =	ssyncadd.s32 @!p0 $0xFFFFFB20  }
0x49: {  	[bflag:$0x0] =	sbarrier.arrive $0xFFFF  }
0x4a: {  	v3 =	vld [tilespmem:$0xC620]  }
0x4b: {  	v4 =	vld [tilespmem:$0x11440];
	_ =	sdelay $0x5  }
0x4c: {  	s12 =	simm.s32 $0x0  }
0x4d: {  	v5 =	vld.idx.msk [tilespmem:v3+s12+$0x0], $0xffff  }
0x4e: {  	v6 =	vld.idx.msk [tilespmem:v4+s11+$0x0], $0xffff;
	_ =	sdelay $0x4  }
0x4f: {  	v5 =	vadd.f32 v6, v5;
	_ =	sdelay $0x1  }
0x50: {  	v6 =	vmul.f32 $2.000000030e-01, v5  }
0x51: {  	vm0 =	vgt.f32 v5, $0.0e+00  }
0x52: {  	s25 =	simm.s32 $0x9E20;
	v5 =	vsel vm0, v5, v6  }
0x53: {  	v4 =	vld.idx.msk [tilespmem:v4+s25+$0x0], $0xffff;
	v5 =	vsub.f32 v5, v2;
	_ =	sdelay $0x1  }
0x54: {  	v5 =	vmul.f32 $1.442695020e+00, v5;
	_ =	sdelay $0x1  }
0x55: {  	(erf) = vpow2.f32 v5  }
0x56: {  	(erf) = vrcp.f32 v4;
	_ =	sdelay $0x4  }
0x57: {  	v33 =	vld [tilespmem:$0xC630]  }
0x58: {  	v34 =	vld [tilespmem:$0x11450];
	_ =	sdelay $0x1  }
0x59: {  	v35 =	vpop (erf)  }
0x5a: {  	v7 =	vpop (erf)  }
0x5b: {  	v3 =	vadd.s32 v0, v3;
	v6 =	vmul.f32 v35, v7  }
0x5c: {  	[tilespmem:$0xC620] =	vst v3  }
0x5d: {  	[tilespmem:$0x16260] =	vst v6  }
0x5e: {  	v3 =	vld.idx.msk [tilespmem:v33+s12+$0x0], $0xffff  }
0x5f: {  	v6 =	vld.idx.msk [tilespmem:v34+s11+$0x0], $0xffff;
	_ =	sdelay $0x4  }
0x60: {  	v3 =	vadd.f32 v6, v3;
	_ =	sdelay $0x1  }
0x61: {  	v6 =	vmul.f32 $2.000000030e-01, v3  }
0x62: {  	vm7 =	vgt.f32 v3, $0.0e+00  }
0x63: {  	v3 =	vsel vm7, v3, v6  }
0x64: {  	v5 =	vld.idx.msk [tilespmem:v34+s25+$0x0], $0xffff;
	v3 =	vsub.f32 v3, v2;
	_ =	sdelay $0x1  }
0x65: {  	v3 =	vmul.f32 $1.442695020e+00, v3;
	_ =	sdelay $0x1  }
0x66: {  	(erf) = vpow2.f32 v3  }
0x67: {  	(erf) = vrcp.f32 v5;
	_ =	sdelay $0x4  }
0x68: {  	v3 =	vld [tilespmem:$0xC640]  }
0x69: {  	v36 =	vld [tilespmem:$0x11460];
	_ =	sdelay $0x1  }
0x6a: {  	v37 =	vpop (erf)  }
0x6b: {  	v38 =	vpop (erf)  }
0x6c: {  	v4 =	vadd.s32 v0, v33;
	v6 =	vmul.f32 v37, v38  }
0x6d: {  	[tilespmem:$0xC630] =	vst v4  }
0x6e: {  	[tilespmem:$0x16270] =	vst v6  }
0x6f: {  	v4 =	vld.idx.msk [tilespmem:v3+s12+$0x0], $0xffff  }
0x70: {  	v6 =	vld.idx.msk [tilespmem:v36+s11+$0x0], $0xffff;
	_ =	sdelay $0x4  }
0x71: {  	v4 =	vadd.f32 v6, v4;
	_ =	sdelay $0x1  }
0x72: {  	v6 =	vmul.f32 $2.000000030e-01, v4  }
0x73: {  	vm8 =	vgt.f32 v4, $0.0e+00  }
0x74: {  	v4 =	vsel vm8, v4, v6  }
0x75: {  	v5 =	vld.idx.msk [tilespmem:v36+s25+$0x0], $0xffff;
	v4 =	vsub.f32 v4, v2;
	_ =	sdelay $0x1  }
0x76: {  	v4 =	vmul.f32 $1.442695020e+00, v4;
	_ =	sdelay $0x1  }
0x77: {  	(erf) = vpow2.f32 v4  }
0x78: {  	(erf) = vrcp.f32 v5;
	_ =	sdelay $0x4  }
0x79: {  	v39 =	vld [tilespmem:$0xC650]  }
0x7a: {  	v40 =	vld [tilespmem:$0x11470];
	_ =	sdelay $0x1  }
0x7b: {  	v41 =	vpop (erf)  }
0x7c: {  	v42 =	vpop (erf)  }
0x7d: {  	v3 =	vadd.s32 v0, v3;
	v6 =	vmul.f32 v41, v42  }
0x7e: {  	[tilespmem:$0xC640] =	vst v3  }
0x7f: {  	[tilespmem:$0x16280] =	vst v6  }
0x80: {  	v3 =	vld.idx.msk [tilespmem:v39+s12+$0x0], $0xffff  }
0x81: {  	v6 =	vld.idx.msk [tilespmem:v40+s11+$0x0], $0xffff;
	_ =	sdelay $0x4  }
0x82: {  	v3 =	vadd.f32 v6, v3;
	_ =	sdelay $0x1  }
0x83: {  	v6 =	vmul.f32 $2.000000030e-01, v3  }
0x84: {  	vm9 =	vgt.f32 v3, $0.0e+00  }
0x85: {  	v3 =	vsel vm9, v3, v6  }
0x86: {  	v5 =	vld.idx.msk [tilespmem:v40+s25+$0x0], $0xffff;
	v3 =	vsub.f32 v3, v2;
	_ =	sdelay $0x1  }
0x87: {  	v3 =	vmul.f32 $1.442695020e+00, v3;
	_ =	sdelay $0x1  }
0x88: {  	(erf) = vpow2.f32 v3  }
0x89: {  	(erf) = vrcp.f32 v5;
	_ =	sdelay $0x4  }
0x8a: {  	v3 =	vld [tilespmem:$0xC660]  }
0x8b: {  	v43 =	vld [tilespmem:$0x11480];
	_ =	sdelay $0x1  }
0x8c: {  	v44 =	vpop (erf)  }
0x8d: {  	v45 =	vpop (erf)  }
0x8e: {  	v4 =	vadd.s32 v0, v39;
	v6 =	vmul.f32 v44, v45  }
0x8f: {  	[tilespmem:$0xC650] =	vst v4  }
0x90: {  	[tilespmem:$0x16290] =	vst v6  }
0x91: {  	v4 =	vld.idx.msk [tilespmem:v3+s12+$0x0], $0xffff  }
0x92: {  	v6 =	vld.idx.msk [tilespmem:v43+s11+$0x0], $0xffff;
	_ =	sdelay $0x4  }
0x93: {  	v4 =	vadd.f32 v6, v4;
	_ =	sdelay $0x1  }
0x94: {  	v6 =	vmul.f32 $2.000000030e-01, v4  }
0x95: {  	vm10 =	vgt.f32 v4, $0.0e+00  }
0x96: {  	v4 =	vsel vm10, v4, v6  }
0x97: {  	v5 =	vld.idx.msk [tilespmem:v43+s25+$0x0], $0xffff;
	v4 =	vsub.f32 v4, v2;
	_ =	sdelay $0x1  }
0x98: {  	v4 =	vmul.f32 $1.442695020e+00, v4;
	_ =	sdelay $0x1  }
0x99: {  	(erf) = vpow2.f32 v4  }
0x9a: {  	(erf) = vrcp.f32 v5;
	_ =	sdelay $0x4  }
0x9b: {  	v46 =	vld [tilespmem:$0xC670]  }
0x9c: {  	v47 =	vld [tilespmem:$0x11490];
	_ =	sdelay $0x1  }
0x9d: {  	v48 =	vpop (erf)  }
0x9e: {  	v49 =	vpop (erf)  }
0x9f: {  	v3 =	vadd.s32 v0, v3;
	v6 =	vmul.f32 v48, v49  }
0xa0: {  	[tilespmem:$0xC660] =	vst v3  }
0xa1: {  	[tilespmem:$0x162A0] =	vst v6  }
0xa2: {  	v3 =	vld.idx.msk [tilespmem:v46+s12+$0x0], $0xffff  }
0xa3: {  	v6 =	vld.idx.msk [tilespmem:v47+s11+$0x0], $0xffff;
	_ =	sdelay $0x4  }
0xa4: {  	v3 =	vadd.f32 v6, v3;
	_ =	sdelay $0x1  }
0xa5: {  	v6 =	vmul.f32 $2.000000030e-01, v3  }
0xa6: {  	vm11 =	vgt.f32 v3, $0.0e+00  }
0xa7: {  	v3 =	vsel vm11, v3, v6  }
0xa8: {  	v5 =	vld.idx.msk [tilespmem:v47+s25+$0x0], $0xffff;
	v3 =	vsub.f32 v3, v2;
	_ =	sdelay $0x1  }
0xa9: {  	v3 =	vmul.f32 $1.442695020e+00, v3;
	_ =	sdelay $0x1  }
0xaa: {  	(erf) = vpow2.f32 v3  }
0xab: {  	(erf) = vrcp.f32 v5;
	_ =	sdelay $0x4  }
0xac: {  	v3 =	vld [tilespmem:$0xC680]  }
0xad: {  	v50 =	vld [tilespmem:$0x114A0];
	_ =	sdelay $0x1  }
0xae: {  	v51 =	vpop (erf)  }
0xaf: {  	v52 =	vpop (erf)  }
0xb0: {  	v4 =	vadd.s32 v0, v46;
	v6 =	vmul.f32 v51, v52  }
0xb1: {  	[tilespmem:$0xC670] =	vst v4  }
0xb2: {  	[tilespmem:$0x162B0] =	vst v6  }
0xb3: {  	v4 =	vld.idx.msk [tilespmem:v3+s12+$0x0], $0xffff  }
0xb4: {  	v6 =	vld.idx.msk [tilespmem:v50+s11+$0x0], $0xffff;
	_ =	sdelay $0x4  }
0xb5: {  	v4 =	vadd.f32 v6, v4;
	_ =	sdelay $0x1  }
0xb6: {  	v6 =	vmul.f32 $2.000000030e-01, v4  }
0xb7: {  	vm12 =	vgt.f32 v4, $0.0e+00  }
0xb8: {  	v4 =	vsel vm12, v4, v6  }
0xb9: {  	v5 =	vld.idx.msk [tilespmem:v50+s25+$0x0], $0xffff;
	v4 =	vsub.f32 v4, v2;
	_ =	sdelay $0x1  }
0xba: {  	v4 =	vmul.f32 $1.442695020e+00, v4;
	_ =	sdelay $0x1  }
0xbb: {  	(erf) = vpow2.f32 v4  }
0xbc: {  	(erf) = vrcp.f32 v5;
	_ =	sdelay $0x4  }
0xbd: {  	v53 =	vld [tilespmem:$0xC690]  }
0xbe: {  	v54 =	vld [tilespmem:$0x114B0];
	_ =	sdelay $0x1  }
0xbf: {  	v55 =	vpop (erf)  }
0xc0: {  	v56 =	vpop (erf)  }
0xc1: {  	v3 =	vadd.s32 v0, v3;
	v6 =	vmul.f32 v55, v56  }
0xc2: {  	[tilespmem:$0xC680] =	vst v3  }
0xc3: {  	[tilespmem:$0x162C0] =	vst v6  }
0xc4: {  	v3 =	vld.idx.msk [tilespmem:v53+s12+$0x0], $0xffff  }
0xc5: {  	v6 =	vld.idx.msk [tilespmem:v54+s11+$0x0], $0xffff;
	_ =	sdelay $0x4  }
0xc6: {  	v3 =	vadd.f32 v6, v3;
	_ =	sdelay $0x1  }
0xc7: {  	v6 =	vmul.f32 $2.000000030e-01, v3  }
0xc8: {  	vm13 =	vgt.f32 v3, $0.0e+00  }
0xc9: {  	v3 =	vsel vm13, v3, v6  }
0xca: {  	v5 =	vld.idx.msk [tilespmem:v54+s25+$0x0], $0xffff;
	v3 =	vsub.f32 v3, v2;
	_ =	sdelay $0x1  }
0xcb: {  	v3 =	vmul.f32 $1.442695020e+00, v3;
	_ =	sdelay $0x1  }
0xcc: {  	(erf) = vpow2.f32 v3  }
0xcd: {  	(erf) = vrcp.f32 v5;
	_ =	sdelay $0x4  }
0xce: {  	v3 =	vld [tilespmem:$0xC6A0]  }
0xcf: {  	v57 =	vld [tilespmem:$0x114C0];
	_ =	sdelay $0x1  }
0xd0: {  	v58 =	vpop (erf)  }
0xd1: {  	v59 =	vpop (erf)  }
0xd2: {  	v4 =	vadd.s32 v0, v53;
	v6 =	vmul.f32 v58, v59  }
0xd3: {  	[tilespmem:$0xC690] =	vst v4  }
0xd4: {  	[tilespmem:$0x162D0] =	vst v6  }
0xd5: {  	v4 =	vld.idx.msk [tilespmem:v3+s12+$0x0], $0xffff  }
0xd6: {  	v6 =	vld.idx.msk [tilespmem:v57+s11+$0x0], $0xffff;
	_ =	sdelay $0x4  }
0xd7: {  	v4 =	vadd.f32 v6, v4;
	_ =	sdelay $0x1  }
0xd8: {  	v6 =	vmul.f32 $2.000000030e-01, v4  }
0xd9: {  	vm14 =	vgt.f32 v4, $0.0e+00  }
0xda: {  	v4 =	vsel vm14, v4, v6  }
0xdb: {  	v5 =	vld.idx.msk [tilespmem:v57+s25+$0x0], $0xffff;
	v4 =	vsub.f32 v4, v2;
	_ =	sdelay $0x1  }
0xdc: {  	v4 =	vmul.f32 $1.442695020e+00, v4;
	_ =	sdelay $0x1  }
0xdd: {  	(erf) = vpow2.f32 v4  }
0xde: {  	(erf) = vrcp.f32 v5;
	_ =	sdelay $0x4  }
0xdf: {  	v60 =	vld [tilespmem:$0xC6B0]  }
0xe0: {  	v61 =	vld [tilespmem:$0x114D0];
	_ =	sdelay $0x1  }
0xe1: {  	v62 =	vpop (erf)  }
0xe2: {  	v63 =	vpop (erf)  }
0xe3: {  	v3 =	vadd.s32 v0, v3;
	v6 =	vmul.f32 v62, v63  }
0xe4: {  	[tilespmem:$0xC6A0] =	vst v3  }
0xe5: {  	[tilespmem:$0x162E0] =	vst v6  }
0xe6: {  	v3 =	vld.idx.msk [tilespmem:v60+s12+$0x0], $0xffff  }
0xe7: {  	v6 =	vld.idx.msk [tilespmem:v61+s11+$0x0], $0xffff;
	_ =	sdelay $0x4  }
0xe8: {  	v3 =	vadd.f32 v6, v3;
	_ =	sdelay $0x1  }
0xe9: {  	v6 =	vmul.f32 $2.000000030e-01, v3  }
0xea: {  	vm15 =	vgt.f32 v3, $0.0e+00  }
0xeb: {  	v3 =	vsel vm15, v3, v6  }
0xec: {  	v5 =	vld.idx.msk [tilespmem:v61+s25+$0x0], $0xffff;
	v3 =	vsub.f32 v3, v2;
	_ =	sdelay $0x1  }
0xed: {  	v3 =	vmul.f32 $1.442695020e+00, v3;
	_ =	sdelay $0x1  }
0xee: {  	(erf) = vpow2.f32 v3  }
0xef: {  	(erf) = vrcp.f32 v5;
	_ =	sdelay $0x7  }
0xf0: {  	v3 =	vpop (erf)  }
0xf1: {  	v5 =	vpop (erf)  }
0xf2: {  	v3 =	vmul.f32 v3, v5;
	_ =	sdelay $0x1  }
0xf3: {  	[tilespmem:$0x162F0] =	vst v3;
	v3 =	vadd.s32 v0, v60  }
0xf4: {  	s28 =	simm.s32 $0xC620;
	s31 =	simm.s32 $0x1B080;
	p1 =	por $0x0, $0x0;
	[tilespmem:$0xC6B0] =	vst v3  }
0xf5: {  	[tilespmem:s31], [sflag:$0x1] =	stream.indirect.gather [hbm4b:s9+s0], $0x10, s28, s0, $0xb8;
	[tilespmem:$0x1FFA0] =	vst v63  }
.LBB2_4:
0xf6: {  	s10 =	sadd.s32 $0x1, s12;
	p2 =	seq.s32 s12, $0x7C  }
0xf7: {  	s11 =	smul.u32 @!p2 $0xA0, s10;
	_ =	sdelay $0x1  }
0xf8: {  	v3 =	vld @!p2 [tilespmem:s11+$0xC620]  }
0xf9: {  	v4 =	vld @!p2 [tilespmem:s11+$0x11440];
	_ =	sdelay $0x5  }
0xfa: {  	s13 =	simm.s32 @!p2 $0x0  }
0xfb: {  	s15 =	simm.s32 @!p2 $0x2710;
	v5 =	vld.idx.msk @!p2 [tilespmem:v3+s13+$0x0], $0xffff  }
0xfc: {  	v6 =	vld.idx.msk @!p2 [tilespmem:v4+s15+$0x0], $0xffff;
	_ =	sdelay $0x4  }
0xfd: {  	v5 =	vadd.f32 @!p2 v6, v5;
	_ =	sdelay $0x1  }
0xfe: {  	v6 =	vmul.f32 @!p2 $2.000000030e-01, v5  }
0xff: {  	vm0 =	vgt.f32 @!p2 v5, $0.0e+00  }
0x100: {  	s16 =	simm.s32 @!p2 $0x9E20;
	v5 =	vsel @!p2 vm0, v5, v6  }
0x101: {  	v4 =	vld.idx.msk @!p2 [tilespmem:v4+s16+$0x0], $0xffff;
	v5 =	vsub.f32 @!p2 v5, v2;
	_ =	sdelay $0x1  }
0x102: {  	v5 =	vmul.f32 @!p2 $1.442695020e+00, v5;
	_ =	sdelay $0x1  }
0x103: {  	(erf) = vpow2.f32 @!p2 v5  }
0x104: {  	(erf) = vrcp.f32 @!p2 v4;
	_ =	sdelay $0x4  }
0x105: {  	v4 =	vld @!p2 [tilespmem:s11+$0xC630]  }
0x106: {  	v5 =	vld @!p2 [tilespmem:s11+$0x11450];
	_ =	sdelay $0x1  }
0x107: {  	v6 =	vpop @!p2 (erf)  }
0x108: {  	v7 =	vpop @!p2 (erf)  }
0x109: {  	v3 =	vadd.s32 @!p2 v0, v3;
	v6 =	vmul.f32 @!p2 v6, v7  }
0x10a: {  	[tilespmem:s11+$0xC620] =	vst @!p2 v3  }
0x10b: {  	[tilespmem:s11+$0x16260] =	vst @!p2 v6  }
0x10c: {  	v3 =	vld.idx.msk @!p2 [tilespmem:v4+s13+$0x0], $0xffff  }
0x10d: {  	v6 =	vld.idx.msk @!p2 [tilespmem:v5+s15+$0x0], $0xffff;
	_ =	sdelay $0x4  }
0x10e: {  	v3 =	vadd.f32 @!p2 v6, v3;
	_ =	sdelay $0x1  }
0x10f: {  	v6 =	vmul.f32 @!p2 $2.000000030e-01, v3  }
0x110: {  	vm0 =	vgt.f32 @!p2 v3, $0.0e+00  }
0x111: {  	v3 =	vsel @!p2 vm0, v3, v6  }
0x112: {  	v5 =	vld.idx.msk @!p2 [tilespmem:v5+s16+$0x0], $0xffff;
	v3 =	vsub.f32 @!p2 v3, v2;
	_ =	sdelay $0x1  }
0x113: {  	v3 =	vmul.f32 @!p2 $1.442695020e+00, v3;
	_ =	sdelay $0x1  }
0x114: {  	(erf) = vpow2.f32 @!p2 v3  }
0x115: {  	(erf) = vrcp.f32 @!p2 v5;
	_ =	sdelay $0x4  }
0x116: {  	v3 =	vld @!p2 [tilespmem:s11+$0xC640]  }
0x117: {  	v5 =	vld @!p2 [tilespmem:s11+$0x11460];
	_ =	sdelay $0x1  }
0x118: {  	v6 =	vpop @!p2 (erf)  }
0x119: {  	v7 =	vpop @!p2 (erf)  }
0x11a: {  	v4 =	vadd.s32 @!p2 v0, v4;
	v6 =	vmul.f32 @!p2 v6, v7  }
0x11b: {  	[tilespmem:s11+$0xC630] =	vst @!p2 v4  }
0x11c: {  	[tilespmem:s11+$0x16270] =	vst @!p2 v6  }
0x11d: {  	v4 =	vld.idx.msk @!p2 [tilespmem:v3+s13+$0x0], $0xffff  }
0x11e: {  	v6 =	vld.idx.msk @!p2 [tilespmem:v5+s15+$0x0], $0xffff;
	_ =	sdelay $0x4  }
0x11f: {  	v4 =	vadd.f32 @!p2 v6, v4;
	_ =	sdelay $0x1  }
0x120: {  	v6 =	vmul.f32 @!p2 $2.000000030e-01, v4  }
0x121: {  	vm0 =	vgt.f32 @!p2 v4, $0.0e+00  }
0x122: {  	v4 =	vsel @!p2 vm0, v4, v6  }
0x123: {  	v5 =	vld.idx.msk @!p2 [tilespmem:v5+s16+$0x0], $0xffff;
	v4 =	vsub.f32 @!p2 v4, v2;
	_ =	sdelay $0x1  }
0x124: {  	v4 =	vmul.f32 @!p2 $1.442695020e+00, v4;
	_ =	sdelay $0x1  }
0x125: {  	(erf) = vpow2.f32 @!p2 v4  }
0x126: {  	(erf) = vrcp.f32 @!p2 v5;
	_ =	sdelay $0x4  }
0x127: {  	v4 =	vld @!p2 [tilespmem:s11+$0xC650]  }
0x128: {  	v5 =	vld @!p2 [tilespmem:s11+$0x11470];
	_ =	sdelay $0x1  }
0x129: {  	v6 =	vpop @!p2 (erf)  }
0x12a: {  	v7 =	vpop @!p2 (erf)  }
0x12b: {  	v3 =	vadd.s32 @!p2 v0, v3;
	v6 =	vmul.f32 @!p2 v6, v7  }
0x12c: {  	[tilespmem:s11+$0xC640] =	vst @!p2 v3  }
0x12d: {  	[tilespmem:s11+$0x16280] =	vst @!p2 v6  }
0x12e: {  	v3 =	vld.idx.msk @!p2 [tilespmem:v4+s13+$0x0], $0xffff  }
0x12f: {  	v6 =	vld.idx.msk @!p2 [tilespmem:v5+s15+$0x0], $0xffff;
	_ =	sdelay $0x4  }
0x130: {  	v3 =	vadd.f32 @!p2 v6, v3;
	_ =	sdelay $0x1  }
0x131: {  	v6 =	vmul.f32 @!p2 $2.000000030e-01, v3  }
0x132: {  	vm0 =	vgt.f32 @!p2 v3, $0.0e+00  }
0x133: {  	v3 =	vsel @!p2 vm0, v3, v6  }
0x134: {  	v5 =	vld.idx.msk @!p2 [tilespmem:v5+s16+$0x0], $0xffff;
	v3 =	vsub.f32 @!p2 v3, v2;
	_ =	sdelay $0x1  }
0x135: {  	v3 =	vmul.f32 @!p2 $1.442695020e+00, v3;
	_ =	sdelay $0x1  }
0x136: {  	(erf) = vpow2.f32 @!p2 v3  }
0x137: {  	(erf) = vrcp.f32 @!p2 v5;
	_ =	sdelay $0x4  }
0x138: {  	v3 =	vld @!p2 [tilespmem:s11+$0xC660]  }
0x139: {  	v5 =	vld @!p2 [tilespmem:s11+$0x11480];
	_ =	sdelay $0x1  }
0x13a: {  	v6 =	vpop @!p2 (erf)  }
0x13b: {  	v7 =	vpop @!p2 (erf)  }
0x13c: {  	v4 =	vadd.s32 @!p2 v0, v4;
	v6 =	vmul.f32 @!p2 v6, v7  }
0x13d: {  	[tilespmem:s11+$0xC650] =	vst @!p2 v4  }
0x13e: {  	[tilespmem:s11+$0x16290] =	vst @!p2 v6  }
0x13f: {  	v4 =	vld.idx.msk @!p2 [tilespmem:v3+s13+$0x0], $0xffff  }
0x140: {  	v6 =	vld.idx.msk @!p2 [tilespmem:v5+s15+$0x0], $0xffff;
	_ =	sdelay $0x4  }
0x141: {  	v4 =	vadd.f32 @!p2 v6, v4;
	_ =	sdelay $0x1  }
0x142: {  	v6 =	vmul.f32 @!p2 $2.000000030e-01, v4  }
0x143: {  	vm0 =	vgt.f32 @!p2 v4, $0.0e+00  }
0x144: {  	v4 =	vsel @!p2 vm0, v4, v6  }
0x145: {  	v5 =	vld.idx.msk @!p2 [tilespmem:v5+s16+$0x0], $0xffff;
	v4 =	vsub.f32 @!p2 v4, v2;
	_ =	sdelay $0x1  }
0x146: {  	v4 =	vmul.f32 @!p2 $1.442695020e+00, v4;
	_ =	sdelay $0x1  }
0x147: {  	(erf) = vpow2.f32 @!p2 v4  }
0x148: {  	(erf) = vrcp.f32 @!p2 v5;
	_ =	sdelay $0x4  }
0x149: {  	v4 =	vld @!p2 [tilespmem:s11+$0xC670]  }
0x14a: {  	v5 =	vld @!p2 [tilespmem:s11+$0x11490];
	_ =	sdelay $0x1  }
0x14b: {  	v6 =	vpop @!p2 (erf)  }
0x14c: {  	v7 =	vpop @!p2 (erf)  }
0x14d: {  	v3 =	vadd.s32 @!p2 v0, v3;
	v6 =	vmul.f32 @!p2 v6, v7  }
0x14e: {  	[tilespmem:s11+$0xC660] =	vst @!p2 v3  }
0x14f: {  	[tilespmem:s11+$0x162A0] =	vst @!p2 v6  }
0x150: {  	v3 =	vld.idx.msk @!p2 [tilespmem:v4+s13+$0x0], $0xffff  }
0x151: {  	v6 =	vld.idx.msk @!p2 [tilespmem:v5+s15+$0x0], $0xffff;
	_ =	sdelay $0x4  }
0x152: {  	v3 =	vadd.f32 @!p2 v6, v3;
	_ =	sdelay $0x1  }
0x153: {  	v6 =	vmul.f32 @!p2 $2.000000030e-01, v3  }
0x154: {  	vm0 =	vgt.f32 @!p2 v3, $0.0e+00  }
0x155: {  	v3 =	vsel @!p2 vm0, v3, v6  }
0x156: {  	v5 =	vld.idx.msk @!p2 [tilespmem:v5+s16+$0x0], $0xffff;
	v3 =	vsub.f32 @!p2 v3, v2;
	_ =	sdelay $0x1  }
0x157: {  	v3 =	vmul.f32 @!p2 $1.442695020e+00, v3;
	_ =	sdelay $0x1  }
0x158: {  	(erf) = vpow2.f32 @!p2 v3  }
0x159: {  	(erf) = vrcp.f32 @!p2 v5;
	_ =	sdelay $0x4  }
0x15a: {  	v3 =	vld @!p2 [tilespmem:s11+$0xC680]  }
0x15b: {  	v5 =	vld @!p2 [tilespmem:s11+$0x114A0];
	_ =	sdelay $0x1  }
0x15c: {  	v6 =	vpop @!p2 (erf)  }
0x15d: {  	v7 =	vpop @!p2 (erf)  }
0x15e: {  	v4 =	vadd.s32 @!p2 v0, v4;
	v6 =	vmul.f32 @!p2 v6, v7  }
0x15f: {  	[tilespmem:s11+$0xC670] =	vst @!p2 v4  }
0x160: {  	[tilespmem:s11+$0x162B0] =	vst @!p2 v6  }
0x161: {  	v4 =	vld.idx.msk @!p2 [tilespmem:v3+s13+$0x0], $0xffff  }
0x162: {  	v6 =	vld.idx.msk @!p2 [tilespmem:v5+s15+$0x0], $0xffff;
	_ =	sdelay $0x4  }
0x163: {  	v4 =	vadd.f32 @!p2 v6, v4;
	_ =	sdelay $0x1  }
0x164: {  	v6 =	vmul.f32 @!p2 $2.000000030e-01, v4  }
0x165: {  	vm0 =	vgt.f32 @!p2 v4, $0.0e+00  }
0x166: {  	v4 =	vsel @!p2 vm0, v4, v6  }
0x167: {  	v5 =	vld.idx.msk @!p2 [tilespmem:v5+s16+$0x0], $0xffff;
	v4 =	vsub.f32 @!p2 v4, v2;
	_ =	sdelay $0x1  }
0x168: {  	v4 =	vmul.f32 @!p2 $1.442695020e+00, v4;
	_ =	sdelay $0x1  }
0x169: {  	(erf) = vpow2.f32 @!p2 v4  }
0x16a: {  	(erf) = vrcp.f32 @!p2 v5;
	_ =	sdelay $0x4  }
0x16b: {  	v4 =	vld @!p2 [tilespmem:s11+$0xC690]  }
0x16c: {  	v5 =	vld @!p2 [tilespmem:s11+$0x114B0];
	_ =	sdelay $0x1  }
0x16d: {  	v6 =	vpop @!p2 (erf)  }
0x16e: {  	v7 =	vpop @!p2 (erf)  }
0x16f: {  	v3 =	vadd.s32 @!p2 v0, v3;
	v6 =	vmul.f32 @!p2 v6, v7  }
0x170: {  	[tilespmem:s11+$0xC680] =	vst @!p2 v3  }
0x171: {  	[tilespmem:s11+$0x162C0] =	vst @!p2 v6  }
0x172: {  	v3 =	vld.idx.msk @!p2 [tilespmem:v4+s13+$0x0], $0xffff  }
0x173: {  	v6 =	vld.idx.msk @!p2 [tilespmem:v5+s15+$0x0], $0xffff;
	_ =	sdelay $0x4  }
0x174: {  	v3 =	vadd.f32 @!p2 v6, v3;
	_ =	sdelay $0x1  }
0x175: {  	v6 =	vmul.f32 @!p2 $2.000000030e-01, v3  }
0x176: {  	vm0 =	vgt.f32 @!p2 v3, $0.0e+00  }
0x177: {  	v3 =	vsel @!p2 vm0, v3, v6  }
0x178: {  	v5 =	vld.idx.msk @!p2 [tilespmem:v5+s16+$0x0], $0xffff;
	v3 =	vsub.f32 @!p2 v3, v2;
	_ =	sdelay $0x1  }
0x179: {  	v3 =	vmul.f32 @!p2 $1.442695020e+00, v3;
	_ =	sdelay $0x1  }
0x17a: {  	(erf) = vpow2.f32 @!p2 v3  }
0x17b: {  	(erf) = vrcp.f32 @!p2 v5;
	_ =	sdelay $0x4  }
0x17c: {  	v3 =	vld @!p2 [tilespmem:s11+$0xC6A0]  }
0x17d: {  	v5 =	vld @!p2 [tilespmem:s11+$0x114C0];
	_ =	sdelay $0x1  }
0x17e: {  	v6 =	vpop @!p2 (erf)  }
0x17f: {  	v7 =	vpop @!p2 (erf)  }
0x180: {  	v4 =	vadd.s32 @!p2 v0, v4;
	v6 =	vmul.f32 @!p2 v6, v7  }
0x181: {  	[tilespmem:s11+$0xC690] =	vst @!p2 v4  }
0x182: {  	[tilespmem:s11+$0x162D0] =	vst @!p2 v6  }
0x183: {  	v4 =	vld.idx.msk @!p2 [tilespmem:v3+s13+$0x0], $0xffff  }
0x184: {  	v6 =	vld.idx.msk @!p2 [tilespmem:v5+s15+$0x0], $0xffff;
	_ =	sdelay $0x4  }
0x185: {  	v4 =	vadd.f32 @!p2 v6, v4;
	_ =	sdelay $0x1  }
0x186: {  	v6 =	vmul.f32 @!p2 $2.000000030e-01, v4  }
0x187: {  	vm0 =	vgt.f32 @!p2 v4, $0.0e+00  }
0x188: {  	v4 =	vsel @!p2 vm0, v4, v6  }
0x189: {  	v5 =	vld.idx.msk @!p2 [tilespmem:v5+s16+$0x0], $0xffff;
	v4 =	vsub.f32 @!p2 v4, v2;
	_ =	sdelay $0x1  }
0x18a: {  	v4 =	vmul.f32 @!p2 $1.442695020e+00, v4;
	_ =	sdelay $0x1  }
0x18b: {  	(erf) = vpow2.f32 @!p2 v4  }
0x18c: {  	(erf) = vrcp.f32 @!p2 v5;
	_ =	sdelay $0x4  }
0x18d: {  	v4 =	vld @!p2 [tilespmem:s11+$0xC6B0]  }
0x18e: {  	v5 =	vld @!p2 [tilespmem:s11+$0x114D0];
	_ =	sdelay $0x1  }
0x18f: {  	v6 =	vpop @!p2 (erf)  }
0x190: {  	v7 =	vpop @!p2 (erf)  }
0x191: {  	v3 =	vadd.s32 @!p2 v0, v3;
	v6 =	vmul.f32 @!p2 v6, v7  }
0x192: {  	[tilespmem:s11+$0xC6A0] =	vst @!p2 v3  }
0x193: {  	[tilespmem:s11+$0x162E0] =	vst @!p2 v6  }
0x194: {  	v3 =	vld.idx.msk @!p2 [tilespmem:v4+s13+$0x0], $0xffff  }
0x195: {  	v6 =	vld.idx.msk @!p2 [tilespmem:v5+s15+$0x0], $0xffff;
	_ =	sdelay $0x4  }
0x196: {  	v3 =	vadd.f32 @!p2 v6, v3;
	_ =	sdelay $0x1  }
0x197: {  	v6 =	vmul.f32 @!p2 $2.000000030e-01, v3  }
0x198: {  	vm0 =	vgt.f32 @!p2 v3, $0.0e+00  }
0x199: {  	v3 =	vsel @!p2 vm0, v3, v6  }
0x19a: {  	v5 =	vld.idx.msk @!p2 [tilespmem:v5+s16+$0x0], $0xffff;
	v3 =	vsub.f32 @!p2 v3, v2;
	_ =	sdelay $0x1  }
0x19b: {  	v3 =	vmul.f32 @!p2 $1.442695020e+00, v3;
	_ =	sdelay $0x1  }
0x19c: {  	(erf) = vpow2.f32 @!p2 v3  }
0x19d: {  	(erf) = vrcp.f32 @!p2 v5;
	_ =	sdelay $0x7  }
0x19e: {  	v3 =	vpop @!p2 (erf)  }
0x19f: {  	v5 =	vpop @!p2 (erf)  }
0x1a0: {  	s1 =	sand.u32 @!p2 $0x1, s10;
	v3 =	vmul.f32 @!p2 v3, v5  }
0x1a1: {  	p3 =	seq.s32 @!p2 s1, $0x1  }
0x1a2: {  	s1 =	simm.s32 @!p2 $0x1BA80;
	p3 =	por !p3, p2;
	[tilespmem:s11+$0x162F0] =	vst @!p2 v3;
	v3 =	vadd.s32 @!p2 v0, v4  }
0x1a3: {  	s4 =	sadd.s32 @!p2 $0xC620, s11;
	s1 =	simm.s32 @p3 $0x1B080;
	[tilespmem:s11+$0xC6B0] =	vst @!p2 v3;
	s11 =	simm.s32 @!p2 $0xA0  }
0x1a4: {  	[tilespmem:s1], [sflag:$0x1] =	stream.indirect.gather @!p2 [hbm4b:s9+s11], $0x10, s4, s11, $0xb8;
	[tilespmem:$0x1FFA0] =	vst v63  }
0x1a5: {  	s11 =	smul.u32 $0xA0, s12;
	_ =	sdelay $0x1  }
0x1a6: {  	s16 =	sadd.s32 $0xF, s11  }
0x1a7: {  	s4 =	sadd.s32 $0xFFFFFFF1, s16  }
0x1a8: {  	p3 =	seq.s32 @!p2 s12, $0x0;
	v3 =	vmov s4  }
0x1a9: {  	p2 =	por p2, !p3;
	v3 =	vshrl.u32 v3, $0x3  }
0x1aa: {  	s1 =	simm.s32 $0x1;
	_ =	swait.ge @p2 [sflag:s30], $0xA00;
	v3 =	vshll.u32 v3, v1  }
0x1ab: {  	s1 =	simm.s32 @!p1 $0x0;
	[sflag:s30] =	ssyncset.done @p2 $0x0;
	v3 =	vbroadcast v3, $0x0  }
0x1ac: {  	s1 =	smul.u32 $0x2800, s1;
	[sflag:s30] =	ssyncadd.s32 @p2 $0xFFFFF600  }
0x1ad: {  	_ =	swait.ge [sflag:s26], $0xA00  }
0x1ae: {  	s13 =	sadd.s32 $0xFFFFFFF2, s16;
	s1 =	sshrl.u32 s1, $0x2;
	[sflag:s26] =	ssyncset.done $0x0  }
0x1af: {  	v4 =	vmov s13;
	s13 =	sor.u32 $0x1B100, s1;
	[sflag:s26] =	ssyncadd.s32 $0xFFFFF600  }
0x1b0: {  	v4 =	vshrl.u32 v4, $0x3;
	v5 =	vld [tilespmem:s13+$0xFFFFFF80]  }
0x1b1: {  	v4 =	vshll.u32 v4, v1;
	v3 =	vld.idx.msk [tilespmem:v3+s29+$0x0], $0xffff  }
0x1b2: {  	v4 =	vadd.s32 $0x1, v4  }
0x1b3: {  	v4 =	vbroadcast v4, $0x0;
	_ =	sdelay $0x2  }
0x1b4: {  	v3 =	vmul.f32 v5, v3  }
0x1b5: {  	s14 =	sadd.s32 $0xFFFFFFF3, s16;
	s15 =	sadd.s32 $0x1C500, s1  }
0x1b6: {  	v5 =	vmov s14;
	[tilespmem:s15+$0xFFFFFF80] =	vst v3  }
0x1b7: {  	v3 =	vshrl.u32 v5, $0x3;
	v4 =	vld.idx.msk [tilespmem:v4+s29+$0x0], $0xffff  }
0x1b8: {  	v3 =	vshll.u32 v3, v1;
	v5 =	vld [tilespmem:s13+$0xFFFFFF90]  }
0x1b9: {  	v3 =	vadd.s32 $0x2, v3  }
0x1ba: {  	v3 =	vbroadcast v3, $0x0;
	_ =	sdelay $0x2  }
0x1bb: {  	v4 =	vmul.f32 v5, v4  }
0x1bc: {  	s17 =	sadd.s32 $0xFFFFFFF4, s16  }
0x1bd: {  	v5 =	vmov s17;
	[tilespmem:s15+$0xFFFFFF90] =	vst v4  }
0x1be: {  	v4 =	vshrl.u32 v5, $0x3;
	v3 =	vld.idx.msk [tilespmem:v3+s29+$0x0], $0xffff  }
0x1bf: {  	v4 =	vshll.u32 v4, v1;
	v5 =	vld [tilespmem:s13+$0xFFFFFFA0]  }
0x1c0: {  	v4 =	vadd.s32 $0x3, v4  }
0x1c1: {  	v4 =	vbroadcast v4, $0x0;
	_ =	sdelay $0x2  }
0x1c2: {  	v3 =	vmul.f32 v5, v3  }
0x1c3: {  	s18 =	sadd.s32 $0xFFFFFFF5, s16  }
0x1c4: {  	v5 =	vmov s18;
	[tilespmem:s15+$0xFFFFFFA0] =	vst v3  }
0x1c5: {  	v3 =	vshrl.u32 v5, $0x3;
	v4 =	vld.idx.msk [tilespmem:v4+s29+$0x0], $0xffff  }
0x1c6: {  	v3 =	vshll.u32 v3, v1;
	v5 =	vld [tilespmem:s13+$0xFFFFFFB0]  }
0x1c7: {  	v3 =	vadd.s32 $0x4, v3  }
0x1c8: {  	v3 =	vbroadcast v3, $0x0;
	_ =	sdelay $0x2  }
0x1c9: {  	v4 =	vmul.f32 v5, v4  }
0x1ca: {  	s19 =	sadd.s32 $0xFFFFFFF6, s16  }
0x1cb: {  	v5 =	vmov s19;
	[tilespmem:s15+$0xFFFFFFB0] =	vst v4  }
0x1cc: {  	v4 =	vshrl.u32 v5, $0x3;
	v3 =	vld.idx.msk [tilespmem:v3+s29+$0x0], $0xffff  }
0x1cd: {  	v4 =	vshll.u32 v4, v1;
	v5 =	vld [tilespmem:s13+$0xFFFFFFC0]  }
0x1ce: {  	v4 =	vadd.s32 $0x5, v4  }
0x1cf: {  	v4 =	vbroadcast v4, $0x0;
	_ =	sdelay $0x2  }
0x1d0: {  	v3 =	vmul.f32 v5, v3  }
0x1d1: {  	s20 =	sadd.s32 $0xFFFFFFF7, s16  }
0x1d2: {  	v5 =	vmov s20;
	[tilespmem:s15+$0xFFFFFFC0] =	vst v3  }
0x1d3: {  	v3 =	vshrl.u32 v5, $0x3;
	v4 =	vld.idx.msk [tilespmem:v4+s29+$0x0], $0xffff  }
0x1d4: {  	v3 =	vshll.u32 v3, v1;
	v5 =	vld [tilespmem:s13+$0xFFFFFFD0]  }
0x1d5: {  	v3 =	vadd.s32 $0x6, v3  }
0x1d6: {  	v3 =	vbroadcast v3, $0x0;
	_ =	sdelay $0x2  }
0x1d7: {  	v4 =	vmul.f32 v5, v4  }
0x1d8: {  	s21 =	sadd.s32 $0xFFFFFFF8, s16  }
0x1d9: {  	v5 =	vmov s21;
	[tilespmem:s15+$0xFFFFFFD0] =	vst v4  }
0x1da: {  	v4 =	vshrl.u32 v5, $0x3;
	v3 =	vld.idx.msk [tilespmem:v3+s29+$0x0], $0xffff  }
0x1db: {  	v4 =	vshll.u32 v4, v1;
	v5 =	vld [tilespmem:s13+$0xFFFFFFE0]  }
0x1dc: {  	v4 =	vadd.s32 $0x7, v4  }
0x1dd: {  	v4 =	vbroadcast v4, $0x0;
	_ =	sdelay $0x2  }
0x1de: {  	v3 =	vmul.f32 v5, v3;
	_ =	sdelay $0x1  }
0x1df: {  	s22 =	sadd.s32 $0xFFFFFFF9, s16;
	[tilespmem:s15+$0xFFFFFFE0] =	vst v3  }
0x1e0: {  	v3 =	vmov s22;
	v4 =	vld.idx.msk [tilespmem:v4+s29+$0x0], $0xffff  }
0x1e1: {  	v3 =	vshrl.u32 v3, $0x3;
	v5 =	vld [tilespmem:s13+$0xFFFFFFF0]  }
0x1e2: {  	v3 =	vshll.u32 v3, v1  }
0x1e3: {  	v3 =	vbroadcast v3, $0x0;
	_ =	sdelay $0x2  }
0x1e4: {  	v4 =	vmul.f32 v5, v4  }
0x1e5: {  	s23 =	sadd.s32 $0xFFFFFFFA, s16  }
0x1e6: {  	v5 =	vmov s23;
	[tilespmem:s15+$0xFFFFFFF0] =	vst v4  }
0x1e7: {  	v4 =	vshrl.u32 v5, $0x3;
	v3 =	vld.idx.msk [tilespmem:v3+s29+$0x0], $0xffff  }
0x1e8: {  	v4 =	vshll.u32 v4, v1;
	v5 =	vld [tilespmem:s13+$0x0]  }
0x1e9: {  	v4 =	vadd.s32 $0x1, v4  }
0x1ea: {  	v4 =	vbroadcast v4, $0x0;
	_ =	sdelay $0x2  }
0x1eb: {  	v3 =	vmul.f32 v5, v3  }
0x1ec: {  	s25 =	sadd.s32 $0xFFFFFFFB, s16  }
0x1ed: {  	v5 =	vmov s25;
	[tilespmem:s15+$0x0] =	vst v3  }
0x1ee: {  	v3 =	vshrl.u32 v5, $0x3;
	v4 =	vld.idx.msk [tilespmem:v4+s29+$0x0], $0xffff  }
0x1ef: {  	v3 =	vshll.u32 v3, v1;
	v5 =	vld [tilespmem:s13+$0x10]  }
0x1f0: {  	v3 =	vadd.s32 $0x2, v3  }
0x1f1: {  	v3 =	vbroadcast v3, $0x0;
	_ =	sdelay $0x2  }
0x1f2: {  	v4 =	vmul.f32 v5, v4  }
0x1f3: {  	s31 =	sadd.s32 $0xFFFFFFFC, s16  }
0x1f4: {  	v5 =	vmov s31;
	[tilespmem:s15+$0x10] =	vst v4  }
0x1f5: {  	v4 =	vshrl.u32 v5, $0x3;
	v3 =	vld.idx.msk [tilespmem:v3+s29+$0x0], $0xffff  }
0x1f6: {  	v4 =	vshll.u32 v4, v1;
	v5 =	vld [tilespmem:s13+$0x20]  }
0x1f7: {  	v4 =	vadd.s32 $0x3, v4  }
0x1f8: {  	v4 =	vbroadcast v4, $0x0;
	_ =	sdelay $0x2  }
0x1f9: {  	v3 =	vmul.f32 v5, v3  }
0x1fa: {  	s4 =	sadd.s32 $0xFFFFFFFD, s16  }
0x1fb: {  	v5 =	vmov s4;
	[tilespmem:s15+$0x20] =	vst v3  }
0x1fc: {  	v3 =	vshrl.u32 v5, $0x3;
	v4 =	vld.idx.msk [tilespmem:v4+s29+$0x0], $0xffff  }
0x1fd: {  	v3 =	vshll.u32 v3, v1;
	v5 =	vld [tilespmem:s13+$0x30]  }
0x1fe: {  	v3 =	vadd.s32 $0x4, v3  }
0x1ff: {  	v3 =	vbroadcast v3, $0x0;
	_ =	sdelay $0x2  }
0x200: {  	v4 =	vmul.f32 v5, v4  }
0x201: {  	s14 =	sadd.s32 $0xFFFFFFFE, s16  }
0x202: {  	v5 =	vmov s14;
	[tilespmem:s15+$0x30] =	vst v4  }
0x203: {  	v4 =	vshrl.u32 v5, $0x3;
	v3 =	vld.idx.msk [tilespmem:v3+s29+$0x0], $0xffff  }
0x204: {  	v4 =	vshll.u32 v4, v1;
	v5 =	vld [tilespmem:s13+$0x40]  }
0x205: {  	v4 =	vadd.s32 $0x5, v4  }
0x206: {  	v4 =	vbroadcast v4, $0x0;
	_ =	sdelay $0x2  }
0x207: {  	v3 =	vmul.f32 v5, v3  }
0x208: {  	s17 =	sadd.s32 $0xFFFFFFFF, s16  }
0x209: {  	v5 =	vmov s17;
	[tilespmem:s15+$0x40] =	vst v3  }
0x20a: {  	v3 =	vshrl.u32 v5, $0x3;
	v4 =	vld.idx.msk [tilespmem:v4+s29+$0x0], $0xffff  }
0x20b: {  	v3 =	vshll.u32 v3, v1;
	v5 =	vld [tilespmem:s13+$0x50]  }
0x20c: {  	v3 =	vadd.s32 $0x6, v3  }
0x20d: {  	v3 =	vbroadcast v3, $0x0;
	_ =	sdelay $0x2  }
0x20e: {  	v4 =	vmul.f32 v5, v4;
	_ =	sdelay $0x1  }
0x20f: {  	v5 =	vmov s16;
	[tilespmem:s15+$0x50] =	vst v4  }
0x210: {  	v4 =	vshrl.u32 v5, $0x3;
	v3 =	vld.idx.msk [tilespmem:v3+s29+$0x0], $0xffff  }
0x211: {  	v4 =	vshll.u32 v4, v1;
	v5 =	vld [tilespmem:s13+$0x60]  }
0x212: {  	v4 =	vadd.s32 $0x7, v4  }
0x213: {  	v4 =	vbroadcast v4, $0x0;
	_ =	sdelay $0x2  }
0x214: {  	s18 =	sadd.s32 $0x1F, s11;
	v5 =	vmul.f32 v5, v3  }
0x215: {  	s23 =	sadd.s32 $0xFFFFFFF3, s18  }
0x216: {  	s22 =	sadd.s32 $0xFFFFFFF1, s18;
	v7 =	vmov s23;
	s14 =	sadd.s32 $0xFFFFFFF2, s18;
	s17 =	sadd.s32 $0xFFFFFFF6, s18;
	[tilespmem:s15+$0x60] =	vst v5  }
0x217: {  	v6 =	vmov s14;
	v10 =	vmov s17;
	v5 =	vmov s22;
	v8 =	vld.idx.msk [tilespmem:v4+s29+$0x0], $0xffff  }
0x218: {  	v4 =	vshrl.u32 v5, $0x3;
	v5 =	vshrl.u32 v6, $0x3;
	v6 =	vshrl.u32 v7, $0x3;
	v7 =	vld [tilespmem:s13+$0x70]  }
0x219: {  	v10 =	vshrl.u32 v10, $0x3;
	v4 =	vshll.u32 v4, v1;
	v9 =	vshll.u32 v5, v1  }
0x21a: {  	s25 =	sadd.s32 $0xFFFFFFF4, s18;
	s31 =	sadd.s32 $0xFFFFFFF5, s18;
	v6 =	vshll.u32 v6, v1;
	v5 =	vbroadcast v4, $0x0;
	v4 =	vadd.s32 $0x1, v9  }
0x21b: {  	s12 =	sand.u32 $0x1, s12;
	s28 =	sadd.s32 $0xFFFFFFF7, s18;
	v12 =	vadd.s32 $0x2, v6;
	v6 =	vmov s25;
	v9 =	vmov s31  }
0x21c: {  	s1 =	sadd.s32 $0xFFFFFFF8, s18;
	s19 =	sadd.s32 $0xFFFFFFFE, s18;
	s20 =	sadd.s32 $0xFFFFFFFD, s18;
	v3 =	vmov s18;
	v6 =	vshrl.u32 v6, $0x3;
	v9 =	vshrl.u32 v9, $0x3  }
0x21d: {  	s21 =	sadd.s32 $0xFFFFFFFC, s18;
	s23 =	sadd.s32 $0xFFFFFFFA, s18;
	s14 =	simm.s32 $0x2F;
	v11 =	vshll.u32 v6, v1;
	v9 =	vshll.u32 v9, v1;
	v6 =	vmul.f32 v7, v8  }
0x21e: {  	s17 =	sadd.s32 $0xFFFFFFF9, s18;
	s22 =	sadd.s32 $0xFFFFFFFB, s18;
	s18 =	sadd.s32 $0xFFFFFFFF, s18;
	v14 =	vadd.s32 $0x3, v11;
	v13 =	vadd.s32 $0x4, v9;
	v9 =	vshll.u32 v10, v1  }
.LBB2_5:
0x21f: {  	s13 =	sadd.s32 $0x100, s13  }
0x220: {  	v7 =	vmov s28;
	v8 =	vmov s1;
	v10 =	vmov s17;
	[tilespmem:s15+$0x70] =	vst v6;
	s15 =	sadd.s32 $0x100, s15;
	s17 =	smov.u32 s14;
	s16 =	sadd.s32 $0x10, s14  }
0x221: {  	p2 =	sne.s32 s14, $0x9F;
	v5 =	vld.idx.msk [tilespmem:v5+s29+$0x0], $0xffff;
	v6 =	vshrl.u32 v7, $0x3;
	v7 =	vshrl.u32 v8, $0x3;
	v8 =	vshrl.u32 v10, $0x3  }
0x222: {  	v15 =	vld [tilespmem:s13+$0xFFFFFF80];
	v6 =	vshll.u32 v6, v1;
	v7 =	vshll.u32 v7, v1;
	v10 =	vshll.u32 v8, v1  }
0x223: {  	v16 =	vadd.s32 $0x6, v6;
	v17 =	vadd.s32 $0x7, v7;
	v6 =	vmov s23  }
0x224: {  	v4 =	vbroadcast v4, $0x0;
	v7 =	vmov s22;
	v6 =	vshrl.u32 v6, $0x3  }
0x225: {  	v8 =	vmov s21;
	v7 =	vshrl.u32 v7, $0x3;
	v6 =	vshll.u32 v6, v1  }
0x226: {  	v11 =	vadd.s32 $0x1, v6;
	v6 =	vshll.u32 v7, v1;
	v7 =	vshrl.u32 v8, $0x3  }
0x227: {  	v5 =	vmul.f32 v15, v5;
	v8 =	vadd.s32 $0x2, v6;
	v6 =	vshll.u32 v7, v1  }
0x228: {  	v7 =	vmov s20;
	v15 =	vmov s19;
	v6 =	vadd.s32 $0x3, v6  }
0x229: {  	[tilespmem:s15+$0xFFFFFF80] =	vst v5;
	v5 =	vshrl.u32 v7, $0x3;
	v7 =	vshrl.u32 v15, $0x3;
	v15 =	vmov s18  }
0x22a: {  	v18 =	vld.idx.msk [tilespmem:v4+s29+$0x0], $0xffff;
	v4 =	vshll.u32 v5, v1;
	v5 =	vshll.u32 v7, v1;
	v15 =	vshrl.u32 v15, $0x3  }
0x22b: {  	v19 =	vld [tilespmem:s13+$0xFFFFFF90];
	v7 =	vadd.s32 $0x4, v4;
	v5 =	vadd.s32 $0x5, v5;
	v4 =	vshll.u32 v15, v1  }
0x22c: {  	v3 =	vshrl.u32 v3, $0x3;
	v4 =	vadd.s32 $0x6, v4  }
0x22d: {  	v12 =	vbroadcast v12, $0x0;
	v3 =	vshll.u32 v3, v1  }
0x22e: {  	v3 =	vadd.s32 $0x7, v3;
	_ =	sdelay $0x1  }
0x22f: {  	v15 =	vmul.f32 v19, v18;
	_ =	sdelay $0x1  }
0x230: {  	[tilespmem:s15+$0xFFFFFF90] =	vst v15  }
0x231: {  	v12 =	vld.idx.msk [tilespmem:v12+s29+$0x0], $0xffff  }
0x232: {  	v15 =	vld [tilespmem:s13+$0xFFFFFFA0];
	_ =	sdelay $0x1  }
0x233: {  	v14 =	vbroadcast v14, $0x0;
	_ =	sdelay $0x2  }
0x234: {  	v12 =	vmul.f32 v15, v12;
	_ =	sdelay $0x1  }
0x235: {  	[tilespmem:s15+$0xFFFFFFA0] =	vst v12  }
0x236: {  	v12 =	vld.idx.msk [tilespmem:v14+s29+$0x0], $0xffff  }
0x237: {  	v14 =	vld [tilespmem:s13+$0xFFFFFFB0];
	_ =	sdelay $0x1  }
0x238: {  	v13 =	vbroadcast v13, $0x0;
	_ =	sdelay $0x2  }
0x239: {  	v12 =	vmul.f32 v14, v12;
	_ =	sdelay $0x1  }
0x23a: {  	[tilespmem:s15+$0xFFFFFFB0] =	vst v12  }
0x23b: {  	v12 =	vld.idx.msk [tilespmem:v13+s29+$0x0], $0xffff  }
0x23c: {  	v13 =	vld [tilespmem:s13+$0xFFFFFFC0]  }
0x23d: {  	v9 =	vadd.s32 $0x5, v9  }
0x23e: {  	v9 =	vbroadcast v9, $0x0;
	_ =	sdelay $0x2  }
0x23f: {  	v12 =	vmul.f32 v13, v12;
	_ =	sdelay $0x1  }
0x240: {  	[tilespmem:s15+$0xFFFFFFC0] =	vst v12  }
0x241: {  	v9 =	vld.idx.msk [tilespmem:v9+s29+$0x0], $0xffff  }
0x242: {  	v12 =	vld [tilespmem:s13+$0xFFFFFFD0];
	_ =	sdelay $0x1  }
0x243: {  	v13 =	vbroadcast v16, $0x0;
	_ =	sdelay $0x2  }
0x244: {  	v9 =	vmul.f32 v12, v9;
	_ =	sdelay $0x1  }
0x245: {  	[tilespmem:s15+$0xFFFFFFD0] =	vst v9  }
0x246: {  	v9 =	vld.idx.msk [tilespmem:v13+s29+$0x0], $0xffff  }
0x247: {  	v12 =	vld [tilespmem:s13+$0xFFFFFFE0];
	_ =	sdelay $0x1  }
0x248: {  	v13 =	vbroadcast v17, $0x0;
	_ =	sdelay $0x2  }
0x249: {  	v9 =	vmul.f32 v12, v9;
	_ =	sdelay $0x1  }
0x24a: {  	[tilespmem:s15+$0xFFFFFFE0] =	vst v9  }
0x24b: {  	v9 =	vld.idx.msk [tilespmem:v13+s29+$0x0], $0xffff  }
0x24c: {  	v12 =	vld [tilespmem:s13+$0xFFFFFFF0];
	_ =	sdelay $0x1  }
0x24d: {  	v10 =	vbroadcast v10, $0x0;
	_ =	sdelay $0x2  }
0x24e: {  	v9 =	vmul.f32 v12, v9;
	_ =	sdelay $0x1  }
0x24f: {  	[tilespmem:s15+$0xFFFFFFF0] =	vst v9  }
0x250: {  	v9 =	vld.idx.msk [tilespmem:v10+s29+$0x0], $0xffff  }
0x251: {  	v10 =	vld [tilespmem:s13+$0x0];
	_ =	sdelay $0x1  }
0x252: {  	v11 =	vbroadcast v11, $0x0;
	_ =	sdelay $0x2  }
0x253: {  	v9 =	vmul.f32 v10, v9;
	_ =	sdelay $0x1  }
0x254: {  	[tilespmem:s15+$0x0] =	vst v9  }
0x255: {  	v9 =	vld.idx.msk [tilespmem:v11+s29+$0x0], $0xffff  }
0x256: {  	v10 =	vld [tilespmem:s13+$0x10];
	_ =	sdelay $0x1  }
0x257: {  	v8 =	vbroadcast v8, $0x0;
	_ =	sdelay $0x2  }
0x258: {  	v9 =	vmul.f32 v10, v9;
	_ =	sdelay $0x1  }
0x259: {  	[tilespmem:s15+$0x10] =	vst v9  }
0x25a: {  	v8 =	vld.idx.msk [tilespmem:v8+s29+$0x0], $0xffff  }
0x25b: {  	v9 =	vld [tilespmem:s13+$0x20];
	_ =	sdelay $0x1  }
0x25c: {  	v6 =	vbroadcast v6, $0x0;
	_ =	sdelay $0x2  }
0x25d: {  	v8 =	vmul.f32 v9, v8;
	_ =	sdelay $0x1  }
0x25e: {  	[tilespmem:s15+$0x20] =	vst v8  }
0x25f: {  	v6 =	vld.idx.msk [tilespmem:v6+s29+$0x0], $0xffff  }
0x260: {  	v8 =	vld [tilespmem:s13+$0x30];
	_ =	sdelay $0x1  }
0x261: {  	v7 =	vbroadcast v7, $0x0;
	_ =	sdelay $0x2  }
0x262: {  	v6 =	vmul.f32 v8, v6;
	_ =	sdelay $0x1  }
0x263: {  	[tilespmem:s15+$0x30] =	vst v6  }
0x264: {  	v6 =	vld.idx.msk [tilespmem:v7+s29+$0x0], $0xffff  }
0x265: {  	v7 =	vld [tilespmem:s13+$0x40];
	_ =	sdelay $0x1  }
0x266: {  	v5 =	vbroadcast v5, $0x0;
	_ =	sdelay $0x2  }
0x267: {  	v6 =	vmul.f32 v7, v6;
	_ =	sdelay $0x1  }
0x268: {  	[tilespmem:s15+$0x40] =	vst v6  }
0x269: {  	v5 =	vld.idx.msk [tilespmem:v5+s29+$0x0], $0xffff  }
0x26a: {  	v6 =	vld [tilespmem:s13+$0x50];
	_ =	sdelay $0x1  }
0x26b: {  	v4 =	vbroadcast v4, $0x0;
	_ =	sdelay $0x2  }
0x26c: {  	v5 =	vmul.f32 v6, v5;
	_ =	sdelay $0x1  }
0x26d: {  	[tilespmem:s15+$0x50] =	vst v5  }
0x26e: {  	v4 =	vld.idx.msk [tilespmem:v4+s29+$0x0], $0xffff  }
0x26f: {  	v5 =	vld [tilespmem:s13+$0x60];
	_ =	sdelay $0x1  }
0x270: {  	v6 =	vbroadcast v3, $0x0;
	_ =	sdelay $0x2  }
0x271: {  	v4 =	vmul.f32 v5, v4  }
0x272: {  	s4 =	sadd.s32 s11, s17  }
0x273: {  	s1 =	sadd.s32 $0xFFFFFFF1, s4;
	s14 =	sadd.s32 $0xFFFFFFF2, s4;
	s17 =	sadd.s32 $0xFFFFFFF3, s4;
	v3 =	vmov s4;
	[tilespmem:s15+$0x60] =	vst v4  }
0x274: {  	s31 =	sadd.s32 $0xFFFFFFF6, s4;
	s18 =	sadd.s32 $0xFFFFFFF5, s4;
	v7 =	vmov s17;
	v5 =	vmov s14;
	s14 =	sadd.s32 $0xFFFFFFF4, s4;
	v4 =	vmov s1;
	v6 =	vld.idx.msk [tilespmem:v6+s29+$0x0], $0xffff  }
0x275: {  	s28 =	sadd.s32 $0xFFFFFFF7, s4;
	s17 =	sadd.s32 $0xFFFFFFF9, s4;
	v7 =	vshrl.u32 v7, $0x3;
	v5 =	vshrl.u32 v5, $0x3;
	s1 =	sadd.s32 $0xFFFFFFF8, s4;
	v4 =	vshrl.u32 v4, $0x3;
	v8 =	vld [tilespmem:s13+$0x70]  }
0x276: {  	s21 =	sadd.s32 $0xFFFFFFFC, s4;
	s23 =	sadd.s32 $0xFFFFFFFA, s4;
	s22 =	sadd.s32 $0xFFFFFFFB, s4;
	v7 =	vshll.u32 v7, v1;
	v9 =	vshll.u32 v5, v1;
	v4 =	vshll.u32 v4, v1  }
.Ltmp1:
0x277: {  	s20 =	sadd.s32 $0xFFFFFFFD, s4;
	s19 =	sadd.s32 $0xFFFFFFFE, s4;
	v12 =	vadd.s32 $0x2, v7;
	v5 =	vbroadcast v4, $0x0;
	v4 =	vadd.s32 $0x1, v9;
	(pc) =	sbr.rel @p2 .LBB2_5-.Ltmp1, $4  }
0x278: {  	v10 =	vmov s31;
	v7 =	vmov s14;
	v9 =	vmov s18;
	s18 =	sadd.s32 $0xFFFFFFFF, s4  }
0x279: {  	v10 =	vshrl.u32 v10, $0x3;
	v7 =	vshrl.u32 v7, $0x3;
	v9 =	vshrl.u32 v9, $0x3  }
0x27a: {  	v7 =	vshll.u32 v7, v1;
	v9 =	vshll.u32 v9, v1;
	v6 =	vmul.f32 v8, v6  }
0x27b: {  	s14 =	smov.u32 s16;
	v14 =	vadd.s32 $0x3, v7;
	v13 =	vadd.s32 $0x4, v9;
	v9 =	vshll.u32 v10, v1  }
0x27c: {  	_ =	sdelay $0x2  }
0x27d: {  	[tilespmem:s15+$0x70] =	vst v6  }
0x27e: {  	s13 =	sadd.s32 $0x100, s13;
	v5 =	vld.idx.msk [tilespmem:v5+s29+$0x0], $0xffff  }
0x27f: {  	v6 =	vld [tilespmem:s13+$0xFFFFFF80];
	_ =	sdelay $0x1  }
0x280: {  	v4 =	vbroadcast v4, $0x0;
	_ =	sdelay $0x2  }
0x281: {  	v5 =	vmul.f32 v6, v5  }
0x282: {  	s14 =	sadd.s32 $0x100, s15  }
0x283: {  	[tilespmem:s14+$0xFFFFFF80] =	vst v5  }
0x284: {  	v4 =	vld.idx.msk [tilespmem:v4+s29+$0x0], $0xffff  }
0x285: {  	v5 =	vld [tilespmem:s13+$0xFFFFFF90];
	_ =	sdelay $0x1  }
0x286: {  	v30 =	vbroadcast v12, $0x0;
	_ =	sdelay $0x2  }
0x287: {  	v4 =	vmul.f32 v5, v4;
	_ =	sdelay $0x1  }
0x288: {  	[tilespmem:s14+$0xFFFFFF90] =	vst v4  }
0x289: {  	v4 =	vld.idx.msk [tilespmem:v30+s29+$0x0], $0xffff  }
0x28a: {  	v31 =	vld [tilespmem:s13+$0xFFFFFFA0];
	_ =	sdelay $0x1  }
0x28b: {  	v32 =	vbroadcast v14, $0x0;
	_ =	sdelay $0x2  }
0x28c: {  	v4 =	vmul.f32 v31, v4;
	_ =	sdelay $0x1  }
0x28d: {  	[tilespmem:s14+$0xFFFFFFA0] =	vst v4  }
0x28e: {  	v4 =	vld.idx.msk [tilespmem:v32+s29+$0x0], $0xffff  }
0x28f: {  	v33 =	vld [tilespmem:s13+$0xFFFFFFB0];
	_ =	sdelay $0x1  }
0x290: {  	v34 =	vbroadcast v13, $0x0;
	_ =	sdelay $0x2  }
0x291: {  	v4 =	vmul.f32 v33, v4;
	_ =	sdelay $0x1  }
0x292: {  	[tilespmem:s14+$0xFFFFFFB0] =	vst v4  }
0x293: {  	v4 =	vld.idx.msk [tilespmem:v34+s29+$0x0], $0xffff  }
0x294: {  	v35 =	vld [tilespmem:s13+$0xFFFFFFC0]  }
0x295: {  	v36 =	vadd.s32 $0x5, v9  }
0x296: {  	v6 =	vbroadcast v36, $0x0;
	_ =	sdelay $0x2  }
0x297: {  	v4 =	vmul.f32 v35, v4;
	_ =	sdelay $0x1  }
0x298: {  	v37 =	vmov s28;
	[tilespmem:s14+$0xFFFFFFC0] =	vst v4  }
0x299: {  	v38 =	vshrl.u32 v37, $0x3;
	v39 =	vld.idx.msk [tilespmem:v6+s29+$0x0], $0xffff  }
0x29a: {  	v4 =	vshll.u32 v38, v1;
	v40 =	vld [tilespmem:s13+$0xFFFFFFD0]  }
0x29b: {  	v4 =	vadd.s32 $0x6, v4  }
0x29c: {  	v4 =	vbroadcast v4, $0x0;
	_ =	sdelay $0x2  }
0x29d: {  	v5 =	vmul.f32 v40, v39;
	_ =	sdelay $0x1  }
0x29e: {  	v41 =	vmov s1;
	[tilespmem:s14+$0xFFFFFFD0] =	vst v5  }
0x29f: {  	v42 =	vshrl.u32 v41, $0x3;
	v4 =	vld.idx.msk [tilespmem:v4+s29+$0x0], $0xffff  }
0x2a0: {  	v5 =	vshll.u32 v42, v1;
	v43 =	vld [tilespmem:s13+$0xFFFFFFE0]  }
0x2a1: {  	v5 =	vadd.s32 $0x7, v5  }
0x2a2: {  	v5 =	vbroadcast v5, $0x0;
	_ =	sdelay $0x2  }
0x2a3: {  	v4 =	vmul.f32 v43, v4;
	_ =	sdelay $0x1  }
0x2a4: {  	[tilespmem:s14+$0xFFFFFFE0] =	vst v4  }
0x2a5: {  	v44 =	vmov s17;
	v5 =	vld.idx.msk [tilespmem:v5+s29+$0x0], $0xffff  }
0x2a6: {  	v4 =	vshrl.u32 v44, $0x3;
	v45 =	vld [tilespmem:s13+$0xFFFFFFF0]  }
0x2a7: {  	v4 =	vshll.u32 v4, v1  }
0x2a8: {  	v4 =	vbroadcast v4, $0x0;
	_ =	sdelay $0x2  }
0x2a9: {  	v5 =	vmul.f32 v45, v5;
	_ =	sdelay $0x1  }
0x2aa: {  	v46 =	vmov s23;
	[tilespmem:s14+$0xFFFFFFF0] =	vst v5  }
0x2ab: {  	v47 =	vshrl.u32 v46, $0x3;
	v4 =	vld.idx.msk [tilespmem:v4+s29+$0x0], $0xffff  }
0x2ac: {  	v5 =	vshll.u32 v47, v1;
	v48 =	vld [tilespmem:s13+$0x0]  }
0x2ad: {  	v5 =	vadd.s32 $0x1, v5  }
0x2ae: {  	v5 =	vbroadcast v5, $0x0;
	_ =	sdelay $0x2  }
0x2af: {  	v4 =	vmul.f32 v48, v4;
	_ =	sdelay $0x1  }
0x2b0: {  	v49 =	vmov s22;
	[tilespmem:s14+$0x0] =	vst v4  }
0x2b1: {  	v50 =	vshrl.u32 v49, $0x3;
	v5 =	vld.idx.msk [tilespmem:v5+s29+$0x0], $0xffff  }
0x2b2: {  	v4 =	vshll.u32 v50, v1;
	v51 =	vld [tilespmem:s13+$0x10]  }
0x2b3: {  	v4 =	vadd.s32 $0x2, v4  }
0x2b4: {  	v4 =	vbroadcast v4, $0x0;
	_ =	sdelay $0x2  }
0x2b5: {  	v5 =	vmul.f32 v51, v5;
	_ =	sdelay $0x1  }
0x2b6: {  	v52 =	vmov s21;
	[tilespmem:s14+$0x10] =	vst v5  }
0x2b7: {  	v53 =	vshrl.u32 v52, $0x3;
	v4 =	vld.idx.msk [tilespmem:v4+s29+$0x0], $0xffff  }
0x2b8: {  	v5 =	vshll.u32 v53, v1;
	v54 =	vld [tilespmem:s13+$0x20]  }
0x2b9: {  	v5 =	vadd.s32 $0x3, v5  }
0x2ba: {  	v5 =	vbroadcast v5, $0x0;
	_ =	sdelay $0x2  }
0x2bb: {  	v4 =	vmul.f32 v54, v4;
	_ =	sdelay $0x1  }
0x2bc: {  	v55 =	vmov s20;
	[tilespmem:s14+$0x20] =	vst v4  }
0x2bd: {  	v56 =	vshrl.u32 v55, $0x3;
	v5 =	vld.idx.msk [tilespmem:v5+s29+$0x0], $0xffff  }
0x2be: {  	v4 =	vshll.u32 v56, v1;
	v57 =	vld [tilespmem:s13+$0x30]  }
0x2bf: {  	v4 =	vadd.s32 $0x4, v4  }
0x2c0: {  	v4 =	vbroadcast v4, $0x0;
	_ =	sdelay $0x2  }
0x2c1: {  	v5 =	vmul.f32 v57, v5;
	_ =	sdelay $0x1  }
0x2c2: {  	v58 =	vmov s19;
	[tilespmem:s14+$0x30] =	vst v5  }
0x2c3: {  	v59 =	vshrl.u32 v58, $0x3;
	v4 =	vld.idx.msk [tilespmem:v4+s29+$0x0], $0xffff  }
0x2c4: {  	v5 =	vshll.u32 v59, v1;
	v60 =	vld [tilespmem:s13+$0x40]  }
0x2c5: {  	v5 =	vadd.s32 $0x5, v5  }
0x2c6: {  	v5 =	vbroadcast v5, $0x0;
	_ =	sdelay $0x2  }
0x2c7: {  	v4 =	vmul.f32 v60, v4;
	_ =	sdelay $0x1  }
0x2c8: {  	v61 =	vmov s18;
	[tilespmem:s14+$0x40] =	vst v4  }
0x2c9: {  	v62 =	vshrl.u32 v61, $0x3;
	v5 =	vld.idx.msk [tilespmem:v5+s29+$0x0], $0xffff  }
0x2ca: {  	v4 =	vshll.u32 v62, v1;
	v63 =	vld [tilespmem:s13+$0x50]  }
0x2cb: {  	v4 =	vadd.s32 $0x6, v4  }
0x2cc: {  	v4 =	vbroadcast v4, $0x0;
	_ =	sdelay $0x2  }
0x2cd: {  	v5 =	vmul.f32 v63, v5;
	_ =	sdelay $0x1  }
0x2ce: {  	[tilespmem:s14+$0x50] =	vst v5  }
0x2cf: {  	v3 =	vshrl.u32 v3, $0x3;
	v4 =	vld.idx.msk [tilespmem:v4+s29+$0x0], $0xffff  }
0x2d0: {  	v3 =	vshll.u32 v3, v1;
	v5 =	vld [tilespmem:s13+$0x60]  }
0x2d1: {  	v3 =	vadd.s32 $0x7, v3  }
0x2d2: {  	v3 =	vbroadcast v3, $0x0;
	_ =	sdelay $0x2  }
0x2d3: {  	v4 =	vmul.f32 v5, v4;
	_ =	sdelay $0x1  }
0x2d4: {  	[tilespmem:s14+$0x60] =	vst v4  }
0x2d5: {  	v3 =	vld.idx.msk [tilespmem:v3+s29+$0x0], $0xffff  }
0x2d6: {  	v4 =	vld [tilespmem:s13+$0x70];
	_ =	sdelay $0x2  }
0x2d7: {  	s31 =	smul.u32 $0x2800, s12;
	p2 =	sne.s32 s10, $0x7D  }
.Ltmp2:
0x2d8: {  	_ = 	snop;
	(pc) =	sbr.rel @p2 .LBB2_4-.Ltmp2, $4  }
0x2d9: {  	v3 =	vmul.f32 v4, v3  }
0x2da: {  	s4 =	sadd.s32 $0x11440, s11;
	s1 =	sshrl.u32 s31, $0x2  }
0x2db: {  	p1 =	por !p1, !p1;
	s12 =	smov.u32 s10;
	s1 =	sadd.s32 $0x1C480, s1;
	[tilespmem:s14+$0x70] =	vst v3  }
0x2dc: {  	[spmem:s3] =	stream.indirect.scatter.add.f32 [tilespmem:s1], [sflag:$0x2], $0x10, s4, s0, $0xb8;
	[tilespmem:$0x1FFA0] =	vst v63  }
0x2dd: {  	_ =	swait.ge [sflag:s30], $0xA00  }
0x2de: {  	[sflag:s30] =	ssyncset.done $0x0  }
0x2df: {  	[sflag:s30] =	ssyncadd.s32 $0xFFFFF600  }
0x2e0: {  	[bflag:$0x0] =	sbarrier.arrive $0xFFFF  }
0x2e1: {  	s1 =	simm.s32 @p0 $0x1FC3;
	s4 =	rddreg [dreg:$0xd]  }
0x2e2: {  	[hbm:s4], [sflag:s1] =	dma.local @p0 [spmem:s5], $0x500  }
0x2e3: {  	s4 =	simm.s32 @p0 $0x3  }
0x2e4: {  	_ =	swait.ge @p0 [sflag:s4], $0x500  }
0x2e5: {  	[sflag:s4] =	ssyncset.done @p0 $0x0  }
0x2e6: {  	[sflag:s4] =	ssyncadd.s32 @p0 $0xFFFFFB00  }
0x2e7: {  	[spmem:s5], [sflag:s1] =	dma.local @p0 [hbm:s8], $0x500  }
0x2e8: {  	_ =	swait.ge @p0 [sflag:s4], $0x500  }
0x2e9: {  	[sflag:s4] =	ssyncset.done @p0 $0x0;
	s1 =	rddreg [dreg:$0xc]  }
0x2ea: {  	[sflag:s4] =	ssyncadd.s32 @p0 $0xFFFFFB00;
	s10 =	sshrl.u32 @!p0 s1, $0x3;
	s1 =	rddreg [dreg:$0xb]  }
0x2eb: {  	[hbm:s1], [sflag:s6] =	dma.local @!p0 [spmem:s10], $0x4E0  }
0x2ec: {  	s1 =	simm.s32 @!p0 $0x3  }
0x2ed: {  	_ =	swait.ge @!p0 [sflag:s1], $0x4E0  }
0x2ee: {  	[sflag:s1] =	ssyncset.done @!p0 $0x0  }
0x2ef: {  	[sflag:s1] =	ssyncadd.s32 @!p0 $0xFFFFFB20  }
0x2f0: {  	[spmem:s7], [sflag:s6] =	dma.local @!p0 [hbm:s8], $0x4E0  }
0x2f1: {  	_ =	swait.ge @!p0 [sflag:s1], $0x4E0  }
0x2f2: {  	[sflag:s1] =	ssyncset.done @!p0 $0x0  }
0x2f3: {  	[sflag:s1] =	ssyncadd.s32 @!p0 $0xFFFFFB20  }
0x2f4: {  	[bflag:$0x0] =	sbarrier.arrive $0xFFFF  }
0x2f5: {  	v2 =	vld [tilespmem:$0xC620]  }
0x2f6: {  	v3 =	vld [tilespmem:$0xC630]  }
0x2f7: {  	v4 =	vld [tilespmem:$0xC640]  }
0x2f8: {  	v5 =	vld [tilespmem:$0xC650]  }
0x2f9: {  	v6 =	vld [tilespmem:$0xC660]  }
0x2fa: {  	v7 =	vld [tilespmem:$0xC670];
	v2 =	vadd.s32 $0x2710, v2  }
0x2fb: {  	[tilespmem:$0xC620] =	vst v2;
	v2 =	vadd.s32 $0x2710, v3;
	v3 =	vld [tilespmem:$0xC680]  }
0x2fc: {  	v61 =	vld [tilespmem:$0xC690];
	[tilespmem:$0xC630] =	vst v2;
	v2 =	vadd.s32 $0x2710, v4  }
0x2fd: {  	v62 =	vld [tilespmem:$0xC6A0];
	[tilespmem:$0xC640] =	vst v2;
	v2 =	vadd.s32 $0x2710, v5  }
0x2fe: {  	v63 =	vld [tilespmem:$0xC6B0];
	[tilespmem:$0xC650] =	vst v2;
	v2 =	vadd.s32 $0x2710, v6  }
0x2ff: {  	[tilespmem:$0xC660] =	vst v2;
	v2 =	vadd.s32 $0x2710, v7  }
0x300: {  	[tilespmem:$0xC670] =	vst v2;
	v2 =	vadd.s32 $0x2710, v3  }
0x301: {  	[tilespmem:$0xC680] =	vst v2;
	v2 =	vadd.s32 $0x2710, v61  }
0x302: {  	[tilespmem:$0xC690] =	vst v2;
	v2 =	vadd.s32 $0x2710, v62  }
0x303: {  	s28 =	simm.s32 $0xC620;
	[tilespmem:$0xC6A0] =	vst v2;
	v2 =	vadd.s32 $0x2710, v63  }
0x304: {  	s31 =	simm.s32 $0x1B080;
	s16 =	simm.s32 $0x0;
	p1 =	por $0x0, $0x0;
	[tilespmem:$0xC6B0] =	vst v2  }
0x305: {  	[tilespmem:s31], [sflag:$0x1] =	stream.indirect.gather [hbm4b:s9+s0], $0x10, s28, s0, $0xb8;
	[tilespmem:$0x1FFA0] =	vst v63  }
.LBB2_8:
0x306: {  	s11 =	sadd.s32 $0x1, s16;
	p2 =	seq.s32 s16, $0x7C  }
0x307: {  	s1 =	smul.u32 @!p2 $0x280, s11;
	_ =	sdelay $0x1  }
0x308: {  	s1 =	sshra.s32 @!p2 s1, $0x2  }
0x309: {  	v2 =	vld @!p2 [tilespmem:s1+$0xC620]  }
0x30a: {  	v3 =	vld @!p2 [tilespmem:s1+$0xC630]  }
0x30b: {  	v4 =	vld @!p2 [tilespmem:s1+$0xC640]  }
0x30c: {  	v5 =	vld @!p2 [tilespmem:s1+$0xC650]  }
0x30d: {  	v6 =	vld @!p2 [tilespmem:s1+$0xC660]  }
0x30e: {  	v7 =	vld @!p2 [tilespmem:s1+$0xC670];
	v2 =	vadd.s32 @!p2 $0x2710, v2  }
0x30f: {  	[tilespmem:s1+$0xC620] =	vst @!p2 v2;
	v2 =	vadd.s32 @!p2 $0x2710, v3;
	v3 =	vld @!p2 [tilespmem:s1+$0xC680]  }
0x310: {  	[tilespmem:s1+$0xC630] =	vst @!p2 v2;
	v2 =	vadd.s32 @!p2 $0x2710, v4;
	v4 =	vld @!p2 [tilespmem:s1+$0xC690]  }
0x311: {  	[tilespmem:s1+$0xC640] =	vst @!p2 v2;
	v2 =	vadd.s32 @!p2 $0x2710, v5;
	v5 =	vld @!p2 [tilespmem:s1+$0xC6A0]  }
0x312: {  	[tilespmem:s1+$0xC650] =	vst @!p2 v2;
	v2 =	vadd.s32 @!p2 $0x2710, v6;
	v6 =	vld @!p2 [tilespmem:s1+$0xC6B0]  }
0x313: {  	[tilespmem:s1+$0xC660] =	vst @!p2 v2;
	v2 =	vadd.s32 @!p2 $0x2710, v7  }
0x314: {  	[tilespmem:s1+$0xC670] =	vst @!p2 v2;
	v2 =	vadd.s32 @!p2 $0x2710, v3  }
0x315: {  	s4 =	sand.u32 @!p2 $0x1, s11;
	[tilespmem:s1+$0xC680] =	vst @!p2 v2;
	v2 =	vadd.s32 @!p2 $0x2710, v4  }
0x316: {  	p3 =	seq.s32 @!p2 s4, $0x1;
	[tilespmem:s1+$0xC690] =	vst @!p2 v2;
	v2 =	vadd.s32 @!p2 $0x2710, v5  }
0x317: {  	s4 =	simm.s32 @!p2 $0x1BA80;
	p3 =	por !p3, p2;
	[tilespmem:s1+$0xC6A0] =	vst @!p2 v2;
	v2 =	vadd.s32 @!p2 $0x2710, v6  }
0x318: {  	s12 =	sadd.s32 @!p2 $0xC620, s1;
	s4 =	simm.s32 @p3 $0x1B080;
	[tilespmem:s1+$0xC6B0] =	vst @!p2 v2;
	s1 =	simm.s32 @!p2 $0xA0  }
0x319: {  	[tilespmem:s4], [sflag:$0x1] =	stream.indirect.gather @!p2 [hbm4b:s9+s1], $0x10, s12, s1, $0xb8;
	[tilespmem:$0x1FFA0] =	vst v63  }
0x31a: {  	s12 =	smul.u32 $0xA0, s16;
	_ =	sdelay $0x1  }
0x31b: {  	s17 =	sadd.s32 $0xF, s12  }
0x31c: {  	s25 =	sadd.s32 $0xFFFFFFF1, s17  }
0x31d: {  	p3 =	seq.s32 @!p2 s16, $0x0;
	v2 =	vmov s25  }
0x31e: {  	p2 =	por p2, !p3;
	v2 =	vshrl.u32 v2, $0x3  }
0x31f: {  	s1 =	simm.s32 $0x1;
	_ =	swait.ge @p2 [sflag:s30], $0xA00;
	v2 =	vshll.u32 v2, v1  }
0x320: {  	s1 =	simm.s32 @!p1 $0x0;
	[sflag:s30] =	ssyncset.done @p2 $0x0;
	v2 =	vbroadcast v2, $0x0  }
0x321: {  	s1 =	smul.u32 $0x2800, s1;
	[sflag:s30] =	ssyncadd.s32 @p2 $0xFFFFF600  }
0x322: {  	_ =	swait.ge [sflag:s26], $0xA00  }
0x323: {  	s31 =	sadd.s32 $0xFFFFFFF2, s17;
	s1 =	sshrl.u32 s1, $0x2;
	[sflag:s26] =	ssyncset.done $0x0  }
0x324: {  	v3 =	vmov s31;
	s13 =	sor.u32 $0x1B100, s1;
	[sflag:s26] =	ssyncadd.s32 $0xFFFFF600  }
0x325: {  	v3 =	vshrl.u32 v3, $0x3;
	v4 =	vld [tilespmem:s13+$0xFFFFFF80]  }
0x326: {  	v3 =	vshll.u32 v3, v1;
	v2 =	vld.idx.msk [tilespmem:v2+s29+$0x0], $0xffff  }
0x327: {  	v3 =	vadd.s32 $0x1, v3  }
0x328: {  	v3 =	vbroadcast v3, $0x0;
	_ =	sdelay $0x2  }
0x329: {  	v2 =	vmul.f32 v4, v2  }
0x32a: {  	s4 =	sadd.s32 $0xFFFFFFF3, s17;
	s15 =	sadd.s32 $0x1C500, s1  }
0x32b: {  	v4 =	vmov s4;
	[tilespmem:s15+$0xFFFFFF80] =	vst v2  }
0x32c: {  	v2 =	vshrl.u32 v4, $0x3;
	v3 =	vld.idx.msk [tilespmem:v3+s29+$0x0], $0xffff  }
0x32d: {  	v2 =	vshll.u32 v2, v1;
	v4 =	vld [tilespmem:s13+$0xFFFFFF90]  }
0x32e: {  	v2 =	vadd.s32 $0x2, v2  }
0x32f: {  	v2 =	vbroadcast v2, $0x0;
	_ =	sdelay $0x2  }
0x330: {  	v3 =	vmul.f32 v4, v3  }
0x331: {  	s14 =	sadd.s32 $0xFFFFFFF4, s17  }
0x332: {  	v4 =	vmov s14;
	[tilespmem:s15+$0xFFFFFF90] =	vst v3  }
0x333: {  	v3 =	vshrl.u32 v4, $0x3;
	v2 =	vld.idx.msk [tilespmem:v2+s29+$0x0], $0xffff  }
0x334: {  	v3 =	vshll.u32 v3, v1;
	v4 =	vld [tilespmem:s13+$0xFFFFFFA0]  }
0x335: {  	v3 =	vadd.s32 $0x3, v3  }
0x336: {  	v3 =	vbroadcast v3, $0x0;
	_ =	sdelay $0x2  }
0x337: {  	v2 =	vmul.f32 v4, v2  }
0x338: {  	s18 =	sadd.s32 $0xFFFFFFF5, s17  }
0x339: {  	v4 =	vmov s18;
	[tilespmem:s15+$0xFFFFFFA0] =	vst v2  }
0x33a: {  	v2 =	vshrl.u32 v4, $0x3;
	v3 =	vld.idx.msk [tilespmem:v3+s29+$0x0], $0xffff  }
0x33b: {  	v2 =	vshll.u32 v2, v1;
	v4 =	vld [tilespmem:s13+$0xFFFFFFB0]  }
0x33c: {  	v2 =	vadd.s32 $0x4, v2  }
0x33d: {  	v2 =	vbroadcast v2, $0x0;
	_ =	sdelay $0x2  }
0x33e: {  	v3 =	vmul.f32 v4, v3  }
0x33f: {  	s19 =	sadd.s32 $0xFFFFFFF6, s17  }
0x340: {  	v4 =	vmov s19;
	[tilespmem:s15+$0xFFFFFFB0] =	vst v3  }
0x341: {  	v3 =	vshrl.u32 v4, $0x3;
	v2 =	vld.idx.msk [tilespmem:v2+s29+$0x0], $0xffff  }
0x342: {  	v3 =	vshll.u32 v3, v1;
	v4 =	vld [tilespmem:s13+$0xFFFFFFC0]  }
0x343: {  	v3 =	vadd.s32 $0x5, v3  }
0x344: {  	v3 =	vbroadcast v3, $0x0;
	_ =	sdelay $0x2  }
0x345: {  	v2 =	vmul.f32 v4, v2  }
0x346: {  	s20 =	sadd.s32 $0xFFFFFFF7, s17  }
0x347: {  	v4 =	vmov s20;
	[tilespmem:s15+$0xFFFFFFC0] =	vst v2  }
0x348: {  	v2 =	vshrl.u32 v4, $0x3;
	v3 =	vld.idx.msk [tilespmem:v3+s29+$0x0], $0xffff  }
0x349: {  	v2 =	vshll.u32 v2, v1;
	v4 =	vld [tilespmem:s13+$0xFFFFFFD0]  }
0x34a: {  	v2 =	vadd.s32 $0x6, v2  }
0x34b: {  	v2 =	vbroadcast v2, $0x0;
	_ =	sdelay $0x2  }
0x34c: {  	v3 =	vmul.f32 v4, v3  }
0x34d: {  	s21 =	sadd.s32 $0xFFFFFFF8, s17  }
0x34e: {  	v4 =	vmov s21;
	[tilespmem:s15+$0xFFFFFFD0] =	vst v3  }
0x34f: {  	v3 =	vshrl.u32 v4, $0x3;
	v2 =	vld.idx.msk [tilespmem:v2+s29+$0x0], $0xffff  }
0x350: {  	v3 =	vshll.u32 v3, v1;
	v4 =	vld [tilespmem:s13+$0xFFFFFFE0]  }
0x351: {  	v3 =	vadd.s32 $0x7, v3  }
0x352: {  	v3 =	vbroadcast v3, $0x0;
	_ =	sdelay $0x2  }
0x353: {  	v2 =	vmul.f32 v4, v2;
	_ =	sdelay $0x1  }
0x354: {  	s22 =	sadd.s32 $0xFFFFFFF9, s17;
	[tilespmem:s15+$0xFFFFFFE0] =	vst v2  }
0x355: {  	v2 =	vmov s22;
	v3 =	vld.idx.msk [tilespmem:v3+s29+$0x0], $0xffff  }
0x356: {  	v2 =	vshrl.u32 v2, $0x3;
	v4 =	vld [tilespmem:s13+$0xFFFFFFF0]  }
0x357: {  	v2 =	vshll.u32 v2, v1  }
0x358: {  	v2 =	vbroadcast v2, $0x0;
	_ =	sdelay $0x2  }
0x359: {  	v3 =	vmul.f32 v4, v3  }
0x35a: {  	s23 =	sadd.s32 $0xFFFFFFFA, s17  }
0x35b: {  	v4 =	vmov s23;
	[tilespmem:s15+$0xFFFFFFF0] =	vst v3  }
0x35c: {  	v3 =	vshrl.u32 v4, $0x3;
	v2 =	vld.idx.msk [tilespmem:v2+s29+$0x0], $0xffff  }
0x35d: {  	v3 =	vshll.u32 v3, v1;
	v4 =	vld [tilespmem:s13+$0x0]  }
0x35e: {  	v3 =	vadd.s32 $0x1, v3  }
0x35f: {  	v3 =	vbroadcast v3, $0x0;
	_ =	sdelay $0x2  }
0x360: {  	v2 =	vmul.f32 v4, v2  }
0x361: {  	s25 =	sadd.s32 $0xFFFFFFFB, s17  }
0x362: {  	v4 =	vmov s25;
	[tilespmem:s15+$0x0] =	vst v2  }
0x363: {  	v2 =	vshrl.u32 v4, $0x3;
	v3 =	vld.idx.msk [tilespmem:v3+s29+$0x0], $0xffff  }
0x364: {  	v2 =	vshll.u32 v2, v1;
	v4 =	vld [tilespmem:s13+$0x10]  }
0x365: {  	v2 =	vadd.s32 $0x2, v2  }
0x366: {  	v2 =	vbroadcast v2, $0x0;
	_ =	sdelay $0x2  }
0x367: {  	v3 =	vmul.f32 v4, v3  }
0x368: {  	s31 =	sadd.s32 $0xFFFFFFFC, s17  }
0x369: {  	v4 =	vmov s31;
	[tilespmem:s15+$0x10] =	vst v3  }
0x36a: {  	v3 =	vshrl.u32 v4, $0x3;
	v2 =	vld.idx.msk [tilespmem:v2+s29+$0x0], $0xffff  }
0x36b: {  	v3 =	vshll.u32 v3, v1;
	v4 =	vld [tilespmem:s13+$0x20]  }
0x36c: {  	v3 =	vadd.s32 $0x3, v3  }
0x36d: {  	v3 =	vbroadcast v3, $0x0;
	_ =	sdelay $0x2  }
0x36e: {  	v2 =	vmul.f32 v4, v2  }
0x36f: {  	s4 =	sadd.s32 $0xFFFFFFFD, s17  }
0x370: {  	v4 =	vmov s4;
	[tilespmem:s15+$0x20] =	vst v2  }
0x371: {  	v2 =	vshrl.u32 v4, $0x3;
	v3 =	vld.idx.msk [tilespmem:v3+s29+$0x0], $0xffff  }
0x372: {  	v2 =	vshll.u32 v2, v1;
	v4 =	vld [tilespmem:s13+$0x30]  }
0x373: {  	v2 =	vadd.s32 $0x4, v2  }
0x374: {  	v2 =	vbroadcast v2, $0x0;
	_ =	sdelay $0x2  }
0x375: {  	v3 =	vmul.f32 v4, v3  }
0x376: {  	s14 =	sadd.s32 $0xFFFFFFFE, s17  }
0x377: {  	v4 =	vmov s14;
	[tilespmem:s15+$0x30] =	vst v3  }
0x378: {  	v3 =	vshrl.u32 v4, $0x3;
	v2 =	vld.idx.msk [tilespmem:v2+s29+$0x0], $0xffff  }
0x379: {  	v3 =	vshll.u32 v3, v1;
	v4 =	vld [tilespmem:s13+$0x40]  }
0x37a: {  	v3 =	vadd.s32 $0x5, v3  }
0x37b: {  	v3 =	vbroadcast v3, $0x0;
	_ =	sdelay $0x2  }
0x37c: {  	v2 =	vmul.f32 v4, v2  }
0x37d: {  	s18 =	sadd.s32 $0xFFFFFFFF, s17  }
0x37e: {  	v4 =	vmov s18;
	[tilespmem:s15+$0x40] =	vst v2  }
0x37f: {  	v2 =	vshrl.u32 v4, $0x3;
	v3 =	vld.idx.msk [tilespmem:v3+s29+$0x0], $0xffff  }
0x380: {  	v2 =	vshll.u32 v2, v1;
	v4 =	vld [tilespmem:s13+$0x50]  }
0x381: {  	v2 =	vadd.s32 $0x6, v2  }
0x382: {  	v2 =	vbroadcast v2, $0x0;
	_ =	sdelay $0x2  }
0x383: {  	v3 =	vmul.f32 v4, v3;
	_ =	sdelay $0x1  }
0x384: {  	v4 =	vmov s17;
	[tilespmem:s15+$0x50] =	vst v3  }
0x385: {  	v3 =	vshrl.u32 v4, $0x3;
	v2 =	vld.idx.msk [tilespmem:v2+s29+$0x0], $0xffff  }
0x386: {  	v3 =	vshll.u32 v3, v1;
	v4 =	vld [tilespmem:s13+$0x60]  }
0x387: {  	v3 =	vadd.s32 $0x7, v3  }
0x388: {  	v3 =	vbroadcast v3, $0x0;
	_ =	sdelay $0x2  }
0x389: {  	s19 =	sadd.s32 $0x1F, s12;
	v4 =	vmul.f32 v4, v2  }
0x38a: {  	s23 =	sadd.s32 $0xFFFFFFF3, s19  }
0x38b: {  	s22 =	sadd.s32 $0xFFFFFFF1, s19;
	v6 =	vmov s23;
	s14 =	sadd.s32 $0xFFFFFFF2, s19;
	s18 =	sadd.s32 $0xFFFFFFF6, s19;
	[tilespmem:s15+$0x60] =	vst v4  }
0x38c: {  	v5 =	vmov s14;
	v9 =	vmov s18;
	v4 =	vmov s22;
	v7 =	vld.idx.msk [tilespmem:v3+s29+$0x0], $0xffff  }
0x38d: {  	v3 =	vshrl.u32 v4, $0x3;
	v4 =	vshrl.u32 v5, $0x3;
	v5 =	vshrl.u32 v6, $0x3;
	v6 =	vld [tilespmem:s13+$0x70]  }
0x38e: {  	v9 =	vshrl.u32 v9, $0x3;
	v3 =	vshll.u32 v3, v1;
	v8 =	vshll.u32 v4, v1  }
0x38f: {  	s25 =	sadd.s32 $0xFFFFFFF4, s19;
	s31 =	sadd.s32 $0xFFFFFFF5, s19;
	v5 =	vshll.u32 v5, v1;
	v4 =	vbroadcast v3, $0x0;
	v3 =	vadd.s32 $0x1, v8  }
0x390: {  	s16 =	sand.u32 $0x1, s16;
	s28 =	sadd.s32 $0xFFFFFFF7, s19;
	v11 =	vadd.s32 $0x2, v5;
	v5 =	vmov s25;
	v8 =	vmov s31  }
0x391: {  	s1 =	sadd.s32 $0xFFFFFFF8, s19;
	s20 =	sadd.s32 $0xFFFFFFFE, s19;
	s21 =	sadd.s32 $0xFFFFFFFD, s19;
	v2 =	vmov s19;
	v5 =	vshrl.u32 v5, $0x3;
	v8 =	vshrl.u32 v8, $0x3  }
0x392: {  	s23 =	sadd.s32 $0xFFFFFFFB, s19;
	s14 =	sadd.s32 $0xFFFFFFFA, s19;
	s18 =	sadd.s32 $0xFFFFFFF9, s19;
	v10 =	vshll.u32 v5, v1;
	v8 =	vshll.u32 v8, v1;
	v5 =	vmul.f32 v6, v7  }
0x393: {  	s17 =	simm.s32 $0x2F;
	s22 =	sadd.s32 $0xFFFFFFFC, s19;
	s19 =	sadd.s32 $0xFFFFFFFF, s19;
	v13 =	vadd.s32 $0x3, v10;
	v12 =	vadd.s32 $0x4, v8;
	v8 =	vshll.u32 v9, v1  }
.LBB2_9:
0x394: {  	s13 =	sadd.s32 $0x100, s13  }
0x395: {  	v6 =	vmov s28;
	v7 =	vmov s1;
	v9 =	vmov s18;
	[tilespmem:s15+$0x70] =	vst v5;
	s15 =	sadd.s32 $0x100, s15;
	s18 =	smov.u32 s17;
	s4 =	sadd.s32 $0x10, s17  }
0x396: {  	p2 =	sne.s32 s17, $0x9F;
	v4 =	vld.idx.msk [tilespmem:v4+s29+$0x0], $0xffff;
	v5 =	vshrl.u32 v6, $0x3;
	v6 =	vshrl.u32 v7, $0x3;
	v7 =	vshrl.u32 v9, $0x3  }
0x397: {  	v14 =	vld [tilespmem:s13+$0xFFFFFF80];
	v5 =	vshll.u32 v5, v1;
	v6 =	vshll.u32 v6, v1;
	v9 =	vshll.u32 v7, v1  }
0x398: {  	v15 =	vadd.s32 $0x6, v5;
	v16 =	vadd.s32 $0x7, v6;
	v5 =	vmov s14  }
0x399: {  	v3 =	vbroadcast v3, $0x0;
	v6 =	vmov s23;
	v5 =	vshrl.u32 v5, $0x3  }
0x39a: {  	v7 =	vmov s22;
	v6 =	vshrl.u32 v6, $0x3;
	v5 =	vshll.u32 v5, v1  }
0x39b: {  	v10 =	vadd.s32 $0x1, v5;
	v5 =	vshll.u32 v6, v1;
	v6 =	vshrl.u32 v7, $0x3  }
0x39c: {  	v4 =	vmul.f32 v14, v4;
	v7 =	vadd.s32 $0x2, v5;
	v5 =	vshll.u32 v6, v1  }
0x39d: {  	v6 =	vmov s21;
	v14 =	vmov s20;
	v5 =	vadd.s32 $0x3, v5  }
0x39e: {  	[tilespmem:s15+$0xFFFFFF80] =	vst v4;
	v4 =	vshrl.u32 v6, $0x3;
	v6 =	vshrl.u32 v14, $0x3;
	v14 =	vmov s19  }
0x39f: {  	v17 =	vld.idx.msk [tilespmem:v3+s29+$0x0], $0xffff;
	v3 =	vshll.u32 v4, v1;
	v4 =	vshll.u32 v6, v1;
	v14 =	vshrl.u32 v14, $0x3  }
0x3a0: {  	v18 =	vld [tilespmem:s13+$0xFFFFFF90];
	v6 =	vadd.s32 $0x4, v3;
	v4 =	vadd.s32 $0x5, v4;
	v3 =	vshll.u32 v14, v1  }
0x3a1: {  	v2 =	vshrl.u32 v2, $0x3;
	v3 =	vadd.s32 $0x6, v3  }
0x3a2: {  	v11 =	vbroadcast v11, $0x0;
	v2 =	vshll.u32 v2, v1  }
0x3a3: {  	v2 =	vadd.s32 $0x7, v2;
	_ =	sdelay $0x1  }
0x3a4: {  	v14 =	vmul.f32 v18, v17;
	_ =	sdelay $0x1  }
0x3a5: {  	[tilespmem:s15+$0xFFFFFF90] =	vst v14  }
0x3a6: {  	v11 =	vld.idx.msk [tilespmem:v11+s29+$0x0], $0xffff  }
0x3a7: {  	v14 =	vld [tilespmem:s13+$0xFFFFFFA0];
	_ =	sdelay $0x1  }
0x3a8: {  	v13 =	vbroadcast v13, $0x0;
	_ =	sdelay $0x2  }
0x3a9: {  	v11 =	vmul.f32 v14, v11;
	_ =	sdelay $0x1  }
0x3aa: {  	[tilespmem:s15+$0xFFFFFFA0] =	vst v11  }
0x3ab: {  	v11 =	vld.idx.msk [tilespmem:v13+s29+$0x0], $0xffff  }
0x3ac: {  	v13 =	vld [tilespmem:s13+$0xFFFFFFB0];
	_ =	sdelay $0x1  }
0x3ad: {  	v12 =	vbroadcast v12, $0x0;
	_ =	sdelay $0x2  }
0x3ae: {  	v11 =	vmul.f32 v13, v11;
	_ =	sdelay $0x1  }
0x3af: {  	[tilespmem:s15+$0xFFFFFFB0] =	vst v11  }
0x3b0: {  	v11 =	vld.idx.msk [tilespmem:v12+s29+$0x0], $0xffff  }
0x3b1: {  	v12 =	vld [tilespmem:s13+$0xFFFFFFC0]  }
0x3b2: {  	v8 =	vadd.s32 $0x5, v8  }
0x3b3: {  	v8 =	vbroadcast v8, $0x0;
	_ =	sdelay $0x2  }
0x3b4: {  	v11 =	vmul.f32 v12, v11;
	_ =	sdelay $0x1  }
0x3b5: {  	[tilespmem:s15+$0xFFFFFFC0] =	vst v11  }
0x3b6: {  	v8 =	vld.idx.msk [tilespmem:v8+s29+$0x0], $0xffff  }
0x3b7: {  	v11 =	vld [tilespmem:s13+$0xFFFFFFD0];
	_ =	sdelay $0x1  }
0x3b8: {  	v12 =	vbroadcast v15, $0x0;
	_ =	sdelay $0x2  }
0x3b9: {  	v8 =	vmul.f32 v11, v8;
	_ =	sdelay $0x1  }
0x3ba: {  	[tilespmem:s15+$0xFFFFFFD0] =	vst v8  }
0x3bb: {  	v8 =	vld.idx.msk [tilespmem:v12+s29+$0x0], $0xffff  }
0x3bc: {  	v11 =	vld [tilespmem:s13+$0xFFFFFFE0];
	_ =	sdelay $0x1  }
0x3bd: {  	v12 =	vbroadcast v16, $0x0;
	_ =	sdelay $0x2  }
0x3be: {  	v8 =	vmul.f32 v11, v8;
	_ =	sdelay $0x1  }
0x3bf: {  	[tilespmem:s15+$0xFFFFFFE0] =	vst v8  }
0x3c0: {  	v8 =	vld.idx.msk [tilespmem:v12+s29+$0x0], $0xffff  }
0x3c1: {  	v11 =	vld [tilespmem:s13+$0xFFFFFFF0];
	_ =	sdelay $0x1  }
0x3c2: {  	v9 =	vbroadcast v9, $0x0;
	_ =	sdelay $0x2  }
0x3c3: {  	v8 =	vmul.f32 v11, v8;
	_ =	sdelay $0x1  }
0x3c4: {  	[tilespmem:s15+$0xFFFFFFF0] =	vst v8  }
0x3c5: {  	v8 =	vld.idx.msk [tilespmem:v9+s29+$0x0], $0xffff  }
0x3c6: {  	v9 =	vld [tilespmem:s13+$0x0];
	_ =	sdelay $0x1  }
0x3c7: {  	v10 =	vbroadcast v10, $0x0;
	_ =	sdelay $0x2  }
0x3c8: {  	v8 =	vmul.f32 v9, v8;
	_ =	sdelay $0x1  }
0x3c9: {  	[tilespmem:s15+$0x0] =	vst v8  }
0x3ca: {  	v8 =	vld.idx.msk [tilespmem:v10+s29+$0x0], $0xffff  }
0x3cb: {  	v9 =	vld [tilespmem:s13+$0x10];
	_ =	sdelay $0x1  }
0x3cc: {  	v7 =	vbroadcast v7, $0x0;
	_ =	sdelay $0x2  }
0x3cd: {  	v8 =	vmul.f32 v9, v8;
	_ =	sdelay $0x1  }
0x3ce: {  	[tilespmem:s15+$0x10] =	vst v8  }
0x3cf: {  	v7 =	vld.idx.msk [tilespmem:v7+s29+$0x0], $0xffff  }
0x3d0: {  	v8 =	vld [tilespmem:s13+$0x20];
	_ =	sdelay $0x1  }
0x3d1: {  	v5 =	vbroadcast v5, $0x0;
	_ =	sdelay $0x2  }
0x3d2: {  	v7 =	vmul.f32 v8, v7;
	_ =	sdelay $0x1  }
0x3d3: {  	[tilespmem:s15+$0x20] =	vst v7  }
0x3d4: {  	v5 =	vld.idx.msk [tilespmem:v5+s29+$0x0], $0xffff  }
0x3d5: {  	v7 =	vld [tilespmem:s13+$0x30];
	_ =	sdelay $0x1  }
0x3d6: {  	v6 =	vbroadcast v6, $0x0;
	_ =	sdelay $0x2  }
0x3d7: {  	v5 =	vmul.f32 v7, v5;
	_ =	sdelay $0x1  }
0x3d8: {  	[tilespmem:s15+$0x30] =	vst v5  }
0x3d9: {  	v5 =	vld.idx.msk [tilespmem:v6+s29+$0x0], $0xffff  }
0x3da: {  	v6 =	vld [tilespmem:s13+$0x40];
	_ =	sdelay $0x1  }
0x3db: {  	v4 =	vbroadcast v4, $0x0;
	_ =	sdelay $0x2  }
0x3dc: {  	v5 =	vmul.f32 v6, v5;
	_ =	sdelay $0x1  }
0x3dd: {  	[tilespmem:s15+$0x40] =	vst v5  }
0x3de: {  	v4 =	vld.idx.msk [tilespmem:v4+s29+$0x0], $0xffff  }
0x3df: {  	v5 =	vld [tilespmem:s13+$0x50];
	_ =	sdelay $0x1  }
0x3e0: {  	v3 =	vbroadcast v3, $0x0;
	_ =	sdelay $0x2  }
0x3e1: {  	v4 =	vmul.f32 v5, v4;
	_ =	sdelay $0x1  }
0x3e2: {  	[tilespmem:s15+$0x50] =	vst v4  }
0x3e3: {  	v3 =	vld.idx.msk [tilespmem:v3+s29+$0x0], $0xffff  }
0x3e4: {  	v4 =	vld [tilespmem:s13+$0x60];
	_ =	sdelay $0x1  }
0x3e5: {  	v5 =	vbroadcast v2, $0x0;
	_ =	sdelay $0x2  }
0x3e6: {  	v3 =	vmul.f32 v4, v3  }
0x3e7: {  	s17 =	sadd.s32 s12, s18  }
0x3e8: {  	s1 =	sadd.s32 $0xFFFFFFF1, s17;
	s18 =	sadd.s32 $0xFFFFFFF3, s17;
	s14 =	sadd.s32 $0xFFFFFFF2, s17;
	v2 =	vmov s17;
	[tilespmem:s15+$0x60] =	vst v3  }
0x3e9: {  	s31 =	sadd.s32 $0xFFFFFFF5, s17;
	s25 =	sadd.s32 $0xFFFFFFF6, s17;
	s19 =	sadd.s32 $0xFFFFFFF4, s17;
	v6 =	vmov s18;
	v4 =	vmov s14;
	v3 =	vmov s1;
	v5 =	vld.idx.msk [tilespmem:v5+s29+$0x0], $0xffff  }
0x3ea: {  	s28 =	sadd.s32 $0xFFFFFFF7, s17;
	s18 =	sadd.s32 $0xFFFFFFF9, s17;
	v6 =	vshrl.u32 v6, $0x3;
	v4 =	vshrl.u32 v4, $0x3;
	s1 =	sadd.s32 $0xFFFFFFF8, s17;
	v3 =	vshrl.u32 v3, $0x3;
	v7 =	vld [tilespmem:s13+$0x70]  }
0x3eb: {  	s22 =	sadd.s32 $0xFFFFFFFC, s17;
	s23 =	sadd.s32 $0xFFFFFFFB, s17;
	v6 =	vshll.u32 v6, v1;
	s14 =	sadd.s32 $0xFFFFFFFA, s17;
	v8 =	vshll.u32 v4, v1;
	v3 =	vshll.u32 v3, v1  }
.Ltmp3:
0x3ec: {  	s21 =	sadd.s32 $0xFFFFFFFD, s17;
	s20 =	sadd.s32 $0xFFFFFFFE, s17;
	v11 =	vadd.s32 $0x2, v6;
	v4 =	vbroadcast v3, $0x0;
	v3 =	vadd.s32 $0x1, v8;
	(pc) =	sbr.rel @p2 .LBB2_9-.Ltmp3, $4  }
0x3ed: {  	v9 =	vmov s25;
	v6 =	vmov s19;
	s19 =	sadd.s32 $0xFFFFFFFF, s17;
	v8 =	vmov s31  }
0x3ee: {  	v9 =	vshrl.u32 v9, $0x3;
	v6 =	vshrl.u32 v6, $0x3;
	v8 =	vshrl.u32 v8, $0x3  }
0x3ef: {  	v6 =	vshll.u32 v6, v1;
	v8 =	vshll.u32 v8, v1;
	v5 =	vmul.f32 v7, v5  }
0x3f0: {  	v13 =	vadd.s32 $0x3, v6;
	s17 =	smov.u32 s4;
	v12 =	vadd.s32 $0x4, v8;
	v8 =	vshll.u32 v9, v1  }
0x3f1: {  	_ =	sdelay $0x2  }
0x3f2: {  	[tilespmem:s15+$0x70] =	vst v5  }
0x3f3: {  	s13 =	sadd.s32 $0x100, s13;
	v4 =	vld.idx.msk [tilespmem:v4+s29+$0x0], $0xffff  }
0x3f4: {  	v5 =	vld [tilespmem:s13+$0xFFFFFF80];
	_ =	sdelay $0x1  }
0x3f5: {  	v3 =	vbroadcast v3, $0x0;
	_ =	sdelay $0x2  }
0x3f6: {  	v4 =	vmul.f32 v5, v4  }
0x3f7: {  	s25 =	sadd.s32 $0x100, s15  }
0x3f8: {  	[tilespmem:s25+$0xFFFFFF80] =	vst v4  }
0x3f9: {  	v3 =	vld.idx.msk [tilespmem:v3+s29+$0x0], $0xffff  }
0x3fa: {  	v4 =	vld [tilespmem:s13+$0xFFFFFF90];
	_ =	sdelay $0x1  }
0x3fb: {  	v35 =	vbroadcast v11, $0x0;
	_ =	sdelay $0x2  }
0x3fc: {  	v3 =	vmul.f32 v4, v3;
	_ =	sdelay $0x1  }
0x3fd: {  	[tilespmem:s25+$0xFFFFFF90] =	vst v3  }
0x3fe: {  	v3 =	vld.idx.msk [tilespmem:v35+s29+$0x0], $0xffff  }
0x3ff: {  	v36 =	vld [tilespmem:s13+$0xFFFFFFA0];
	_ =	sdelay $0x1  }
0x400: {  	v37 =	vbroadcast v13, $0x0;
	_ =	sdelay $0x2  }
0x401: {  	v3 =	vmul.f32 v36, v3;
	_ =	sdelay $0x1  }
0x402: {  	[tilespmem:s25+$0xFFFFFFA0] =	vst v3  }
0x403: {  	v3 =	vld.idx.msk [tilespmem:v37+s29+$0x0], $0xffff  }
0x404: {  	v38 =	vld [tilespmem:s13+$0xFFFFFFB0];
	_ =	sdelay $0x1  }
0x405: {  	v39 =	vbroadcast v12, $0x0;
	_ =	sdelay $0x2  }
0x406: {  	v3 =	vmul.f32 v38, v3;
	_ =	sdelay $0x1  }
0x407: {  	[tilespmem:s25+$0xFFFFFFB0] =	vst v3  }
0x408: {  	v3 =	vld.idx.msk [tilespmem:v39+s29+$0x0], $0xffff  }
0x409: {  	v40 =	vld [tilespmem:s13+$0xFFFFFFC0]  }
0x40a: {  	v41 =	vadd.s32 $0x5, v8  }
0x40b: {  	v5 =	vbroadcast v41, $0x0;
	_ =	sdelay $0x2  }
0x40c: {  	v3 =	vmul.f32 v40, v3;
	_ =	sdelay $0x1  }
0x40d: {  	v42 =	vmov s28;
	[tilespmem:s25+$0xFFFFFFC0] =	vst v3  }
0x40e: {  	v3 =	vshrl.u32 v42, $0x3;
	v43 =	vld.idx.msk [tilespmem:v5+s29+$0x0], $0xffff  }
0x40f: {  	v3 =	vshll.u32 v3, v1;
	v44 =	vld [tilespmem:s13+$0xFFFFFFD0]  }
0x410: {  	v3 =	vadd.s32 $0x6, v3  }
0x411: {  	v3 =	vbroadcast v3, $0x0;
	_ =	sdelay $0x2  }
0x412: {  	v4 =	vmul.f32 v44, v43;
	_ =	sdelay $0x1  }
0x413: {  	v45 =	vmov s1;
	[tilespmem:s25+$0xFFFFFFD0] =	vst v4  }
0x414: {  	v46 =	vshrl.u32 v45, $0x3;
	v3 =	vld.idx.msk [tilespmem:v3+s29+$0x0], $0xffff  }
0x415: {  	v4 =	vshll.u32 v46, v1;
	v47 =	vld [tilespmem:s13+$0xFFFFFFE0]  }
0x416: {  	v4 =	vadd.s32 $0x7, v4  }
0x417: {  	v4 =	vbroadcast v4, $0x0;
	_ =	sdelay $0x2  }
0x418: {  	v3 =	vmul.f32 v47, v3;
	_ =	sdelay $0x1  }
0x419: {  	[tilespmem:s25+$0xFFFFFFE0] =	vst v3  }
0x41a: {  	v3 =	vmov s18;
	v4 =	vld.idx.msk [tilespmem:v4+s29+$0x0], $0xffff  }
0x41b: {  	v3 =	vshrl.u32 v3, $0x3;
	v48 =	vld [tilespmem:s13+$0xFFFFFFF0]  }
0x41c: {  	v3 =	vshll.u32 v3, v1  }
0x41d: {  	v3 =	vbroadcast v3, $0x0;
	_ =	sdelay $0x2  }
0x41e: {  	v4 =	vmul.f32 v48, v4;
	_ =	sdelay $0x1  }
0x41f: {  	v49 =	vmov s14;
	[tilespmem:s25+$0xFFFFFFF0] =	vst v4  }
0x420: {  	v50 =	vshrl.u32 v49, $0x3;
	v3 =	vld.idx.msk [tilespmem:v3+s29+$0x0], $0xffff  }
0x421: {  	v4 =	vshll.u32 v50, v1;
	v51 =	vld [tilespmem:s13+$0x0]  }
0x422: {  	v4 =	vadd.s32 $0x1, v4  }
0x423: {  	v4 =	vbroadcast v4, $0x0;
	_ =	sdelay $0x2  }
0x424: {  	v3 =	vmul.f32 v51, v3;
	_ =	sdelay $0x1  }
0x425: {  	v52 =	vmov s23;
	[tilespmem:s25+$0x0] =	vst v3  }
0x426: {  	v3 =	vshrl.u32 v52, $0x3;
	v4 =	vld.idx.msk [tilespmem:v4+s29+$0x0], $0xffff  }
0x427: {  	v3 =	vshll.u32 v3, v1;
	v53 =	vld [tilespmem:s13+$0x10]  }
0x428: {  	v3 =	vadd.s32 $0x2, v3  }
0x429: {  	v3 =	vbroadcast v3, $0x0;
	_ =	sdelay $0x2  }
0x42a: {  	v4 =	vmul.f32 v53, v4;
	_ =	sdelay $0x1  }
0x42b: {  	v54 =	vmov s22;
	[tilespmem:s25+$0x10] =	vst v4  }
0x42c: {  	v55 =	vshrl.u32 v54, $0x3;
	v3 =	vld.idx.msk [tilespmem:v3+s29+$0x0], $0xffff  }
0x42d: {  	v4 =	vshll.u32 v55, v1;
	v56 =	vld [tilespmem:s13+$0x20]  }
0x42e: {  	v4 =	vadd.s32 $0x3, v4  }
0x42f: {  	v4 =	vbroadcast v4, $0x0;
	_ =	sdelay $0x2  }
0x430: {  	v3 =	vmul.f32 v56, v3;
	_ =	sdelay $0x1  }
0x431: {  	v57 =	vmov s21;
	[tilespmem:s25+$0x20] =	vst v3  }
0x432: {  	v3 =	vshrl.u32 v57, $0x3;
	v4 =	vld.idx.msk [tilespmem:v4+s29+$0x0], $0xffff  }
0x433: {  	v3 =	vshll.u32 v3, v1;
	v58 =	vld [tilespmem:s13+$0x30]  }
0x434: {  	v3 =	vadd.s32 $0x4, v3  }
0x435: {  	v3 =	vbroadcast v3, $0x0;
	_ =	sdelay $0x2  }
0x436: {  	v4 =	vmul.f32 v58, v4;
	_ =	sdelay $0x1  }
0x437: {  	v59 =	vmov s20;
	[tilespmem:s25+$0x30] =	vst v4  }
0x438: {  	v60 =	vshrl.u32 v59, $0x3;
	v3 =	vld.idx.msk [tilespmem:v3+s29+$0x0], $0xffff  }
0x439: {  	v4 =	vshll.u32 v60, v1;
	v61 =	vld [tilespmem:s13+$0x40]  }
0x43a: {  	v4 =	vadd.s32 $0x5, v4  }
0x43b: {  	v4 =	vbroadcast v4, $0x0;
	_ =	sdelay $0x2  }
0x43c: {  	v3 =	vmul.f32 v61, v3;
	_ =	sdelay $0x1  }
0x43d: {  	v62 =	vmov s19;
	[tilespmem:s25+$0x40] =	vst v3  }
0x43e: {  	v3 =	vshrl.u32 v62, $0x3;
	v4 =	vld.idx.msk [tilespmem:v4+s29+$0x0], $0xffff  }
0x43f: {  	v3 =	vshll.u32 v3, v1;
	v63 =	vld [tilespmem:s13+$0x50]  }
0x440: {  	v3 =	vadd.s32 $0x6, v3  }
0x441: {  	v3 =	vbroadcast v3, $0x0;
	_ =	sdelay $0x2  }
0x442: {  	v4 =	vmul.f32 v63, v4;
	_ =	sdelay $0x1  }
0x443: {  	[tilespmem:s25+$0x50] =	vst v4  }
0x444: {  	v2 =	vshrl.u32 v2, $0x3;
	v3 =	vld.idx.msk [tilespmem:v3+s29+$0x0], $0xffff  }
0x445: {  	v2 =	vshll.u32 v2, v1;
	v4 =	vld [tilespmem:s13+$0x60]  }
0x446: {  	v2 =	vadd.s32 $0x7, v2  }
0x447: {  	v2 =	vbroadcast v2, $0x0;
	_ =	sdelay $0x2  }
0x448: {  	v3 =	vmul.f32 v4, v3;
	_ =	sdelay $0x1  }
0x449: {  	[tilespmem:s25+$0x60] =	vst v3  }
0x44a: {  	v2 =	vld.idx.msk [tilespmem:v2+s29+$0x0], $0xffff  }
0x44b: {  	v3 =	vld [tilespmem:s13+$0x70];
	_ =	sdelay $0x2  }
0x44c: {  	s31 =	smul.u32 $0x2800, s16;
	p2 =	sne.s32 s11, $0x7D  }
.Ltmp4:
0x44d: {  	_ = 	snop;
	(pc) =	sbr.rel @p2 .LBB2_8-.Ltmp4, $4  }
0x44e: {  	v2 =	vmul.f32 v3, v2  }
0x44f: {  	s4 =	sadd.s32 $0x11440, s12;
	s1 =	sshrl.u32 s31, $0x2  }
0x450: {  	p1 =	por !p1, !p1;
	s16 =	smov.u32 s11;
	s1 =	sadd.s32 $0x1C480, s1;
	[tilespmem:s25+$0x70] =	vst v2  }
0x451: {  	[spmem:s3] =	stream.indirect.scatter.add.f32 [tilespmem:s1], [sflag:$0x2], $0x10, s4, s0, $0xb8;
	[tilespmem:$0x1FFA0] =	vst v63  }
0x452: {  	_ =	swait.ge [sflag:s30], $0xA00  }
0x453: {  	[sflag:s30] =	ssyncset.done $0x0  }
0x454: {  	[sflag:s30] =	ssyncadd.s32 $0xFFFFF600  }
0x455: {  	[bflag:$0x0] =	sbarrier.arrive $0xFFFF  }
0x456: {  	s1 =	simm.s32 @p0 $0x1FC3;
	s4 =	rddreg [dreg:$0xf]  }
0x457: {  	[hbm:s4], [sflag:s1] =	dma.local @p0 [spmem:s5], $0x500  }
0x458: {  	s4 =	simm.s32 @p0 $0x3  }
0x459: {  	_ =	swait.ge @p0 [sflag:s4], $0x500  }
0x45a: {  	[sflag:s4] =	ssyncset.done @p0 $0x0  }
0x45b: {  	[sflag:s4] =	ssyncadd.s32 @p0 $0xFFFFFB00  }
0x45c: {  	[spmem:s5], [sflag:s1] =	dma.local @p0 [hbm:s8], $0x500  }
0x45d: {  	_ =	swait.ge @p0 [sflag:s4], $0x500  }
0x45e: {  	[sflag:s4] =	ssyncset.done @p0 $0x0  }
0x45f: {  	s1 =	rddreg [dreg:$0xe];
	[sflag:s4] =	ssyncadd.s32 @p0 $0xFFFFFB00  }
0x460: {  	[hbm:s1], [sflag:s6] =	dma.local @!p0 [spmem:s10], $0x4E0  }
0x461: {  	s1 =	simm.s32 @!p0 $0x3  }
0x462: {  	_ =	swait.ge @!p0 [sflag:s1], $0x4E0  }
0x463: {  	[sflag:s1] =	ssyncset.done @!p0 $0x0  }
0x464: {  	[sflag:s1] =	ssyncadd.s32 @!p0 $0xFFFFFB20  }
0x465: {  	[spmem:s7], [sflag:s6] =	dma.local @!p0 [hbm:s8], $0x4E0  }
0x466: {  	_ =	swait.ge @!p0 [sflag:s1], $0x4E0  }
0x467: {  	[sflag:s1] =	ssyncset.done @!p0 $0x0  }
0x468: {  	[sflag:s1] =	ssyncadd.s32 @!p0 $0xFFFFFB20  }
0x469: {  	[bflag:$0x0] =	sbarrier.arrive $0xFFFF  }
0x46a: {  	v2 =	vld [tilespmem:$0xC620]  }
0x46b: {  	v3 =	vld [tilespmem:$0xC630]  }
0x46c: {  	v4 =	vld [tilespmem:$0xC640]  }
0x46d: {  	v5 =	vld [tilespmem:$0xC650]  }
0x46e: {  	v6 =	vld [tilespmem:$0xC660]  }
0x46f: {  	v7 =	vld [tilespmem:$0xC670];
	v2 =	vadd.s32 $0x2710, v2  }
0x470: {  	[tilespmem:$0xC620] =	vst v2;
	v2 =	vadd.s32 $0x2710, v3;
	v3 =	vld [tilespmem:$0xC680]  }
0x471: {  	v61 =	vld [tilespmem:$0xC690];
	[tilespmem:$0xC630] =	vst v2;
	v2 =	vadd.s32 $0x2710, v4  }
0x472: {  	v62 =	vld [tilespmem:$0xC6A0];
	[tilespmem:$0xC640] =	vst v2;
	v2 =	vadd.s32 $0x2710, v5  }
0x473: {  	v63 =	vld [tilespmem:$0xC6B0];
	[tilespmem:$0xC650] =	vst v2;
	v2 =	vadd.s32 $0x2710, v6  }
0x474: {  	[tilespmem:$0xC660] =	vst v2;
	v2 =	vadd.s32 $0x2710, v7  }
0x475: {  	[tilespmem:$0xC670] =	vst v2;
	v2 =	vadd.s32 $0x2710, v3  }
0x476: {  	[tilespmem:$0xC680] =	vst v2;
	v2 =	vadd.s32 $0x2710, v61  }
0x477: {  	[tilespmem:$0xC690] =	vst v2;
	v2 =	vadd.s32 $0x2710, v62  }
0x478: {  	s28 =	simm.s32 $0xC620;
	[tilespmem:$0xC6A0] =	vst v2;
	v2 =	vadd.s32 $0x2710, v63  }
0x479: {  	s31 =	simm.s32 $0x1B080;
	s16 =	simm.s32 $0x0;
	p1 =	por $0x0, $0x0;
	[tilespmem:$0xC6B0] =	vst v2  }
0x47a: {  	[tilespmem:s31], [sflag:$0x1] =	stream.indirect.gather [hbm4b:s9+s0], $0x10, s28, s0, $0xb8;
	[tilespmem:$0x1FFA0] =	vst v63  }
.LBB2_12:
0x47b: {  	s11 =	sadd.s32 $0x1, s16;
	p2 =	seq.s32 s16, $0x7C  }
0x47c: {  	s1 =	smul.u32 @!p2 $0x280, s11;
	_ =	sdelay $0x1  }
0x47d: {  	s1 =	sshra.s32 @!p2 s1, $0x2  }
0x47e: {  	v2 =	vld @!p2 [tilespmem:s1+$0xC620]  }
0x47f: {  	v3 =	vld @!p2 [tilespmem:s1+$0xC630]  }
0x480: {  	v4 =	vld @!p2 [tilespmem:s1+$0xC640]  }
0x481: {  	v5 =	vld @!p2 [tilespmem:s1+$0xC650]  }
0x482: {  	v6 =	vld @!p2 [tilespmem:s1+$0xC660]  }
0x483: {  	v7 =	vld @!p2 [tilespmem:s1+$0xC670];
	v2 =	vadd.s32 @!p2 $0x2710, v2  }
0x484: {  	[tilespmem:s1+$0xC620] =	vst @!p2 v2;
	v2 =	vadd.s32 @!p2 $0x2710, v3;
	v3 =	vld @!p2 [tilespmem:s1+$0xC680]  }
0x485: {  	[tilespmem:s1+$0xC630] =	vst @!p2 v2;
	v2 =	vadd.s32 @!p2 $0x2710, v4;
	v4 =	vld @!p2 [tilespmem:s1+$0xC690]  }
0x486: {  	[tilespmem:s1+$0xC640] =	vst @!p2 v2;
	v2 =	vadd.s32 @!p2 $0x2710, v5;
	v5 =	vld @!p2 [tilespmem:s1+$0xC6A0]  }
0x487: {  	[tilespmem:s1+$0xC650] =	vst @!p2 v2;
	v2 =	vadd.s32 @!p2 $0x2710, v6;
	v6 =	vld @!p2 [tilespmem:s1+$0xC6B0]  }
0x488: {  	[tilespmem:s1+$0xC660] =	vst @!p2 v2;
	v2 =	vadd.s32 @!p2 $0x2710, v7  }
0x489: {  	[tilespmem:s1+$0xC670] =	vst @!p2 v2;
	v2 =	vadd.s32 @!p2 $0x2710, v3  }
0x48a: {  	s4 =	sand.u32 @!p2 $0x1, s11;
	[tilespmem:s1+$0xC680] =	vst @!p2 v2;
	v2 =	vadd.s32 @!p2 $0x2710, v4  }
0x48b: {  	p3 =	seq.s32 @!p2 s4, $0x1;
	[tilespmem:s1+$0xC690] =	vst @!p2 v2;
	v2 =	vadd.s32 @!p2 $0x2710, v5  }
0x48c: {  	s4 =	simm.s32 @!p2 $0x1BA80;
	p3 =	por !p3, p2;
	[tilespmem:s1+$0xC6A0] =	vst @!p2 v2;
	v2 =	vadd.s32 @!p2 $0x2710, v6  }
0x48d: {  	s12 =	sadd.s32 @!p2 $0xC620, s1;
	s4 =	simm.s32 @p3 $0x1B080;
	[tilespmem:s1+$0xC6B0] =	vst @!p2 v2;
	s1 =	simm.s32 @!p2 $0xA0  }
0x48e: {  	[tilespmem:s4], [sflag:$0x1] =	stream.indirect.gather @!p2 [hbm4b:s9+s1], $0x10, s12, s1, $0xb8;
	[tilespmem:$0x1FFA0] =	vst v63  }
0x48f: {  	s12 =	smul.u32 $0xA0, s16;
	_ =	sdelay $0x1  }
0x490: {  	s17 =	sadd.s32 $0xF, s12  }
0x491: {  	s25 =	sadd.s32 $0xFFFFFFF1, s17  }
0x492: {  	p3 =	seq.s32 @!p2 s16, $0x0;
	v2 =	vmov s25  }
0x493: {  	p2 =	por p2, !p3;
	v2 =	vshrl.u32 v2, $0x3  }
0x494: {  	s1 =	simm.s32 $0x1;
	_ =	swait.ge @p2 [sflag:s30], $0xA00;
	v2 =	vshll.u32 v2, v1  }
0x495: {  	s1 =	simm.s32 @!p1 $0x0;
	[sflag:s30] =	ssyncset.done @p2 $0x0;
	v2 =	vbroadcast v2, $0x0  }
0x496: {  	s1 =	smul.u32 $0x2800, s1;
	[sflag:s30] =	ssyncadd.s32 @p2 $0xFFFFF600  }
0x497: {  	_ =	swait.ge [sflag:s26], $0xA00  }
0x498: {  	s31 =	sadd.s32 $0xFFFFFFF2, s17;
	s1 =	sshrl.u32 s1, $0x2;
	[sflag:s26] =	ssyncset.done $0x0  }
0x499: {  	v3 =	vmov s31;
	s13 =	sor.u32 $0x1B100, s1;
	[sflag:s26] =	ssyncadd.s32 $0xFFFFF600  }
0x49a: {  	v3 =	vshrl.u32 v3, $0x3;
	v4 =	vld [tilespmem:s13+$0xFFFFFF80]  }
0x49b: {  	v3 =	vshll.u32 v3, v1;
	v2 =	vld.idx.msk [tilespmem:v2+s29+$0x0], $0xffff  }
0x49c: {  	v3 =	vadd.s32 $0x1, v3  }
0x49d: {  	v3 =	vbroadcast v3, $0x0;
	_ =	sdelay $0x2  }
0x49e: {  	v2 =	vmul.f32 v4, v2  }
0x49f: {  	s4 =	sadd.s32 $0xFFFFFFF3, s17;
	s15 =	sadd.s32 $0x1C500, s1  }
0x4a0: {  	v4 =	vmov s4;
	[tilespmem:s15+$0xFFFFFF80] =	vst v2  }
0x4a1: {  	v2 =	vshrl.u32 v4, $0x3;
	v3 =	vld.idx.msk [tilespmem:v3+s29+$0x0], $0xffff  }
0x4a2: {  	v2 =	vshll.u32 v2, v1;
	v4 =	vld [tilespmem:s13+$0xFFFFFF90]  }
0x4a3: {  	v2 =	vadd.s32 $0x2, v2  }
0x4a4: {  	v2 =	vbroadcast v2, $0x0;
	_ =	sdelay $0x2  }
0x4a5: {  	v3 =	vmul.f32 v4, v3  }
0x4a6: {  	s14 =	sadd.s32 $0xFFFFFFF4, s17  }
0x4a7: {  	v4 =	vmov s14;
	[tilespmem:s15+$0xFFFFFF90] =	vst v3  }
0x4a8: {  	v3 =	vshrl.u32 v4, $0x3;
	v2 =	vld.idx.msk [tilespmem:v2+s29+$0x0], $0xffff  }
0x4a9: {  	v3 =	vshll.u32 v3, v1;
	v4 =	vld [tilespmem:s13+$0xFFFFFFA0]  }
0x4aa: {  	v3 =	vadd.s32 $0x3, v3  }
0x4ab: {  	v3 =	vbroadcast v3, $0x0;
	_ =	sdelay $0x2  }
0x4ac: {  	v2 =	vmul.f32 v4, v2  }
0x4ad: {  	s18 =	sadd.s32 $0xFFFFFFF5, s17  }
0x4ae: {  	v4 =	vmov s18;
	[tilespmem:s15+$0xFFFFFFA0] =	vst v2  }
0x4af: {  	v2 =	vshrl.u32 v4, $0x3;
	v3 =	vld.idx.msk [tilespmem:v3+s29+$0x0], $0xffff  }
0x4b0: {  	v2 =	vshll.u32 v2, v1;
	v4 =	vld [tilespmem:s13+$0xFFFFFFB0]  }
0x4b1: {  	v2 =	vadd.s32 $0x4, v2  }
0x4b2: {  	v2 =	vbroadcast v2, $0x0;
	_ =	sdelay $0x2  }
0x4b3: {  	v3 =	vmul.f32 v4, v3  }
0x4b4: {  	s19 =	sadd.s32 $0xFFFFFFF6, s17  }
0x4b5: {  	v4 =	vmov s19;
	[tilespmem:s15+$0xFFFFFFB0] =	vst v3  }
0x4b6: {  	v3 =	vshrl.u32 v4, $0x3;
	v2 =	vld.idx.msk [tilespmem:v2+s29+$0x0], $0xffff  }
0x4b7: {  	v3 =	vshll.u32 v3, v1;
	v4 =	vld [tilespmem:s13+$0xFFFFFFC0]  }
0x4b8: {  	v3 =	vadd.s32 $0x5, v3  }
0x4b9: {  	v3 =	vbroadcast v3, $0x0;
	_ =	sdelay $0x2  }
0x4ba: {  	v2 =	vmul.f32 v4, v2  }
0x4bb: {  	s20 =	sadd.s32 $0xFFFFFFF7, s17  }
0x4bc: {  	v4 =	vmov s20;
	[tilespmem:s15+$0xFFFFFFC0] =	vst v2  }
0x4bd: {  	v2 =	vshrl.u32 v4, $0x3;
	v3 =	vld.idx.msk [tilespmem:v3+s29+$0x0], $0xffff  }
0x4be: {  	v2 =	vshll.u32 v2, v1;
	v4 =	vld [tilespmem:s13+$0xFFFFFFD0]  }
0x4bf: {  	v2 =	vadd.s32 $0x6, v2  }
0x4c0: {  	v2 =	vbroadcast v2, $0x0;
	_ =	sdelay $0x2  }
0x4c1: {  	v3 =	vmul.f32 v4, v3  }
0x4c2: {  	s21 =	sadd.s32 $0xFFFFFFF8, s17  }
0x4c3: {  	v4 =	vmov s21;
	[tilespmem:s15+$0xFFFFFFD0] =	vst v3  }
0x4c4: {  	v3 =	vshrl.u32 v4, $0x3;
	v2 =	vld.idx.msk [tilespmem:v2+s29+$0x0], $0xffff  }
0x4c5: {  	v3 =	vshll.u32 v3, v1;
	v4 =	vld [tilespmem:s13+$0xFFFFFFE0]  }
0x4c6: {  	v3 =	vadd.s32 $0x7, v3  }
0x4c7: {  	v3 =	vbroadcast v3, $0x0;
	_ =	sdelay $0x2  }
0x4c8: {  	v2 =	vmul.f32 v4, v2;
	_ =	sdelay $0x1  }
0x4c9: {  	s22 =	sadd.s32 $0xFFFFFFF9, s17;
	[tilespmem:s15+$0xFFFFFFE0] =	vst v2  }
0x4ca: {  	v2 =	vmov s22;
	v3 =	vld.idx.msk [tilespmem:v3+s29+$0x0], $0xffff  }
0x4cb: {  	v2 =	vshrl.u32 v2, $0x3;
	v4 =	vld [tilespmem:s13+$0xFFFFFFF0]  }
0x4cc: {  	v2 =	vshll.u32 v2, v1  }
0x4cd: {  	v2 =	vbroadcast v2, $0x0;
	_ =	sdelay $0x2  }
0x4ce: {  	v3 =	vmul.f32 v4, v3  }
0x4cf: {  	s23 =	sadd.s32 $0xFFFFFFFA, s17  }
0x4d0: {  	v4 =	vmov s23;
	[tilespmem:s15+$0xFFFFFFF0] =	vst v3  }
0x4d1: {  	v3 =	vshrl.u32 v4, $0x3;
	v2 =	vld.idx.msk [tilespmem:v2+s29+$0x0], $0xffff  }
0x4d2: {  	v3 =	vshll.u32 v3, v1;
	v4 =	vld [tilespmem:s13+$0x0]  }
0x4d3: {  	v3 =	vadd.s32 $0x1, v3  }
0x4d4: {  	v3 =	vbroadcast v3, $0x0;
	_ =	sdelay $0x2  }
0x4d5: {  	v2 =	vmul.f32 v4, v2  }
0x4d6: {  	s25 =	sadd.s32 $0xFFFFFFFB, s17  }
0x4d7: {  	v4 =	vmov s25;
	[tilespmem:s15+$0x0] =	vst v2  }
0x4d8: {  	v2 =	vshrl.u32 v4, $0x3;
	v3 =	vld.idx.msk [tilespmem:v3+s29+$0x0], $0xffff  }
0x4d9: {  	v2 =	vshll.u32 v2, v1;
	v4 =	vld [tilespmem:s13+$0x10]  }
0x4da: {  	v2 =	vadd.s32 $0x2, v2  }
0x4db: {  	v2 =	vbroadcast v2, $0x0;
	_ =	sdelay $0x2  }
0x4dc: {  	v3 =	vmul.f32 v4, v3  }
0x4dd: {  	s31 =	sadd.s32 $0xFFFFFFFC, s17  }
0x4de: {  	v4 =	vmov s31;
	[tilespmem:s15+$0x10] =	vst v3  }
0x4df: {  	v3 =	vshrl.u32 v4, $0x3;
	v2 =	vld.idx.msk [tilespmem:v2+s29+$0x0], $0xffff  }
0x4e0: {  	v3 =	vshll.u32 v3, v1;
	v4 =	vld [tilespmem:s13+$0x20]  }
0x4e1: {  	v3 =	vadd.s32 $0x3, v3  }
0x4e2: {  	v3 =	vbroadcast v3, $0x0;
	_ =	sdelay $0x2  }
0x4e3: {  	v2 =	vmul.f32 v4, v2  }
0x4e4: {  	s4 =	sadd.s32 $0xFFFFFFFD, s17  }
0x4e5: {  	v4 =	vmov s4;
	[tilespmem:s15+$0x20] =	vst v2  }
0x4e6: {  	v2 =	vshrl.u32 v4, $0x3;
	v3 =	vld.idx.msk [tilespmem:v3+s29+$0x0], $0xffff  }
0x4e7: {  	v2 =	vshll.u32 v2, v1;
	v4 =	vld [tilespmem:s13+$0x30]  }
0x4e8: {  	v2 =	vadd.s32 $0x4, v2  }
0x4e9: {  	v2 =	vbroadcast v2, $0x0;
	_ =	sdelay $0x2  }
0x4ea: {  	v3 =	vmul.f32 v4, v3  }
0x4eb: {  	s14 =	sadd.s32 $0xFFFFFFFE, s17  }
0x4ec: {  	v4 =	vmov s14;
	[tilespmem:s15+$0x30] =	vst v3  }
0x4ed: {  	v3 =	vshrl.u32 v4, $0x3;
	v2 =	vld.idx.msk [tilespmem:v2+s29+$0x0], $0xffff  }
0x4ee: {  	v3 =	vshll.u32 v3, v1;
	v4 =	vld [tilespmem:s13+$0x40]  }
0x4ef: {  	v3 =	vadd.s32 $0x5, v3  }
0x4f0: {  	v3 =	vbroadcast v3, $0x0;
	_ =	sdelay $0x2  }
0x4f1: {  	v2 =	vmul.f32 v4, v2  }
0x4f2: {  	s18 =	sadd.s32 $0xFFFFFFFF, s17  }
0x4f3: {  	v4 =	vmov s18;
	[tilespmem:s15+$0x40] =	vst v2  }
0x4f4: {  	v2 =	vshrl.u32 v4, $0x3;
	v3 =	vld.idx.msk [tilespmem:v3+s29+$0x0], $0xffff  }
0x4f5: {  	v2 =	vshll.u32 v2, v1;
	v4 =	vld [tilespmem:s13+$0x50]  }
0x4f6: {  	v2 =	vadd.s32 $0x6, v2  }
0x4f7: {  	v2 =	vbroadcast v2, $0x0;
	_ =	sdelay $0x2  }
0x4f8: {  	v3 =	vmul.f32 v4, v3;
	_ =	sdelay $0x1  }
0x4f9: {  	v4 =	vmov s17;
	[tilespmem:s15+$0x50] =	vst v3  }
0x4fa: {  	v3 =	vshrl.u32 v4, $0x3;
	v2 =	vld.idx.msk [tilespmem:v2+s29+$0x0], $0xffff  }
0x4fb: {  	v3 =	vshll.u32 v3, v1;
	v4 =	vld [tilespmem:s13+$0x60]  }
0x4fc: {  	v3 =	vadd.s32 $0x7, v3  }
0x4fd: {  	v3 =	vbroadcast v3, $0x0;
	_ =	sdelay $0x2  }
0x4fe: {  	s19 =	sadd.s32 $0x1F, s12;
	v4 =	vmul.f32 v4, v2  }
0x4ff: {  	s23 =	sadd.s32 $0xFFFFFFF2, s19  }
0x500: {  	s22 =	sadd.s32 $0xFFFFFFF1, s19;
	v5 =	vmov s23;
	s14 =	sadd.s32 $0xFFFFFFF3, s19;
	s18 =	sadd.s32 $0xFFFFFFF6, s19;
	[tilespmem:s15+$0x60] =	vst v4  }
0x501: {  	v6 =	vmov s14;
	v9 =	vmov s18;
	v4 =	vmov s22;
	v7 =	vld.idx.msk [tilespmem:v3+s29+$0x0], $0xffff  }
0x502: {  	v3 =	vshrl.u32 v4, $0x3;
	v4 =	vshrl.u32 v5, $0x3;
	v5 =	vshrl.u32 v6, $0x3;
	v6 =	vld [tilespmem:s13+$0x70]  }
0x503: {  	v9 =	vshrl.u32 v9, $0x3;
	v3 =	vshll.u32 v3, v1;
	v8 =	vshll.u32 v4, v1  }
0x504: {  	s25 =	sadd.s32 $0xFFFFFFF4, s19;
	s31 =	sadd.s32 $0xFFFFFFF5, s19;
	v5 =	vshll.u32 v5, v1;
	v4 =	vbroadcast v3, $0x0;
	v3 =	vadd.s32 $0x1, v8  }
0x505: {  	s16 =	sand.u32 $0x1, s16;
	s28 =	sadd.s32 $0xFFFFFFF7, s19;
	v11 =	vadd.s32 $0x2, v5;
	v5 =	vmov s25;
	v8 =	vmov s31  }
0x506: {  	s1 =	sadd.s32 $0xFFFFFFF8, s19;
	s20 =	sadd.s32 $0xFFFFFFFE, s19;
	s21 =	sadd.s32 $0xFFFFFFFD, s19;
	v2 =	vmov s19;
	v5 =	vshrl.u32 v5, $0x3;
	v8 =	vshrl.u32 v8, $0x3  }
0x507: {  	s23 =	sadd.s32 $0xFFFFFFFB, s19;
	s4 =	simm.s32 $0x2F;
	s14 =	sadd.s32 $0xFFFFFFFA, s19;
	v10 =	vshll.u32 v5, v1;
	v8 =	vshll.u32 v8, v1;
	v5 =	vmul.f32 v6, v7  }
0x508: {  	s18 =	sadd.s32 $0xFFFFFFF9, s19;
	s22 =	sadd.s32 $0xFFFFFFFC, s19;
	s19 =	sadd.s32 $0xFFFFFFFF, s19;
	v13 =	vadd.s32 $0x3, v10;
	v12 =	vadd.s32 $0x4, v8;
	v8 =	vshll.u32 v9, v1  }
.LBB2_13:
0x509: {  	s13 =	sadd.s32 $0x100, s13  }
0x50a: {  	v6 =	vmov s28;
	v7 =	vmov s1;
	v9 =	vmov s18;
	[tilespmem:s15+$0x70] =	vst v5;
	s15 =	sadd.s32 $0x100, s15;
	s18 =	smov.u32 s4;
	s17 =	sadd.s32 $0x10, s4  }
0x50b: {  	p2 =	sne.s32 s4, $0x9F;
	v4 =	vld.idx.msk [tilespmem:v4+s29+$0x0], $0xffff;
	v5 =	vshrl.u32 v6, $0x3;
	v6 =	vshrl.u32 v7, $0x3;
	v7 =	vshrl.u32 v9, $0x3  }
0x50c: {  	v14 =	vld [tilespmem:s13+$0xFFFFFF80];
	v5 =	vshll.u32 v5, v1;
	v6 =	vshll.u32 v6, v1;
	v9 =	vshll.u32 v7, v1  }
0x50d: {  	v15 =	vadd.s32 $0x6, v5;
	v16 =	vadd.s32 $0x7, v6;
	v5 =	vmov s14  }
0x50e: {  	v3 =	vbroadcast v3, $0x0;
	v6 =	vmov s23;
	v5 =	vshrl.u32 v5, $0x3  }
0x50f: {  	v7 =	vmov s22;
	v6 =	vshrl.u32 v6, $0x3;
	v5 =	vshll.u32 v5, v1  }
0x510: {  	v10 =	vadd.s32 $0x1, v5;
	v5 =	vshll.u32 v6, v1;
	v6 =	vshrl.u32 v7, $0x3  }
0x511: {  	v4 =	vmul.f32 v14, v4;
	v7 =	vadd.s32 $0x2, v5;
	v5 =	vshll.u32 v6, v1  }
0x512: {  	v6 =	vmov s21;
	v14 =	vmov s20;
	v5 =	vadd.s32 $0x3, v5  }
0x513: {  	[tilespmem:s15+$0xFFFFFF80] =	vst v4;
	v4 =	vshrl.u32 v6, $0x3;
	v6 =	vshrl.u32 v14, $0x3;
	v14 =	vmov s19  }
0x514: {  	v17 =	vld.idx.msk [tilespmem:v3+s29+$0x0], $0xffff;
	v3 =	vshll.u32 v4, v1;
	v4 =	vshll.u32 v6, v1;
	v14 =	vshrl.u32 v14, $0x3  }
0x515: {  	v18 =	vld [tilespmem:s13+$0xFFFFFF90];
	v6 =	vadd.s32 $0x4, v3;
	v4 =	vadd.s32 $0x5, v4;
	v3 =	vshll.u32 v14, v1  }
0x516: {  	v2 =	vshrl.u32 v2, $0x3;
	v3 =	vadd.s32 $0x6, v3  }
0x517: {  	v11 =	vbroadcast v11, $0x0;
	v2 =	vshll.u32 v2, v1  }
0x518: {  	v2 =	vadd.s32 $0x7, v2;
	_ =	sdelay $0x1  }
0x519: {  	v14 =	vmul.f32 v18, v17;
	_ =	sdelay $0x1  }
0x51a: {  	[tilespmem:s15+$0xFFFFFF90] =	vst v14  }
0x51b: {  	v11 =	vld.idx.msk [tilespmem:v11+s29+$0x0], $0xffff  }
0x51c: {  	v14 =	vld [tilespmem:s13+$0xFFFFFFA0];
	_ =	sdelay $0x1  }
0x51d: {  	v13 =	vbroadcast v13, $0x0;
	_ =	sdelay $0x2  }
0x51e: {  	v11 =	vmul.f32 v14, v11;
	_ =	sdelay $0x1  }
0x51f: {  	[tilespmem:s15+$0xFFFFFFA0] =	vst v11  }
0x520: {  	v11 =	vld.idx.msk [tilespmem:v13+s29+$0x0], $0xffff  }
0x521: {  	v13 =	vld [tilespmem:s13+$0xFFFFFFB0];
	_ =	sdelay $0x1  }
0x522: {  	v12 =	vbroadcast v12, $0x0;
	_ =	sdelay $0x2  }
0x523: {  	v11 =	vmul.f32 v13, v11;
	_ =	sdelay $0x1  }
0x524: {  	[tilespmem:s15+$0xFFFFFFB0] =	vst v11  }
0x525: {  	v11 =	vld.idx.msk [tilespmem:v12+s29+$0x0], $0xffff  }
0x526: {  	v12 =	vld [tilespmem:s13+$0xFFFFFFC0]  }
0x527: {  	v8 =	vadd.s32 $0x5, v8  }
0x528: {  	v8 =	vbroadcast v8, $0x0;
	_ =	sdelay $0x2  }
0x529: {  	v11 =	vmul.f32 v12, v11;
	_ =	sdelay $0x1  }
0x52a: {  	[tilespmem:s15+$0xFFFFFFC0] =	vst v11  }
0x52b: {  	v8 =	vld.idx.msk [tilespmem:v8+s29+$0x0], $0xffff  }
0x52c: {  	v11 =	vld [tilespmem:s13+$0xFFFFFFD0];
	_ =	sdelay $0x1  }
0x52d: {  	v12 =	vbroadcast v15, $0x0;
	_ =	sdelay $0x2  }
0x52e: {  	v8 =	vmul.f32 v11, v8;
	_ =	sdelay $0x1  }
0x52f: {  	[tilespmem:s15+$0xFFFFFFD0] =	vst v8  }
0x530: {  	v8 =	vld.idx.msk [tilespmem:v12+s29+$0x0], $0xffff  }
0x531: {  	v11 =	vld [tilespmem:s13+$0xFFFFFFE0];
	_ =	sdelay $0x1  }
0x532: {  	v12 =	vbroadcast v16, $0x0;
	_ =	sdelay $0x2  }
0x533: {  	v8 =	vmul.f32 v11, v8;
	_ =	sdelay $0x1  }
0x534: {  	[tilespmem:s15+$0xFFFFFFE0] =	vst v8  }
0x535: {  	v8 =	vld.idx.msk [tilespmem:v12+s29+$0x0], $0xffff  }
0x536: {  	v11 =	vld [tilespmem:s13+$0xFFFFFFF0];
	_ =	sdelay $0x1  }
0x537: {  	v9 =	vbroadcast v9, $0x0;
	_ =	sdelay $0x2  }
0x538: {  	v8 =	vmul.f32 v11, v8;
	_ =	sdelay $0x1  }
0x539: {  	[tilespmem:s15+$0xFFFFFFF0] =	vst v8  }
0x53a: {  	v8 =	vld.idx.msk [tilespmem:v9+s29+$0x0], $0xffff  }
0x53b: {  	v9 =	vld [tilespmem:s13+$0x0];
	_ =	sdelay $0x1  }
0x53c: {  	v10 =	vbroadcast v10, $0x0;
	_ =	sdelay $0x2  }
0x53d: {  	v8 =	vmul.f32 v9, v8;
	_ =	sdelay $0x1  }
0x53e: {  	[tilespmem:s15+$0x0] =	vst v8  }
0x53f: {  	v8 =	vld.idx.msk [tilespmem:v10+s29+$0x0], $0xffff  }
0x540: {  	v9 =	vld [tilespmem:s13+$0x10];
	_ =	sdelay $0x1  }
0x541: {  	v7 =	vbroadcast v7, $0x0;
	_ =	sdelay $0x2  }
0x542: {  	v8 =	vmul.f32 v9, v8;
	_ =	sdelay $0x1  }
0x543: {  	[tilespmem:s15+$0x10] =	vst v8  }
0x544: {  	v7 =	vld.idx.msk [tilespmem:v7+s29+$0x0], $0xffff  }
0x545: {  	v8 =	vld [tilespmem:s13+$0x20];
	_ =	sdelay $0x1  }
0x546: {  	v5 =	vbroadcast v5, $0x0;
	_ =	sdelay $0x2  }
0x547: {  	v7 =	vmul.f32 v8, v7;
	_ =	sdelay $0x1  }
0x548: {  	[tilespmem:s15+$0x20] =	vst v7  }
0x549: {  	v5 =	vld.idx.msk [tilespmem:v5+s29+$0x0], $0xffff  }
0x54a: {  	v7 =	vld [tilespmem:s13+$0x30];
	_ =	sdelay $0x1  }
0x54b: {  	v6 =	vbroadcast v6, $0x0;
	_ =	sdelay $0x2  }
0x54c: {  	v5 =	vmul.f32 v7, v5;
	_ =	sdelay $0x1  }
0x54d: {  	[tilespmem:s15+$0x30] =	vst v5  }
0x54e: {  	v5 =	vld.idx.msk [tilespmem:v6+s29+$0x0], $0xffff  }
0x54f: {  	v6 =	vld [tilespmem:s13+$0x40];
	_ =	sdelay $0x1  }
0x550: {  	v4 =	vbroadcast v4, $0x0;
	_ =	sdelay $0x2  }
0x551: {  	v5 =	vmul.f32 v6, v5;
	_ =	sdelay $0x1  }
0x552: {  	[tilespmem:s15+$0x40] =	vst v5  }
0x553: {  	v4 =	vld.idx.msk [tilespmem:v4+s29+$0x0], $0xffff  }
0x554: {  	v5 =	vld [tilespmem:s13+$0x50];
	_ =	sdelay $0x1  }
0x555: {  	v3 =	vbroadcast v3, $0x0;
	_ =	sdelay $0x2  }
0x556: {  	v4 =	vmul.f32 v5, v4;
	_ =	sdelay $0x1  }
0x557: {  	[tilespmem:s15+$0x50] =	vst v4  }
0x558: {  	v3 =	vld.idx.msk [tilespmem:v3+s29+$0x0], $0xffff  }
0x559: {  	v4 =	vld [tilespmem:s13+$0x60];
	_ =	sdelay $0x1  }
0x55a: {  	v5 =	vbroadcast v2, $0x0;
	_ =	sdelay $0x2  }
0x55b: {  	v3 =	vmul.f32 v4, v3  }
0x55c: {  	s4 =	sadd.s32 s12, s18  }
0x55d: {  	s1 =	sadd.s32 $0xFFFFFFF1, s4;
	s18 =	sadd.s32 $0xFFFFFFF3, s4;
	s14 =	sadd.s32 $0xFFFFFFF2, s4;
	v2 =	vmov s4;
	[tilespmem:s15+$0x60] =	vst v3  }
0x55e: {  	s25 =	sadd.s32 $0xFFFFFFF5, s4;
	s31 =	sadd.s32 $0xFFFFFFF6, s4;
	s19 =	sadd.s32 $0xFFFFFFF4, s4;
	v6 =	vmov s18;
	v4 =	vmov s14;
	v3 =	vmov s1;
	v5 =	vld.idx.msk [tilespmem:v5+s29+$0x0], $0xffff  }
0x55f: {  	s28 =	sadd.s32 $0xFFFFFFF7, s4;
	s18 =	sadd.s32 $0xFFFFFFF9, s4;
	v6 =	vshrl.u32 v6, $0x3;
	v4 =	vshrl.u32 v4, $0x3;
	s1 =	sadd.s32 $0xFFFFFFF8, s4;
	v3 =	vshrl.u32 v3, $0x3;
	v7 =	vld [tilespmem:s13+$0x70]  }
0x560: {  	s22 =	sadd.s32 $0xFFFFFFFC, s4;
	s23 =	sadd.s32 $0xFFFFFFFB, s4;
	v6 =	vshll.u32 v6, v1;
	s14 =	sadd.s32 $0xFFFFFFFA, s4;
	v8 =	vshll.u32 v4, v1;
	v3 =	vshll.u32 v3, v1  }
.Ltmp5:
0x561: {  	s21 =	sadd.s32 $0xFFFFFFFD, s4;
	s20 =	sadd.s32 $0xFFFFFFFE, s4;
	v11 =	vadd.s32 $0x2, v6;
	v4 =	vbroadcast v3, $0x0;
	v3 =	vadd.s32 $0x1, v8;
	(pc) =	sbr.rel @p2 .LBB2_13-.Ltmp5, $4  }
0x562: {  	v9 =	vmov s31;
	v6 =	vmov s19;
	s19 =	sadd.s32 $0xFFFFFFFF, s4;
	v8 =	vmov s25  }
0x563: {  	v9 =	vshrl.u32 v9, $0x3;
	v6 =	vshrl.u32 v6, $0x3;
	v8 =	vshrl.u32 v8, $0x3  }
0x564: {  	v6 =	vshll.u32 v6, v1;
	v8 =	vshll.u32 v8, v1;
	v5 =	vmul.f32 v7, v5  }
0x565: {  	v13 =	vadd.s32 $0x3, v6;
	s4 =	smov.u32 s17;
	v12 =	vadd.s32 $0x4, v8;
	v8 =	vshll.u32 v9, v1  }
0x566: {  	_ =	sdelay $0x2  }
0x567: {  	[tilespmem:s15+$0x70] =	vst v5  }
0x568: {  	s13 =	sadd.s32 $0x100, s13;
	v4 =	vld.idx.msk [tilespmem:v4+s29+$0x0], $0xffff  }
0x569: {  	v5 =	vld [tilespmem:s13+$0xFFFFFF80];
	_ =	sdelay $0x1  }
0x56a: {  	v3 =	vbroadcast v3, $0x0;
	_ =	sdelay $0x2  }
0x56b: {  	v4 =	vmul.f32 v5, v4  }
0x56c: {  	s25 =	sadd.s32 $0x100, s15  }
0x56d: {  	[tilespmem:s25+$0xFFFFFF80] =	vst v4  }
0x56e: {  	v3 =	vld.idx.msk [tilespmem:v3+s29+$0x0], $0xffff  }
0x56f: {  	v4 =	vld [tilespmem:s13+$0xFFFFFF90];
	_ =	sdelay $0x1  }
0x570: {  	v35 =	vbroadcast v11, $0x0;
	_ =	sdelay $0x2  }
0x571: {  	v3 =	vmul.f32 v4, v3;
	_ =	sdelay $0x1  }
0x572: {  	[tilespmem:s25+$0xFFFFFF90] =	vst v3  }
0x573: {  	v3 =	vld.idx.msk [tilespmem:v35+s29+$0x0], $0xffff  }
0x574: {  	v36 =	vld [tilespmem:s13+$0xFFFFFFA0];
	_ =	sdelay $0x1  }
0x575: {  	v37 =	vbroadcast v13, $0x0;
	_ =	sdelay $0x2  }
0x576: {  	v3 =	vmul.f32 v36, v3;
	_ =	sdelay $0x1  }
0x577: {  	[tilespmem:s25+$0xFFFFFFA0] =	vst v3  }
0x578: {  	v3 =	vld.idx.msk [tilespmem:v37+s29+$0x0], $0xffff  }
0x579: {  	v38 =	vld [tilespmem:s13+$0xFFFFFFB0];
	_ =	sdelay $0x1  }
0x57a: {  	v39 =	vbroadcast v12, $0x0;
	_ =	sdelay $0x2  }
0x57b: {  	v3 =	vmul.f32 v38, v3;
	_ =	sdelay $0x1  }
0x57c: {  	[tilespmem:s25+$0xFFFFFFB0] =	vst v3  }
0x57d: {  	v3 =	vld.idx.msk [tilespmem:v39+s29+$0x0], $0xffff  }
0x57e: {  	v40 =	vld [tilespmem:s13+$0xFFFFFFC0]  }
0x57f: {  	v41 =	vadd.s32 $0x5, v8  }
0x580: {  	v5 =	vbroadcast v41, $0x0;
	_ =	sdelay $0x2  }
0x581: {  	v3 =	vmul.f32 v40, v3;
	_ =	sdelay $0x1  }
0x582: {  	v42 =	vmov s28;
	[tilespmem:s25+$0xFFFFFFC0] =	vst v3  }
0x583: {  	v3 =	vshrl.u32 v42, $0x3;
	v43 =	vld.idx.msk [tilespmem:v5+s29+$0x0], $0xffff  }
0x584: {  	v3 =	vshll.u32 v3, v1;
	v44 =	vld [tilespmem:s13+$0xFFFFFFD0]  }
0x585: {  	v3 =	vadd.s32 $0x6, v3  }
0x586: {  	v3 =	vbroadcast v3, $0x0;
	_ =	sdelay $0x2  }
0x587: {  	v4 =	vmul.f32 v44, v43;
	_ =	sdelay $0x1  }
0x588: {  	v45 =	vmov s1;
	[tilespmem:s25+$0xFFFFFFD0] =	vst v4  }
0x589: {  	v46 =	vshrl.u32 v45, $0x3;
	v3 =	vld.idx.msk [tilespmem:v3+s29+$0x0], $0xffff  }
0x58a: {  	v4 =	vshll.u32 v46, v1;
	v47 =	vld [tilespmem:s13+$0xFFFFFFE0]  }
0x58b: {  	v4 =	vadd.s32 $0x7, v4  }
0x58c: {  	v4 =	vbroadcast v4, $0x0;
	_ =	sdelay $0x2  }
0x58d: {  	v3 =	vmul.f32 v47, v3;
	_ =	sdelay $0x1  }
0x58e: {  	[tilespmem:s25+$0xFFFFFFE0] =	vst v3  }
0x58f: {  	v3 =	vmov s18;
	v4 =	vld.idx.msk [tilespmem:v4+s29+$0x0], $0xffff  }
0x590: {  	v3 =	vshrl.u32 v3, $0x3;
	v48 =	vld [tilespmem:s13+$0xFFFFFFF0]  }
0x591: {  	v3 =	vshll.u32 v3, v1  }
0x592: {  	v3 =	vbroadcast v3, $0x0;
	_ =	sdelay $0x2  }
0x593: {  	v4 =	vmul.f32 v48, v4;
	_ =	sdelay $0x1  }
0x594: {  	v49 =	vmov s14;
	[tilespmem:s25+$0xFFFFFFF0] =	vst v4  }
0x595: {  	v50 =	vshrl.u32 v49, $0x3;
	v3 =	vld.idx.msk [tilespmem:v3+s29+$0x0], $0xffff  }
0x596: {  	v4 =	vshll.u32 v50, v1;
	v51 =	vld [tilespmem:s13+$0x0]  }
0x597: {  	v4 =	vadd.s32 $0x1, v4  }
0x598: {  	v4 =	vbroadcast v4, $0x0;
	_ =	sdelay $0x2  }
0x599: {  	v3 =	vmul.f32 v51, v3;
	_ =	sdelay $0x1  }
0x59a: {  	v52 =	vmov s23;
	[tilespmem:s25+$0x0] =	vst v3  }
0x59b: {  	v3 =	vshrl.u32 v52, $0x3;
	v4 =	vld.idx.msk [tilespmem:v4+s29+$0x0], $0xffff  }
0x59c: {  	v3 =	vshll.u32 v3, v1;
	v53 =	vld [tilespmem:s13+$0x10]  }
0x59d: {  	v3 =	vadd.s32 $0x2, v3  }
0x59e: {  	v3 =	vbroadcast v3, $0x0;
	_ =	sdelay $0x2  }
0x59f: {  	v4 =	vmul.f32 v53, v4;
	_ =	sdelay $0x1  }
0x5a0: {  	v54 =	vmov s22;
	[tilespmem:s25+$0x10] =	vst v4  }
0x5a1: {  	v55 =	vshrl.u32 v54, $0x3;
	v3 =	vld.idx.msk [tilespmem:v3+s29+$0x0], $0xffff  }
0x5a2: {  	v4 =	vshll.u32 v55, v1;
	v56 =	vld [tilespmem:s13+$0x20]  }
0x5a3: {  	v4 =	vadd.s32 $0x3, v4  }
0x5a4: {  	v4 =	vbroadcast v4, $0x0;
	_ =	sdelay $0x2  }
0x5a5: {  	v3 =	vmul.f32 v56, v3;
	_ =	sdelay $0x1  }
0x5a6: {  	v57 =	vmov s21;
	[tilespmem:s25+$0x20] =	vst v3  }
0x5a7: {  	v3 =	vshrl.u32 v57, $0x3;
	v4 =	vld.idx.msk [tilespmem:v4+s29+$0x0], $0xffff  }
0x5a8: {  	v3 =	vshll.u32 v3, v1;
	v58 =	vld [tilespmem:s13+$0x30]  }
0x5a9: {  	v3 =	vadd.s32 $0x4, v3  }
0x5aa: {  	v3 =	vbroadcast v3, $0x0;
	_ =	sdelay $0x2  }
0x5ab: {  	v4 =	vmul.f32 v58, v4;
	_ =	sdelay $0x1  }
0x5ac: {  	v59 =	vmov s20;
	[tilespmem:s25+$0x30] =	vst v4  }
0x5ad: {  	v60 =	vshrl.u32 v59, $0x3;
	v3 =	vld.idx.msk [tilespmem:v3+s29+$0x0], $0xffff  }
0x5ae: {  	v4 =	vshll.u32 v60, v1;
	v61 =	vld [tilespmem:s13+$0x40]  }
0x5af: {  	v4 =	vadd.s32 $0x5, v4  }
0x5b0: {  	v4 =	vbroadcast v4, $0x0;
	_ =	sdelay $0x2  }
0x5b1: {  	v3 =	vmul.f32 v61, v3;
	_ =	sdelay $0x1  }
0x5b2: {  	v62 =	vmov s19;
	[tilespmem:s25+$0x40] =	vst v3  }
0x5b3: {  	v3 =	vshrl.u32 v62, $0x3;
	v4 =	vld.idx.msk [tilespmem:v4+s29+$0x0], $0xffff  }
0x5b4: {  	v3 =	vshll.u32 v3, v1;
	v63 =	vld [tilespmem:s13+$0x50]  }
0x5b5: {  	v3 =	vadd.s32 $0x6, v3  }
0x5b6: {  	v3 =	vbroadcast v3, $0x0;
	_ =	sdelay $0x2  }
0x5b7: {  	v4 =	vmul.f32 v63, v4;
	_ =	sdelay $0x1  }
0x5b8: {  	[tilespmem:s25+$0x50] =	vst v4  }
0x5b9: {  	v2 =	vshrl.u32 v2, $0x3;
	v3 =	vld.idx.msk [tilespmem:v3+s29+$0x0], $0xffff  }
0x5ba: {  	v2 =	vshll.u32 v2, v1;
	v4 =	vld [tilespmem:s13+$0x60]  }
0x5bb: {  	v2 =	vadd.s32 $0x7, v2  }
0x5bc: {  	v2 =	vbroadcast v2, $0x0;
	_ =	sdelay $0x2  }
0x5bd: {  	v3 =	vmul.f32 v4, v3;
	_ =	sdelay $0x1  }
0x5be: {  	[tilespmem:s25+$0x60] =	vst v3  }
0x5bf: {  	v2 =	vld.idx.msk [tilespmem:v2+s29+$0x0], $0xffff  }
0x5c0: {  	v3 =	vld [tilespmem:s13+$0x70];
	_ =	sdelay $0x2  }
0x5c1: {  	s31 =	smul.u32 $0x2800, s16;
	p2 =	sne.s32 s11, $0x7D  }
.Ltmp6:
0x5c2: {  	_ = 	snop;
	(pc) =	sbr.rel @p2 .LBB2_12-.Ltmp6, $4  }
0x5c3: {  	v2 =	vmul.f32 v3, v2  }
0x5c4: {  	s4 =	sadd.s32 $0x11440, s12;
	s1 =	sshrl.u32 s31, $0x2  }
0x5c5: {  	p1 =	por !p1, !p1;
	s16 =	smov.u32 s11;
	s1 =	sadd.s32 $0x1C480, s1;
	[tilespmem:s25+$0x70] =	vst v2  }
0x5c6: {  	[spmem:s3] =	stream.indirect.scatter.add.f32 [tilespmem:s1], [sflag:$0x2], $0x10, s4, s0, $0xb8;
	[tilespmem:$0x1FFA0] =	vst v63  }
0x5c7: {  	_ =	swait.ge [sflag:s30], $0xA00  }
0x5c8: {  	[sflag:s30] =	ssyncset.done $0x0  }
0x5c9: {  	[sflag:s30] =	ssyncadd.s32 $0xFFFFF600  }
0x5ca: {  	[bflag:$0x0] =	sbarrier.arrive $0xFFFF  }
0x5cb: {  	s1 =	simm.s32 @p0 $0x1FC3;
	s4 =	rddreg [dreg:$0x11]  }
0x5cc: {  	[hbm:s4], [sflag:s1] =	dma.local @p0 [spmem:s5], $0x500  }
0x5cd: {  	s4 =	simm.s32 @p0 $0x3  }
0x5ce: {  	_ =	swait.ge @p0 [sflag:s4], $0x500  }
0x5cf: {  	[sflag:s4] =	ssyncset.done @p0 $0x0  }
0x5d0: {  	[sflag:s4] =	ssyncadd.s32 @p0 $0xFFFFFB00  }
0x5d1: {  	[spmem:s5], [sflag:s1] =	dma.local @p0 [hbm:s8], $0x500  }
0x5d2: {  	_ =	swait.ge @p0 [sflag:s4], $0x500  }
0x5d3: {  	[sflag:s4] =	ssyncset.done @p0 $0x0  }
0x5d4: {  	s1 =	rddreg [dreg:$0x10];
	[sflag:s4] =	ssyncadd.s32 @p0 $0xFFFFFB00  }
0x5d5: {  	[hbm:s1], [sflag:s6] =	dma.local @!p0 [spmem:s10], $0x4E0  }
0x5d6: {  	s1 =	simm.s32 @!p0 $0x3  }
0x5d7: {  	_ =	swait.ge @!p0 [sflag:s1], $0x4E0  }
0x5d8: {  	[sflag:s1] =	ssyncset.done @!p0 $0x0  }
0x5d9: {  	[sflag:s1] =	ssyncadd.s32 @!p0 $0xFFFFFB20  }
0x5da: {  	[spmem:s7], [sflag:s6] =	dma.local @!p0 [hbm:s8], $0x4E0  }
0x5db: {  	_ =	swait.ge @!p0 [sflag:s1], $0x4E0  }
0x5dc: {  	[sflag:s1] =	ssyncset.done @!p0 $0x0  }
0x5dd: {  	[sflag:s1] =	ssyncadd.s32 @!p0 $0xFFFFFB20  }
0x5de: {  	[bflag:$0x0] =	sbarrier.arrive $0xFFFF  }
0x5df: {  	v2 =	vld [tilespmem:$0xC620]  }
0x5e0: {  	v3 =	vld [tilespmem:$0xC630]  }
0x5e1: {  	v4 =	vld [tilespmem:$0xC640]  }
0x5e2: {  	v5 =	vld [tilespmem:$0xC650]  }
0x5e3: {  	v6 =	vld [tilespmem:$0xC660]  }
0x5e4: {  	v7 =	vld [tilespmem:$0xC670];
	v2 =	vadd.s32 $0x2710, v2  }
0x5e5: {  	[tilespmem:$0xC620] =	vst v2;
	v2 =	vadd.s32 $0x2710, v3;
	v3 =	vld [tilespmem:$0xC680]  }
0x5e6: {  	v61 =	vld [tilespmem:$0xC690];
	[tilespmem:$0xC630] =	vst v2;
	v2 =	vadd.s32 $0x2710, v4  }
0x5e7: {  	v62 =	vld [tilespmem:$0xC6A0];
	[tilespmem:$0xC640] =	vst v2;
	v2 =	vadd.s32 $0x2710, v5  }
0x5e8: {  	v63 =	vld [tilespmem:$0xC6B0];
	[tilespmem:$0xC650] =	vst v2;
	v2 =	vadd.s32 $0x2710, v6  }
0x5e9: {  	[tilespmem:$0xC660] =	vst v2;
	v2 =	vadd.s32 $0x2710, v7  }
0x5ea: {  	[tilespmem:$0xC670] =	vst v2;
	v2 =	vadd.s32 $0x2710, v3  }
0x5eb: {  	[tilespmem:$0xC680] =	vst v2;
	v2 =	vadd.s32 $0x2710, v61  }
0x5ec: {  	[tilespmem:$0xC690] =	vst v2;
	v2 =	vadd.s32 $0x2710, v62  }
0x5ed: {  	s28 =	simm.s32 $0xC620;
	[tilespmem:$0xC6A0] =	vst v2;
	v2 =	vadd.s32 $0x2710, v63  }
0x5ee: {  	s31 =	simm.s32 $0x1B080;
	s15 =	simm.s32 $0x0;
	p1 =	por $0x0, $0x0;
	[tilespmem:$0xC6B0] =	vst v2  }
0x5ef: {  	[tilespmem:s31], [sflag:$0x1] =	stream.indirect.gather [hbm4b:s9+s0], $0x10, s28, s0, $0xb8;
	[tilespmem:$0x1FFA0] =	vst v63  }
.LBB2_16:
0x5f0: {  	s7 =	sadd.s32 $0x1, s15;
	p2 =	seq.s32 s15, $0x7C  }
0x5f1: {  	s1 =	smul.u32 @!p2 $0x280, s7;
	_ =	sdelay $0x1  }
0x5f2: {  	s1 =	sshra.s32 @!p2 s1, $0x2  }
0x5f3: {  	v2 =	vld @!p2 [tilespmem:s1+$0xC620]  }
0x5f4: {  	v3 =	vld @!p2 [tilespmem:s1+$0xC630]  }
0x5f5: {  	v4 =	vld @!p2 [tilespmem:s1+$0xC640]  }
0x5f6: {  	v5 =	vld @!p2 [tilespmem:s1+$0xC650]  }
0x5f7: {  	v6 =	vld @!p2 [tilespmem:s1+$0xC660]  }
0x5f8: {  	v7 =	vld @!p2 [tilespmem:s1+$0xC670];
	v2 =	vadd.s32 @!p2 $0x2710, v2  }
0x5f9: {  	[tilespmem:s1+$0xC620] =	vst @!p2 v2;
	v2 =	vadd.s32 @!p2 $0x2710, v3;
	v3 =	vld @!p2 [tilespmem:s1+$0xC680]  }
0x5fa: {  	[tilespmem:s1+$0xC630] =	vst @!p2 v2;
	v2 =	vadd.s32 @!p2 $0x2710, v4;
	v4 =	vld @!p2 [tilespmem:s1+$0xC690]  }
0x5fb: {  	[tilespmem:s1+$0xC640] =	vst @!p2 v2;
	v2 =	vadd.s32 @!p2 $0x2710, v5;
	v5 =	vld @!p2 [tilespmem:s1+$0xC6A0]  }
0x5fc: {  	[tilespmem:s1+$0xC650] =	vst @!p2 v2;
	v2 =	vadd.s32 @!p2 $0x2710, v6;
	v6 =	vld @!p2 [tilespmem:s1+$0xC6B0]  }
0x5fd: {  	[tilespmem:s1+$0xC660] =	vst @!p2 v2;
	v2 =	vadd.s32 @!p2 $0x2710, v7  }
0x5fe: {  	[tilespmem:s1+$0xC670] =	vst @!p2 v2;
	v2 =	vadd.s32 @!p2 $0x2710, v3  }
0x5ff: {  	s4 =	sand.u32 @!p2 $0x1, s7;
	[tilespmem:s1+$0xC680] =	vst @!p2 v2;
	v2 =	vadd.s32 @!p2 $0x2710, v4  }
0x600: {  	p3 =	seq.s32 @!p2 s4, $0x1;
	[tilespmem:s1+$0xC690] =	vst @!p2 v2;
	v2 =	vadd.s32 @!p2 $0x2710, v5  }
0x601: {  	s4 =	simm.s32 @!p2 $0x1BA80;
	p3 =	por !p3, p2;
	[tilespmem:s1+$0xC6A0] =	vst @!p2 v2;
	v2 =	vadd.s32 @!p2 $0x2710, v6  }
0x602: {  	s11 =	sadd.s32 @!p2 $0xC620, s1;
	s4 =	simm.s32 @p3 $0x1B080;
	[tilespmem:s1+$0xC6B0] =	vst @!p2 v2;
	s1 =	simm.s32 @!p2 $0xA0  }
0x603: {  	[tilespmem:s4], [sflag:$0x1] =	stream.indirect.gather @!p2 [hbm4b:s9+s1], $0x10, s11, s1, $0xb8;
	[tilespmem:$0x1FFA0] =	vst v63  }
0x604: {  	s11 =	smul.u32 $0xA0, s15;
	_ =	sdelay $0x1  }
0x605: {  	s16 =	sadd.s32 $0xF, s11  }
0x606: {  	s13 =	sadd.s32 $0xFFFFFFF1, s16  }
0x607: {  	p3 =	seq.s32 @!p2 s15, $0x0;
	v2 =	vmov s13  }
0x608: {  	p2 =	por p2, !p3;
	v2 =	vshrl.u32 v2, $0x3  }
0x609: {  	s1 =	simm.s32 $0x1;
	_ =	swait.ge @p2 [sflag:s30], $0xA00;
	v2 =	vshll.u32 v2, v1  }
0x60a: {  	s1 =	simm.s32 @!p1 $0x0;
	[sflag:s30] =	ssyncset.done @p2 $0x0;
	v2 =	vbroadcast v2, $0x0  }
0x60b: {  	s1 =	smul.u32 $0x2800, s1;
	[sflag:s30] =	ssyncadd.s32 @p2 $0xFFFFF600  }
0x60c: {  	_ =	swait.ge [sflag:s26], $0xA00  }
0x60d: {  	s14 =	sadd.s32 $0xFFFFFFF2, s16;
	s1 =	sshrl.u32 s1, $0x2;
	[sflag:s26] =	ssyncset.done $0x0  }
0x60e: {  	v3 =	vmov s14;
	s12 =	sor.u32 $0x1B100, s1;
	[sflag:s26] =	ssyncadd.s32 $0xFFFFF600  }
0x60f: {  	v3 =	vshrl.u32 v3, $0x3;
	v4 =	vld [tilespmem:s12+$0xFFFFFF80]  }
0x610: {  	v3 =	vshll.u32 v3, v1;
	v2 =	vld.idx.msk [tilespmem:v2+s29+$0x0], $0xffff  }
0x611: {  	v3 =	vadd.s32 $0x1, v3  }
0x612: {  	v3 =	vbroadcast v3, $0x0;
	_ =	sdelay $0x2  }
0x613: {  	v2 =	vmul.f32 v4, v2  }
0x614: {  	s17 =	sadd.s32 $0xFFFFFFF3, s16;
	s13 =	sadd.s32 $0x1C500, s1  }
0x615: {  	v4 =	vmov s17;
	[tilespmem:s13+$0xFFFFFF80] =	vst v2  }
0x616: {  	v2 =	vshrl.u32 v4, $0x3;
	v3 =	vld.idx.msk [tilespmem:v3+s29+$0x0], $0xffff  }
0x617: {  	v2 =	vshll.u32 v2, v1;
	v4 =	vld [tilespmem:s12+$0xFFFFFF90]  }
0x618: {  	v2 =	vadd.s32 $0x2, v2  }
0x619: {  	v2 =	vbroadcast v2, $0x0;
	_ =	sdelay $0x2  }
0x61a: {  	v3 =	vmul.f32 v4, v3  }
0x61b: {  	s18 =	sadd.s32 $0xFFFFFFF4, s16  }
0x61c: {  	v4 =	vmov s18;
	[tilespmem:s13+$0xFFFFFF90] =	vst v3  }
0x61d: {  	v3 =	vshrl.u32 v4, $0x3;
	v2 =	vld.idx.msk [tilespmem:v2+s29+$0x0], $0xffff  }
0x61e: {  	v3 =	vshll.u32 v3, v1;
	v4 =	vld [tilespmem:s12+$0xFFFFFFA0]  }
0x61f: {  	v3 =	vadd.s32 $0x3, v3  }
0x620: {  	v3 =	vbroadcast v3, $0x0;
	_ =	sdelay $0x2  }
0x621: {  	v2 =	vmul.f32 v4, v2  }
0x622: {  	s19 =	sadd.s32 $0xFFFFFFF5, s16  }
0x623: {  	v4 =	vmov s19;
	[tilespmem:s13+$0xFFFFFFA0] =	vst v2  }
0x624: {  	v2 =	vshrl.u32 v4, $0x3;
	v3 =	vld.idx.msk [tilespmem:v3+s29+$0x0], $0xffff  }
0x625: {  	v2 =	vshll.u32 v2, v1;
	v4 =	vld [tilespmem:s12+$0xFFFFFFB0]  }
0x626: {  	v2 =	vadd.s32 $0x4, v2  }
0x627: {  	v2 =	vbroadcast v2, $0x0;
	_ =	sdelay $0x2  }
0x628: {  	v3 =	vmul.f32 v4, v3  }
0x629: {  	s20 =	sadd.s32 $0xFFFFFFF6, s16  }
0x62a: {  	v4 =	vmov s20;
	[tilespmem:s13+$0xFFFFFFB0] =	vst v3  }
0x62b: {  	v3 =	vshrl.u32 v4, $0x3;
	v2 =	vld.idx.msk [tilespmem:v2+s29+$0x0], $0xffff  }
0x62c: {  	v3 =	vshll.u32 v3, v1;
	v4 =	vld [tilespmem:s12+$0xFFFFFFC0]  }
0x62d: {  	v3 =	vadd.s32 $0x5, v3  }
0x62e: {  	v3 =	vbroadcast v3, $0x0;
	_ =	sdelay $0x2  }
0x62f: {  	v2 =	vmul.f32 v4, v2  }
0x630: {  	s21 =	sadd.s32 $0xFFFFFFF7, s16  }
0x631: {  	v4 =	vmov s21;
	[tilespmem:s13+$0xFFFFFFC0] =	vst v2  }
0x632: {  	v2 =	vshrl.u32 v4, $0x3;
	v3 =	vld.idx.msk [tilespmem:v3+s29+$0x0], $0xffff  }
0x633: {  	v2 =	vshll.u32 v2, v1;
	v4 =	vld [tilespmem:s12+$0xFFFFFFD0]  }
0x634: {  	v2 =	vadd.s32 $0x6, v2  }
0x635: {  	v2 =	vbroadcast v2, $0x0;
	_ =	sdelay $0x2  }
0x636: {  	v3 =	vmul.f32 v4, v3  }
0x637: {  	s22 =	sadd.s32 $0xFFFFFFF8, s16  }
0x638: {  	v4 =	vmov s22;
	[tilespmem:s13+$0xFFFFFFD0] =	vst v3  }
0x639: {  	v3 =	vshrl.u32 v4, $0x3;
	v2 =	vld.idx.msk [tilespmem:v2+s29+$0x0], $0xffff  }
0x63a: {  	v3 =	vshll.u32 v3, v1;
	v4 =	vld [tilespmem:s12+$0xFFFFFFE0]  }
0x63b: {  	v3 =	vadd.s32 $0x7, v3  }
0x63c: {  	v3 =	vbroadcast v3, $0x0;
	_ =	sdelay $0x2  }
0x63d: {  	v2 =	vmul.f32 v4, v2;
	_ =	sdelay $0x1  }
0x63e: {  	s23 =	sadd.s32 $0xFFFFFFF9, s16;
	[tilespmem:s13+$0xFFFFFFE0] =	vst v2  }
0x63f: {  	v2 =	vmov s23;
	v3 =	vld.idx.msk [tilespmem:v3+s29+$0x0], $0xffff  }
0x640: {  	v2 =	vshrl.u32 v2, $0x3;
	v4 =	vld [tilespmem:s12+$0xFFFFFFF0]  }
0x641: {  	v2 =	vshll.u32 v2, v1  }
0x642: {  	v2 =	vbroadcast v2, $0x0;
	_ =	sdelay $0x2  }
0x643: {  	v3 =	vmul.f32 v4, v3  }
0x644: {  	s25 =	sadd.s32 $0xFFFFFFFA, s16  }
0x645: {  	v4 =	vmov s25;
	[tilespmem:s13+$0xFFFFFFF0] =	vst v3  }
0x646: {  	v3 =	vshrl.u32 v4, $0x3;
	v2 =	vld.idx.msk [tilespmem:v2+s29+$0x0], $0xffff  }
0x647: {  	v3 =	vshll.u32 v3, v1;
	v4 =	vld [tilespmem:s12+$0x0]  }
0x648: {  	v3 =	vadd.s32 $0x1, v3  }
0x649: {  	v3 =	vbroadcast v3, $0x0;
	_ =	sdelay $0x2  }
0x64a: {  	v2 =	vmul.f32 v4, v2  }
0x64b: {  	s28 =	sadd.s32 $0xFFFFFFFB, s16  }
0x64c: {  	v4 =	vmov s28;
	[tilespmem:s13+$0x0] =	vst v2  }
0x64d: {  	v2 =	vshrl.u32 v4, $0x3;
	v3 =	vld.idx.msk [tilespmem:v3+s29+$0x0], $0xffff  }
0x64e: {  	v2 =	vshll.u32 v2, v1;
	v4 =	vld [tilespmem:s12+$0x10]  }
0x64f: {  	v2 =	vadd.s32 $0x2, v2  }
0x650: {  	v2 =	vbroadcast v2, $0x0;
	_ =	sdelay $0x2  }
0x651: {  	v3 =	vmul.f32 v4, v3  }
0x652: {  	s31 =	sadd.s32 $0xFFFFFFFC, s16  }
0x653: {  	v4 =	vmov s31;
	[tilespmem:s13+$0x10] =	vst v3  }
0x654: {  	v3 =	vshrl.u32 v4, $0x3;
	v2 =	vld.idx.msk [tilespmem:v2+s29+$0x0], $0xffff  }
0x655: {  	v3 =	vshll.u32 v3, v1;
	v4 =	vld [tilespmem:s12+$0x20]  }
0x656: {  	v3 =	vadd.s32 $0x3, v3  }
0x657: {  	v3 =	vbroadcast v3, $0x0;
	_ =	sdelay $0x2  }
0x658: {  	v2 =	vmul.f32 v4, v2  }
0x659: {  	s4 =	sadd.s32 $0xFFFFFFFD, s16  }
0x65a: {  	v4 =	vmov s4;
	[tilespmem:s13+$0x20] =	vst v2  }
0x65b: {  	v2 =	vshrl.u32 v4, $0x3;
	v3 =	vld.idx.msk [tilespmem:v3+s29+$0x0], $0xffff  }
0x65c: {  	v2 =	vshll.u32 v2, v1;
	v4 =	vld [tilespmem:s12+$0x30]  }
0x65d: {  	v2 =	vadd.s32 $0x4, v2  }
0x65e: {  	v2 =	vbroadcast v2, $0x0;
	_ =	sdelay $0x2  }
0x65f: {  	v3 =	vmul.f32 v4, v3  }
0x660: {  	s14 =	sadd.s32 $0xFFFFFFFE, s16  }
0x661: {  	v4 =	vmov s14;
	[tilespmem:s13+$0x30] =	vst v3  }
0x662: {  	v3 =	vshrl.u32 v4, $0x3;
	v2 =	vld.idx.msk [tilespmem:v2+s29+$0x0], $0xffff  }
0x663: {  	v3 =	vshll.u32 v3, v1;
	v4 =	vld [tilespmem:s12+$0x40]  }
0x664: {  	v3 =	vadd.s32 $0x5, v3  }
0x665: {  	v3 =	vbroadcast v3, $0x0;
	_ =	sdelay $0x2  }
0x666: {  	v2 =	vmul.f32 v4, v2  }
0x667: {  	s17 =	sadd.s32 $0xFFFFFFFF, s16  }
0x668: {  	v4 =	vmov s17;
	[tilespmem:s13+$0x40] =	vst v2  }
0x669: {  	v2 =	vshrl.u32 v4, $0x3;
	v3 =	vld.idx.msk [tilespmem:v3+s29+$0x0], $0xffff  }
0x66a: {  	v2 =	vshll.u32 v2, v1;
	v4 =	vld [tilespmem:s12+$0x50]  }
0x66b: {  	v2 =	vadd.s32 $0x6, v2  }
0x66c: {  	v2 =	vbroadcast v2, $0x0;
	_ =	sdelay $0x2  }
0x66d: {  	v3 =	vmul.f32 v4, v3;
	_ =	sdelay $0x1  }
0x66e: {  	v4 =	vmov s16;
	[tilespmem:s13+$0x50] =	vst v3  }
0x66f: {  	v3 =	vshrl.u32 v4, $0x3;
	v2 =	vld.idx.msk [tilespmem:v2+s29+$0x0], $0xffff  }
0x670: {  	v3 =	vshll.u32 v3, v1;
	v4 =	vld [tilespmem:s12+$0x60]  }
0x671: {  	v3 =	vadd.s32 $0x7, v3  }
0x672: {  	v3 =	vbroadcast v3, $0x0;
	_ =	sdelay $0x2  }
0x673: {  	s18 =	sadd.s32 $0x1F, s11;
	v4 =	vmul.f32 v4, v2  }
0x674: {  	s25 =	sadd.s32 $0xFFFFFFF2, s18  }
0x675: {  	s23 =	sadd.s32 $0xFFFFFFF1, s18;
	v5 =	vmov s25;
	s14 =	sadd.s32 $0xFFFFFFF3, s18;
	s17 =	sadd.s32 $0xFFFFFFF6, s18;
	[tilespmem:s13+$0x60] =	vst v4  }
0x676: {  	v6 =	vmov s14;
	v9 =	vmov s17;
	v4 =	vmov s23;
	v7 =	vld.idx.msk [tilespmem:v3+s29+$0x0], $0xffff  }
0x677: {  	v3 =	vshrl.u32 v4, $0x3;
	v4 =	vshrl.u32 v5, $0x3;
	v5 =	vshrl.u32 v6, $0x3;
	v6 =	vld [tilespmem:s12+$0x70]  }
0x678: {  	v9 =	vshrl.u32 v9, $0x3;
	v3 =	vshll.u32 v3, v1;
	v8 =	vshll.u32 v4, v1  }
0x679: {  	s28 =	sadd.s32 $0xFFFFFFF4, s18;
	s31 =	sadd.s32 $0xFFFFFFF5, s18;
	v5 =	vshll.u32 v5, v1;
	v4 =	vbroadcast v3, $0x0;
	v3 =	vadd.s32 $0x1, v8  }
0x67a: {  	s15 =	sand.u32 $0x1, s15;
	s1 =	sadd.s32 $0xFFFFFFF8, s18;
	v11 =	vadd.s32 $0x2, v5;
	v5 =	vmov s28;
	v8 =	vmov s31  }
0x67b: {  	s19 =	sadd.s32 $0xFFFFFFFE, s18;
	s20 =	sadd.s32 $0xFFFFFFFD, s18;
	s21 =	sadd.s32 $0xFFFFFFFC, s18;
	v2 =	vmov s18;
	v5 =	vshrl.u32 v5, $0x3;
	v8 =	vshrl.u32 v8, $0x3  }
0x67c: {  	s22 =	sadd.s32 $0xFFFFFFFB, s18;
	s4 =	simm.s32 $0x2F;
	s14 =	sadd.s32 $0xFFFFFFFA, s18;
	v10 =	vshll.u32 v5, v1;
	v8 =	vshll.u32 v8, v1;
	v5 =	vmul.f32 v6, v7  }
0x67d: {  	s17 =	sadd.s32 $0xFFFFFFF9, s18;
	s23 =	sadd.s32 $0xFFFFFFF7, s18;
	s18 =	sadd.s32 $0xFFFFFFFF, s18;
	v13 =	vadd.s32 $0x3, v10;
	v12 =	vadd.s32 $0x4, v8;
	v8 =	vshll.u32 v9, v1  }
.LBB2_17:
0x67e: {  	s12 =	sadd.s32 $0x100, s12  }
0x67f: {  	v6 =	vmov s23;
	v7 =	vmov s1;
	v9 =	vmov s17;
	[tilespmem:s13+$0x70] =	vst v5;
	s13 =	sadd.s32 $0x100, s13;
	s17 =	smov.u32 s4;
	s16 =	sadd.s32 $0x10, s4  }
0x680: {  	p2 =	sne.s32 s4, $0x9F;
	v4 =	vld.idx.msk [tilespmem:v4+s29+$0x0], $0xffff;
	v5 =	vshrl.u32 v6, $0x3;
	v6 =	vshrl.u32 v7, $0x3;
	v7 =	vshrl.u32 v9, $0x3  }
0x681: {  	v14 =	vld [tilespmem:s12+$0xFFFFFF80];
	v5 =	vshll.u32 v5, v1;
	v6 =	vshll.u32 v6, v1;
	v9 =	vshll.u32 v7, v1  }
0x682: {  	v15 =	vadd.s32 $0x6, v5;
	v16 =	vadd.s32 $0x7, v6;
	v5 =	vmov s14  }
0x683: {  	v3 =	vbroadcast v3, $0x0;
	v6 =	vmov s22;
	v5 =	vshrl.u32 v5, $0x3  }
0x684: {  	v7 =	vmov s21;
	v6 =	vshrl.u32 v6, $0x3;
	v5 =	vshll.u32 v5, v1  }
0x685: {  	v10 =	vadd.s32 $0x1, v5;
	v5 =	vshll.u32 v6, v1;
	v6 =	vshrl.u32 v7, $0x3  }
0x686: {  	v4 =	vmul.f32 v14, v4;
	v7 =	vadd.s32 $0x2, v5;
	v5 =	vshll.u32 v6, v1  }
0x687: {  	v6 =	vmov s20;
	v14 =	vmov s19;
	v5 =	vadd.s32 $0x3, v5  }
0x688: {  	[tilespmem:s13+$0xFFFFFF80] =	vst v4;
	v4 =	vshrl.u32 v6, $0x3;
	v6 =	vshrl.u32 v14, $0x3;
	v14 =	vmov s18  }
0x689: {  	v17 =	vld.idx.msk [tilespmem:v3+s29+$0x0], $0xffff;
	v3 =	vshll.u32 v4, v1;
	v4 =	vshll.u32 v6, v1;
	v14 =	vshrl.u32 v14, $0x3  }
0x68a: {  	v18 =	vld [tilespmem:s12+$0xFFFFFF90];
	v6 =	vadd.s32 $0x4, v3;
	v4 =	vadd.s32 $0x5, v4;
	v3 =	vshll.u32 v14, v1  }
0x68b: {  	v2 =	vshrl.u32 v2, $0x3;
	v3 =	vadd.s32 $0x6, v3  }
0x68c: {  	v11 =	vbroadcast v11, $0x0;
	v2 =	vshll.u32 v2, v1  }
0x68d: {  	v2 =	vadd.s32 $0x7, v2;
	_ =	sdelay $0x1  }
0x68e: {  	v14 =	vmul.f32 v18, v17;
	_ =	sdelay $0x1  }
0x68f: {  	[tilespmem:s13+$0xFFFFFF90] =	vst v14  }
0x690: {  	v11 =	vld.idx.msk [tilespmem:v11+s29+$0x0], $0xffff  }
0x691: {  	v14 =	vld [tilespmem:s12+$0xFFFFFFA0];
	_ =	sdelay $0x1  }
0x692: {  	v13 =	vbroadcast v13, $0x0;
	_ =	sdelay $0x2  }
0x693: {  	v11 =	vmul.f32 v14, v11;
	_ =	sdelay $0x1  }
0x694: {  	[tilespmem:s13+$0xFFFFFFA0] =	vst v11  }
0x695: {  	v11 =	vld.idx.msk [tilespmem:v13+s29+$0x0], $0xffff  }
0x696: {  	v13 =	vld [tilespmem:s12+$0xFFFFFFB0];
	_ =	sdelay $0x1  }
0x697: {  	v12 =	vbroadcast v12, $0x0;
	_ =	sdelay $0x2  }
0x698: {  	v11 =	vmul.f32 v13, v11;
	_ =	sdelay $0x1  }
0x699: {  	[tilespmem:s13+$0xFFFFFFB0] =	vst v11  }
0x69a: {  	v11 =	vld.idx.msk [tilespmem:v12+s29+$0x0], $0xffff  }
0x69b: {  	v12 =	vld [tilespmem:s12+$0xFFFFFFC0]  }
0x69c: {  	v8 =	vadd.s32 $0x5, v8  }
0x69d: {  	v8 =	vbroadcast v8, $0x0;
	_ =	sdelay $0x2  }
0x69e: {  	v11 =	vmul.f32 v12, v11;
	_ =	sdelay $0x1  }
0x69f: {  	[tilespmem:s13+$0xFFFFFFC0] =	vst v11  }
0x6a0: {  	v8 =	vld.idx.msk [tilespmem:v8+s29+$0x0], $0xffff  }
0x6a1: {  	v11 =	vld [tilespmem:s12+$0xFFFFFFD0];
	_ =	sdelay $0x1  }
0x6a2: {  	v12 =	vbroadcast v15, $0x0;
	_ =	sdelay $0x2  }
0x6a3: {  	v8 =	vmul.f32 v11, v8;
	_ =	sdelay $0x1  }
0x6a4: {  	[tilespmem:s13+$0xFFFFFFD0] =	vst v8  }
0x6a5: {  	v8 =	vld.idx.msk [tilespmem:v12+s29+$0x0], $0xffff  }
0x6a6: {  	v11 =	vld [tilespmem:s12+$0xFFFFFFE0];
	_ =	sdelay $0x1  }
0x6a7: {  	v12 =	vbroadcast v16, $0x0;
	_ =	sdelay $0x2  }
0x6a8: {  	v8 =	vmul.f32 v11, v8;
	_ =	sdelay $0x1  }
0x6a9: {  	[tilespmem:s13+$0xFFFFFFE0] =	vst v8  }
0x6aa: {  	v8 =	vld.idx.msk [tilespmem:v12+s29+$0x0], $0xffff  }
0x6ab: {  	v11 =	vld [tilespmem:s12+$0xFFFFFFF0];
	_ =	sdelay $0x1  }
0x6ac: {  	v9 =	vbroadcast v9, $0x0;
	_ =	sdelay $0x2  }
0x6ad: {  	v8 =	vmul.f32 v11, v8;
	_ =	sdelay $0x1  }
0x6ae: {  	[tilespmem:s13+$0xFFFFFFF0] =	vst v8  }
0x6af: {  	v8 =	vld.idx.msk [tilespmem:v9+s29+$0x0], $0xffff  }
0x6b0: {  	v9 =	vld [tilespmem:s12+$0x0];
	_ =	sdelay $0x1  }
0x6b1: {  	v10 =	vbroadcast v10, $0x0;
	_ =	sdelay $0x2  }
0x6b2: {  	v8 =	vmul.f32 v9, v8;
	_ =	sdelay $0x1  }
0x6b3: {  	[tilespmem:s13+$0x0] =	vst v8  }
0x6b4: {  	v8 =	vld.idx.msk [tilespmem:v10+s29+$0x0], $0xffff  }
0x6b5: {  	v9 =	vld [tilespmem:s12+$0x10];
	_ =	sdelay $0x1  }
0x6b6: {  	v7 =	vbroadcast v7, $0x0;
	_ =	sdelay $0x2  }
0x6b7: {  	v8 =	vmul.f32 v9, v8;
	_ =	sdelay $0x1  }
0x6b8: {  	[tilespmem:s13+$0x10] =	vst v8  }
0x6b9: {  	v7 =	vld.idx.msk [tilespmem:v7+s29+$0x0], $0xffff  }
0x6ba: {  	v8 =	vld [tilespmem:s12+$0x20];
	_ =	sdelay $0x1  }
0x6bb: {  	v5 =	vbroadcast v5, $0x0;
	_ =	sdelay $0x2  }
0x6bc: {  	v7 =	vmul.f32 v8, v7;
	_ =	sdelay $0x1  }
0x6bd: {  	[tilespmem:s13+$0x20] =	vst v7  }
0x6be: {  	v5 =	vld.idx.msk [tilespmem:v5+s29+$0x0], $0xffff  }
0x6bf: {  	v7 =	vld [tilespmem:s12+$0x30];
	_ =	sdelay $0x1  }
0x6c0: {  	v6 =	vbroadcast v6, $0x0;
	_ =	sdelay $0x2  }
0x6c1: {  	v5 =	vmul.f32 v7, v5;
	_ =	sdelay $0x1  }
0x6c2: {  	[tilespmem:s13+$0x30] =	vst v5  }
0x6c3: {  	v5 =	vld.idx.msk [tilespmem:v6+s29+$0x0], $0xffff  }
0x6c4: {  	v6 =	vld [tilespmem:s12+$0x40];
	_ =	sdelay $0x1  }
0x6c5: {  	v4 =	vbroadcast v4, $0x0;
	_ =	sdelay $0x2  }
0x6c6: {  	v5 =	vmul.f32 v6, v5;
	_ =	sdelay $0x1  }
0x6c7: {  	[tilespmem:s13+$0x40] =	vst v5  }
0x6c8: {  	v4 =	vld.idx.msk [tilespmem:v4+s29+$0x0], $0xffff  }
0x6c9: {  	v5 =	vld [tilespmem:s12+$0x50];
	_ =	sdelay $0x1  }
0x6ca: {  	v3 =	vbroadcast v3, $0x0;
	_ =	sdelay $0x2  }
0x6cb: {  	v4 =	vmul.f32 v5, v4;
	_ =	sdelay $0x1  }
0x6cc: {  	[tilespmem:s13+$0x50] =	vst v4  }
0x6cd: {  	v3 =	vld.idx.msk [tilespmem:v3+s29+$0x0], $0xffff  }
0x6ce: {  	v4 =	vld [tilespmem:s12+$0x60];
	_ =	sdelay $0x1  }
0x6cf: {  	v5 =	vbroadcast v2, $0x0;
	_ =	sdelay $0x2  }
0x6d0: {  	v3 =	vmul.f32 v4, v3  }
0x6d1: {  	s4 =	sadd.s32 s11, s17  }
0x6d2: {  	s1 =	sadd.s32 $0xFFFFFFF1, s4;
	s17 =	sadd.s32 $0xFFFFFFF3, s4;
	s14 =	sadd.s32 $0xFFFFFFF2, s4;
	v2 =	vmov s4;
	[tilespmem:s13+$0x60] =	vst v3  }
0x6d3: {  	s25 =	sadd.s32 $0xFFFFFFF5, s4;
	s28 =	sadd.s32 $0xFFFFFFF6, s4;
	s18 =	sadd.s32 $0xFFFFFFF4, s4;
	v6 =	vmov s17;
	v4 =	vmov s14;
	v3 =	vmov s1;
	v5 =	vld.idx.msk [tilespmem:v5+s29+$0x0], $0xffff  }
0x6d4: {  	s23 =	sadd.s32 $0xFFFFFFF7, s4;
	s17 =	sadd.s32 $0xFFFFFFF9, s4;
	v6 =	vshrl.u32 v6, $0x3;
	v4 =	vshrl.u32 v4, $0x3;
	s1 =	sadd.s32 $0xFFFFFFF8, s4;
	v3 =	vshrl.u32 v3, $0x3;
	v7 =	vld [tilespmem:s12+$0x70]  }
0x6d5: {  	s21 =	sadd.s32 $0xFFFFFFFC, s4;
	s22 =	sadd.s32 $0xFFFFFFFB, s4;
	v6 =	vshll.u32 v6, v1;
	s14 =	sadd.s32 $0xFFFFFFFA, s4;
	v8 =	vshll.u32 v4, v1;
	v3 =	vshll.u32 v3, v1  }
.Ltmp7:
0x6d6: {  	s20 =	sadd.s32 $0xFFFFFFFD, s4;
	s19 =	sadd.s32 $0xFFFFFFFE, s4;
	v11 =	vadd.s32 $0x2, v6;
	v4 =	vbroadcast v3, $0x0;
	v3 =	vadd.s32 $0x1, v8;
	(pc) =	sbr.rel @p2 .LBB2_17-.Ltmp7, $4  }
0x6d7: {  	v9 =	vmov s28;
	v6 =	vmov s18;
	s18 =	sadd.s32 $0xFFFFFFFF, s4;
	v8 =	vmov s25  }
0x6d8: {  	v9 =	vshrl.u32 v9, $0x3;
	v6 =	vshrl.u32 v6, $0x3;
	v8 =	vshrl.u32 v8, $0x3  }
0x6d9: {  	v6 =	vshll.u32 v6, v1;
	v8 =	vshll.u32 v8, v1;
	v5 =	vmul.f32 v7, v5  }
0x6da: {  	v13 =	vadd.s32 $0x3, v6;
	s4 =	smov.u32 s16;
	v12 =	vadd.s32 $0x4, v8;
	v8 =	vshll.u32 v9, v1  }
0x6db: {  	_ =	sdelay $0x2  }
0x6dc: {  	[tilespmem:s13+$0x70] =	vst v5  }
0x6dd: {  	s12 =	sadd.s32 $0x100, s12;
	v4 =	vld.idx.msk [tilespmem:v4+s29+$0x0], $0xffff  }
0x6de: {  	v5 =	vld [tilespmem:s12+$0xFFFFFF80];
	_ =	sdelay $0x1  }
0x6df: {  	v3 =	vbroadcast v3, $0x0;
	_ =	sdelay $0x2  }
0x6e0: {  	v4 =	vmul.f32 v5, v4  }
0x6e1: {  	s28 =	sadd.s32 $0x100, s13  }
0x6e2: {  	[tilespmem:s28+$0xFFFFFF80] =	vst v4  }
0x6e3: {  	v3 =	vld.idx.msk [tilespmem:v3+s29+$0x0], $0xffff  }
0x6e4: {  	v4 =	vld [tilespmem:s12+$0xFFFFFF90];
	_ =	sdelay $0x1  }
0x6e5: {  	v35 =	vbroadcast v11, $0x0;
	_ =	sdelay $0x2  }
0x6e6: {  	v3 =	vmul.f32 v4, v3;
	_ =	sdelay $0x1  }
0x6e7: {  	[tilespmem:s28+$0xFFFFFF90] =	vst v3  }
0x6e8: {  	v3 =	vld.idx.msk [tilespmem:v35+s29+$0x0], $0xffff  }
0x6e9: {  	v36 =	vld [tilespmem:s12+$0xFFFFFFA0];
	_ =	sdelay $0x1  }
0x6ea: {  	v37 =	vbroadcast v13, $0x0;
	_ =	sdelay $0x2  }
0x6eb: {  	v3 =	vmul.f32 v36, v3;
	_ =	sdelay $0x1  }
0x6ec: {  	[tilespmem:s28+$0xFFFFFFA0] =	vst v3  }
0x6ed: {  	v3 =	vld.idx.msk [tilespmem:v37+s29+$0x0], $0xffff  }
0x6ee: {  	v38 =	vld [tilespmem:s12+$0xFFFFFFB0];
	_ =	sdelay $0x1  }
0x6ef: {  	v39 =	vbroadcast v12, $0x0;
	_ =	sdelay $0x2  }
0x6f0: {  	v3 =	vmul.f32 v38, v3;
	_ =	sdelay $0x1  }
0x6f1: {  	[tilespmem:s28+$0xFFFFFFB0] =	vst v3  }
0x6f2: {  	v3 =	vld.idx.msk [tilespmem:v39+s29+$0x0], $0xffff  }
0x6f3: {  	v40 =	vld [tilespmem:s12+$0xFFFFFFC0]  }
0x6f4: {  	v41 =	vadd.s32 $0x5, v8  }
0x6f5: {  	v5 =	vbroadcast v41, $0x0;
	_ =	sdelay $0x2  }
0x6f6: {  	v3 =	vmul.f32 v40, v3;
	_ =	sdelay $0x1  }
0x6f7: {  	v42 =	vmov s23;
	[tilespmem:s28+$0xFFFFFFC0] =	vst v3  }
0x6f8: {  	v3 =	vshrl.u32 v42, $0x3;
	v43 =	vld.idx.msk [tilespmem:v5+s29+$0x0], $0xffff  }
0x6f9: {  	v3 =	vshll.u32 v3, v1;
	v44 =	vld [tilespmem:s12+$0xFFFFFFD0]  }
0x6fa: {  	v3 =	vadd.s32 $0x6, v3  }
0x6fb: {  	v3 =	vbroadcast v3, $0x0;
	_ =	sdelay $0x2  }
0x6fc: {  	v4 =	vmul.f32 v44, v43;
	_ =	sdelay $0x1  }
0x6fd: {  	v45 =	vmov s1;
	[tilespmem:s28+$0xFFFFFFD0] =	vst v4  }
0x6fe: {  	v46 =	vshrl.u32 v45, $0x3;
	v3 =	vld.idx.msk [tilespmem:v3+s29+$0x0], $0xffff  }
0x6ff: {  	v4 =	vshll.u32 v46, v1;
	v47 =	vld [tilespmem:s12+$0xFFFFFFE0]  }
0x700: {  	v4 =	vadd.s32 $0x7, v4  }
0x701: {  	v4 =	vbroadcast v4, $0x0;
	_ =	sdelay $0x2  }
0x702: {  	v3 =	vmul.f32 v47, v3;
	_ =	sdelay $0x1  }
0x703: {  	[tilespmem:s28+$0xFFFFFFE0] =	vst v3  }
0x704: {  	v3 =	vmov s17;
	v4 =	vld.idx.msk [tilespmem:v4+s29+$0x0], $0xffff  }
0x705: {  	v3 =	vshrl.u32 v3, $0x3;
	v48 =	vld [tilespmem:s12+$0xFFFFFFF0]  }
0x706: {  	v3 =	vshll.u32 v3, v1  }
0x707: {  	v3 =	vbroadcast v3, $0x0;
	_ =	sdelay $0x2  }
0x708: {  	v4 =	vmul.f32 v48, v4;
	_ =	sdelay $0x1  }
0x709: {  	v49 =	vmov s14;
	[tilespmem:s28+$0xFFFFFFF0] =	vst v4  }
0x70a: {  	v50 =	vshrl.u32 v49, $0x3;
	v3 =	vld.idx.msk [tilespmem:v3+s29+$0x0], $0xffff  }
0x70b: {  	v4 =	vshll.u32 v50, v1;
	v51 =	vld [tilespmem:s12+$0x0]  }
0x70c: {  	v4 =	vadd.s32 $0x1, v4  }
0x70d: {  	v4 =	vbroadcast v4, $0x0;
	_ =	sdelay $0x2  }
0x70e: {  	v3 =	vmul.f32 v51, v3;
	_ =	sdelay $0x1  }
0x70f: {  	v52 =	vmov s22;
	[tilespmem:s28+$0x0] =	vst v3  }
0x710: {  	v3 =	vshrl.u32 v52, $0x3;
	v4 =	vld.idx.msk [tilespmem:v4+s29+$0x0], $0xffff  }
0x711: {  	v3 =	vshll.u32 v3, v1;
	v53 =	vld [tilespmem:s12+$0x10]  }
0x712: {  	v3 =	vadd.s32 $0x2, v3  }
0x713: {  	v3 =	vbroadcast v3, $0x0;
	_ =	sdelay $0x2  }
0x714: {  	v4 =	vmul.f32 v53, v4;
	_ =	sdelay $0x1  }
0x715: {  	v54 =	vmov s21;
	[tilespmem:s28+$0x10] =	vst v4  }
0x716: {  	v55 =	vshrl.u32 v54, $0x3;
	v3 =	vld.idx.msk [tilespmem:v3+s29+$0x0], $0xffff  }
0x717: {  	v4 =	vshll.u32 v55, v1;
	v56 =	vld [tilespmem:s12+$0x20]  }
0x718: {  	v4 =	vadd.s32 $0x3, v4  }
0x719: {  	v4 =	vbroadcast v4, $0x0;
	_ =	sdelay $0x2  }
0x71a: {  	v3 =	vmul.f32 v56, v3;
	_ =	sdelay $0x1  }
0x71b: {  	v57 =	vmov s20;
	[tilespmem:s28+$0x20] =	vst v3  }
0x71c: {  	v3 =	vshrl.u32 v57, $0x3;
	v4 =	vld.idx.msk [tilespmem:v4+s29+$0x0], $0xffff  }
0x71d: {  	v3 =	vshll.u32 v3, v1;
	v58 =	vld [tilespmem:s12+$0x30]  }
0x71e: {  	v3 =	vadd.s32 $0x4, v3  }
0x71f: {  	v3 =	vbroadcast v3, $0x0;
	_ =	sdelay $0x2  }
0x720: {  	v4 =	vmul.f32 v58, v4;
	_ =	sdelay $0x1  }
0x721: {  	v59 =	vmov s19;
	[tilespmem:s28+$0x30] =	vst v4  }
0x722: {  	v60 =	vshrl.u32 v59, $0x3;
	v3 =	vld.idx.msk [tilespmem:v3+s29+$0x0], $0xffff  }
0x723: {  	v4 =	vshll.u32 v60, v1;
	v61 =	vld [tilespmem:s12+$0x40]  }
0x724: {  	v4 =	vadd.s32 $0x5, v4  }
0x725: {  	v4 =	vbroadcast v4, $0x0;
	_ =	sdelay $0x2  }
0x726: {  	v3 =	vmul.f32 v61, v3;
	_ =	sdelay $0x1  }
0x727: {  	v62 =	vmov s18;
	[tilespmem:s28+$0x40] =	vst v3  }
0x728: {  	v3 =	vshrl.u32 v62, $0x3;
	v4 =	vld.idx.msk [tilespmem:v4+s29+$0x0], $0xffff  }
0x729: {  	v3 =	vshll.u32 v3, v1;
	v63 =	vld [tilespmem:s12+$0x50]  }
0x72a: {  	v3 =	vadd.s32 $0x6, v3  }
0x72b: {  	v3 =	vbroadcast v3, $0x0;
	_ =	sdelay $0x2  }
0x72c: {  	v4 =	vmul.f32 v63, v4;
	_ =	sdelay $0x1  }
0x72d: {  	[tilespmem:s28+$0x50] =	vst v4  }
0x72e: {  	v2 =	vshrl.u32 v2, $0x3;
	v3 =	vld.idx.msk [tilespmem:v3+s29+$0x0], $0xffff  }
0x72f: {  	v2 =	vshll.u32 v2, v1;
	v4 =	vld [tilespmem:s12+$0x60]  }
0x730: {  	v2 =	vadd.s32 $0x7, v2  }
0x731: {  	v2 =	vbroadcast v2, $0x0;
	_ =	sdelay $0x2  }
0x732: {  	v3 =	vmul.f32 v4, v3;
	_ =	sdelay $0x1  }
0x733: {  	[tilespmem:s28+$0x60] =	vst v3  }
0x734: {  	v2 =	vld.idx.msk [tilespmem:v2+s29+$0x0], $0xffff  }
0x735: {  	v3 =	vld [tilespmem:s12+$0x70];
	_ =	sdelay $0x2  }
0x736: {  	s31 =	smul.u32 $0x2800, s15;
	p2 =	sne.s32 s7, $0x7D  }
.Ltmp8:
0x737: {  	_ = 	snop;
	(pc) =	sbr.rel @p2 .LBB2_16-.Ltmp8, $4  }
0x738: {  	v2 =	vmul.f32 v3, v2  }
0x739: {  	s4 =	sadd.s32 $0x11440, s11;
	s1 =	sshrl.u32 s31, $0x2  }
0x73a: {  	p1 =	por !p1, !p1;
	s15 =	smov.u32 s7;
	s1 =	sadd.s32 $0x1C480, s1;
	[tilespmem:s28+$0x70] =	vst v2  }
0x73b: {  	[spmem:s3] =	stream.indirect.scatter.add.f32 [tilespmem:s1], [sflag:$0x2], $0x10, s4, s0, $0xb8;
	[tilespmem:$0x1FFA0] =	vst v63  }
0x73c: {  	_ =	swait.ge [sflag:s30], $0xA00  }
0x73d: {  	[sflag:s30] =	ssyncset.done $0x0  }
0x73e: {  	[sflag:s30] =	ssyncadd.s32 $0xFFFFF600  }
0x73f: {  	[bflag:$0x0] =	sbarrier.arrive $0xFFFF  }
0x740: {  	s1 =	simm.s32 @p0 $0x1FC3;
	s4 =	rddreg [dreg:$0x13]  }
0x741: {  	[hbm:s4], [sflag:s1] =	dma.local @p0 [spmem:s5], $0x500  }
0x742: {  	s1 =	simm.s32 @p0 $0x3  }
0x743: {  	_ =	swait.ge @p0 [sflag:s1], $0x500  }
0x744: {  	[sflag:s1] =	ssyncset.done @p0 $0x0  }
0x745: {  	[sflag:s1] =	ssyncadd.s32 @p0 $0xFFFFFB00;
	s1 =	rddreg [dreg:$0x12]  }
0x746: {  	[hbm:s1], [sflag:s6] =	dma.local @!p0 [spmem:s10], $0x4E0  }
0x747: {  	s1 =	simm.s32 @!p0 $0x3  }
0x748: {  	_ =	swait.ge @!p0 [sflag:s1], $0x4E0  }
0x749: {  	s2 =	sadd.s32 $0x1, s2;
	s31 =	rddreg [dreg:$0x14]  }
0x74a: {  	p1 =	sne.s32 s2, s31  }
.Ltmp9:
0x74b: {  	_ = 	snop;
	(pc) =	sbr.rel @p1 .LBB2_1-.Ltmp9, $3  }
0x74c: {  	_ =	sdelay $0x1  }
0x74d: {  	[sflag:s1] =	ssyncset.done @!p0 $0x0  }
0x74e: {  	s11 =	simm.s32 $0x2710;
	[sflag:s1] =	ssyncadd.s32 @!p0 $0xFFFFFB20  }
0x74f: {  	_ =	sfence.sel $0x180000  }
0x750: {  	[bflag:$0x0] =	sbarrier.arrive $0xFFFF  }
0x751: {  	_ =	strace $0x9000004A  }
0x752: {  	s0 =	stileid.u32;
	[bflag:$0x2] =	sbarrier.arrive $0xFFFF  }
0x753: {  	p0 =	sne.s32 s0, $0x0;
	s0 =	rddreg [dreg:$0x3]  }
0x754: {  	s0 =	sadd.s32 @!p0 $0x100000, s0  }
0x755: {  	[sflag:s0] =	ssyncadd.tile.s32 @!p0 $0x1;
	_ =	shalt  }
.Lfunc_end2:
_tile_overlayer_lowered:
.L_overlay_start_2:
0x756: {  	(tag) =	ssettag $0x2  }
0x757: {  	s0 =	rddreg [dreg:$0x0];
	s2 =	stileid.u32  }
0x758: {  	s1 =	rddreg [dreg:$0x1];
	p0 =	sne.s32 s2, $0x0  }
0x759: {  	s3 =	rddreg [dreg:$0x2];
	[bflag:$0x3] =	sbarrier.arrive $0xFFFF;
	s2 =	simm.s32 @!p0 $0x1C03  }
0x75a: {  	[timem:s3], [sflag:s2] =	dma.local @!p0 [hbm:s0], s1  }
0x75b: {  	s0 =	simm.s32 @!p0 $0x3  }
0x75c: {  	_ =	swait.ge @!p0 [sflag:s0], s1  }
0x75d: {  	s1 =	ssub.s32 @!p0 $0x0, s1;
	[sflag:s0] =	ssyncset.done @!p0 $0x0  }
0x75e: {  	[sflag:s0] =	ssyncadd.s32 @!p0 s1  }
0x75f: {  	[bflag:$0x3] =	sbarrier.arrive $0xFFFF  }
0x760: {  	_ =	shalt  }

</sc_bundles>
